<compile_context>
chip_gen: v7x
topology: tpu7x:2x2x1
jax: 0.10.2.dev20260603
libtpu: 0.0.44.dev20260713+nightly
codegen_flags: <defaults>
</compile_context>

<pallas_src>
import functools

import jax
import jax.numpy as jnp
from jax import lax
from jax.experimental import pallas as pl
from jax.experimental.pallas import tpu as pltpu
from jax.experimental.pallas import tpu_sc as plsc

N = 50000
E = 800000
H = 64
HH = H // 2

NSC = 2
NT = 16
CH = 128

J_A = 400
_EPT_A = J_A * CH
E_PAD_A = _EPT_A * NT
SB = 16
NSB = J_A // SB
N_ACC = N + 48

N_DEG = 51200
DEG_TPW = N_DEG // NT

WB_MAIN = 3128
WB_LAST = N - 15 * WB_MAIN

N_P = 51200
R = 2048
P = N_P // 4
PB = R // 4
GRID = P // PB
P_REAL = N // 4

_mesh = plsc.VectorSubcoreMesh(core_axis_name="c", subcore_axis_name="s",
                               num_cores=NSC, num_subcores=NT)
_sc_params = pltpu.CompilerParams(use_tc_tiling_on_sc=False)


J_DEG_ALL = E // CH
J_DEG_LO = J_DEG_ALL // (NSC * NT)
J_DEG_XT = J_DEG_ALL - J_DEG_LO * NSC * NT


@functools.partial(
    pl.kernel,
    out_type=jax.ShapeDtypeStruct((NSC, N_DEG), jnp.float32),
    mesh=_mesh,
    scratch_types=[
        pltpu.VMEM((2, CH), jnp.int32),
        pltpu.VMEM((CH,), jnp.float32),
        pltpu.VMEM((DEG_TPW,), jnp.float32),
        pltpu.VMEM_SHARED((N_DEG,), jnp.float32),
        [pltpu.SemaphoreType.DMA] * 2,
    ],
    compiler_params=_sc_params,
)
def _sc_deg(dst_hbm, out_hbm, idx_v, ones_v, zero_v, acc, sem):
    c = lax.axis_index("c")
    s = lax.axis_index("s")
    w = c * NT + s
    nch = J_DEG_LO + jnp.where(w < J_DEG_XT, 1, 0)
    base = J_DEG_LO * w + jnp.minimum(w, J_DEG_XT)

    for j in range(CH // 16):
        ones_v[pl.ds(j * 16, 16)] = jnp.ones((16,), jnp.float32)

    def zloop(j, _):
        zero_v[pl.ds(j * 16, 16)] = jnp.zeros((16,), jnp.float32)
        return 0

    lax.fori_loop(0, DEG_TPW // 16, zloop, 0)

    pltpu.sync_copy(zero_v, acc.at[pl.ds(s * DEG_TPW, DEG_TPW)])
    plsc.subcore_barrier()

    pltpu.async_copy(dst_hbm.at[base], idx_v.at[0], sem[0])

    def body(kk, _):
        k0 = 2 * kk

        @pl.when(k0 + 1 < nch)
        def _():
            pltpu.async_copy(dst_hbm.at[base + k0 + 1], idx_v.at[1], sem[1])

        pltpu.make_async_copy(dst_hbm.at[base + k0], idx_v.at[0],
                              sem[0]).wait()
        pltpu.sync_copy(ones_v, acc.at[idx_v.at[0]], add=True)

        @pl.when(k0 + 1 < nch)
        def _():
            @pl.when(k0 + 2 < nch)
            def _():
                pltpu.async_copy(dst_hbm.at[base + k0 + 2], idx_v.at[0],
                                 sem[0])

            pltpu.make_async_copy(dst_hbm.at[base + k0 + 1], idx_v.at[1],
                                  sem[1]).wait()
            pltpu.sync_copy(ones_v, acc.at[idx_v.at[1]], add=True)
        return 0

    lax.fori_loop(0, (nch + 1) // 2, body, 0)
    plsc.subcore_barrier()

    pltpu.sync_copy(acc.at[pl.ds(s * DEG_TPW, DEG_TPW)],
                    out_hbm.at[c, pl.ds(s * DEG_TPW, DEG_TPW)])


@functools.partial(
    pl.kernel,
    out_type=jax.ShapeDtypeStruct((NSC, N_P, HH), jnp.float32),
    mesh=_mesh,
    scratch_types=[
        pltpu.VMEM((2, SB, CH), jnp.int32),
        pltpu.VMEM((2, SB, CH), jnp.int32),
        [pltpu.VMEM((CH, HH), jnp.float32)] * 4,
        pltpu.VMEM_SHARED((N_ACC, HH), jnp.float32),
        [pltpu.SemaphoreType.DMA] * 4,
        [pltpu.SemaphoreType.DMA] * 4,
        pltpu.SemaphoreType.DMA,
        pltpu.SemaphoreType.DMA,
        pltpu.SemaphoreType.DMA,
    ],
    compiler_params=_sc_params,
)
def _sc_agg(table_hbm, src_hbm, dst_hbm, out_hbm, src_v, dst_v, rows, acc,
            sem_g, sem_s, sem_is, sem_id, sem2):
    c = lax.axis_index("c")
    s = lax.axis_index("s")

    @pl.when(s < NT - 1)
    def _():
        r0 = s * WB_MAIN
        pltpu.async_copy(table_hbm.at[pl.ds(c * N_P + r0, WB_MAIN)],
                         acc.at[pl.ds(r0, WB_MAIN)], sem2).wait()

    @pl.when(s == NT - 1)
    def _():
        r0 = (NT - 1) * WB_MAIN
        pltpu.async_copy(table_hbm.at[pl.ds(c * N_P + r0, WB_LAST)],
                         acc.at[pl.ds(r0, WB_LAST)], sem2).wait()

    plsc.subcore_barrier()

    pltpu.async_copy(src_hbm.at[c, s, pl.ds(0, SB)], src_v.at[0],
                     sem_is).wait()
    pltpu.async_copy(dst_hbm.at[s, pl.ds(0, SB)], dst_v.at[0],
                     sem_id).wait()

    def outer(jj, _):
        p = lax.rem(jj, 2)

        @pl.when(jj > 0)
        def _():
            pltpu.make_async_copy(src_hbm.at[c, s, pl.ds(jj * SB, SB)],
                                  src_v.at[p], sem_is).wait()
            pltpu.make_async_copy(dst_hbm.at[s, pl.ds(jj * SB, SB)],
                                  dst_v.at[p], sem_id).wait()

        @pl.when(jj < NSB - 1)
        def _():
            pltpu.async_copy(src_hbm.at[c, s, pl.ds((jj + 1) * SB, SB)],
                             src_v.at[1 - p], sem_is)
            pltpu.async_copy(dst_hbm.at[s, pl.ds((jj + 1) * SB, SB)],
                             dst_v.at[1 - p], sem_id)

        pltpu.async_copy(table_hbm.at[src_v.at[p, 0]], rows[0], sem_g[0])
        pltpu.async_copy(table_hbm.at[src_v.at[p, 1]], rows[1], sem_g[1])
        pltpu.async_copy(table_hbm.at[src_v.at[p, 2]], rows[2], sem_g[2])
        for j in range(SB):
            b = j % 4
            if j >= 1:
                pb = (j + 3) % 4
                pltpu.make_async_copy(rows[pb], acc.at[dst_v.at[p, j]],
                                      sem_s[pb]).wait()
            if j + 3 < SB:
                pltpu.async_copy(table_hbm.at[src_v.at[p, j + 3]],
                                 rows[(j + 3) % 4], sem_g[(j + 3) % 4])
            pltpu.make_async_copy(table_hbm.at[src_v.at[p, j]], rows[b],
                                  sem_g[b]).wait()
            pltpu.async_copy(rows[b], acc.at[dst_v.at[p, j]], sem_s[b],
                             add=True)
        pltpu.make_async_copy(rows[(SB - 1) % 4],
                              acc.at[dst_v.at[p, SB - 1]],
                              sem_s[(SB - 1) % 4]).wait()
        return 0

    lax.fori_loop(0, NSB, outer, 0)
    plsc.subcore_barrier()

    @pl.when(s < NT - 1)
    def _():
        r0 = s * WB_MAIN
        pltpu.async_copy(acc.at[pl.ds(r0, WB_MAIN)],
                         out_hbm.at[c, pl.ds(r0, WB_MAIN)], sem2).wait()

    @pl.when(s == NT - 1)
    def _():
        r0 = (NT - 1) * WB_MAIN
        pltpu.async_copy(acc.at[pl.ds(r0, WB_LAST)],
                         out_hbm.at[c, pl.ds(r0, WB_LAST)], sem2).wait()


def _fold4(v):
    return v[:, 0:32] + v[:, 32:64] + v[:, 64:96] + v[:, 96:128]


def _rep4(v):
    return jnp.concatenate([v, v, v, v], axis=1)


def _proj_body(x_ref, dg_ref, wpb_ref, bp_ref, w1b_ref, tab_ref, dinv_ref):
    dinv = lax.rsqrt(dg_ref[...])
    h0s = [jnp.maximum(
        jnp.dot(x_ref[...], wpb_ref[co],
                preferred_element_type=jnp.float32) + bp_ref[co], 0.0)
        for co in range(NSC)]
    for co in range(NSC):
        hw = jnp.dot(h0s[0], w1b_ref[0, co],
                     preferred_element_type=jnp.float32) \
            + jnp.dot(h0s[1], w1b_ref[1, co],
                      preferred_element_type=jnp.float32)
        tab_ref[co] = hw * dinv
    dinv_ref[...] = dinv


def _tc_proj(x512, degrep, WpBig, bp128, W1big):
    return pl.pallas_call(
        _proj_body,
        grid=(GRID,),
        in_specs=[
            pl.BlockSpec((PB, 512), lambda i: (i, 0)),
            pl.BlockSpec((PB, 128), lambda i: (i, 0)),
            pl.BlockSpec((NSC, 512, 128), lambda i: (0, 0, 0)),
            pl.BlockSpec((NSC, 1, 128), lambda i: (0, 0, 0)),
            pl.BlockSpec((NSC, NSC, 128, 128), lambda i: (0, 0, 0, 0)),
        ],
        out_specs=[
            pl.BlockSpec((NSC, PB, 128), lambda i: (0, i, 0)),
            pl.BlockSpec((PB, 128), lambda i: (i, 0)),
        ],
        out_shape=[
            jax.ShapeDtypeStruct((NSC, P, 128), jnp.float32),
            jax.ShapeDtypeStruct((P, 128), jnp.float32),
        ],
    )(x512, degrep, WpBig, bp128, W1big)


def _post_body(a_ref, dinv_ref, b_ref, y_ref, stats_ref, acc_ref):
    i = pl.program_id(0)
    dinv = dinv_ref[...]
    y0 = a_ref[0] * dinv + b_ref[0]
    y1 = a_ref[1] * dinv + b_ref[1]
    y_ref[0] = y0
    y_ref[1] = y1

    @pl.when(i == 0)
    def _():
        acc_ref[...] = jnp.zeros_like(acc_ref)

    rid = lax.broadcasted_iota(jnp.int32, (PB, 128), 0) + i * PB
    real = rid < P_REAL
    y0m = jnp.where(real, y0, 0.0)
    y1m = jnp.where(real, y1, 0.0)
    s = jnp.concatenate(
        [_fold4(jnp.sum(y0m, axis=0, keepdims=True)),
         _fold4(jnp.sum(y1m, axis=0, keepdims=True))], axis=1)
    sq = jnp.concatenate(
        [_fold4(jnp.sum(y0m * y0m, axis=0, keepdims=True)),
         _fold4(jnp.sum(y1m * y1m, axis=0, keepdims=True))], axis=1)
    acc_ref[0:1, :] += s
    acc_ref[1:2, :] += sq

    @pl.when(i == GRID - 1)
    def _():
        stats_ref[...] = acc_ref[...]


def _tc_post(A, dinv128, b128):
    return pl.pallas_call(
        _post_body,
        grid=(GRID,),
        in_specs=[
            pl.BlockSpec((NSC, PB, 128), lambda i: (0, i, 0)),
            pl.BlockSpec((PB, 128), lambda i: (i, 0)),
            pl.BlockSpec((NSC, 1, 128), lambda i: (0, 0, 0)),
        ],
        out_specs=[
            pl.BlockSpec((NSC, PB, 128), lambda i: (0, i, 0)),
            pl.BlockSpec((2, H), lambda i: (0, 0)),
        ],
        out_shape=[
            jax.ShapeDtypeStruct((NSC, P, 128), jnp.float32),
            jax.ShapeDtypeStruct((2, H), jnp.float32),
        ],
        scratch_shapes=[pltpu.VMEM((2, H), jnp.float32)],
    )(A, dinv128, b128)


def _bn_packed(y_ref, stats_ref, g_ref, be_ref, hr_ref, has_res):
    stats = stats_ref[...]
    m = stats[0:1, :] * (1.0 / N)
    var = stats[1:2, :] * (1.0 / N) - m * m
    rstd = lax.rsqrt(var + 1e-5)
    hs = []
    for cc in range(NSC):
        m_c = _rep4(m[:, cc * HH:(cc + 1) * HH])
        r_c = _rep4(rstd[:, cc * HH:(cc + 1) * HH])
        h_c = jnp.maximum((y_ref[cc] - m_c) * r_c * g_ref[cc] + be_ref[cc],
                          0.0)
        if has_res:
            h_c = h_c + hr_ref[cc]
        hs.append(h_c)
    return hs


def _next_body(has_res, y_ref, stats_ref, g_ref, be_ref, dinv_ref, wb_ref,
               hr_ref, h_ref, tab_ref):
    hs = _bn_packed(y_ref, stats_ref, g_ref, be_ref, hr_ref, has_res)
    dinv = dinv_ref[...]
    for cc in range(NSC):
        h_ref[cc] = hs[cc]
    for co in range(NSC):
        hw = jnp.dot(hs[0], wb_ref[0, co],
                     preferred_element_type=jnp.float32) \
            + jnp.dot(hs[1], wb_ref[1, co],
                      preferred_element_type=jnp.float32)
        tab_ref[co] = hw * dinv


def _tc_next(y, stats, g128, be128, dinv128, Wbig, hr):
    has_res = hr is not None
    args = [y, stats, g128, be128, dinv128, Wbig]
    in_specs = [
        pl.BlockSpec((NSC, PB, 128), lambda i: (0, i, 0)),
        pl.BlockSpec((2, H), lambda i: (0, 0)),
        pl.BlockSpec((NSC, 1, 128), lambda i: (0, 0, 0)),
        pl.BlockSpec((NSC, 1, 128), lambda i: (0, 0, 0)),
        pl.BlockSpec((PB, 128), lambda i: (i, 0)),
        pl.BlockSpec((NSC, NSC, 128, 128), lambda i: (0, 0, 0, 0)),
    ]
    if has_res:
        args.append(hr)
        in_specs.append(pl.BlockSpec((NSC, PB, 128), lambda i: (0, i, 0)))
        body = functools.partial(_next_body, True)
    else:
        def body(*a):
            return _next_body(False, *a[:6], None, *a[6:])
    return pl.pallas_call(
        body,
        grid=(GRID,),
        in_specs=in_specs,
        out_specs=[
            pl.BlockSpec((NSC, PB, 128), lambda i: (0, i, 0)),
            pl.BlockSpec((NSC, PB, 128), lambda i: (0, i, 0)),
        ],
        out_shape=[
            jax.ShapeDtypeStruct((NSC, P, 128), jnp.float32),
            jax.ShapeDtypeStruct((NSC, P, 128), jnp.float32),
        ],
    )(*args)


def _head_body(y_ref, stats_ref, g_ref, be_ref, hr_ref, w1_ref, b1_ref,
               w2_ref, b2_ref, w3_ref, b3_ref, out_ref):
    hs = _bn_packed(y_ref, stats_ref, g_ref, be_ref, hr_ref, True)
    h4 = jnp.maximum(
        jnp.dot(hs[0], w1_ref[0], preferred_element_type=jnp.float32)
        + jnp.dot(hs[1], w1_ref[1], preferred_element_type=jnp.float32)
        + b1_ref[...], 0.0)
    h5 = jnp.maximum(
        jnp.dot(h4, w2_ref[...], preferred_element_type=jnp.float32)
        + b2_ref[...], 0.0)
    out_ref[...] = jnp.dot(h5, w3_ref[...],
                           preferred_element_type=jnp.float32) + b3_ref[...]


def _tc_head(y, stats, g128, be128, hr, W1big, b1t, W2big, b2t, W3big, b3t):
    no = W3big.shape[1]

    def full(a):
        return pl.BlockSpec(a.shape, lambda i: tuple(0 for _ in a.shape))

    return pl.pallas_call(
        _head_body,
        grid=(GRID,),
        in_specs=[
            pl.BlockSpec((NSC, PB, 128), lambda i: (0, i, 0)),
            pl.BlockSpec((2, H), lambda i: (0, 0)),
            pl.BlockSpec((NSC, 1, 128), lambda i: (0, 0, 0)),
            pl.BlockSpec((NSC, 1, 128), lambda i: (0, 0, 0)),
            pl.BlockSpec((NSC, PB, 128), lambda i: (0, i, 0)),
            full(W1big), full(b1t), full(W2big), full(b2t), full(W3big),
            full(b3t),
        ],
        out_specs=pl.BlockSpec((PB, no), lambda i: (i, 0)),
        out_shape=jax.ShapeDtypeStruct((P, no), jnp.float32),
    )(y, stats, g128, be128, hr, W1big, b1t, W2big, b2t, W3big, b3t)


def _pack_vec(v):
    return jnp.stack([jnp.tile(v[:HH], 4), jnp.tile(v[HH:], 4)]) \
        .reshape(NSC, 1, 128)


def kernel(x, edge_index, Wp, bp, conv_ws, conv_bs, gammas, betas,
           W1, b1, W2, b2, W3, b3):
    src = edge_index[0]
    dst = edge_index[1]

    ar_a = jnp.arange(E_PAD_A - E, dtype=jnp.int32)
    src_pad = ar_a % 512
    dst_pad_a = N + (ar_a % 48)
    src_a = jnp.concatenate([src, src_pad])
    dst_a = jnp.concatenate([dst, dst_pad_a]).reshape(NT, J_A, CH)
    src2 = jnp.stack([src_a, src_a + N_P]).reshape(NSC, NT, J_A, CH)

    pd = _sc_deg(dst.reshape(J_DEG_ALL, CH))
    degsum = pd[0] + pd[1] + 1.0
    degrep = jnp.repeat(degsum.reshape(P, 4), 32, axis=1)

    eye4 = jnp.eye(4, dtype=jnp.float32)

    def _kron4(blk):
        a, b = blk.shape
        return (eye4[:, None, :, None] * blk[None, :, None, :]) \
            .reshape(4 * a, 4 * b)

    wbigs = []
    for i in range(3):
        w = conv_ws[i]
        wbigs.append(jnp.stack([
            jnp.stack([_kron4(w[ci * HH:(ci + 1) * HH,
                                co * HH:(co + 1) * HH])
                       for co in range(NSC)]) for ci in range(NSC)]))
    WpBig = jnp.stack([_kron4(Wp[:, co * HH:(co + 1) * HH])
                       for co in range(NSC)])
    W1big = jnp.stack([_kron4(W1[ci * HH:(ci + 1) * HH, :])
                       for ci in range(NSC)])
    W2big = _kron4(W2)
    W3big = _kron4(W3)
    b1t = jnp.tile(b1, 4).reshape(1, -1)
    b2t = jnp.tile(b2, 4).reshape(1, -1)
    b3t = jnp.tile(b3, 4).reshape(1, -1)

    x512 = jnp.pad(x, ((0, N_P - N), (0, 0))).reshape(P, 512)
    tab, dinv128 = _tc_proj(x512, degrep, WpBig, _pack_vec(bp), wbigs[0])

    h_prev = None
    for i in range(3):
        A = _sc_agg(tab.reshape(NSC * N_P, HH), src2, dst_a)
        Ap = A.reshape(NSC, P, 128)
        y, stats = _tc_post(Ap, dinv128, _pack_vec(conv_bs[i]))
        g128 = _pack_vec(gammas[i])
        be128 = _pack_vec(betas[i])
        if i < 2:
            h_new, tab = _tc_next(y, stats, g128, be128, dinv128,
                                  wbigs[i + 1], h_prev)
            h_prev = h_new
        else:
            logits = _tc_head(y, stats, g128, be128, h_prev,
                              W1big, b1t, W2big, b2t, W3big, b3t)
    return logits[:P_REAL].reshape(N, W3.shape[1])

# --- scband reference (transcript-rebuilt; emitter-appended) ---
"""Pipeline reference for scband-gcnsegmentation-19705309954162 (READ-ONLY COPY).

The authoritative reference and input builder live on the scoring server;
editing this copy changes nothing except your own understanding.
"""

import jax, jax.numpy as jnp
import numpy as np

N = 50000
E = 800000
F_IN = 128
H = 64
NUM_CLASSES = 10
L = 3


def setup_inputs(seed: int = 0) -> dict:
    key = jax.random.key(seed)
    ks = jax.random.split(key, 32)
    x = jax.random.normal(ks[0], (N, F_IN), dtype=jnp.float32)
    edge_index = jax.random.randint(ks[1], (2, E), 0, N, dtype=jnp.int32)
    Wp = 0.02 * jax.random.normal(ks[2], (F_IN, H), dtype=jnp.float32)
    bp = jnp.zeros((H,), jnp.float32)
    conv_ws = [0.05 * jax.random.normal(ks[3 + i], (H, H), dtype=jnp.float32) for i in range(L)]
    conv_bs = [jnp.zeros((H,), jnp.float32) for _ in range(L)]
    gammas = [jnp.ones((H,), jnp.float32) for _ in range(L)]
    betas = [jnp.zeros((H,), jnp.float32) for _ in range(L)]
    W1 = 0.05 * jax.random.normal(ks[10], (H, H // 2), dtype=jnp.float32)
    b1 = jnp.zeros((H // 2,), jnp.float32)
    W2 = 0.05 * jax.random.normal(ks[11], (H // 2, H // 4), dtype=jnp.float32)
    b2 = jnp.zeros((H // 4,), jnp.float32)
    W3 = 0.05 * jax.random.normal(ks[12], (H // 4, NUM_CLASSES), dtype=jnp.float32)
    b3 = jnp.zeros((NUM_CLASSES,), jnp.float32)
    return {"x": x, "edge_index": edge_index, "Wp": Wp, "bp": bp,
            "conv_ws": conv_ws, "conv_bs": conv_bs, "gammas": gammas, "betas": betas,
            "W1": W1, "b1": b1, "W2": W2, "b2": b2, "W3": W3, "b3": b3}


def reference(x, edge_index, Wp, bp, conv_ws, conv_bs, gammas, betas, W1, b1, W2, b2, W3, b3):
    # Precompute symmetric GCN normalization with self-loops (index-only, float-free)
    src = edge_index[0]
    dst = edge_index[1]
    loop = jnp.arange(N, dtype=src.dtype)
    s = jnp.concatenate([src, loop])
    d = jnp.concatenate([dst, loop])
    deg = jnp.zeros((N,), jnp.float32).at[d].add(1.0)
    dinv = jnp.where(deg > 0, 1.0 / jnp.sqrt(deg), 0.0)
    norm = dinv[s] * dinv[d]

    def conv(h, W, b):
        hw = h @ W
        msg = hw[s] * norm[:, None]
        out = jnp.zeros((N, hw.shape[1]), hw.dtype).at[d].add(msg)
        return out + b

    def bn(h, g, be):
        m = h.mean(axis=0)
        v = h.var(axis=0)
        return (h - m) / jnp.sqrt(v + 1e-5) * g + be

    h = jax.nn.relu(x @ Wp + bp)  # dropout is identity in eval
    for i in range(L):
        hr = h
        h = conv(h, conv_ws[i], conv_bs[i])
        h = jax.nn.relu(bn(h, gammas[i], betas[i]))
        if i > 0:
            h = h + hr
    h1 = jax.nn.relu(h @ W1 + b1)
    h2 = jax.nn.relu(h1 @ W2 + b2)
    logits = h2 @ W3 + b3
    return logits

if __name__ == "__main__":
    import jax
    _d = setup_inputs()
    print(jax.jit(kernel)(*tuple(_d.values())))

</pallas_src>

<mosaic_0001>
#map = affine_map<(d0, d1) -> (0, 0)>
module attributes {stable_mosaic.version = 14 : i64} {
  func.func @_sc_deg(%arg0: i32, %arg1: i32, %arg2: memref<6250x128xi32, #tpu.memory_space<hbm>>, %arg3: memref<2x51200xf32, #tpu.memory_space<hbm>>, %arg4: memref<2x128xi32, #tpu.memory_space<vmem>>, %arg5: memref<128xf32, #tpu.memory_space<vmem>>, %arg6: memref<3200xf32, #tpu.memory_space<vmem>>, %arg7: memref<51200xf32, #tpu.memory_space<vmem_shared>>, %arg8: memref<!tpu.dma_semaphore, #tpu.memory_space<semaphore_mem>>, %arg9: memref<!tpu.dma_semaphore, #tpu.memory_space<semaphore_mem>>) attributes {dimension_semantics = [#tpu.dimension_semantics<core_parallel>, #tpu.dimension_semantics<subcore_parallel>], iteration_bounds = array<i64: 2, 16>, scalar_prefetch = 0 : i64, scratch_operands = 6 : i64, tpu.core_type = #tpu.core_type<sc_vector_subcore>, window_params = [{transform_indices = #map}, {transform_indices = #map}]} {
    %mul3A = arith.constant 16 : i32
    %mul3A_0 = arith.muli %arg0, %mul3A : i32
    %add3A = arith.addi %mul3A_0, %arg1 : i32
    %lt3A = arith.constant 10 : i32
    %lt3A_1 = arith.cmpi slt, %add3A, %lt3A : i32
    %jit3A = arith.constant 1 : i32
    %jit3A_2 = arith.constant 0 : i32
    %select_n3A = arith.select %lt3A_1, %jit3A, %jit3A_2 : i32
    %add3A_3 = arith.constant 195 : i32
    %add3A_4 = arith.addi %add3A_3, %select_n3A : i32
    %mul3A_5 = arith.constant 195 : i32
    %mul3A_6 = arith.muli %mul3A_5, %add3A : i32
    %min3A = arith.constant 10 : i32
    %min3A_7 = arith.minsi %add3A, %min3A : i32
    %add3A_8 = arith.addi %mul3A_6, %min3A_7 : i32
    %broadcast_in_dim3A = arith.constant 1.000000e+00 : f32
    %broadcast_in_dim3A_9 = vector.broadcast %broadcast_in_dim3A : f32 to vector<16xf32>
    %swap3A = arith.constant 0 : index
    %swap3A_10 = tpu.vector_load %arg5[%swap3A] {strides = array<i32>} : memref<128xf32, #tpu.memory_space<vmem>>, vector<16xf32>,
    %swap3A_11 = vector.shape_cast %swap3A_10 : vector<16xf32> to vector<16xf32>
    %swap3A_12 = vector.shape_cast %broadcast_in_dim3A_9 : vector<16xf32> to vector<16xf32>
    tpu.vector_store %arg5[%swap3A], %swap3A_12 {strides = array<i32>} : memref<128xf32, #tpu.memory_space<vmem>>, vector<16xf32>,
    %broadcast_in_dim3A_13 = arith.constant 1.000000e+00 : f32
    %broadcast_in_dim3A_14 = vector.broadcast %broadcast_in_dim3A_13 : f32 to vector<16xf32>
    %swap3A_15 = arith.constant 16 : index
    %swap3A_16 = tpu.vector_load %arg5[%swap3A_15] {strides = array<i32>} : memref<128xf32, #tpu.memory_space<vmem>>, vector<16xf32>,
    %swap3A_17 = vector.shape_cast %swap3A_16 : vector<16xf32> to vector<16xf32>
    %swap3A_18 = vector.shape_cast %broadcast_in_dim3A_14 : vector<16xf32> to vector<16xf32>
    tpu.vector_store %arg5[%swap3A_15], %swap3A_18 {strides = array<i32>} : memref<128xf32, #tpu.memory_space<vmem>>, vector<16xf32>,
    %broadcast_in_dim3A_19 = arith.constant 1.000000e+00 : f32
    %broadcast_in_dim3A_20 = vector.broadcast %broadcast_in_dim3A_19 : f32 to vector<16xf32>
    %swap3A_21 = arith.constant 32 : index
    %swap3A_22 = tpu.vector_load %arg5[%swap3A_21] {strides = array<i32>} : memref<128xf32, #tpu.memory_space<vmem>>, vector<16xf32>,
    %swap3A_23 = vector.shape_cast %swap3A_22 : vector<16xf32> to vector<16xf32>
    %swap3A_24 = vector.shape_cast %broadcast_in_dim3A_20 : vector<16xf32> to vector<16xf32>
    tpu.vector_store %arg5[%swap3A_21], %swap3A_24 {strides = array<i32>} : memref<128xf32, #tpu.memory_space<vmem>>, vector<16xf32>,
    %broadcast_in_dim3A_25 = arith.constant 1.000000e+00 : f32
    %broadcast_in_dim3A_26 = vector.broadcast %broadcast_in_dim3A_25 : f32 to vector<16xf32>
    %swap3A_27 = arith.constant 48 : index
    %swap3A_28 = tpu.vector_load %arg5[%swap3A_27] {strides = array<i32>} : memref<128xf32, #tpu.memory_space<vmem>>, vector<16xf32>,
    %swap3A_29 = vector.shape_cast %swap3A_28 : vector<16xf32> to vector<16xf32>
    %swap3A_30 = vector.shape_cast %broadcast_in_dim3A_26 : vector<16xf32> to vector<16xf32>
    tpu.vector_store %arg5[%swap3A_27], %swap3A_30 {strides = array<i32>} : memref<128xf32, #tpu.memory_space<vmem>>, vector<16xf32>,
    %broadcast_in_dim3A_31 = arith.constant 1.000000e+00 : f32
    %broadcast_in_dim3A_32 = vector.broadcast %broadcast_in_dim3A_31 : f32 to vector<16xf32>
    %swap3A_33 = arith.constant 64 : index
    %swap3A_34 = tpu.vector_load %arg5[%swap3A_33] {strides = array<i32>} : memref<128xf32, #tpu.memory_space<vmem>>, vector<16xf32>,
    %swap3A_35 = vector.shape_cast %swap3A_34 : vector<16xf32> to vector<16xf32>
    %swap3A_36 = vector.shape_cast %broadcast_in_dim3A_32 : vector<16xf32> to vector<16xf32>
    tpu.vector_store %arg5[%swap3A_33], %swap3A_36 {strides = array<i32>} : memref<128xf32, #tpu.memory_space<vmem>>, vector<16xf32>,
    %broadcast_in_dim3A_37 = arith.constant 1.000000e+00 : f32
    %broadcast_in_dim3A_38 = vector.broadcast %broadcast_in_dim3A_37 : f32 to vector<16xf32>
    %swap3A_39 = arith.constant 80 : index
    %swap3A_40 = tpu.vector_load %arg5[%swap3A_39] {strides = array<i32>} : memref<128xf32, #tpu.memory_space<vmem>>, vector<16xf32>,
    %swap3A_41 = vector.shape_cast %swap3A_40 : vector<16xf32> to vector<16xf32>
    %swap3A_42 = vector.shape_cast %broadcast_in_dim3A_38 : vector<16xf32> to vector<16xf32>
    tpu.vector_store %arg5[%swap3A_39], %swap3A_42 {strides = array<i32>} : memref<128xf32, #tpu.memory_space<vmem>>, vector<16xf32>,
    %broadcast_in_dim3A_43 = arith.constant 1.000000e+00 : f32
    %broadcast_in_dim3A_44 = vector.broadcast %broadcast_in_dim3A_43 : f32 to vector<16xf32>
    %swap3A_45 = arith.constant 96 : index
    %swap3A_46 = tpu.vector_load %arg5[%swap3A_45] {strides = array<i32>} : memref<128xf32, #tpu.memory_space<vmem>>, vector<16xf32>,
    %swap3A_47 = vector.shape_cast %swap3A_46 : vector<16xf32> to vector<16xf32>
    %swap3A_48 = vector.shape_cast %broadcast_in_dim3A_44 : vector<16xf32> to vector<16xf32>
    tpu.vector_store %arg5[%swap3A_45], %swap3A_48 {strides = array<i32>} : memref<128xf32, #tpu.memory_space<vmem>>, vector<16xf32>,
    %broadcast_in_dim3A_49 = arith.constant 1.000000e+00 : f32
    %broadcast_in_dim3A_50 = vector.broadcast %broadcast_in_dim3A_49 : f32 to vector<16xf32>
    %swap3A_51 = arith.constant 112 : index
    %swap3A_52 = tpu.vector_load %arg5[%swap3A_51] {strides = array<i32>} : memref<128xf32, #tpu.memory_space<vmem>>, vector<16xf32>,
    %swap3A_53 = vector.shape_cast %swap3A_52 : vector<16xf32> to vector<16xf32>
    %swap3A_54 = vector.shape_cast %broadcast_in_dim3A_50 : vector<16xf32> to vector<16xf32>
    tpu.vector_store %arg5[%swap3A_51], %swap3A_54 {strides = array<i32>} : memref<128xf32, #tpu.memory_space<vmem>>, vector<16xf32>,
    %scan3A = arith.constant 0 : i32
    %scan3A_55 = arith.constant 0 : i32
    %scan3A_56 = arith.constant 200 : i32
    %scan3A_57 = arith.addi %scan3A_55, %scan3A_56 : i32
    %scan3A_58 = arith.constant 1 : i32
    %scan3A_59 = scf.for %scan3A_111 = %scan3A_55 to %scan3A_57 step %scan3A_58 iter_args(%scan3A_112 = %scan3A) -> (i32)  : i32 {
      %broadcast_in_dim3A_113 = arith.constant 0.000000e+00 : f32
      %broadcast_in_dim3A_114 = vector.broadcast %broadcast_in_dim3A_113 : f32 to vector<16xf32>
      %mul3A_115 = arith.constant 16 : i32
      %mul3A_116 = arith.muli %scan3A_111, %mul3A_115 : i32
      %swap3A_117 = arith.index_cast %mul3A_116 : i32 to index
      %swap3A_118 = tpu.vector_load %arg6[%swap3A_117] {strides = array<i32>} : memref<3200xf32, #tpu.memory_space<vmem>>, vector<16xf32>,
      %swap3A_119 = vector.shape_cast %swap3A_118 : vector<16xf32> to vector<16xf32>
      %swap3A_120 = vector.shape_cast %broadcast_in_dim3A_114 : vector<16xf32> to vector<16xf32>
      tpu.vector_store %arg6[%swap3A_117], %swap3A_120 {strides = array<i32>} : memref<3200xf32, #tpu.memory_space<vmem>>, vector<16xf32>,
      %scan3A_121 = arith.constant 0 : i32
      scf.yield %scan3A_121 : i32
    }
    %scan3A_60 = arith.constant 200 : i32
    %mul3A_61 = arith.constant 3200 : i32
    %mul3A_62 = arith.muli %arg1, %mul3A_61 : i32
    "tpu.region"() ({
      %run_scoped3A = tpu.sem_alloc : memref<!tpu.dma_semaphore, #tpu.memory_space<semaphore_mem>>
      %dma_start3A_111 = tpu.memref_slice %arg7[%mul3A_62] : memref<51200xf32, #tpu.memory_space<vmem_shared>> -> memref<3200xf32, #tpu.memory_space<vmem_shared>>
      %dma_start3A_112 = tpu.memref_slice %arg7[%mul3A_62] : memref<51200xf32, #tpu.memory_space<vmem_shared>> -> memref<3200xf32, #tpu.memory_space<vmem_shared>>
      tpu.enqueue_dma source(%arg6 : memref<3200xf32, #tpu.memory_space<vmem>>) target(%dma_start3A_112 : memref<3200xf32, #tpu.memory_space<vmem_shared>>) target_semaphore(%run_scoped3A : memref<!tpu.dma_semaphore, #tpu.memory_space<semaphore_mem>>)
      %dma_wait3A = tpu.memref_slice %arg7[%mul3A_62] : memref<51200xf32, #tpu.memory_space<vmem_shared>> -> memref<3200xf32, #tpu.memory_space<vmem_shared>>
      %dma_wait3A_113 = tpu.memref_slice %arg7[%mul3A_62] : memref<51200xf32, #tpu.memory_space<vmem_shared>> -> memref<3200xf32, #tpu.memory_space<vmem_shared>>
      tpu.wait_dma2 semaphore(%run_scoped3A : memref<!tpu.dma_semaphore, #tpu.memory_space<semaphore_mem>>) src(%arg6 : memref<3200xf32, #tpu.memory_space<vmem>>) dst(%dma_wait3A_113 : memref<3200xf32, #tpu.memory_space<vmem_shared>>)
      tpu.yield
    }) : () -> ()
    %barrier3A = arith.constant 0 : index
    tpu.barrier barrier_id(%barrier3A)
    %dma_start3A = arith.constant 0 : i32
    %dma_start3A_63 = arith.constant 0 : i32
    %dma_start3A_64 = tpu.memref_slice %arg4[%dma_start3A, %dma_start3A_63] : memref<2x128xi32, #tpu.memory_space<vmem>> -> memref<1x128xi32, #tpu.memory_space<vmem>>
    %dma_start3A_65 = tpu.memref_squeeze %dma_start3A_64 : memref<1x128xi32, #tpu.memory_space<vmem>> -> memref<128xi32, #tpu.memory_space<vmem>>
    %dma_start3A_66 = arith.constant 0 : i32
    %dma_start3A_67 = tpu.memref_slice %arg2[%add3A_8, %dma_start3A_66] : memref<6250x128xi32, #tpu.memory_space<hbm>> -> memref<1x128xi32, #tpu.memory_space<hbm>>
    %dma_start3A_68 = tpu.memref_squeeze %dma_start3A_67 : memref<1x128xi32, #tpu.memory_space<hbm>> -> memref<128xi32, #tpu.memory_space<hbm>>
    %dma_start3A_69 = arith.constant 0 : i32
    %dma_start3A_70 = tpu.memref_slice %arg4[%dma_start3A, %dma_start3A_69] : memref<2x128xi32, #tpu.memory_space<vmem>> -> memref<1x128xi32, #tpu.memory_space<vmem>>
    %dma_start3A_71 = tpu.memref_squeeze %dma_start3A_70 : memref<1x128xi32, #tpu.memory_space<vmem>> -> memref<128xi32, #tpu.memory_space<vmem>>
    %dma_start3A_72 = arith.constant 0 : i32
    %dma_start3A_73 = tpu.memref_slice %arg2[%add3A_8, %dma_start3A_72] : memref<6250x128xi32, #tpu.memory_space<hbm>> -> memref<1x128xi32, #tpu.memory_space<hbm>>
    %dma_start3A_74 = tpu.memref_squeeze %dma_start3A_73 : memref<1x128xi32, #tpu.memory_space<hbm>> -> memref<128xi32, #tpu.memory_space<hbm>>
    tpu.enqueue_dma source(%dma_start3A_74 : memref<128xi32, #tpu.memory_space<hbm>>) target(%dma_start3A_71 : memref<128xi32, #tpu.memory_space<vmem>>) target_semaphore(%arg8 : memref<!tpu.dma_semaphore, #tpu.memory_space<semaphore_mem>>)
    %add3A_75 = arith.constant 1 : i32
    %add3A_76 = arith.addi %add3A_4, %add3A_75 : i32
    %jit3A_77 = arith.constant 2 : i32
    %div3A = arith.divsi %add3A_76, %jit3A_77 : i32
    %sign3A = arith.constant 0 : i32
    %sign3A_78 = arith.cmpi sgt, %add3A_76, %sign3A : i32
    %sign3A_79 = arith.extui %sign3A_78 : i1 to i32
    %sign3A_80 = arith.constant 0 : i32
    %sign3A_81 = arith.cmpi slt, %add3A_76, %sign3A_80 : i32
    %sign3A_82 = arith.extui %sign3A_81 : i1 to i32
    %sign3A_83 = arith.subi %sign3A_79, %sign3A_82 : i32
    %sign3A_84 = arith.constant 0 : i32
    %sign3A_85 = arith.cmpi sgt, %jit3A_77, %sign3A_84 : i32
    %sign3A_86 = arith.extui %sign3A_85 : i1 to i32
    %sign3A_87 = arith.constant 0 : i32
    %sign3A_88 = arith.cmpi slt, %jit3A_77, %sign3A_87 : i32
    %sign3A_89 = arith.extui %sign3A_88 : i1 to i32
    %sign3A_90 = arith.subi %sign3A_86, %sign3A_89 : i32
    %ne3A = arith.cmpi ne, %sign3A_83, %sign3A_90 : i32
    %rem3A = arith.remsi %add3A_76, %jit3A_77 : i32
    %ne3A_91 = arith.constant 0 : i32
    %ne3A_92 = arith.cmpi ne, %rem3A, %ne3A_91 : i32
    %and3A = arith.andi %ne3A, %ne3A_92 : i1
    %sub3A = arith.constant 1 : i32
    %sub3A_93 = arith.subi %div3A, %sub3A : i32
    %select_n3A_94 = arith.select %and3A, %sub3A_93, %div3A : i32
    %while3A = arith.constant 0 : i32
    %while3A_95 = arith.constant 0 : i32
    %while3A_96 = arith.subi %select_n3A_94, %while3A : i32
    %while3A_97 = arith.addi %while3A, %while3A_96 : i32
    %while3A_98 = arith.constant 1 : i32
    %while3A_99 = arith.divsi %while3A_96, %while3A_98 : i32
    %while3A_100 = arith.muli %while3A_99, %while3A_98 : i32
    %while3A_101 = arith.addi %while3A, %while3A_100 : i32
    %while3A_102 = arith.constant 1 : i32
    %while3A_103 = scf.for %while3A_111 = %while3A to %while3A_101 step %while3A_102 iter_args(%while3A_112 = %while3A_95) -> (i32)  : i32 {
      %mul3A_113 = arith.constant 2 : i32
      %mul3A_114 = arith.muli %mul3A_113, %while3A_111 : i32
      %add3A_115 = arith.constant 1 : i32
      %add3A_116 = arith.addi %mul3A_114, %add3A_115 : i32
      %lt3A_117 = arith.cmpi slt, %add3A_116, %add3A_4 : i32
      %convert_element_type3A = arith.extui %lt3A_117 : i1 to i32
      %cond3A = arith.constant 0 : i32
      %cond3A_118 = arith.cmpi ne, %convert_element_type3A, %cond3A : i32
      scf.if %cond3A_118 {
        %add3A_139 = arith.addi %add3A_8, %mul3A_114 : i32
        %add3A_140 = arith.constant 1 : i32
        %add3A_141 = arith.addi %add3A_139, %add3A_140 : i32
        %dma_start3A_142 = arith.constant 1 : i32
        %dma_start3A_143 = arith.constant 0 : i32
        %dma_start3A_144 = tpu.memref_slice %arg4[%dma_start3A_142, %dma_start3A_143] : memref<2x128xi32, #tpu.memory_space<vmem>> -> memref<1x128xi32, #tpu.memory_space<vmem>>
        %dma_start3A_145 = tpu.memref_squeeze %dma_start3A_144 : memref<1x128xi32, #tpu.memory_space<vmem>> -> memref<128xi32, #tpu.memory_space<vmem>>
        %dma_start3A_146 = arith.constant 0 : i32
        %dma_start3A_147 = tpu.memref_slice %arg2[%add3A_141, %dma_start3A_146] : memref<6250x128xi32, #tpu.memory_space<hbm>> -> memref<1x128xi32, #tpu.memory_space<hbm>>
        %dma_start3A_148 = tpu.memref_squeeze %dma_start3A_147 : memref<1x128xi32, #tpu.memory_space<hbm>> -> memref<128xi32, #tpu.memory_space<hbm>>
        %dma_start3A_149 = arith.constant 0 : i32
        %dma_start3A_150 = tpu.memref_slice %arg4[%dma_start3A_142, %dma_start3A_149] : memref<2x128xi32, #tpu.memory_space<vmem>> -> memref<1x128xi32, #tpu.memory_space<vmem>>
        %dma_start3A_151 = tpu.memref_squeeze %dma_start3A_150 : memref<1x128xi32, #tpu.memory_space<vmem>> -> memref<128xi32, #tpu.memory_space<vmem>>
        %dma_start3A_152 = arith.constant 0 : i32
        %dma_start3A_153 = tpu.memref_slice %arg2[%add3A_141, %dma_start3A_152] : memref<6250x128xi32, #tpu.memory_space<hbm>> -> memref<1x128xi32, #tpu.memory_space<hbm>>
        %dma_start3A_154 = tpu.memref_squeeze %dma_start3A_153 : memref<1x128xi32, #tpu.memory_space<hbm>> -> memref<128xi32, #tpu.memory_space<hbm>>
        tpu.enqueue_dma source(%dma_start3A_154 : memref<128xi32, #tpu.memory_space<hbm>>) target(%dma_start3A_151 : memref<128xi32, #tpu.memory_space<vmem>>) target_semaphore(%arg9 : memref<!tpu.dma_semaphore, #tpu.memory_space<semaphore_mem>>)
      } else {
      }
      %add3A_119 = arith.addi %add3A_8, %mul3A_114 : i32
      %dma_wait3A = arith.constant 0 : i32
      %dma_wait3A_120 = arith.constant 0 : i32
      %dma_wait3A_121 = tpu.memref_slice %arg4[%dma_wait3A, %dma_wait3A_120] : memref<2x128xi32, #tpu.memory_space<vmem>> -> memref<1x128xi32, #tpu.memory_space<vmem>>
      %dma_wait3A_122 = tpu.memref_squeeze %dma_wait3A_121 : memref<1x128xi32, #tpu.memory_space<vmem>> -> memref<128xi32, #tpu.memory_space<vmem>>
      %dma_wait3A_123 = arith.constant 0 : i32
      %dma_wait3A_124 = tpu.memref_slice %arg2[%add3A_119, %dma_wait3A_123] : memref<6250x128xi32, #tpu.memory_space<hbm>> -> memref<1x128xi32, #tpu.memory_space<hbm>>
      %dma_wait3A_125 = tpu.memref_squeeze %dma_wait3A_124 : memref<1x128xi32, #tpu.memory_space<hbm>> -> memref<128xi32, #tpu.memory_space<hbm>>
      %dma_wait3A_126 = arith.constant 0 : i32
      %dma_wait3A_127 = tpu.memref_slice %arg4[%dma_wait3A, %dma_wait3A_126] : memref<2x128xi32, #tpu.memory_space<vmem>> -> memref<1x128xi32, #tpu.memory_space<vmem>>
      %dma_wait3A_128 = tpu.memref_squeeze %dma_wait3A_127 : memref<1x128xi32, #tpu.memory_space<vmem>> -> memref<128xi32, #tpu.memory_space<vmem>>
      %dma_wait3A_129 = arith.constant 0 : i32
      %dma_wait3A_130 = tpu.memref_slice %arg2[%add3A_119, %dma_wait3A_129] : memref<6250x128xi32, #tpu.memory_space<hbm>> -> memref<1x128xi32, #tpu.memory_space<hbm>>
      %dma_wait3A_131 = tpu.memref_squeeze %dma_wait3A_130 : memref<1x128xi32, #tpu.memory_space<hbm>> -> memref<128xi32, #tpu.memory_space<hbm>>
      tpu.wait_dma2 semaphore(%arg8 : memref<!tpu.dma_semaphore, #tpu.memory_space<semaphore_mem>>) src(%dma_wait3A_131 : memref<128xi32, #tpu.memory_space<hbm>>) dst(%dma_wait3A_128 : memref<128xi32, #tpu.memory_space<vmem>>)
      %run_scoped3A = arith.constant 0 : i32
      "tpu.region"() ({
        %run_scoped3A_139 = tpu.sem_alloc : memref<!tpu.dma_semaphore, #tpu.memory_space<semaphore_mem>>
        %dma_start3A_140 = arith.constant 0 : i32
        %dma_start3A_141 = tpu.memref_slice %arg4[%run_scoped3A, %dma_start3A_140] : memref<2x128xi32, #tpu.memory_space<vmem>> -> memref<1x128xi32, #tpu.memory_space<vmem>>
        %dma_start3A_142 = tpu.memref_squeeze %dma_start3A_141 : memref<1x128xi32, #tpu.memory_space<vmem>> -> memref<128xi32, #tpu.memory_space<vmem>>
        %dma_start3A_143 = arith.constant 0 : i32
        %dma_start3A_144 = tpu.memref_slice %arg7[%dma_start3A_143] : memref<51200xf32, #tpu.memory_space<vmem_shared>> -> memref<51200xf32, #tpu.memory_space<vmem_shared>>
        tpu.enqueue_indirect_dma source(%arg5 : memref<128xf32, #tpu.memory_space<vmem>>) target(%dma_start3A_144 : memref<51200xf32, #tpu.memory_space<vmem_shared>>) offsets(%dma_start3A_142 : memref<128xi32, #tpu.memory_space<vmem>>) semaphore(%run_scoped3A_139 : memref<!tpu.dma_semaphore, #tpu.memory_space<semaphore_mem>>) {add = true}
        %dma_wait3A_145 = arith.constant 0 : i32
        %dma_wait3A_146 = tpu.memref_slice %arg4[%run_scoped3A, %dma_wait3A_145] : memref<2x128xi32, #tpu.memory_space<vmem>> -> memref<1x128xi32, #tpu.memory_space<vmem>>
        %dma_wait3A_147 = tpu.memref_squeeze %dma_wait3A_146 : memref<1x128xi32, #tpu.memory_space<vmem>> -> memref<128xi32, #tpu.memory_space<vmem>>
        %dma_wait3A_148 = arith.constant 0 : i32
        %dma_wait3A_149 = tpu.memref_slice %arg7[%dma_wait3A_148] : memref<51200xf32, #tpu.memory_space<vmem_shared>> -> memref<51200xf32, #tpu.memory_space<vmem_shared>>
        tpu.wait_indirect_dma semaphore(%run_scoped3A_139 : memref<!tpu.dma_semaphore, #tpu.memory_space<semaphore_mem>>) src(%arg5 : memref<128xf32, #tpu.memory_space<vmem>>) dst(%dma_wait3A_149 : memref<51200xf32, #tpu.memory_space<vmem_shared>>)
        tpu.yield
      }) : () -> ()
      %add3A_132 = arith.constant 1 : i32
      %add3A_133 = arith.addi %mul3A_114, %add3A_132 : i32
      %lt3A_134 = arith.cmpi slt, %add3A_133, %add3A_4 : i32
      %convert_element_type3A_135 = arith.extui %lt3A_134 : i1 to i32
      %cond3A_136 = arith.constant 0 : i32
      %cond3A_137 = arith.cmpi ne, %convert_element_type3A_135, %cond3A_136 : i32
      scf.if %cond3A_137 {
        %add3A_139 = arith.constant 2 : i32
        %add3A_140 = arith.addi %mul3A_114, %add3A_139 : i32
        %lt3A_141 = arith.cmpi slt, %add3A_140, %add3A_4 : i32
        %convert_element_type3A_142 = arith.extui %lt3A_141 : i1 to i32
        %cond3A_143 = arith.constant 0 : i32
        %cond3A_144 = arith.cmpi ne, %convert_element_type3A_142, %cond3A_143 : i32
        scf.if %cond3A_144 {
          %add3A_162 = arith.addi %add3A_8, %mul3A_114 : i32
          %add3A_163 = arith.constant 2 : i32
          %add3A_164 = arith.addi %add3A_162, %add3A_163 : i32
          %dma_start3A_165 = arith.constant 0 : i32
          %dma_start3A_166 = arith.constant 0 : i32
          %dma_start3A_167 = tpu.memref_slice %arg4[%dma_start3A_165, %dma_start3A_166] : memref<2x128xi32, #tpu.memory_space<vmem>> -> memref<1x128xi32, #tpu.memory_space<vmem>>
          %dma_start3A_168 = tpu.memref_squeeze %dma_start3A_167 : memref<1x128xi32, #tpu.memory_space<vmem>> -> memref<128xi32, #tpu.memory_space<vmem>>
          %dma_start3A_169 = arith.constant 0 : i32
          %dma_start3A_170 = tpu.memref_slice %arg2[%add3A_164, %dma_start3A_169] : memref<6250x128xi32, #tpu.memory_space<hbm>> -> memref<1x128xi32, #tpu.memory_space<hbm>>
          %dma_start3A_171 = tpu.memref_squeeze %dma_start3A_170 : memref<1x128xi32, #tpu.memory_space<hbm>> -> memref<128xi32, #tpu.memory_space<hbm>>
          %dma_start3A_172 = arith.constant 0 : i32
          %dma_start3A_173 = tpu.memref_slice %arg4[%dma_start3A_165, %dma_start3A_172] : memref<2x128xi32, #tpu.memory_space<vmem>> -> memref<1x128xi32, #tpu.memory_space<vmem>>
          %dma_start3A_174 = tpu.memref_squeeze %dma_start3A_173 : memref<1x128xi32, #tpu.memory_space<vmem>> -> memref<128xi32, #tpu.memory_space<vmem>>
          %dma_start3A_175 = arith.constant 0 : i32
          %dma_start3A_176 = tpu.memref_slice %arg2[%add3A_164, %dma_start3A_175] : memref<6250x128xi32, #tpu.memory_space<hbm>> -> memref<1x128xi32, #tpu.memory_space<hbm>>
          %dma_start3A_177 = tpu.memref_squeeze %dma_start3A_176 : memref<1x128xi32, #tpu.memory_space<hbm>> -> memref<128xi32, #tpu.memory_space<hbm>>
          tpu.enqueue_dma source(%dma_start3A_177 : memref<128xi32, #tpu.memory_space<hbm>>) target(%dma_start3A_174 : memref<128xi32, #tpu.memory_space<vmem>>) target_semaphore(%arg8 : memref<!tpu.dma_semaphore, #tpu.memory_space<semaphore_mem>>)
        } else {
        }
        %add3A_145 = arith.addi %add3A_8, %mul3A_114 : i32
        %add3A_146 = arith.constant 1 : i32
        %add3A_147 = arith.addi %add3A_145, %add3A_146 : i32
        %dma_wait3A_148 = arith.constant 1 : i32
        %dma_wait3A_149 = arith.constant 0 : i32
        %dma_wait3A_150 = tpu.memref_slice %arg4[%dma_wait3A_148, %dma_wait3A_149] : memref<2x128xi32, #tpu.memory_space<vmem>> -> memref<1x128xi32, #tpu.memory_space<vmem>>
        %dma_wait3A_151 = tpu.memref_squeeze %dma_wait3A_150 : memref<1x128xi32, #tpu.memory_space<vmem>> -> memref<128xi32, #tpu.memory_space<vmem>>
        %dma_wait3A_152 = arith.constant 0 : i32
        %dma_wait3A_153 = tpu.memref_slice %arg2[%add3A_147, %dma_wait3A_152] : memref<6250x128xi32, #tpu.memory_space<hbm>> -> memref<1x128xi32, #tpu.memory_space<hbm>>
        %dma_wait3A_154 = tpu.memref_squeeze %dma_wait3A_153 : memref<1x128xi32, #tpu.memory_space<hbm>> -> memref<128xi32, #tpu.memory_space<hbm>>
        %dma_wait3A_155 = arith.constant 0 : i32
        %dma_wait3A_156 = tpu.memref_slice %arg4[%dma_wait3A_148, %dma_wait3A_155] : memref<2x128xi32, #tpu.memory_space<vmem>> -> memref<1x128xi32, #tpu.memory_space<vmem>>
        %dma_wait3A_157 = tpu.memref_squeeze %dma_wait3A_156 : memref<1x128xi32, #tpu.memory_space<vmem>> -> memref<128xi32, #tpu.memory_space<vmem>>
        %dma_wait3A_158 = arith.constant 0 : i32
        %dma_wait3A_159 = tpu.memref_slice %arg2[%add3A_147, %dma_wait3A_158] : memref<6250x128xi32, #tpu.memory_space<hbm>> -> memref<1x128xi32, #tpu.memory_space<hbm>>
        %dma_wait3A_160 = tpu.memref_squeeze %dma_wait3A_159 : memref<1x128xi32, #tpu.memory_space<hbm>> -> memref<128xi32, #tpu.memory_space<hbm>>
        tpu.wait_dma2 semaphore(%arg9 : memref<!tpu.dma_semaphore, #tpu.memory_space<semaphore_mem>>) src(%dma_wait3A_160 : memref<128xi32, #tpu.memory_space<hbm>>) dst(%dma_wait3A_157 : memref<128xi32, #tpu.memory_space<vmem>>)
        %run_scoped3A_161 = arith.constant 1 : i32
        "tpu.region"() ({
          %run_scoped3A_162 = tpu.sem_alloc : memref<!tpu.dma_semaphore, #tpu.memory_space<semaphore_mem>>
          %dma_start3A_163 = arith.constant 0 : i32
          %dma_start3A_164 = tpu.memref_slice %arg4[%run_scoped3A_161, %dma_start3A_163] : memref<2x128xi32, #tpu.memory_space<vmem>> -> memref<1x128xi32, #tpu.memory_space<vmem>>
          %dma_start3A_165 = tpu.memref_squeeze %dma_start3A_164 : memref<1x128xi32, #tpu.memory_space<vmem>> -> memref<128xi32, #tpu.memory_space<vmem>>
          %dma_start3A_166 = arith.constant 0 : i32
          %dma_start3A_167 = tpu.memref_slice %arg7[%dma_start3A_166] : memref<51200xf32, #tpu.memory_space<vmem_shared>> -> memref<51200xf32, #tpu.memory_space<vmem_shared>>
          tpu.enqueue_indirect_dma source(%arg5 : memref<128xf32, #tpu.memory_space<vmem>>) target(%dma_start3A_167 : memref<51200xf32, #tpu.memory_space<vmem_shared>>) offsets(%dma_start3A_165 : memref<128xi32, #tpu.memory_space<vmem>>) semaphore(%run_scoped3A_162 : memref<!tpu.dma_semaphore, #tpu.memory_space<semaphore_mem>>) {add = true}
          %dma_wait3A_168 = arith.constant 0 : i32
          %dma_wait3A_169 = tpu.memref_slice %arg4[%run_scoped3A_161, %dma_wait3A_168] : memref<2x128xi32, #tpu.memory_space<vmem>> -> memref<1x128xi32, #tpu.memory_space<vmem>>
          %dma_wait3A_170 = tpu.memref_squeeze %dma_wait3A_169 : memref<1x128xi32, #tpu.memory_space<vmem>> -> memref<128xi32, #tpu.memory_space<vmem>>
          %dma_wait3A_171 = arith.constant 0 : i32
          %dma_wait3A_172 = tpu.memref_slice %arg7[%dma_wait3A_171] : memref<51200xf32, #tpu.memory_space<vmem_shared>> -> memref<51200xf32, #tpu.memory_space<vmem_shared>>
          tpu.wait_indirect_dma semaphore(%run_scoped3A_162 : memref<!tpu.dma_semaphore, #tpu.memory_space<semaphore_mem>>) src(%arg5 : memref<128xf32, #tpu.memory_space<vmem>>) dst(%dma_wait3A_172 : memref<51200xf32, #tpu.memory_space<vmem_shared>>)
          tpu.yield
        }) : () -> ()
      } else {
      }
      %while3A_138 = arith.constant 0 : i32
      scf.yield %while3A_138 : i32
    }
    %while3A_104 = arith.constant 1 : i32
    %while3A_105 = scf.for %while3A_111 = %while3A_101 to %while3A_97 step %while3A_104 iter_args(%while3A_112 = %while3A_103) -> (i32)  : i32 {
      %mul3A_113 = arith.constant 2 : i32
      %mul3A_114 = arith.muli %mul3A_113, %while3A_111 : i32
      %add3A_115 = arith.constant 1 : i32
      %add3A_116 = arith.addi %mul3A_114, %add3A_115 : i32
      %lt3A_117 = arith.cmpi slt, %add3A_116, %add3A_4 : i32
      %convert_element_type3A = arith.extui %lt3A_117 : i1 to i32
      %cond3A = arith.constant 0 : i32
      %cond3A_118 = arith.cmpi ne, %convert_element_type3A, %cond3A : i32
      scf.if %cond3A_118 {
        %add3A_139 = arith.addi %add3A_8, %mul3A_114 : i32
        %add3A_140 = arith.constant 1 : i32
        %add3A_141 = arith.addi %add3A_139, %add3A_140 : i32
        %dma_start3A_142 = arith.constant 1 : i32
        %dma_start3A_143 = arith.constant 0 : i32
        %dma_start3A_144 = tpu.memref_slice %arg4[%dma_start3A_142, %dma_start3A_143] : memref<2x128xi32, #tpu.memory_space<vmem>> -> memref<1x128xi32, #tpu.memory_space<vmem>>
        %dma_start3A_145 = tpu.memref_squeeze %dma_start3A_144 : memref<1x128xi32, #tpu.memory_space<vmem>> -> memref<128xi32, #tpu.memory_space<vmem>>
        %dma_start3A_146 = arith.constant 0 : i32
        %dma_start3A_147 = tpu.memref_slice %arg2[%add3A_141, %dma_start3A_146] : memref<6250x128xi32, #tpu.memory_space<hbm>> -> memref<1x128xi32, #tpu.memory_space<hbm>>
        %dma_start3A_148 = tpu.memref_squeeze %dma_start3A_147 : memref<1x128xi32, #tpu.memory_space<hbm>> -> memref<128xi32, #tpu.memory_space<hbm>>
        %dma_start3A_149 = arith.constant 0 : i32
        %dma_start3A_150 = tpu.memref_slice %arg4[%dma_start3A_142, %dma_start3A_149] : memref<2x128xi32, #tpu.memory_space<vmem>> -> memref<1x128xi32, #tpu.memory_space<vmem>>
        %dma_start3A_151 = tpu.memref_squeeze %dma_start3A_150 : memref<1x128xi32, #tpu.memory_space<vmem>> -> memref<128xi32, #tpu.memory_space<vmem>>
        %dma_start3A_152 = arith.constant 0 : i32
        %dma_start3A_153 = tpu.memref_slice %arg2[%add3A_141, %dma_start3A_152] : memref<6250x128xi32, #tpu.memory_space<hbm>> -> memref<1x128xi32, #tpu.memory_space<hbm>>
        %dma_start3A_154 = tpu.memref_squeeze %dma_start3A_153 : memref<1x128xi32, #tpu.memory_space<hbm>> -> memref<128xi32, #tpu.memory_space<hbm>>
        tpu.enqueue_dma source(%dma_start3A_154 : memref<128xi32, #tpu.memory_space<hbm>>) target(%dma_start3A_151 : memref<128xi32, #tpu.memory_space<vmem>>) target_semaphore(%arg9 : memref<!tpu.dma_semaphore, #tpu.memory_space<semaphore_mem>>)
      } else {
      }
      %add3A_119 = arith.addi %add3A_8, %mul3A_114 : i32
      %dma_wait3A = arith.constant 0 : i32
      %dma_wait3A_120 = arith.constant 0 : i32
      %dma_wait3A_121 = tpu.memref_slice %arg4[%dma_wait3A, %dma_wait3A_120] : memref<2x128xi32, #tpu.memory_space<vmem>> -> memref<1x128xi32, #tpu.memory_space<vmem>>
      %dma_wait3A_122 = tpu.memref_squeeze %dma_wait3A_121 : memref<1x128xi32, #tpu.memory_space<vmem>> -> memref<128xi32, #tpu.memory_space<vmem>>
      %dma_wait3A_123 = arith.constant 0 : i32
      %dma_wait3A_124 = tpu.memref_slice %arg2[%add3A_119, %dma_wait3A_123] : memref<6250x128xi32, #tpu.memory_space<hbm>> -> memref<1x128xi32, #tpu.memory_space<hbm>>
      %dma_wait3A_125 = tpu.memref_squeeze %dma_wait3A_124 : memref<1x128xi32, #tpu.memory_space<hbm>> -> memref<128xi32, #tpu.memory_space<hbm>>
      %dma_wait3A_126 = arith.constant 0 : i32
      %dma_wait3A_127 = tpu.memref_slice %arg4[%dma_wait3A, %dma_wait3A_126] : memref<2x128xi32, #tpu.memory_space<vmem>> -> memref<1x128xi32, #tpu.memory_space<vmem>>
      %dma_wait3A_128 = tpu.memref_squeeze %dma_wait3A_127 : memref<1x128xi32, #tpu.memory_space<vmem>> -> memref<128xi32, #tpu.memory_space<vmem>>
      %dma_wait3A_129 = arith.constant 0 : i32
      %dma_wait3A_130 = tpu.memref_slice %arg2[%add3A_119, %dma_wait3A_129] : memref<6250x128xi32, #tpu.memory_space<hbm>> -> memref<1x128xi32, #tpu.memory_space<hbm>>
      %dma_wait3A_131 = tpu.memref_squeeze %dma_wait3A_130 : memref<1x128xi32, #tpu.memory_space<hbm>> -> memref<128xi32, #tpu.memory_space<hbm>>
      tpu.wait_dma2 semaphore(%arg8 : memref<!tpu.dma_semaphore, #tpu.memory_space<semaphore_mem>>) src(%dma_wait3A_131 : memref<128xi32, #tpu.memory_space<hbm>>) dst(%dma_wait3A_128 : memref<128xi32, #tpu.memory_space<vmem>>)
      %run_scoped3A = arith.constant 0 : i32
      "tpu.region"() ({
        %run_scoped3A_139 = tpu.sem_alloc : memref<!tpu.dma_semaphore, #tpu.memory_space<semaphore_mem>>
        %dma_start3A_140 = arith.constant 0 : i32
        %dma_start3A_141 = tpu.memref_slice %arg4[%run_scoped3A, %dma_start3A_140] : memref<2x128xi32, #tpu.memory_space<vmem>> -> memref<1x128xi32, #tpu.memory_space<vmem>>
        %dma_start3A_142 = tpu.memref_squeeze %dma_start3A_141 : memref<1x128xi32, #tpu.memory_space<vmem>> -> memref<128xi32, #tpu.memory_space<vmem>>
        %dma_start3A_143 = arith.constant 0 : i32
        %dma_start3A_144 = tpu.memref_slice %arg7[%dma_start3A_143] : memref<51200xf32, #tpu.memory_space<vmem_shared>> -> memref<51200xf32, #tpu.memory_space<vmem_shared>>
        tpu.enqueue_indirect_dma source(%arg5 : memref<128xf32, #tpu.memory_space<vmem>>) target(%dma_start3A_144 : memref<51200xf32, #tpu.memory_space<vmem_shared>>) offsets(%dma_start3A_142 : memref<128xi32, #tpu.memory_space<vmem>>) semaphore(%run_scoped3A_139 : memref<!tpu.dma_semaphore, #tpu.memory_space<semaphore_mem>>) {add = true}
        %dma_wait3A_145 = arith.constant 0 : i32
        %dma_wait3A_146 = tpu.memref_slice %arg4[%run_scoped3A, %dma_wait3A_145] : memref<2x128xi32, #tpu.memory_space<vmem>> -> memref<1x128xi32, #tpu.memory_space<vmem>>
        %dma_wait3A_147 = tpu.memref_squeeze %dma_wait3A_146 : memref<1x128xi32, #tpu.memory_space<vmem>> -> memref<128xi32, #tpu.memory_space<vmem>>
        %dma_wait3A_148 = arith.constant 0 : i32
        %dma_wait3A_149 = tpu.memref_slice %arg7[%dma_wait3A_148] : memref<51200xf32, #tpu.memory_space<vmem_shared>> -> memref<51200xf32, #tpu.memory_space<vmem_shared>>
        tpu.wait_indirect_dma semaphore(%run_scoped3A_139 : memref<!tpu.dma_semaphore, #tpu.memory_space<semaphore_mem>>) src(%arg5 : memref<128xf32, #tpu.memory_space<vmem>>) dst(%dma_wait3A_149 : memref<51200xf32, #tpu.memory_space<vmem_shared>>)
        tpu.yield
      }) : () -> ()
      %add3A_132 = arith.constant 1 : i32
      %add3A_133 = arith.addi %mul3A_114, %add3A_132 : i32
      %lt3A_134 = arith.cmpi slt, %add3A_133, %add3A_4 : i32
      %convert_element_type3A_135 = arith.extui %lt3A_134 : i1 to i32
      %cond3A_136 = arith.constant 0 : i32
      %cond3A_137 = arith.cmpi ne, %convert_element_type3A_135, %cond3A_136 : i32
      scf.if %cond3A_137 {
        %add3A_139 = arith.constant 2 : i32
        %add3A_140 = arith.addi %mul3A_114, %add3A_139 : i32
        %lt3A_141 = arith.cmpi slt, %add3A_140, %add3A_4 : i32
        %convert_element_type3A_142 = arith.extui %lt3A_141 : i1 to i32
        %cond3A_143 = arith.constant 0 : i32
        %cond3A_144 = arith.cmpi ne, %convert_element_type3A_142, %cond3A_143 : i32
        scf.if %cond3A_144 {
          %add3A_162 = arith.addi %add3A_8, %mul3A_114 : i32
          %add3A_163 = arith.constant 2 : i32
          %add3A_164 = arith.addi %add3A_162, %add3A_163 : i32
          %dma_start3A_165 = arith.constant 0 : i32
          %dma_start3A_166 = arith.constant 0 : i32
          %dma_start3A_167 = tpu.memref_slice %arg4[%dma_start3A_165, %dma_start3A_166] : memref<2x128xi32, #tpu.memory_space<vmem>> -> memref<1x128xi32, #tpu.memory_space<vmem>>
          %dma_start3A_168 = tpu.memref_squeeze %dma_start3A_167 : memref<1x128xi32, #tpu.memory_space<vmem>> -> memref<128xi32, #tpu.memory_space<vmem>>
          %dma_start3A_169 = arith.constant 0 : i32
          %dma_start3A_170 = tpu.memref_slice %arg2[%add3A_164, %dma_start3A_169] : memref<6250x128xi32, #tpu.memory_space<hbm>> -> memref<1x128xi32, #tpu.memory_space<hbm>>
          %dma_start3A_171 = tpu.memref_squeeze %dma_start3A_170 : memref<1x128xi32, #tpu.memory_space<hbm>> -> memref<128xi32, #tpu.memory_space<hbm>>
          %dma_start3A_172 = arith.constant 0 : i32
          %dma_start3A_173 = tpu.memref_slice %arg4[%dma_start3A_165, %dma_start3A_172] : memref<2x128xi32, #tpu.memory_space<vmem>> -> memref<1x128xi32, #tpu.memory_space<vmem>>
          %dma_start3A_174 = tpu.memref_squeeze %dma_start3A_173 : memref<1x128xi32, #tpu.memory_space<vmem>> -> memref<128xi32, #tpu.memory_space<vmem>>
          %dma_start3A_175 = arith.constant 0 : i32
          %dma_start3A_176 = tpu.memref_slice %arg2[%add3A_164, %dma_start3A_175] : memref<6250x128xi32, #tpu.memory_space<hbm>> -> memref<1x128xi32, #tpu.memory_space<hbm>>
          %dma_start3A_177 = tpu.memref_squeeze %dma_start3A_176 : memref<1x128xi32, #tpu.memory_space<hbm>> -> memref<128xi32, #tpu.memory_space<hbm>>
          tpu.enqueue_dma source(%dma_start3A_177 : memref<128xi32, #tpu.memory_space<hbm>>) target(%dma_start3A_174 : memref<128xi32, #tpu.memory_space<vmem>>) target_semaphore(%arg8 : memref<!tpu.dma_semaphore, #tpu.memory_space<semaphore_mem>>)
        } else {
        }
        %add3A_145 = arith.addi %add3A_8, %mul3A_114 : i32
        %add3A_146 = arith.constant 1 : i32
        %add3A_147 = arith.addi %add3A_145, %add3A_146 : i32
        %dma_wait3A_148 = arith.constant 1 : i32
        %dma_wait3A_149 = arith.constant 0 : i32
        %dma_wait3A_150 = tpu.memref_slice %arg4[%dma_wait3A_148, %dma_wait3A_149] : memref<2x128xi32, #tpu.memory_space<vmem>> -> memref<1x128xi32, #tpu.memory_space<vmem>>
        %dma_wait3A_151 = tpu.memref_squeeze %dma_wait3A_150 : memref<1x128xi32, #tpu.memory_space<vmem>> -> memref<128xi32, #tpu.memory_space<vmem>>
        %dma_wait3A_152 = arith.constant 0 : i32
        %dma_wait3A_153 = tpu.memref_slice %arg2[%add3A_147, %dma_wait3A_152] : memref<6250x128xi32, #tpu.memory_space<hbm>> -> memref<1x128xi32, #tpu.memory_space<hbm>>
        %dma_wait3A_154 = tpu.memref_squeeze %dma_wait3A_153 : memref<1x128xi32, #tpu.memory_space<hbm>> -> memref<128xi32, #tpu.memory_space<hbm>>
        %dma_wait3A_155 = arith.constant 0 : i32
        %dma_wait3A_156 = tpu.memref_slice %arg4[%dma_wait3A_148, %dma_wait3A_155] : memref<2x128xi32, #tpu.memory_space<vmem>> -> memref<1x128xi32, #tpu.memory_space<vmem>>
        %dma_wait3A_157 = tpu.memref_squeeze %dma_wait3A_156 : memref<1x128xi32, #tpu.memory_space<vmem>> -> memref<128xi32, #tpu.memory_space<vmem>>
        %dma_wait3A_158 = arith.constant 0 : i32
        %dma_wait3A_159 = tpu.memref_slice %arg2[%add3A_147, %dma_wait3A_158] : memref<6250x128xi32, #tpu.memory_space<hbm>> -> memref<1x128xi32, #tpu.memory_space<hbm>>
        %dma_wait3A_160 = tpu.memref_squeeze %dma_wait3A_159 : memref<1x128xi32, #tpu.memory_space<hbm>> -> memref<128xi32, #tpu.memory_space<hbm>>
        tpu.wait_dma2 semaphore(%arg9 : memref<!tpu.dma_semaphore, #tpu.memory_space<semaphore_mem>>) src(%dma_wait3A_160 : memref<128xi32, #tpu.memory_space<hbm>>) dst(%dma_wait3A_157 : memref<128xi32, #tpu.memory_space<vmem>>)
        %run_scoped3A_161 = arith.constant 1 : i32
        "tpu.region"() ({
          %run_scoped3A_162 = tpu.sem_alloc : memref<!tpu.dma_semaphore, #tpu.memory_space<semaphore_mem>>
          %dma_start3A_163 = arith.constant 0 : i32
          %dma_start3A_164 = tpu.memref_slice %arg4[%run_scoped3A_161, %dma_start3A_163] : memref<2x128xi32, #tpu.memory_space<vmem>> -> memref<1x128xi32, #tpu.memory_space<vmem>>
          %dma_start3A_165 = tpu.memref_squeeze %dma_start3A_164 : memref<1x128xi32, #tpu.memory_space<vmem>> -> memref<128xi32, #tpu.memory_space<vmem>>
          %dma_start3A_166 = arith.constant 0 : i32
          %dma_start3A_167 = tpu.memref_slice %arg7[%dma_start3A_166] : memref<51200xf32, #tpu.memory_space<vmem_shared>> -> memref<51200xf32, #tpu.memory_space<vmem_shared>>
          tpu.enqueue_indirect_dma source(%arg5 : memref<128xf32, #tpu.memory_space<vmem>>) target(%dma_start3A_167 : memref<51200xf32, #tpu.memory_space<vmem_shared>>) offsets(%dma_start3A_165 : memref<128xi32, #tpu.memory_space<vmem>>) semaphore(%run_scoped3A_162 : memref<!tpu.dma_semaphore, #tpu.memory_space<semaphore_mem>>) {add = true}
          %dma_wait3A_168 = arith.constant 0 : i32
          %dma_wait3A_169 = tpu.memref_slice %arg4[%run_scoped3A_161, %dma_wait3A_168] : memref<2x128xi32, #tpu.memory_space<vmem>> -> memref<1x128xi32, #tpu.memory_space<vmem>>
          %dma_wait3A_170 = tpu.memref_squeeze %dma_wait3A_169 : memref<1x128xi32, #tpu.memory_space<vmem>> -> memref<128xi32, #tpu.memory_space<vmem>>
          %dma_wait3A_171 = arith.constant 0 : i32
          %dma_wait3A_172 = tpu.memref_slice %arg7[%dma_wait3A_171] : memref<51200xf32, #tpu.memory_space<vmem_shared>> -> memref<51200xf32, #tpu.memory_space<vmem_shared>>
          tpu.wait_indirect_dma semaphore(%run_scoped3A_162 : memref<!tpu.dma_semaphore, #tpu.memory_space<semaphore_mem>>) src(%arg5 : memref<128xf32, #tpu.memory_space<vmem>>) dst(%dma_wait3A_172 : memref<51200xf32, #tpu.memory_space<vmem_shared>>)
          tpu.yield
        }) : () -> ()
      } else {
      }
      %while3A_138 = arith.constant 0 : i32
      scf.yield %while3A_138 : i32
    }
    %barrier3A_106 = arith.constant 0 : index
    tpu.barrier barrier_id(%barrier3A_106)
    %mul3A_107 = arith.constant 3200 : i32
    %mul3A_108 = arith.muli %arg1, %mul3A_107 : i32
    %mul3A_109 = arith.constant 3200 : i32
    %mul3A_110 = arith.muli %arg1, %mul3A_109 : i32
    "tpu.region"() ({
      %run_scoped3A = tpu.sem_alloc : memref<!tpu.dma_semaphore, #tpu.memory_space<semaphore_mem>>
      %dma_start3A_111 = tpu.memref_slice %arg3[%arg0, %mul3A_110] : memref<2x51200xf32, #tpu.memory_space<hbm>> -> memref<1x3200xf32, #tpu.memory_space<hbm>>
      %dma_start3A_112 = tpu.memref_squeeze %dma_start3A_111 : memref<1x3200xf32, #tpu.memory_space<hbm>> -> memref<3200xf32, #tpu.memory_space<hbm>>
      %dma_start3A_113 = tpu.memref_slice %arg7[%mul3A_108] : memref<51200xf32, #tpu.memory_space<vmem_shared>> -> memref<3200xf32, #tpu.memory_space<vmem_shared>>
      tpu.enqueue_dma source(%dma_start3A_113 : memref<3200xf32, #tpu.memory_space<vmem_shared>>) target(%dma_start3A_112 : memref<3200xf32, #tpu.memory_space<hbm>>) target_semaphore(%run_scoped3A : memref<!tpu.dma_semaphore, #tpu.memory_space<semaphore_mem>>)
      %dma_wait3A = tpu.memref_slice %arg3[%arg0, %mul3A_110] : memref<2x51200xf32, #tpu.memory_space<hbm>> -> memref<1x3200xf32, #tpu.memory_space<hbm>>
      %dma_wait3A_114 = tpu.memref_squeeze %dma_wait3A : memref<1x3200xf32, #tpu.memory_space<hbm>> -> memref<3200xf32, #tpu.memory_space<hbm>>
      %dma_wait3A_115 = tpu.memref_slice %arg7[%mul3A_108] : memref<51200xf32, #tpu.memory_space<vmem_shared>> -> memref<3200xf32, #tpu.memory_space<vmem_shared>>
      tpu.wait_dma2 semaphore(%run_scoped3A : memref<!tpu.dma_semaphore, #tpu.memory_space<semaphore_mem>>) src(%dma_wait3A_115 : memref<3200xf32, #tpu.memory_space<vmem_shared>>) dst(%dma_wait3A_114 : memref<3200xf32, #tpu.memory_space<hbm>>)
      tpu.yield
    }) : () -> ()
    return
  }
}

#map = affine_map<(d0, d1) -> (0, 0)>
#map1 = affine_map<(d0, d1) -> (0, 0, 0, 0)>
#map2 = affine_map<(d0, d1) -> (0, 0, 0)>
module attributes {stable_mosaic.version = 14 : i64} {
  func.func @_sc_agg(%arg0: i32, %arg1: i32, %arg2: memref<102400x32xf32, #tpu.memory_space<hbm>>, %arg3: memref<2x16x400x128xi32, #tpu.memory_space<hbm>>, %arg4: memref<16x400x128xi32, #tpu.memory_space<hbm>>, %arg5: memref<2x51200x32xf32, #tpu.memory_space<hbm>>, %arg6: memref<2x16x128xi32, #tpu.memory_space<vmem>>, %arg7: memref<2x16x128xi32, #tpu.memory_space<vmem>>, %arg8: memref<128x32xf32, #tpu.memory_space<vmem>>, %arg9: memref<128x32xf32, #tpu.memory_space<vmem>>, %arg10: memref<128x32xf32, #tpu.memory_space<vmem>>, %arg11: memref<128x32xf32, #tpu.memory_space<vmem>>, %arg12: memref<50048x32xf32, #tpu.memory_space<vmem_shared>>, %arg13: memref<!tpu.dma_semaphore, #tpu.memory_space<semaphore_mem>>, %arg14: memref<!tpu.dma_semaphore, #tpu.memory_space<semaphore_mem>>, %arg15: memref<!tpu.dma_semaphore, #tpu.memory_space<semaphore_mem>>, %arg16: memref<!tpu.dma_semaphore, #tpu.memory_space<semaphore_mem>>, %arg17: memref<!tpu.dma_semaphore, #tpu.memory_space<semaphore_mem>>, %arg18: memref<!tpu.dma_semaphore, #tpu.memory_space<semaphore_mem>>, %arg19: memref<!tpu.dma_semaphore, #tpu.memory_space<semaphore_mem>>, %arg20: memref<!tpu.dma_semaphore, #tpu.memory_space<semaphore_mem>>, %arg21: memref<!tpu.dma_semaphore, #tpu.memory_space<semaphore_mem>>, %arg22: memref<!tpu.dma_semaphore, #tpu.memory_space<semaphore_mem>>, %arg23: memref<!tpu.dma_semaphore, #tpu.memory_space<semaphore_mem>>) attributes {dimension_semantics = [#tpu.dimension_semantics<core_parallel>, #tpu.dimension_semantics<subcore_parallel>], iteration_bounds = array<i64: 2, 16>, scalar_prefetch = 0 : i64, scratch_operands = 18 : i64, tpu.core_type = #tpu.core_type<sc_vector_subcore>, window_params = [{transform_indices = #map}, {transform_indices = #map1}, {transform_indices = #map2}, {transform_indices = #map2}]} {
    %lt3A = arith.constant 15 : i32
    %lt3A_0 = arith.cmpi slt, %arg1, %lt3A : i32
    %convert_element_type3A = arith.extui %lt3A_0 : i1 to i32
    %cond3A = arith.constant 0 : i32
    %cond3A_1 = arith.cmpi ne, %convert_element_type3A, %cond3A : i32
    scf.if %cond3A_1 {
      %mul3A = arith.constant 3128 : i32
      %mul3A_89 = arith.muli %arg1, %mul3A : i32
      %mul3A_90 = arith.constant 51200 : i32
      %mul3A_91 = arith.muli %arg0, %mul3A_90 : i32
      %add3A = arith.addi %mul3A_91, %mul3A_89 : i32
      %dma_start3A_92 = arith.constant 0 : i32
      %dma_start3A_93 = tpu.memref_slice %arg12[%mul3A_89, %dma_start3A_92] : memref<50048x32xf32, #tpu.memory_space<vmem_shared>> -> memref<3128x32xf32, #tpu.memory_space<vmem_shared>>
      %dma_start3A_94 = arith.constant 0 : i32
      %dma_start3A_95 = tpu.memref_slice %arg2[%add3A, %dma_start3A_94] : memref<102400x32xf32, #tpu.memory_space<hbm>> -> memref<3128x32xf32, #tpu.memory_space<hbm>>
      tpu.enqueue_dma source(%dma_start3A_95 : memref<3128x32xf32, #tpu.memory_space<hbm>>) target(%dma_start3A_93 : memref<3128x32xf32, #tpu.memory_space<vmem_shared>>) target_semaphore(%arg23 : memref<!tpu.dma_semaphore, #tpu.memory_space<semaphore_mem>>)
      %dma_wait3A_96 = arith.constant 0 : i32
      %dma_wait3A_97 = tpu.memref_slice %arg12[%mul3A_89, %dma_wait3A_96] : memref<50048x32xf32, #tpu.memory_space<vmem_shared>> -> memref<3128x32xf32, #tpu.memory_space<vmem_shared>>
      %dma_wait3A_98 = arith.constant 0 : i32
      %dma_wait3A_99 = tpu.memref_slice %arg2[%add3A, %dma_wait3A_98] : memref<102400x32xf32, #tpu.memory_space<hbm>> -> memref<3128x32xf32, #tpu.memory_space<hbm>>
      tpu.wait_dma2 semaphore(%arg23 : memref<!tpu.dma_semaphore, #tpu.memory_space<semaphore_mem>>) src(%dma_wait3A_99 : memref<3128x32xf32, #tpu.memory_space<hbm>>) dst(%dma_wait3A_97 : memref<3128x32xf32, #tpu.memory_space<vmem_shared>>)
    } else {
    }
    %eq3A = arith.constant 15 : i32
    %eq3A_2 = arith.cmpi eq, %arg1, %eq3A : i32
    %convert_element_type3A_3 = arith.extui %eq3A_2 : i1 to i32
    %cond3A_4 = arith.constant 0 : i32
    %cond3A_5 = arith.cmpi ne, %convert_element_type3A_3, %cond3A_4 : i32
    scf.if %cond3A_5 {
      %mul3A = arith.constant 51200 : i32
      %mul3A_89 = arith.muli %arg0, %mul3A : i32
      %add3A = arith.constant 46920 : i32
      %add3A_90 = arith.addi %mul3A_89, %add3A : i32
      %dma_start3A_91 = arith.constant 46920 : i32
      %dma_start3A_92 = arith.constant 0 : i32
      %dma_start3A_93 = tpu.memref_slice %arg12[%dma_start3A_91, %dma_start3A_92] : memref<50048x32xf32, #tpu.memory_space<vmem_shared>> -> memref<3080x32xf32, #tpu.memory_space<vmem_shared>>
      %dma_start3A_94 = arith.constant 0 : i32
      %dma_start3A_95 = tpu.memref_slice %arg2[%add3A_90, %dma_start3A_94] : memref<102400x32xf32, #tpu.memory_space<hbm>> -> memref<3080x32xf32, #tpu.memory_space<hbm>>
      tpu.enqueue_dma source(%dma_start3A_95 : memref<3080x32xf32, #tpu.memory_space<hbm>>) target(%dma_start3A_93 : memref<3080x32xf32, #tpu.memory_space<vmem_shared>>) target_semaphore(%arg23 : memref<!tpu.dma_semaphore, #tpu.memory_space<semaphore_mem>>)
      %dma_wait3A_96 = arith.constant 46920 : i32
      %dma_wait3A_97 = arith.constant 0 : i32
      %dma_wait3A_98 = tpu.memref_slice %arg12[%dma_wait3A_96, %dma_wait3A_97] : memref<50048x32xf32, #tpu.memory_space<vmem_shared>> -> memref<3080x32xf32, #tpu.memory_space<vmem_shared>>
      %dma_wait3A_99 = arith.constant 0 : i32
      %dma_wait3A_100 = tpu.memref_slice %arg2[%add3A_90, %dma_wait3A_99] : memref<102400x32xf32, #tpu.memory_space<hbm>> -> memref<3080x32xf32, #tpu.memory_space<hbm>>
      tpu.wait_dma2 semaphore(%arg23 : memref<!tpu.dma_semaphore, #tpu.memory_space<semaphore_mem>>) src(%dma_wait3A_100 : memref<3080x32xf32, #tpu.memory_space<hbm>>) dst(%dma_wait3A_98 : memref<3080x32xf32, #tpu.memory_space<vmem_shared>>)
    } else {
    }
    %barrier3A = arith.constant 0 : index
    tpu.barrier barrier_id(%barrier3A)
    %dma_start3A = arith.constant 0 : i32
    %dma_start3A_6 = arith.constant 0 : i32
    %dma_start3A_7 = arith.constant 0 : i32
    %dma_start3A_8 = tpu.memref_slice %arg6[%dma_start3A, %dma_start3A_6, %dma_start3A_7] : memref<2x16x128xi32, #tpu.memory_space<vmem>> -> memref<1x16x128xi32, #tpu.memory_space<vmem>>
    %dma_start3A_9 = tpu.memref_squeeze %dma_start3A_8 : memref<1x16x128xi32, #tpu.memory_space<vmem>> -> memref<16x128xi32, #tpu.memory_space<vmem>>
    %dma_start3A_10 = arith.constant 0 : i32
    %dma_start3A_11 = arith.constant 0 : i32
    %dma_start3A_12 = tpu.memref_slice %arg3[%arg0, %arg1, %dma_start3A_10, %dma_start3A_11] : memref<2x16x400x128xi32, #tpu.memory_space<hbm>> -> memref<1x1x16x128xi32, #tpu.memory_space<hbm>>
    %dma_start3A_13 = tpu.memref_squeeze %dma_start3A_12 : memref<1x1x16x128xi32, #tpu.memory_space<hbm>> -> memref<16x128xi32, #tpu.memory_space<hbm>>
    %dma_start3A_14 = arith.constant 0 : i32
    %dma_start3A_15 = arith.constant 0 : i32
    %dma_start3A_16 = tpu.memref_slice %arg6[%dma_start3A, %dma_start3A_14, %dma_start3A_15] : memref<2x16x128xi32, #tpu.memory_space<vmem>> -> memref<1x16x128xi32, #tpu.memory_space<vmem>>
    %dma_start3A_17 = tpu.memref_squeeze %dma_start3A_16 : memref<1x16x128xi32, #tpu.memory_space<vmem>> -> memref<16x128xi32, #tpu.memory_space<vmem>>
    %dma_start3A_18 = arith.constant 0 : i32
    %dma_start3A_19 = arith.constant 0 : i32
    %dma_start3A_20 = tpu.memref_slice %arg3[%arg0, %arg1, %dma_start3A_18, %dma_start3A_19] : memref<2x16x400x128xi32, #tpu.memory_space<hbm>> -> memref<1x1x16x128xi32, #tpu.memory_space<hbm>>
    %dma_start3A_21 = tpu.memref_squeeze %dma_start3A_20 : memref<1x1x16x128xi32, #tpu.memory_space<hbm>> -> memref<16x128xi32, #tpu.memory_space<hbm>>
    tpu.enqueue_dma source(%dma_start3A_21 : memref<16x128xi32, #tpu.memory_space<hbm>>) target(%dma_start3A_17 : memref<16x128xi32, #tpu.memory_space<vmem>>) target_semaphore(%arg21 : memref<!tpu.dma_semaphore, #tpu.memory_space<semaphore_mem>>)
    %dma_wait3A = arith.constant 0 : i32
    %dma_wait3A_22 = arith.constant 0 : i32
    %dma_wait3A_23 = arith.constant 0 : i32
    %dma_wait3A_24 = tpu.memref_slice %arg6[%dma_wait3A, %dma_wait3A_22, %dma_wait3A_23] : memref<2x16x128xi32, #tpu.memory_space<vmem>> -> memref<1x16x128xi32, #tpu.memory_space<vmem>>
    %dma_wait3A_25 = tpu.memref_squeeze %dma_wait3A_24 : memref<1x16x128xi32, #tpu.memory_space<vmem>> -> memref<16x128xi32, #tpu.memory_space<vmem>>
    %dma_wait3A_26 = arith.constant 0 : i32
    %dma_wait3A_27 = arith.constant 0 : i32
    %dma_wait3A_28 = tpu.memref_slice %arg3[%arg0, %arg1, %dma_wait3A_26, %dma_wait3A_27] : memref<2x16x400x128xi32, #tpu.memory_space<hbm>> -> memref<1x1x16x128xi32, #tpu.memory_space<hbm>>
    %dma_wait3A_29 = tpu.memref_squeeze %dma_wait3A_28 : memref<1x1x16x128xi32, #tpu.memory_space<hbm>> -> memref<16x128xi32, #tpu.memory_space<hbm>>
    %dma_wait3A_30 = arith.constant 0 : i32
    %dma_wait3A_31 = arith.constant 0 : i32
    %dma_wait3A_32 = tpu.memref_slice %arg6[%dma_wait3A, %dma_wait3A_30, %dma_wait3A_31] : memref<2x16x128xi32, #tpu.memory_space<vmem>> -> memref<1x16x128xi32, #tpu.memory_space<vmem>>
    %dma_wait3A_33 = tpu.memref_squeeze %dma_wait3A_32 : memref<1x16x128xi32, #tpu.memory_space<vmem>> -> memref<16x128xi32, #tpu.memory_space<vmem>>
    %dma_wait3A_34 = arith.constant 0 : i32
    %dma_wait3A_35 = arith.constant 0 : i32
    %dma_wait3A_36 = tpu.memref_slice %arg3[%arg0, %arg1, %dma_wait3A_34, %dma_wait3A_35] : memref<2x16x400x128xi32, #tpu.memory_space<hbm>> -> memref<1x1x16x128xi32, #tpu.memory_space<hbm>>
    %dma_wait3A_37 = tpu.memref_squeeze %dma_wait3A_36 : memref<1x1x16x128xi32, #tpu.memory_space<hbm>> -> memref<16x128xi32, #tpu.memory_space<hbm>>
    tpu.wait_dma2 semaphore(%arg21 : memref<!tpu.dma_semaphore, #tpu.memory_space<semaphore_mem>>) src(%dma_wait3A_37 : memref<16x128xi32, #tpu.memory_space<hbm>>) dst(%dma_wait3A_33 : memref<16x128xi32, #tpu.memory_space<vmem>>)
    %dma_start3A_38 = arith.constant 0 : i32
    %dma_start3A_39 = arith.constant 0 : i32
    %dma_start3A_40 = arith.constant 0 : i32
    %dma_start3A_41 = tpu.memref_slice %arg7[%dma_start3A_38, %dma_start3A_39, %dma_start3A_40] : memref<2x16x128xi32, #tpu.memory_space<vmem>> -> memref<1x16x128xi32, #tpu.memory_space<vmem>>
    %dma_start3A_42 = tpu.memref_squeeze %dma_start3A_41 : memref<1x16x128xi32, #tpu.memory_space<vmem>> -> memref<16x128xi32, #tpu.memory_space<vmem>>
    %dma_start3A_43 = arith.constant 0 : i32
    %dma_start3A_44 = arith.constant 0 : i32
    %dma_start3A_45 = tpu.memref_slice %arg4[%arg1, %dma_start3A_43, %dma_start3A_44] : memref<16x400x128xi32, #tpu.memory_space<hbm>> -> memref<1x16x128xi32, #tpu.memory_space<hbm>>
    %dma_start3A_46 = tpu.memref_squeeze %dma_start3A_45 : memref<1x16x128xi32, #tpu.memory_space<hbm>> -> memref<16x128xi32, #tpu.memory_space<hbm>>
    %dma_start3A_47 = arith.constant 0 : i32
    %dma_start3A_48 = arith.constant 0 : i32
    %dma_start3A_49 = tpu.memref_slice %arg7[%dma_start3A_38, %dma_start3A_47, %dma_start3A_48] : memref<2x16x128xi32, #tpu.memory_space<vmem>> -> memref<1x16x128xi32, #tpu.memory_space<vmem>>
    %dma_start3A_50 = tpu.memref_squeeze %dma_start3A_49 : memref<1x16x128xi32, #tpu.memory_space<vmem>> -> memref<16x128xi32, #tpu.memory_space<vmem>>
    %dma_start3A_51 = arith.constant 0 : i32
    %dma_start3A_52 = arith.constant 0 : i32
    %dma_start3A_53 = tpu.memref_slice %arg4[%arg1, %dma_start3A_51, %dma_start3A_52] : memref<16x400x128xi32, #tpu.memory_space<hbm>> -> memref<1x16x128xi32, #tpu.memory_space<hbm>>
    %dma_start3A_54 = tpu.memref_squeeze %dma_start3A_53 : memref<1x16x128xi32, #tpu.memory_space<hbm>> -> memref<16x128xi32, #tpu.memory_space<hbm>>
    tpu.enqueue_dma source(%dma_start3A_54 : memref<16x128xi32, #tpu.memory_space<hbm>>) target(%dma_start3A_50 : memref<16x128xi32, #tpu.memory_space<vmem>>) target_semaphore(%arg22 : memref<!tpu.dma_semaphore, #tpu.memory_space<semaphore_mem>>)
    %dma_wait3A_55 = arith.constant 0 : i32
    %dma_wait3A_56 = arith.constant 0 : i32
    %dma_wait3A_57 = arith.constant 0 : i32
    %dma_wait3A_58 = tpu.memref_slice %arg7[%dma_wait3A_55, %dma_wait3A_56, %dma_wait3A_57] : memref<2x16x128xi32, #tpu.memory_space<vmem>> -> memref<1x16x128xi32, #tpu.memory_space<vmem>>
    %dma_wait3A_59 = tpu.memref_squeeze %dma_wait3A_58 : memref<1x16x128xi32, #tpu.memory_space<vmem>> -> memref<16x128xi32, #tpu.memory_space<vmem>>
    %dma_wait3A_60 = arith.constant 0 : i32
    %dma_wait3A_61 = arith.constant 0 : i32
    %dma_wait3A_62 = tpu.memref_slice %arg4[%arg1, %dma_wait3A_60, %dma_wait3A_61] : memref<16x400x128xi32, #tpu.memory_space<hbm>> -> memref<1x16x128xi32, #tpu.memory_space<hbm>>
    %dma_wait3A_63 = tpu.memref_squeeze %dma_wait3A_62 : memref<1x16x128xi32, #tpu.memory_space<hbm>> -> memref<16x128xi32, #tpu.memory_space<hbm>>
    %dma_wait3A_64 = arith.constant 0 : i32
    %dma_wait3A_65 = arith.constant 0 : i32
    %dma_wait3A_66 = tpu.memref_slice %arg7[%dma_wait3A_55, %dma_wait3A_64, %dma_wait3A_65] : memref<2x16x128xi32, #tpu.memory_space<vmem>> -> memref<1x16x128xi32, #tpu.memory_space<vmem>>
    %dma_wait3A_67 = tpu.memref_squeeze %dma_wait3A_66 : memref<1x16x128xi32, #tpu.memory_space<vmem>> -> memref<16x128xi32, #tpu.memory_space<vmem>>
    %dma_wait3A_68 = arith.constant 0 : i32
    %dma_wait3A_69 = arith.constant 0 : i32
    %dma_wait3A_70 = tpu.memref_slice %arg4[%arg1, %dma_wait3A_68, %dma_wait3A_69] : memref<16x400x128xi32, #tpu.memory_space<hbm>> -> memref<1x16x128xi32, #tpu.memory_space<hbm>>
    %dma_wait3A_71 = tpu.memref_squeeze %dma_wait3A_70 : memref<1x16x128xi32, #tpu.memory_space<hbm>> -> memref<16x128xi32, #tpu.memory_space<hbm>>
    tpu.wait_dma2 semaphore(%arg22 : memref<!tpu.dma_semaphore, #tpu.memory_space<semaphore_mem>>) src(%dma_wait3A_71 : memref<16x128xi32, #tpu.memory_space<hbm>>) dst(%dma_wait3A_67 : memref<16x128xi32, #tpu.memory_space<vmem>>)
    %scan3A = arith.constant 0 : i32
    %scan3A_72 = arith.constant 0 : i32
    %scan3A_73 = arith.constant 25 : i32
    %scan3A_74 = arith.addi %scan3A_72, %scan3A_73 : i32
    %scan3A_75 = arith.constant 1 : i32
    %scan3A_76 = scf.for %scan3A_89 = %scan3A_72 to %scan3A_74 step %scan3A_75 iter_args(%scan3A_90 = %scan3A) -> (i32)  : i32 {
      %rem3A = arith.constant 2 : i32
      %rem3A_91 = arith.remsi %scan3A_89, %rem3A : i32
      %gt3A = arith.constant 0 : i32
      %gt3A_92 = arith.cmpi sgt, %scan3A_89, %gt3A : i32
      %convert_element_type3A_93 = arith.extui %gt3A_92 : i1 to i32
      %cond3A_94 = arith.constant 0 : i32
      %cond3A_95 = arith.cmpi ne, %convert_element_type3A_93, %cond3A_94 : i32
      scf.if %cond3A_95 {
        %mul3A = arith.constant 16 : i32
        %mul3A_550 = arith.muli %scan3A_89, %mul3A : i32
        %dma_wait3A_551 = arith.constant 0 : i32
        %dma_wait3A_552 = arith.constant 0 : i32
        %dma_wait3A_553 = tpu.memref_slice %arg6[%rem3A_91, %dma_wait3A_551, %dma_wait3A_552] : memref<2x16x128xi32, #tpu.memory_space<vmem>> -> memref<1x16x128xi32, #tpu.memory_space<vmem>>
        %dma_wait3A_554 = tpu.memref_squeeze %dma_wait3A_553 : memref<1x16x128xi32, #tpu.memory_space<vmem>> -> memref<16x128xi32, #tpu.memory_space<vmem>>
        %dma_wait3A_555 = arith.constant 0 : i32
        %dma_wait3A_556 = tpu.memref_slice %arg3[%arg0, %arg1, %mul3A_550, %dma_wait3A_555] : memref<2x16x400x128xi32, #tpu.memory_space<hbm>> -> memref<1x1x16x128xi32, #tpu.memory_space<hbm>>
        %dma_wait3A_557 = tpu.memref_squeeze %dma_wait3A_556 : memref<1x1x16x128xi32, #tpu.memory_space<hbm>> -> memref<16x128xi32, #tpu.memory_space<hbm>>
        %dma_wait3A_558 = arith.constant 0 : i32
        %dma_wait3A_559 = arith.constant 0 : i32
        %dma_wait3A_560 = tpu.memref_slice %arg6[%rem3A_91, %dma_wait3A_558, %dma_wait3A_559] : memref<2x16x128xi32, #tpu.memory_space<vmem>> -> memref<1x16x128xi32, #tpu.memory_space<vmem>>
        %dma_wait3A_561 = tpu.memref_squeeze %dma_wait3A_560 : memref<1x16x128xi32, #tpu.memory_space<vmem>> -> memref<16x128xi32, #tpu.memory_space<vmem>>
        %dma_wait3A_562 = arith.constant 0 : i32
        %dma_wait3A_563 = tpu.memref_slice %arg3[%arg0, %arg1, %mul3A_550, %dma_wait3A_562] : memref<2x16x400x128xi32, #tpu.memory_space<hbm>> -> memref<1x1x16x128xi32, #tpu.memory_space<hbm>>
        %dma_wait3A_564 = tpu.memref_squeeze %dma_wait3A_563 : memref<1x1x16x128xi32, #tpu.memory_space<hbm>> -> memref<16x128xi32, #tpu.memory_space<hbm>>
        tpu.wait_dma2 semaphore(%arg21 : memref<!tpu.dma_semaphore, #tpu.memory_space<semaphore_mem>>) src(%dma_wait3A_564 : memref<16x128xi32, #tpu.memory_space<hbm>>) dst(%dma_wait3A_561 : memref<16x128xi32, #tpu.memory_space<vmem>>)
        %mul3A_565 = arith.constant 16 : i32
        %mul3A_566 = arith.muli %scan3A_89, %mul3A_565 : i32
        %dma_wait3A_567 = arith.constant 0 : i32
        %dma_wait3A_568 = arith.constant 0 : i32
        %dma_wait3A_569 = tpu.memref_slice %arg7[%rem3A_91, %dma_wait3A_567, %dma_wait3A_568] : memref<2x16x128xi32, #tpu.memory_space<vmem>> -> memref<1x16x128xi32, #tpu.memory_space<vmem>>
        %dma_wait3A_570 = tpu.memref_squeeze %dma_wait3A_569 : memref<1x16x128xi32, #tpu.memory_space<vmem>> -> memref<16x128xi32, #tpu.memory_space<vmem>>
        %dma_wait3A_571 = arith.constant 0 : i32
        %dma_wait3A_572 = tpu.memref_slice %arg4[%arg1, %mul3A_566, %dma_wait3A_571] : memref<16x400x128xi32, #tpu.memory_space<hbm>> -> memref<1x16x128xi32, #tpu.memory_space<hbm>>
        %dma_wait3A_573 = tpu.memref_squeeze %dma_wait3A_572 : memref<1x16x128xi32, #tpu.memory_space<hbm>> -> memref<16x128xi32, #tpu.memory_space<hbm>>
        %dma_wait3A_574 = arith.constant 0 : i32
        %dma_wait3A_575 = arith.constant 0 : i32
        %dma_wait3A_576 = tpu.memref_slice %arg7[%rem3A_91, %dma_wait3A_574, %dma_wait3A_575] : memref<2x16x128xi32, #tpu.memory_space<vmem>> -> memref<1x16x128xi32, #tpu.memory_space<vmem>>
        %dma_wait3A_577 = tpu.memref_squeeze %dma_wait3A_576 : memref<1x16x128xi32, #tpu.memory_space<vmem>> -> memref<16x128xi32, #tpu.memory_space<vmem>>
        %dma_wait3A_578 = arith.constant 0 : i32
        %dma_wait3A_579 = tpu.memref_slice %arg4[%arg1, %mul3A_566, %dma_wait3A_578] : memref<16x400x128xi32, #tpu.memory_space<hbm>> -> memref<1x16x128xi32, #tpu.memory_space<hbm>>
        %dma_wait3A_580 = tpu.memref_squeeze %dma_wait3A_579 : memref<1x16x128xi32, #tpu.memory_space<hbm>> -> memref<16x128xi32, #tpu.memory_space<hbm>>
        tpu.wait_dma2 semaphore(%arg22 : memref<!tpu.dma_semaphore, #tpu.memory_space<semaphore_mem>>) src(%dma_wait3A_580 : memref<16x128xi32, #tpu.memory_space<hbm>>) dst(%dma_wait3A_577 : memref<16x128xi32, #tpu.memory_space<vmem>>)
      } else {
      }
      %lt3A_96 = arith.constant 24 : i32
      %lt3A_97 = arith.cmpi slt, %scan3A_89, %lt3A_96 : i32
      %convert_element_type3A_98 = arith.extui %lt3A_97 : i1 to i32
      %cond3A_99 = arith.constant 0 : i32
      %cond3A_100 = arith.cmpi ne, %convert_element_type3A_98, %cond3A_99 : i32
      scf.if %cond3A_100 {
        %add3A = arith.constant 1 : i32
        %add3A_550 = arith.addi %scan3A_89, %add3A : i32
        %mul3A = arith.constant 16 : i32
        %mul3A_551 = arith.muli %add3A_550, %mul3A : i32
        %sub3A = arith.constant 1 : i32
        %sub3A_552 = arith.subi %sub3A, %rem3A_91 : i32
        %dma_start3A_553 = arith.constant 0 : i32
        %dma_start3A_554 = arith.constant 0 : i32
        %dma_start3A_555 = tpu.memref_slice %arg6[%sub3A_552, %dma_start3A_553, %dma_start3A_554] : memref<2x16x128xi32, #tpu.memory_space<vmem>> -> memref<1x16x128xi32, #tpu.memory_space<vmem>>
        %dma_start3A_556 = tpu.memref_squeeze %dma_start3A_555 : memref<1x16x128xi32, #tpu.memory_space<vmem>> -> memref<16x128xi32, #tpu.memory_space<vmem>>
        %dma_start3A_557 = arith.constant 0 : i32
        %dma_start3A_558 = tpu.memref_slice %arg3[%arg0, %arg1, %mul3A_551, %dma_start3A_557] : memref<2x16x400x128xi32, #tpu.memory_space<hbm>> -> memref<1x1x16x128xi32, #tpu.memory_space<hbm>>
        %dma_start3A_559 = tpu.memref_squeeze %dma_start3A_558 : memref<1x1x16x128xi32, #tpu.memory_space<hbm>> -> memref<16x128xi32, #tpu.memory_space<hbm>>
        %dma_start3A_560 = arith.constant 0 : i32
        %dma_start3A_561 = arith.constant 0 : i32
        %dma_start3A_562 = tpu.memref_slice %arg6[%sub3A_552, %dma_start3A_560, %dma_start3A_561] : memref<2x16x128xi32, #tpu.memory_space<vmem>> -> memref<1x16x128xi32, #tpu.memory_space<vmem>>
        %dma_start3A_563 = tpu.memref_squeeze %dma_start3A_562 : memref<1x16x128xi32, #tpu.memory_space<vmem>> -> memref<16x128xi32, #tpu.memory_space<vmem>>
        %dma_start3A_564 = arith.constant 0 : i32
        %dma_start3A_565 = tpu.memref_slice %arg3[%arg0, %arg1, %mul3A_551, %dma_start3A_564] : memref<2x16x400x128xi32, #tpu.memory_space<hbm>> -> memref<1x1x16x128xi32, #tpu.memory_space<hbm>>
        %dma_start3A_566 = tpu.memref_squeeze %dma_start3A_565 : memref<1x1x16x128xi32, #tpu.memory_space<hbm>> -> memref<16x128xi32, #tpu.memory_space<hbm>>
        tpu.enqueue_dma source(%dma_start3A_566 : memref<16x128xi32, #tpu.memory_space<hbm>>) target(%dma_start3A_563 : memref<16x128xi32, #tpu.memory_space<vmem>>) target_semaphore(%arg21 : memref<!tpu.dma_semaphore, #tpu.memory_space<semaphore_mem>>)
        %add3A_567 = arith.constant 1 : i32
        %add3A_568 = arith.addi %scan3A_89, %add3A_567 : i32
        %mul3A_569 = arith.constant 16 : i32
        %mul3A_570 = arith.muli %add3A_568, %mul3A_569 : i32
        %sub3A_571 = arith.constant 1 : i32
        %sub3A_572 = arith.subi %sub3A_571, %rem3A_91 : i32
        %dma_start3A_573 = arith.constant 0 : i32
        %dma_start3A_574 = arith.constant 0 : i32
        %dma_start3A_575 = tpu.memref_slice %arg7[%sub3A_572, %dma_start3A_573, %dma_start3A_574] : memref<2x16x128xi32, #tpu.memory_space<vmem>> -> memref<1x16x128xi32, #tpu.memory_space<vmem>>
        %dma_start3A_576 = tpu.memref_squeeze %dma_start3A_575 : memref<1x16x128xi32, #tpu.memory_space<vmem>> -> memref<16x128xi32, #tpu.memory_space<vmem>>
        %dma_start3A_577 = arith.constant 0 : i32
        %dma_start3A_578 = tpu.memref_slice %arg4[%arg1, %mul3A_570, %dma_start3A_577] : memref<16x400x128xi32, #tpu.memory_space<hbm>> -> memref<1x16x128xi32, #tpu.memory_space<hbm>>
        %dma_start3A_579 = tpu.memref_squeeze %dma_start3A_578 : memref<1x16x128xi32, #tpu.memory_space<hbm>> -> memref<16x128xi32, #tpu.memory_space<hbm>>
        %dma_start3A_580 = arith.constant 0 : i32
        %dma_start3A_581 = arith.constant 0 : i32
        %dma_start3A_582 = tpu.memref_slice %arg7[%sub3A_572, %dma_start3A_580, %dma_start3A_581] : memref<2x16x128xi32, #tpu.memory_space<vmem>> -> memref<1x16x128xi32, #tpu.memory_space<vmem>>
        %dma_start3A_583 = tpu.memref_squeeze %dma_start3A_582 : memref<1x16x128xi32, #tpu.memory_space<vmem>> -> memref<16x128xi32, #tpu.memory_space<vmem>>
        %dma_start3A_584 = arith.constant 0 : i32
        %dma_start3A_585 = tpu.memref_slice %arg4[%arg1, %mul3A_570, %dma_start3A_584] : memref<16x400x128xi32, #tpu.memory_space<hbm>> -> memref<1x16x128xi32, #tpu.memory_space<hbm>>
        %dma_start3A_586 = tpu.memref_squeeze %dma_start3A_585 : memref<1x16x128xi32, #tpu.memory_space<hbm>> -> memref<16x128xi32, #tpu.memory_space<hbm>>
        tpu.enqueue_dma source(%dma_start3A_586 : memref<16x128xi32, #tpu.memory_space<hbm>>) target(%dma_start3A_583 : memref<16x128xi32, #tpu.memory_space<vmem>>) target_semaphore(%arg22 : memref<!tpu.dma_semaphore, #tpu.memory_space<semaphore_mem>>)
      } else {
      }
      %dma_start3A_101 = arith.constant 0 : i32
      %dma_start3A_102 = arith.constant 0 : i32
      %dma_start3A_103 = tpu.memref_slice %arg6[%rem3A_91, %dma_start3A_101, %dma_start3A_102] : memref<2x16x128xi32, #tpu.memory_space<vmem>> -> memref<1x1x128xi32, #tpu.memory_space<vmem>>
      %dma_start3A_104 = tpu.memref_squeeze %dma_start3A_103 : memref<1x1x128xi32, #tpu.memory_space<vmem>> -> memref<128xi32, #tpu.memory_space<vmem>>
      %dma_start3A_105 = arith.constant 0 : i32
      %dma_start3A_106 = arith.constant 0 : i32
      %dma_start3A_107 = tpu.memref_slice %arg2[%dma_start3A_105, %dma_start3A_106] : memref<102400x32xf32, #tpu.memory_space<hbm>> -> memref<102400x32xf32, #tpu.memory_space<hbm>>
      tpu.enqueue_indirect_dma source(%dma_start3A_107 : memref<102400x32xf32, #tpu.memory_space<hbm>>) target(%arg8 : memref<128x32xf32, #tpu.memory_space<vmem>>) offsets(%dma_start3A_104 : memref<128xi32, #tpu.memory_space<vmem>>) semaphore(%arg13 : memref<!tpu.dma_semaphore, #tpu.memory_space<semaphore_mem>>)
      %dma_start3A_108 = arith.constant 1 : i32
      %dma_start3A_109 = arith.constant 0 : i32
      %dma_start3A_110 = tpu.memref_slice %arg6[%rem3A_91, %dma_start3A_108, %dma_start3A_109] : memref<2x16x128xi32, #tpu.memory_space<vmem>> -> memref<1x1x128xi32, #tpu.memory_space<vmem>>
      %dma_start3A_111 = tpu.memref_squeeze %dma_start3A_110 : memref<1x1x128xi32, #tpu.memory_space<vmem>> -> memref<128xi32, #tpu.memory_space<vmem>>
      %dma_start3A_112 = arith.constant 0 : i32
      %dma_start3A_113 = arith.constant 0 : i32
      %dma_start3A_114 = tpu.memref_slice %arg2[%dma_start3A_112, %dma_start3A_113] : memref<102400x32xf32, #tpu.memory_space<hbm>> -> memref<102400x32xf32, #tpu.memory_space<hbm>>
      tpu.enqueue_indirect_dma source(%dma_start3A_114 : memref<102400x32xf32, #tpu.memory_space<hbm>>) target(%arg9 : memref<128x32xf32, #tpu.memory_space<vmem>>) offsets(%dma_start3A_111 : memref<128xi32, #tpu.memory_space<vmem>>) semaphore(%arg14 : memref<!tpu.dma_semaphore, #tpu.memory_space<semaphore_mem>>)
      %dma_start3A_115 = arith.constant 2 : i32
      %dma_start3A_116 = arith.constant 0 : i32
      %dma_start3A_117 = tpu.memref_slice %arg6[%rem3A_91, %dma_start3A_115, %dma_start3A_116] : memref<2x16x128xi32, #tpu.memory_space<vmem>> -> memref<1x1x128xi32, #tpu.memory_space<vmem>>
      %dma_start3A_118 = tpu.memref_squeeze %dma_start3A_117 : memref<1x1x128xi32, #tpu.memory_space<vmem>> -> memref<128xi32, #tpu.memory_space<vmem>>
      %dma_start3A_119 = arith.constant 0 : i32
      %dma_start3A_120 = arith.constant 0 : i32
      %dma_start3A_121 = tpu.memref_slice %arg2[%dma_start3A_119, %dma_start3A_120] : memref<102400x32xf32, #tpu.memory_space<hbm>> -> memref<102400x32xf32, #tpu.memory_space<hbm>>
      tpu.enqueue_indirect_dma source(%dma_start3A_121 : memref<102400x32xf32, #tpu.memory_space<hbm>>) target(%arg10 : memref<128x32xf32, #tpu.memory_space<vmem>>) offsets(%dma_start3A_118 : memref<128xi32, #tpu.memory_space<vmem>>) semaphore(%arg15 : memref<!tpu.dma_semaphore, #tpu.memory_space<semaphore_mem>>)
      %dma_start3A_122 = arith.constant 3 : i32
      %dma_start3A_123 = arith.constant 0 : i32
      %dma_start3A_124 = tpu.memref_slice %arg6[%rem3A_91, %dma_start3A_122, %dma_start3A_123] : memref<2x16x128xi32, #tpu.memory_space<vmem>> -> memref<1x1x128xi32, #tpu.memory_space<vmem>>
      %dma_start3A_125 = tpu.memref_squeeze %dma_start3A_124 : memref<1x1x128xi32, #tpu.memory_space<vmem>> -> memref<128xi32, #tpu.memory_space<vmem>>
      %dma_start3A_126 = arith.constant 0 : i32
      %dma_start3A_127 = arith.constant 0 : i32
      %dma_start3A_128 = tpu.memref_slice %arg2[%dma_start3A_126, %dma_start3A_127] : memref<102400x32xf32, #tpu.memory_space<hbm>> -> memref<102400x32xf32, #tpu.memory_space<hbm>>
      tpu.enqueue_indirect_dma source(%dma_start3A_128 : memref<102400x32xf32, #tpu.memory_space<hbm>>) target(%arg11 : memref<128x32xf32, #tpu.memory_space<vmem>>) offsets(%dma_start3A_125 : memref<128xi32, #tpu.memory_space<vmem>>) semaphore(%arg16 : memref<!tpu.dma_semaphore, #tpu.memory_space<semaphore_mem>>)
      %dma_wait3A_129 = arith.constant 0 : i32
      %dma_wait3A_130 = arith.constant 0 : i32
      %dma_wait3A_131 = tpu.memref_slice %arg6[%rem3A_91, %dma_wait3A_129, %dma_wait3A_130] : memref<2x16x128xi32, #tpu.memory_space<vmem>> -> memref<1x1x128xi32, #tpu.memory_space<vmem>>
      %dma_wait3A_132 = tpu.memref_squeeze %dma_wait3A_131 : memref<1x1x128xi32, #tpu.memory_space<vmem>> -> memref<128xi32, #tpu.memory_space<vmem>>
      %dma_wait3A_133 = arith.constant 0 : i32
      %dma_wait3A_134 = arith.constant 0 : i32
      %dma_wait3A_135 = tpu.memref_slice %arg2[%dma_wait3A_133, %dma_wait3A_134] : memref<102400x32xf32, #tpu.memory_space<hbm>> -> memref<102400x32xf32, #tpu.memory_space<hbm>>
      tpu.wait_indirect_dma semaphore(%arg13 : memref<!tpu.dma_semaphore, #tpu.memory_space<semaphore_mem>>) src(%dma_wait3A_135 : memref<102400x32xf32, #tpu.memory_space<hbm>>) dst(%arg8 : memref<128x32xf32, #tpu.memory_space<vmem>>)
      %dma_start3A_136 = arith.constant 0 : i32
      %dma_start3A_137 = arith.constant 0 : i32
      %dma_start3A_138 = tpu.memref_slice %arg7[%rem3A_91, %dma_start3A_136, %dma_start3A_137] : memref<2x16x128xi32, #tpu.memory_space<vmem>> -> memref<1x1x128xi32, #tpu.memory_space<vmem>>
      %dma_start3A_139 = tpu.memref_squeeze %dma_start3A_138 : memref<1x1x128xi32, #tpu.memory_space<vmem>> -> memref<128xi32, #tpu.memory_space<vmem>>
      %dma_start3A_140 = arith.constant 0 : i32
      %dma_start3A_141 = arith.constant 0 : i32
      %dma_start3A_142 = tpu.memref_slice %arg12[%dma_start3A_140, %dma_start3A_141] : memref<50048x32xf32, #tpu.memory_space<vmem_shared>> -> memref<50048x32xf32, #tpu.memory_space<vmem_shared>>
      tpu.enqueue_indirect_dma source(%arg8 : memref<128x32xf32, #tpu.memory_space<vmem>>) target(%dma_start3A_142 : memref<50048x32xf32, #tpu.memory_space<vmem_shared>>) offsets(%dma_start3A_139 : memref<128xi32, #tpu.memory_space<vmem>>) semaphore(%arg17 : memref<!tpu.dma_semaphore, #tpu.memory_space<semaphore_mem>>) {add = true}
      %dma_wait3A_143 = arith.constant 1 : i32
      %dma_wait3A_144 = arith.constant 0 : i32
      %dma_wait3A_145 = tpu.memref_slice %arg7[%rem3A_91, %dma_wait3A_143, %dma_wait3A_144] : memref<2x16x128xi32, #tpu.memory_space<vmem>> -> memref<1x1x128xi32, #tpu.memory_space<vmem>>
      %dma_wait3A_146 = tpu.memref_squeeze %dma_wait3A_145 : memref<1x1x128xi32, #tpu.memory_space<vmem>> -> memref<128xi32, #tpu.memory_space<vmem>>
      %dma_wait3A_147 = arith.constant 0 : i32
      %dma_wait3A_148 = arith.constant 0 : i32
      %dma_wait3A_149 = tpu.memref_slice %arg12[%dma_wait3A_147, %dma_wait3A_148] : memref<50048x32xf32, #tpu.memory_space<vmem_shared>> -> memref<50048x32xf32, #tpu.memory_space<vmem_shared>>
      tpu.wait_indirect_dma semaphore(%arg17 : memref<!tpu.dma_semaphore, #tpu.memory_space<semaphore_mem>>) src(%arg8 : memref<128x32xf32, #tpu.memory_space<vmem>>) dst(%dma_wait3A_149 : memref<50048x32xf32, #tpu.memory_space<vmem_shared>>)
      %dma_start3A_150 = arith.constant 4 : i32
      %dma_start3A_151 = arith.constant 0 : i32
      %dma_start3A_152 = tpu.memref_slice %arg6[%rem3A_91, %dma_start3A_150, %dma_start3A_151] : memref<2x16x128xi32, #tpu.memory_space<vmem>> -> memref<1x1x128xi32, #tpu.memory_space<vmem>>
      %dma_start3A_153 = tpu.memref_squeeze %dma_start3A_152 : memref<1x1x128xi32, #tpu.memory_space<vmem>> -> memref<128xi32, #tpu.memory_space<vmem>>
      %dma_start3A_154 = arith.constant 0 : i32
      %dma_start3A_155 = arith.constant 0 : i32
      %dma_start3A_156 = tpu.memref_slice %arg2[%dma_start3A_154, %dma_start3A_155] : memref<102400x32xf32, #tpu.memory_space<hbm>> -> memref<102400x32xf32, #tpu.memory_space<hbm>>
      tpu.enqueue_indirect_dma source(%dma_start3A_156 : memref<102400x32xf32, #tpu.memory_space<hbm>>) target(%arg8 : memref<128x32xf32, #tpu.memory_space<vmem>>) offsets(%dma_start3A_153 : memref<128xi32, #tpu.memory_space<vmem>>) semaphore(%arg13 : memref<!tpu.dma_semaphore, #tpu.memory_space<semaphore_mem>>)
      %dma_wait3A_157 = arith.constant 1 : i32
      %dma_wait3A_158 = arith.constant 0 : i32
      %dma_wait3A_159 = tpu.memref_slice %arg6[%rem3A_91, %dma_wait3A_157, %dma_wait3A_158] : memref<2x16x128xi32, #tpu.memory_space<vmem>> -> memref<1x1x128xi32, #tpu.memory_space<vmem>>
      %dma_wait3A_160 = tpu.memref_squeeze %dma_wait3A_159 : memref<1x1x128xi32, #tpu.memory_space<vmem>> -> memref<128xi32, #tpu.memory_space<vmem>>
      %dma_wait3A_161 = arith.constant 0 : i32
      %dma_wait3A_162 = arith.constant 0 : i32
      %dma_wait3A_163 = tpu.memref_slice %arg2[%dma_wait3A_161, %dma_wait3A_162] : memref<102400x32xf32, #tpu.memory_space<hbm>> -> memref<102400x32xf32, #tpu.memory_space<hbm>>
      tpu.wait_indirect_dma semaphore(%arg14 : memref<!tpu.dma_semaphore, #tpu.memory_space<semaphore_mem>>) src(%dma_wait3A_163 : memref<102400x32xf32, #tpu.memory_space<hbm>>) dst(%arg9 : memref<128x32xf32, #tpu.memory_space<vmem>>)
      %dma_start3A_164 = arith.constant 1 : i32
      %dma_start3A_165 = arith.constant 0 : i32
      %dma_start3A_166 = tpu.memref_slice %arg7[%rem3A_91, %dma_start3A_164, %dma_start3A_165] : memref<2x16x128xi32, #tpu.memory_space<vmem>> -> memref<1x1x128xi32, #tpu.memory_space<vmem>>
      %dma_start3A_167 = tpu.memref_squeeze %dma_start3A_166 : memref<1x1x128xi32, #tpu.memory_space<vmem>> -> memref<128xi32, #tpu.memory_space<vmem>>
      %dma_start3A_168 = arith.constant 0 : i32
      %dma_start3A_169 = arith.constant 0 : i32
      %dma_start3A_170 = tpu.memref_slice %arg12[%dma_start3A_168, %dma_start3A_169] : memref<50048x32xf32, #tpu.memory_space<vmem_shared>> -> memref<50048x32xf32, #tpu.memory_space<vmem_shared>>
      tpu.enqueue_indirect_dma source(%arg9 : memref<128x32xf32, #tpu.memory_space<vmem>>) target(%dma_start3A_170 : memref<50048x32xf32, #tpu.memory_space<vmem_shared>>) offsets(%dma_start3A_167 : memref<128xi32, #tpu.memory_space<vmem>>) semaphore(%arg18 : memref<!tpu.dma_semaphore, #tpu.memory_space<semaphore_mem>>) {add = true}
      %dma_wait3A_171 = arith.constant 2 : i32
      %dma_wait3A_172 = arith.constant 0 : i32
      %dma_wait3A_173 = tpu.memref_slice %arg7[%rem3A_91, %dma_wait3A_171, %dma_wait3A_172] : memref<2x16x128xi32, #tpu.memory_space<vmem>> -> memref<1x1x128xi32, #tpu.memory_space<vmem>>
      %dma_wait3A_174 = tpu.memref_squeeze %dma_wait3A_173 : memref<1x1x128xi32, #tpu.memory_space<vmem>> -> memref<128xi32, #tpu.memory_space<vmem>>
      %dma_wait3A_175 = arith.constant 0 : i32
      %dma_wait3A_176 = arith.constant 0 : i32
      %dma_wait3A_177 = tpu.memref_slice %arg12[%dma_wait3A_175, %dma_wait3A_176] : memref<50048x32xf32, #tpu.memory_space<vmem_shared>> -> memref<50048x32xf32, #tpu.memory_space<vmem_shared>>
      tpu.wait_indirect_dma semaphore(%arg18 : memref<!tpu.dma_semaphore, #tpu.memory_space<semaphore_mem>>) src(%arg9 : memref<128x32xf32, #tpu.memory_space<vmem>>) dst(%dma_wait3A_177 : memref<50048x32xf32, #tpu.memory_space<vmem_shared>>)
      %dma_start3A_178 = arith.constant 5 : i32
      %dma_start3A_179 = arith.constant 0 : i32
      %dma_start3A_180 = tpu.memref_slice %arg6[%rem3A_91, %dma_start3A_178, %dma_start3A_179] : memref<2x16x128xi32, #tpu.memory_space<vmem>> -> memref<1x1x128xi32, #tpu.memory_space<vmem>>
      %dma_start3A_181 = tpu.memref_squeeze %dma_start3A_180 : memref<1x1x128xi32, #tpu.memory_space<vmem>> -> memref<128xi32, #tpu.memory_space<vmem>>
      %dma_start3A_182 = arith.constant 0 : i32
      %dma_start3A_183 = arith.constant 0 : i32
      %dma_start3A_184 = tpu.memref_slice %arg2[%dma_start3A_182, %dma_start3A_183] : memref<102400x32xf32, #tpu.memory_space<hbm>> -> memref<102400x32xf32, #tpu.memory_space<hbm>>
      tpu.enqueue_indirect_dma source(%dma_start3A_184 : memref<102400x32xf32, #tpu.memory_space<hbm>>) target(%arg9 : memref<128x32xf32, #tpu.memory_space<vmem>>) offsets(%dma_start3A_181 : memref<128xi32, #tpu.memory_space<vmem>>) semaphore(%arg14 : memref<!tpu.dma_semaphore, #tpu.memory_space<semaphore_mem>>)
      %dma_wait3A_185 = arith.constant 2 : i32
      %dma_wait3A_186 = arith.constant 0 : i32
      %dma_wait3A_187 = tpu.memref_slice %arg6[%rem3A_91, %dma_wait3A_185, %dma_wait3A_186] : memref<2x16x128xi32, #tpu.memory_space<vmem>> -> memref<1x1x128xi32, #tpu.memory_space<vmem>>
      %dma_wait3A_188 = tpu.memref_squeeze %dma_wait3A_187 : memref<1x1x128xi32, #tpu.memory_space<vmem>> -> memref<128xi32, #tpu.memory_space<vmem>>
      %dma_wait3A_189 = arith.constant 0 : i32
      %dma_wait3A_190 = arith.constant 0 : i32
      %dma_wait3A_191 = tpu.memref_slice %arg2[%dma_wait3A_189, %dma_wait3A_190] : memref<102400x32xf32, #tpu.memory_space<hbm>> -> memref<102400x32xf32, #tpu.memory_space<hbm>>
      tpu.wait_indirect_dma semaphore(%arg15 : memref<!tpu.dma_semaphore, #tpu.memory_space<semaphore_mem>>) src(%dma_wait3A_191 : memref<102400x32xf32, #tpu.memory_space<hbm>>) dst(%arg10 : memref<128x32xf32, #tpu.memory_space<vmem>>)
      %dma_start3A_192 = arith.constant 2 : i32
      %dma_start3A_193 = arith.constant 0 : i32
      %dma_start3A_194 = tpu.memref_slice %arg7[%rem3A_91, %dma_start3A_192, %dma_start3A_193] : memref<2x16x128xi32, #tpu.memory_space<vmem>> -> memref<1x1x128xi32, #tpu.memory_space<vmem>>
      %dma_start3A_195 = tpu.memref_squeeze %dma_start3A_194 : memref<1x1x128xi32, #tpu.memory_space<vmem>> -> memref<128xi32, #tpu.memory_space<vmem>>
      %dma_start3A_196 = arith.constant 0 : i32
      %dma_start3A_197 = arith.constant 0 : i32
      %dma_start3A_198 = tpu.memref_slice %arg12[%dma_start3A_196, %dma_start3A_197] : memref<50048x32xf32, #tpu.memory_space<vmem_shared>> -> memref<50048x32xf32, #tpu.memory_space<vmem_shared>>
      tpu.enqueue_indirect_dma source(%arg10 : memref<128x32xf32, #tpu.memory_space<vmem>>) target(%dma_start3A_198 : memref<50048x32xf32, #tpu.memory_space<vmem_shared>>) offsets(%dma_start3A_195 : memref<128xi32, #tpu.memory_space<vmem>>) semaphore(%arg19 : memref<!tpu.dma_semaphore, #tpu.memory_space<semaphore_mem>>) {add = true}
      %dma_wait3A_199 = arith.constant 3 : i32
      %dma_wait3A_200 = arith.constant 0 : i32
      %dma_wait3A_201 = tpu.memref_slice %arg7[%rem3A_91, %dma_wait3A_199, %dma_wait3A_200] : memref<2x16x128xi32, #tpu.memory_space<vmem>> -> memref<1x1x128xi32, #tpu.memory_space<vmem>>
      %dma_wait3A_202 = tpu.memref_squeeze %dma_wait3A_201 : memref<1x1x128xi32, #tpu.memory_space<vmem>> -> memref<128xi32, #tpu.memory_space<vmem>>
      %dma_wait3A_203 = arith.constant 0 : i32
      %dma_wait3A_204 = arith.constant 0 : i32
      %dma_wait3A_205 = tpu.memref_slice %arg12[%dma_wait3A_203, %dma_wait3A_204] : memref<50048x32xf32, #tpu.memory_space<vmem_shared>> -> memref<50048x32xf32, #tpu.memory_space<vmem_shared>>
      tpu.wait_indirect_dma semaphore(%arg19 : memref<!tpu.dma_semaphore, #tpu.memory_space<semaphore_mem>>) src(%arg10 : memref<128x32xf32, #tpu.memory_space<vmem>>) dst(%dma_wait3A_205 : memref<50048x32xf32, #tpu.memory_space<vmem_shared>>)
      %dma_start3A_206 = arith.constant 6 : i32
      %dma_start3A_207 = arith.constant 0 : i32
      %dma_start3A_208 = tpu.memref_slice %arg6[%rem3A_91, %dma_start3A_206, %dma_start3A_207] : memref<2x16x128xi32, #tpu.memory_space<vmem>> -> memref<1x1x128xi32, #tpu.memory_space<vmem>>
      %dma_start3A_209 = tpu.memref_squeeze %dma_start3A_208 : memref<1x1x128xi32, #tpu.memory_space<vmem>> -> memref<128xi32, #tpu.memory_space<vmem>>
      %dma_start3A_210 = arith.constant 0 : i32
      %dma_start3A_211 = arith.constant 0 : i32
      %dma_start3A_212 = tpu.memref_slice %arg2[%dma_start3A_210, %dma_start3A_211] : memref<102400x32xf32, #tpu.memory_space<hbm>> -> memref<102400x32xf32, #tpu.memory_space<hbm>>
      tpu.enqueue_indirect_dma source(%dma_start3A_212 : memref<102400x32xf32, #tpu.memory_space<hbm>>) target(%arg10 : memref<128x32xf32, #tpu.memory_space<vmem>>) offsets(%dma_start3A_209 : memref<128xi32, #tpu.memory_space<vmem>>) semaphore(%arg15 : memref<!tpu.dma_semaphore, #tpu.memory_space<semaphore_mem>>)
      %dma_wait3A_213 = arith.constant 3 : i32
      %dma_wait3A_214 = arith.constant 0 : i32
      %dma_wait3A_215 = tpu.memref_slice %arg6[%rem3A_91, %dma_wait3A_213, %dma_wait3A_214] : memref<2x16x128xi32, #tpu.memory_space<vmem>> -> memref<1x1x128xi32, #tpu.memory_space<vmem>>
      %dma_wait3A_216 = tpu.memref_squeeze %dma_wait3A_215 : memref<1x1x128xi32, #tpu.memory_space<vmem>> -> memref<128xi32, #tpu.memory_space<vmem>>
      %dma_wait3A_217 = arith.constant 0 : i32
      %dma_wait3A_218 = arith.constant 0 : i32
      %dma_wait3A_219 = tpu.memref_slice %arg2[%dma_wait3A_217, %dma_wait3A_218] : memref<102400x32xf32, #tpu.memory_space<hbm>> -> memref<102400x32xf32, #tpu.memory_space<hbm>>
      tpu.wait_indirect_dma semaphore(%arg16 : memref<!tpu.dma_semaphore, #tpu.memory_space<semaphore_mem>>) src(%dma_wait3A_219 : memref<102400x32xf32, #tpu.memory_space<hbm>>) dst(%arg11 : memref<128x32xf32, #tpu.memory_space<vmem>>)
      %dma_start3A_220 = arith.constant 3 : i32
      %dma_start3A_221 = arith.constant 0 : i32
      %dma_start3A_222 = tpu.memref_slice %arg7[%rem3A_91, %dma_start3A_220, %dma_start3A_221] : memref<2x16x128xi32, #tpu.memory_space<vmem>> -> memref<1x1x128xi32, #tpu.memory_space<vmem>>
      %dma_start3A_223 = tpu.memref_squeeze %dma_start3A_222 : memref<1x1x128xi32, #tpu.memory_space<vmem>> -> memref<128xi32, #tpu.memory_space<vmem>>
      %dma_start3A_224 = arith.constant 0 : i32
      %dma_start3A_225 = arith.constant 0 : i32
      %dma_start3A_226 = tpu.memref_slice %arg12[%dma_start3A_224, %dma_start3A_225] : memref<50048x32xf32, #tpu.memory_space<vmem_shared>> -> memref<50048x32xf32, #tpu.memory_space<vmem_shared>>
      tpu.enqueue_indirect_dma source(%arg11 : memref<128x32xf32, #tpu.memory_space<vmem>>) target(%dma_start3A_226 : memref<50048x32xf32, #tpu.memory_space<vmem_shared>>) offsets(%dma_start3A_223 : memref<128xi32, #tpu.memory_space<vmem>>) semaphore(%arg20 : memref<!tpu.dma_semaphore, #tpu.memory_space<semaphore_mem>>) {add = true}
      %dma_wait3A_227 = arith.constant 4 : i32
      %dma_wait3A_228 = arith.constant 0 : i32
      %dma_wait3A_229 = tpu.memref_slice %arg7[%rem3A_91, %dma_wait3A_227, %dma_wait3A_228] : memref<2x16x128xi32, #tpu.memory_space<vmem>> -> memref<1x1x128xi32, #tpu.memory_space<vmem>>
      %dma_wait3A_230 = tpu.memref_squeeze %dma_wait3A_229 : memref<1x1x128xi32, #tpu.memory_space<vmem>> -> memref<128xi32, #tpu.memory_space<vmem>>
      %dma_wait3A_231 = arith.constant 0 : i32
      %dma_wait3A_232 = arith.constant 0 : i32
      %dma_wait3A_233 = tpu.memref_slice %arg12[%dma_wait3A_231, %dma_wait3A_232] : memref<50048x32xf32, #tpu.memory_space<vmem_shared>> -> memref<50048x32xf32, #tpu.memory_space<vmem_shared>>
      tpu.wait_indirect_dma semaphore(%arg20 : memref<!tpu.dma_semaphore, #tpu.memory_space<semaphore_mem>>) src(%arg11 : memref<128x32xf32, #tpu.memory_space<vmem>>) dst(%dma_wait3A_233 : memref<50048x32xf32, #tpu.memory_space<vmem_shared>>)
      %dma_start3A_234 = arith.constant 7 : i32
      %dma_start3A_235 = arith.constant 0 : i32
      %dma_start3A_236 = tpu.memref_slice %arg6[%rem3A_91, %dma_start3A_234, %dma_start3A_235] : memref<2x16x128xi32, #tpu.memory_space<vmem>> -> memref<1x1x128xi32, #tpu.memory_space<vmem>>
      %dma_start3A_237 = tpu.memref_squeeze %dma_start3A_236 : memref<1x1x128xi32, #tpu.memory_space<vmem>> -> memref<128xi32, #tpu.memory_space<vmem>>
      %dma_start3A_238 = arith.constant 0 : i32
      %dma_start3A_239 = arith.constant 0 : i32
      %dma_start3A_240 = tpu.memref_slice %arg2[%dma_start3A_238, %dma_start3A_239] : memref<102400x32xf32, #tpu.memory_space<hbm>> -> memref<102400x32xf32, #tpu.memory_space<hbm>>
      tpu.enqueue_indirect_dma source(%dma_start3A_240 : memref<102400x32xf32, #tpu.memory_space<hbm>>) target(%arg11 : memref<128x32xf32, #tpu.memory_space<vmem>>) offsets(%dma_start3A_237 : memref<128xi32, #tpu.memory_space<vmem>>) semaphore(%arg16 : memref<!tpu.dma_semaphore, #tpu.memory_space<semaphore_mem>>)
      %dma_wait3A_241 = arith.constant 4 : i32
      %dma_wait3A_242 = arith.constant 0 : i32
      %dma_wait3A_243 = tpu.memref_slice %arg6[%rem3A_91, %dma_wait3A_241, %dma_wait3A_242] : memref<2x16x128xi32, #tpu.memory_space<vmem>> -> memref<1x1x128xi32, #tpu.memory_space<vmem>>
      %dma_wait3A_244 = tpu.memref_squeeze %dma_wait3A_243 : memref<1x1x128xi32, #tpu.memory_space<vmem>> -> memref<128xi32, #tpu.memory_space<vmem>>
      %dma_wait3A_245 = arith.constant 0 : i32
      %dma_wait3A_246 = arith.constant 0 : i32
      %dma_wait3A_247 = tpu.memref_slice %arg2[%dma_wait3A_245, %dma_wait3A_246] : memref<102400x32xf32, #tpu.memory_space<hbm>> -> memref<102400x32xf32, #tpu.memory_space<hbm>>
      tpu.wait_indirect_dma semaphore(%arg13 : memref<!tpu.dma_semaphore, #tpu.memory_space<semaphore_mem>>) src(%dma_wait3A_247 : memref<102400x32xf32, #tpu.memory_space<hbm>>) dst(%arg8 : memref<128x32xf32, #tpu.memory_space<vmem>>)
      %dma_start3A_248 = arith.constant 4 : i32
      %dma_start3A_249 = arith.constant 0 : i32
      %dma_start3A_250 = tpu.memref_slice %arg7[%rem3A_91, %dma_start3A_248, %dma_start3A_249] : memref<2x16x128xi32, #tpu.memory_space<vmem>> -> memref<1x1x128xi32, #tpu.memory_space<vmem>>
      %dma_start3A_251 = tpu.memref_squeeze %dma_start3A_250 : memref<1x1x128xi32, #tpu.memory_space<vmem>> -> memref<128xi32, #tpu.memory_space<vmem>>
      %dma_start3A_252 = arith.constant 0 : i32
      %dma_start3A_253 = arith.constant 0 : i32
      %dma_start3A_254 = tpu.memref_slice %arg12[%dma_start3A_252, %dma_start3A_253] : memref<50048x32xf32, #tpu.memory_space<vmem_shared>> -> memref<50048x32xf32, #tpu.memory_space<vmem_shared>>
      tpu.enqueue_indirect_dma source(%arg8 : memref<128x32xf32, #tpu.memory_space<vmem>>) target(%dma_start3A_254 : memref<50048x32xf32, #tpu.memory_space<vmem_shared>>) offsets(%dma_start3A_251 : memref<128xi32, #tpu.memory_space<vmem>>) semaphore(%arg17 : memref<!tpu.dma_semaphore, #tpu.memory_space<semaphore_mem>>) {add = true}
      %dma_wait3A_255 = arith.constant 5 : i32
      %dma_wait3A_256 = arith.constant 0 : i32
      %dma_wait3A_257 = tpu.memref_slice %arg7[%rem3A_91, %dma_wait3A_255, %dma_wait3A_256] : memref<2x16x128xi32, #tpu.memory_space<vmem>> -> memref<1x1x128xi32, #tpu.memory_space<vmem>>
      %dma_wait3A_258 = tpu.memref_squeeze %dma_wait3A_257 : memref<1x1x128xi32, #tpu.memory_space<vmem>> -> memref<128xi32, #tpu.memory_space<vmem>>
      %dma_wait3A_259 = arith.constant 0 : i32
      %dma_wait3A_260 = arith.constant 0 : i32
      %dma_wait3A_261 = tpu.memref_slice %arg12[%dma_wait3A_259, %dma_wait3A_260] : memref<50048x32xf32, #tpu.memory_space<vmem_shared>> -> memref<50048x32xf32, #tpu.memory_space<vmem_shared>>
      tpu.wait_indirect_dma semaphore(%arg17 : memref<!tpu.dma_semaphore, #tpu.memory_space<semaphore_mem>>) src(%arg8 : memref<128x32xf32, #tpu.memory_space<vmem>>) dst(%dma_wait3A_261 : memref<50048x32xf32, #tpu.memory_space<vmem_shared>>)
      %dma_start3A_262 = arith.constant 8 : i32
      %dma_start3A_263 = arith.constant 0 : i32
      %dma_start3A_264 = tpu.memref_slice %arg6[%rem3A_91, %dma_start3A_262, %dma_start3A_263] : memref<2x16x128xi32, #tpu.memory_space<vmem>> -> memref<1x1x128xi32, #tpu.memory_space<vmem>>
      %dma_start3A_265 = tpu.memref_squeeze %dma_start3A_264 : memref<1x1x128xi32, #tpu.memory_space<vmem>> -> memref<128xi32, #tpu.memory_space<vmem>>
      %dma_start3A_266 = arith.constant 0 : i32
      %dma_start3A_267 = arith.constant 0 : i32
      %dma_start3A_268 = tpu.memref_slice %arg2[%dma_start3A_266, %dma_start3A_267] : memref<102400x32xf32, #tpu.memory_space<hbm>> -> memref<102400x32xf32, #tpu.memory_space<hbm>>
      tpu.enqueue_indirect_dma source(%dma_start3A_268 : memref<102400x32xf32, #tpu.memory_space<hbm>>) target(%arg8 : memref<128x32xf32, #tpu.memory_space<vmem>>) offsets(%dma_start3A_265 : memref<128xi32, #tpu.memory_space<vmem>>) semaphore(%arg13 : memref<!tpu.dma_semaphore, #tpu.memory_space<semaphore_mem>>)
      %dma_wait3A_269 = arith.constant 5 : i32
      %dma_wait3A_270 = arith.constant 0 : i32
      %dma_wait3A_271 = tpu.memref_slice %arg6[%rem3A_91, %dma_wait3A_269, %dma_wait3A_270] : memref<2x16x128xi32, #tpu.memory_space<vmem>> -> memref<1x1x128xi32, #tpu.memory_space<vmem>>
      %dma_wait3A_272 = tpu.memref_squeeze %dma_wait3A_271 : memref<1x1x128xi32, #tpu.memory_space<vmem>> -> memref<128xi32, #tpu.memory_space<vmem>>
      %dma_wait3A_273 = arith.constant 0 : i32
      %dma_wait3A_274 = arith.constant 0 : i32
      %dma_wait3A_275 = tpu.memref_slice %arg2[%dma_wait3A_273, %dma_wait3A_274] : memref<102400x32xf32, #tpu.memory_space<hbm>> -> memref<102400x32xf32, #tpu.memory_space<hbm>>
      tpu.wait_indirect_dma semaphore(%arg14 : memref<!tpu.dma_semaphore, #tpu.memory_space<semaphore_mem>>) src(%dma_wait3A_275 : memref<102400x32xf32, #tpu.memory_space<hbm>>) dst(%arg9 : memref<128x32xf32, #tpu.memory_space<vmem>>)
      %dma_start3A_276 = arith.constant 5 : i32
      %dma_start3A_277 = arith.constant 0 : i32
      %dma_start3A_278 = tpu.memref_slice %arg7[%rem3A_91, %dma_start3A_276, %dma_start3A_277] : memref<2x16x128xi32, #tpu.memory_space<vmem>> -> memref<1x1x128xi32, #tpu.memory_space<vmem>>
      %dma_start3A_279 = tpu.memref_squeeze %dma_start3A_278 : memref<1x1x128xi32, #tpu.memory_space<vmem>> -> memref<128xi32, #tpu.memory_space<vmem>>
      %dma_start3A_280 = arith.constant 0 : i32
      %dma_start3A_281 = arith.constant 0 : i32
      %dma_start3A_282 = tpu.memref_slice %arg12[%dma_start3A_280, %dma_start3A_281] : memref<50048x32xf32, #tpu.memory_space<vmem_shared>> -> memref<50048x32xf32, #tpu.memory_space<vmem_shared>>
      tpu.enqueue_indirect_dma source(%arg9 : memref<128x32xf32, #tpu.memory_space<vmem>>) target(%dma_start3A_282 : memref<50048x32xf32, #tpu.memory_space<vmem_shared>>) offsets(%dma_start3A_279 : memref<128xi32, #tpu.memory_space<vmem>>) semaphore(%arg18 : memref<!tpu.dma_semaphore, #tpu.memory_space<semaphore_mem>>) {add = true}
      %dma_wait3A_283 = arith.constant 6 : i32
      %dma_wait3A_284 = arith.constant 0 : i32
      %dma_wait3A_285 = tpu.memref_slice %arg7[%rem3A_91, %dma_wait3A_283, %dma_wait3A_284] : memref<2x16x128xi32, #tpu.memory_space<vmem>> -> memref<1x1x128xi32, #tpu.memory_space<vmem>>
      %dma_wait3A_286 = tpu.memref_squeeze %dma_wait3A_285 : memref<1x1x128xi32, #tpu.memory_space<vmem>> -> memref<128xi32, #tpu.memory_space<vmem>>
      %dma_wait3A_287 = arith.constant 0 : i32
      %dma_wait3A_288 = arith.constant 0 : i32
      %dma_wait3A_289 = tpu.memref_slice %arg12[%dma_wait3A_287, %dma_wait3A_288] : memref<50048x32xf32, #tpu.memory_space<vmem_shared>> -> memref<50048x32xf32, #tpu.memory_space<vmem_shared>>
      tpu.wait_indirect_dma semaphore(%arg18 : memref<!tpu.dma_semaphore, #tpu.memory_space<semaphore_mem>>) src(%arg9 : memref<128x32xf32, #tpu.memory_space<vmem>>) dst(%dma_wait3A_289 : memref<50048x32xf32, #tpu.memory_space<vmem_shared>>)
      %dma_start3A_290 = arith.constant 9 : i32
      %dma_start3A_291 = arith.constant 0 : i32
      %dma_start3A_292 = tpu.memref_slice %arg6[%rem3A_91, %dma_start3A_290, %dma_start3A_291] : memref<2x16x128xi32, #tpu.memory_space<vmem>> -> memref<1x1x128xi32, #tpu.memory_space<vmem>>
      %dma_start3A_293 = tpu.memref_squeeze %dma_start3A_292 : memref<1x1x128xi32, #tpu.memory_space<vmem>> -> memref<128xi32, #tpu.memory_space<vmem>>
      %dma_start3A_294 = arith.constant 0 : i32
      %dma_start3A_295 = arith.constant 0 : i32
      %dma_start3A_296 = tpu.memref_slice %arg2[%dma_start3A_294, %dma_start3A_295] : memref<102400x32xf32, #tpu.memory_space<hbm>> -> memref<102400x32xf32, #tpu.memory_space<hbm>>
      tpu.enqueue_indirect_dma source(%dma_start3A_296 : memref<102400x32xf32, #tpu.memory_space<hbm>>) target(%arg9 : memref<128x32xf32, #tpu.memory_space<vmem>>) offsets(%dma_start3A_293 : memref<128xi32, #tpu.memory_space<vmem>>) semaphore(%arg14 : memref<!tpu.dma_semaphore, #tpu.memory_space<semaphore_mem>>)
      %dma_wait3A_297 = arith.constant 6 : i32
      %dma_wait3A_298 = arith.constant 0 : i32
      %dma_wait3A_299 = tpu.memref_slice %arg6[%rem3A_91, %dma_wait3A_297, %dma_wait3A_298] : memref<2x16x128xi32, #tpu.memory_space<vmem>> -> memref<1x1x128xi32, #tpu.memory_space<vmem>>
      %dma_wait3A_300 = tpu.memref_squeeze %dma_wait3A_299 : memref<1x1x128xi32, #tpu.memory_space<vmem>> -> memref<128xi32, #tpu.memory_space<vmem>>
      %dma_wait3A_301 = arith.constant 0 : i32
      %dma_wait3A_302 = arith.constant 0 : i32
      %dma_wait3A_303 = tpu.memref_slice %arg2[%dma_wait3A_301, %dma_wait3A_302] : memref<102400x32xf32, #tpu.memory_space<hbm>> -> memref<102400x32xf32, #tpu.memory_space<hbm>>
      tpu.wait_indirect_dma semaphore(%arg15 : memref<!tpu.dma_semaphore, #tpu.memory_space<semaphore_mem>>) src(%dma_wait3A_303 : memref<102400x32xf32, #tpu.memory_space<hbm>>) dst(%arg10 : memref<128x32xf32, #tpu.memory_space<vmem>>)
      %dma_start3A_304 = arith.constant 6 : i32
      %dma_start3A_305 = arith.constant 0 : i32
      %dma_start3A_306 = tpu.memref_slice %arg7[%rem3A_91, %dma_start3A_304, %dma_start3A_305] : memref<2x16x128xi32, #tpu.memory_space<vmem>> -> memref<1x1x128xi32, #tpu.memory_space<vmem>>
      %dma_start3A_307 = tpu.memref_squeeze %dma_start3A_306 : memref<1x1x128xi32, #tpu.memory_space<vmem>> -> memref<128xi32, #tpu.memory_space<vmem>>
      %dma_start3A_308 = arith.constant 0 : i32
      %dma_start3A_309 = arith.constant 0 : i32
      %dma_start3A_310 = tpu.memref_slice %arg12[%dma_start3A_308, %dma_start3A_309] : memref<50048x32xf32, #tpu.memory_space<vmem_shared>> -> memref<50048x32xf32, #tpu.memory_space<vmem_shared>>
      tpu.enqueue_indirect_dma source(%arg10 : memref<128x32xf32, #tpu.memory_space<vmem>>) target(%dma_start3A_310 : memref<50048x32xf32, #tpu.memory_space<vmem_shared>>) offsets(%dma_start3A_307 : memref<128xi32, #tpu.memory_space<vmem>>) semaphore(%arg19 : memref<!tpu.dma_semaphore, #tpu.memory_space<semaphore_mem>>) {add = true}
      %dma_wait3A_311 = arith.constant 7 : i32
      %dma_wait3A_312 = arith.constant 0 : i32
      %dma_wait3A_313 = tpu.memref_slice %arg7[%rem3A_91, %dma_wait3A_311, %dma_wait3A_312] : memref<2x16x128xi32, #tpu.memory_space<vmem>> -> memref<1x1x128xi32, #tpu.memory_space<vmem>>
      %dma_wait3A_314 = tpu.memref_squeeze %dma_wait3A_313 : memref<1x1x128xi32, #tpu.memory_space<vmem>> -> memref<128xi32, #tpu.memory_space<vmem>>
      %dma_wait3A_315 = arith.constant 0 : i32
      %dma_wait3A_316 = arith.constant 0 : i32
      %dma_wait3A_317 = tpu.memref_slice %arg12[%dma_wait3A_315, %dma_wait3A_316] : memref<50048x32xf32, #tpu.memory_space<vmem_shared>> -> memref<50048x32xf32, #tpu.memory_space<vmem_shared>>
      tpu.wait_indirect_dma semaphore(%arg19 : memref<!tpu.dma_semaphore, #tpu.memory_space<semaphore_mem>>) src(%arg10 : memref<128x32xf32, #tpu.memory_space<vmem>>) dst(%dma_wait3A_317 : memref<50048x32xf32, #tpu.memory_space<vmem_shared>>)
      %dma_start3A_318 = arith.constant 10 : i32
      %dma_start3A_319 = arith.constant 0 : i32
      %dma_start3A_320 = tpu.memref_slice %arg6[%rem3A_91, %dma_start3A_318, %dma_start3A_319] : memref<2x16x128xi32, #tpu.memory_space<vmem>> -> memref<1x1x128xi32, #tpu.memory_space<vmem>>
      %dma_start3A_321 = tpu.memref_squeeze %dma_start3A_320 : memref<1x1x128xi32, #tpu.memory_space<vmem>> -> memref<128xi32, #tpu.memory_space<vmem>>
      %dma_start3A_322 = arith.constant 0 : i32
      %dma_start3A_323 = arith.constant 0 : i32
      %dma_start3A_324 = tpu.memref_slice %arg2[%dma_start3A_322, %dma_start3A_323] : memref<102400x32xf32, #tpu.memory_space<hbm>> -> memref<102400x32xf32, #tpu.memory_space<hbm>>
      tpu.enqueue_indirect_dma source(%dma_start3A_324 : memref<102400x32xf32, #tpu.memory_space<hbm>>) target(%arg10 : memref<128x32xf32, #tpu.memory_space<vmem>>) offsets(%dma_start3A_321 : memref<128xi32, #tpu.memory_space<vmem>>) semaphore(%arg15 : memref<!tpu.dma_semaphore, #tpu.memory_space<semaphore_mem>>)
      %dma_wait3A_325 = arith.constant 7 : i32
      %dma_wait3A_326 = arith.constant 0 : i32
      %dma_wait3A_327 = tpu.memref_slice %arg6[%rem3A_91, %dma_wait3A_325, %dma_wait3A_326] : memref<2x16x128xi32, #tpu.memory_space<vmem>> -> memref<1x1x128xi32, #tpu.memory_space<vmem>>
      %dma_wait3A_328 = tpu.memref_squeeze %dma_wait3A_327 : memref<1x1x128xi32, #tpu.memory_space<vmem>> -> memref<128xi32, #tpu.memory_space<vmem>>
      %dma_wait3A_329 = arith.constant 0 : i32
      %dma_wait3A_330 = arith.constant 0 : i32
      %dma_wait3A_331 = tpu.memref_slice %arg2[%dma_wait3A_329, %dma_wait3A_330] : memref<102400x32xf32, #tpu.memory_space<hbm>> -> memref<102400x32xf32, #tpu.memory_space<hbm>>
      tpu.wait_indirect_dma semaphore(%arg16 : memref<!tpu.dma_semaphore, #tpu.memory_space<semaphore_mem>>) src(%dma_wait3A_331 : memref<102400x32xf32, #tpu.memory_space<hbm>>) dst(%arg11 : memref<128x32xf32, #tpu.memory_space<vmem>>)
      %dma_start3A_332 = arith.constant 7 : i32
      %dma_start3A_333 = arith.constant 0 : i32
      %dma_start3A_334 = tpu.memref_slice %arg7[%rem3A_91, %dma_start3A_332, %dma_start3A_333] : memref<2x16x128xi32, #tpu.memory_space<vmem>> -> memref<1x1x128xi32, #tpu.memory_space<vmem>>
      %dma_start3A_335 = tpu.memref_squeeze %dma_start3A_334 : memref<1x1x128xi32, #tpu.memory_space<vmem>> -> memref<128xi32, #tpu.memory_space<vmem>>
      %dma_start3A_336 = arith.constant 0 : i32
      %dma_start3A_337 = arith.constant 0 : i32
      %dma_start3A_338 = tpu.memref_slice %arg12[%dma_start3A_336, %dma_start3A_337] : memref<50048x32xf32, #tpu.memory_space<vmem_shared>> -> memref<50048x32xf32, #tpu.memory_space<vmem_shared>>
      tpu.enqueue_indirect_dma source(%arg11 : memref<128x32xf32, #tpu.memory_space<vmem>>) target(%dma_start3A_338 : memref<50048x32xf32, #tpu.memory_space<vmem_shared>>) offsets(%dma_start3A_335 : memref<128xi32, #tpu.memory_space<vmem>>) semaphore(%arg20 : memref<!tpu.dma_semaphore, #tpu.memory_space<semaphore_mem>>) {add = true}
      %dma_wait3A_339 = arith.constant 8 : i32
      %dma_wait3A_340 = arith.constant 0 : i32
      %dma_wait3A_341 = tpu.memref_slice %arg7[%rem3A_91, %dma_wait3A_339, %dma_wait3A_340] : memref<2x16x128xi32, #tpu.memory_space<vmem>> -> memref<1x1x128xi32, #tpu.memory_space<vmem>>
      %dma_wait3A_342 = tpu.memref_squeeze %dma_wait3A_341 : memref<1x1x128xi32, #tpu.memory_space<vmem>> -> memref<128xi32, #tpu.memory_space<vmem>>
      %dma_wait3A_343 = arith.constant 0 : i32
      %dma_wait3A_344 = arith.constant 0 : i32
      %dma_wait3A_345 = tpu.memref_slice %arg12[%dma_wait3A_343, %dma_wait3A_344] : memref<50048x32xf32, #tpu.memory_space<vmem_shared>> -> memref<50048x32xf32, #tpu.memory_space<vmem_shared>>
      tpu.wait_indirect_dma semaphore(%arg20 : memref<!tpu.dma_semaphore, #tpu.memory_space<semaphore_mem>>) src(%arg11 : memref<128x32xf32, #tpu.memory_space<vmem>>) dst(%dma_wait3A_345 : memref<50048x32xf32, #tpu.memory_space<vmem_shared>>)
      %dma_start3A_346 = arith.constant 11 : i32
      %dma_start3A_347 = arith.constant 0 : i32
      %dma_start3A_348 = tpu.memref_slice %arg6[%rem3A_91, %dma_start3A_346, %dma_start3A_347] : memref<2x16x128xi32, #tpu.memory_space<vmem>> -> memref<1x1x128xi32, #tpu.memory_space<vmem>>
      %dma_start3A_349 = tpu.memref_squeeze %dma_start3A_348 : memref<1x1x128xi32, #tpu.memory_space<vmem>> -> memref<128xi32, #tpu.memory_space<vmem>>
      %dma_start3A_350 = arith.constant 0 : i32
      %dma_start3A_351 = arith.constant 0 : i32
      %dma_start3A_352 = tpu.memref_slice %arg2[%dma_start3A_350, %dma_start3A_351] : memref<102400x32xf32, #tpu.memory_space<hbm>> -> memref<102400x32xf32, #tpu.memory_space<hbm>>
      tpu.enqueue_indirect_dma source(%dma_start3A_352 : memref<102400x32xf32, #tpu.memory_space<hbm>>) target(%arg11 : memref<128x32xf32, #tpu.memory_space<vmem>>) offsets(%dma_start3A_349 : memref<128xi32, #tpu.memory_space<vmem>>) semaphore(%arg16 : memref<!tpu.dma_semaphore, #tpu.memory_space<semaphore_mem>>)
      %dma_wait3A_353 = arith.constant 8 : i32
      %dma_wait3A_354 = arith.constant 0 : i32
      %dma_wait3A_355 = tpu.memref_slice %arg6[%rem3A_91, %dma_wait3A_353, %dma_wait3A_354] : memref<2x16x128xi32, #tpu.memory_space<vmem>> -> memref<1x1x128xi32, #tpu.memory_space<vmem>>
      %dma_wait3A_356 = tpu.memref_squeeze %dma_wait3A_355 : memref<1x1x128xi32, #tpu.memory_space<vmem>> -> memref<128xi32, #tpu.memory_space<vmem>>
      %dma_wait3A_357 = arith.constant 0 : i32
      %dma_wait3A_358 = arith.constant 0 : i32
      %dma_wait3A_359 = tpu.memref_slice %arg2[%dma_wait3A_357, %dma_wait3A_358] : memref<102400x32xf32, #tpu.memory_space<hbm>> -> memref<102400x32xf32, #tpu.memory_space<hbm>>
      tpu.wait_indirect_dma semaphore(%arg13 : memref<!tpu.dma_semaphore, #tpu.memory_space<semaphore_mem>>) src(%dma_wait3A_359 : memref<102400x32xf32, #tpu.memory_space<hbm>>) dst(%arg8 : memref<128x32xf32, #tpu.memory_space<vmem>>)
      %dma_start3A_360 = arith.constant 8 : i32
      %dma_start3A_361 = arith.constant 0 : i32
      %dma_start3A_362 = tpu.memref_slice %arg7[%rem3A_91, %dma_start3A_360, %dma_start3A_361] : memref<2x16x128xi32, #tpu.memory_space<vmem>> -> memref<1x1x128xi32, #tpu.memory_space<vmem>>
      %dma_start3A_363 = tpu.memref_squeeze %dma_start3A_362 : memref<1x1x128xi32, #tpu.memory_space<vmem>> -> memref<128xi32, #tpu.memory_space<vmem>>
      %dma_start3A_364 = arith.constant 0 : i32
      %dma_start3A_365 = arith.constant 0 : i32
      %dma_start3A_366 = tpu.memref_slice %arg12[%dma_start3A_364, %dma_start3A_365] : memref<50048x32xf32, #tpu.memory_space<vmem_shared>> -> memref<50048x32xf32, #tpu.memory_space<vmem_shared>>
      tpu.enqueue_indirect_dma source(%arg8 : memref<128x32xf32, #tpu.memory_space<vmem>>) target(%dma_start3A_366 : memref<50048x32xf32, #tpu.memory_space<vmem_shared>>) offsets(%dma_start3A_363 : memref<128xi32, #tpu.memory_space<vmem>>) semaphore(%arg17 : memref<!tpu.dma_semaphore, #tpu.memory_space<semaphore_mem>>) {add = true}
      %dma_wait3A_367 = arith.constant 9 : i32
      %dma_wait3A_368 = arith.constant 0 : i32
      %dma_wait3A_369 = tpu.memref_slice %arg7[%rem3A_91, %dma_wait3A_367, %dma_wait3A_368] : memref<2x16x128xi32, #tpu.memory_space<vmem>> -> memref<1x1x128xi32, #tpu.memory_space<vmem>>
      %dma_wait3A_370 = tpu.memref_squeeze %dma_wait3A_369 : memref<1x1x128xi32, #tpu.memory_space<vmem>> -> memref<128xi32, #tpu.memory_space<vmem>>
      %dma_wait3A_371 = arith.constant 0 : i32
      %dma_wait3A_372 = arith.constant 0 : i32
      %dma_wait3A_373 = tpu.memref_slice %arg12[%dma_wait3A_371, %dma_wait3A_372] : memref<50048x32xf32, #tpu.memory_space<vmem_shared>> -> memref<50048x32xf32, #tpu.memory_space<vmem_shared>>
      tpu.wait_indirect_dma semaphore(%arg17 : memref<!tpu.dma_semaphore, #tpu.memory_space<semaphore_mem>>) src(%arg8 : memref<128x32xf32, #tpu.memory_space<vmem>>) dst(%dma_wait3A_373 : memref<50048x32xf32, #tpu.memory_space<vmem_shared>>)
      %dma_start3A_374 = arith.constant 12 : i32
      %dma_start3A_375 = arith.constant 0 : i32
      %dma_start3A_376 = tpu.memref_slice %arg6[%rem3A_91, %dma_start3A_374, %dma_start3A_375] : memref<2x16x128xi32, #tpu.memory_space<vmem>> -> memref<1x1x128xi32, #tpu.memory_space<vmem>>
      %dma_start3A_377 = tpu.memref_squeeze %dma_start3A_376 : memref<1x1x128xi32, #tpu.memory_space<vmem>> -> memref<128xi32, #tpu.memory_space<vmem>>
      %dma_start3A_378 = arith.constant 0 : i32
      %dma_start3A_379 = arith.constant 0 : i32
      %dma_start3A_380 = tpu.memref_slice %arg2[%dma_start3A_378, %dma_start3A_379] : memref<102400x32xf32, #tpu.memory_space<hbm>> -> memref<102400x32xf32, #tpu.memory_space<hbm>>
      tpu.enqueue_indirect_dma source(%dma_start3A_380 : memref<102400x32xf32, #tpu.memory_space<hbm>>) target(%arg8 : memref<128x32xf32, #tpu.memory_space<vmem>>) offsets(%dma_start3A_377 : memref<128xi32, #tpu.memory_space<vmem>>) semaphore(%arg13 : memref<!tpu.dma_semaphore, #tpu.memory_space<semaphore_mem>>)
      %dma_wait3A_381 = arith.constant 9 : i32
      %dma_wait3A_382 = arith.constant 0 : i32
      %dma_wait3A_383 = tpu.memref_slice %arg6[%rem3A_91, %dma_wait3A_381, %dma_wait3A_382] : memref<2x16x128xi32, #tpu.memory_space<vmem>> -> memref<1x1x128xi32, #tpu.memory_space<vmem>>
      %dma_wait3A_384 = tpu.memref_squeeze %dma_wait3A_383 : memref<1x1x128xi32, #tpu.memory_space<vmem>> -> memref<128xi32, #tpu.memory_space<vmem>>
      %dma_wait3A_385 = arith.constant 0 : i32
      %dma_wait3A_386 = arith.constant 0 : i32
      %dma_wait3A_387 = tpu.memref_slice %arg2[%dma_wait3A_385, %dma_wait3A_386] : memref<102400x32xf32, #tpu.memory_space<hbm>> -> memref<102400x32xf32, #tpu.memory_space<hbm>>
      tpu.wait_indirect_dma semaphore(%arg14 : memref<!tpu.dma_semaphore, #tpu.memory_space<semaphore_mem>>) src(%dma_wait3A_387 : memref<102400x32xf32, #tpu.memory_space<hbm>>) dst(%arg9 : memref<128x32xf32, #tpu.memory_space<vmem>>)
      %dma_start3A_388 = arith.constant 9 : i32
      %dma_start3A_389 = arith.constant 0 : i32
      %dma_start3A_390 = tpu.memref_slice %arg7[%rem3A_91, %dma_start3A_388, %dma_start3A_389] : memref<2x16x128xi32, #tpu.memory_space<vmem>> -> memref<1x1x128xi32, #tpu.memory_space<vmem>>
      %dma_start3A_391 = tpu.memref_squeeze %dma_start3A_390 : memref<1x1x128xi32, #tpu.memory_space<vmem>> -> memref<128xi32, #tpu.memory_space<vmem>>
      %dma_start3A_392 = arith.constant 0 : i32
      %dma_start3A_393 = arith.constant 0 : i32
      %dma_start3A_394 = tpu.memref_slice %arg12[%dma_start3A_392, %dma_start3A_393] : memref<50048x32xf32, #tpu.memory_space<vmem_shared>> -> memref<50048x32xf32, #tpu.memory_space<vmem_shared>>
      tpu.enqueue_indirect_dma source(%arg9 : memref<128x32xf32, #tpu.memory_space<vmem>>) target(%dma_start3A_394 : memref<50048x32xf32, #tpu.memory_space<vmem_shared>>) offsets(%dma_start3A_391 : memref<128xi32, #tpu.memory_space<vmem>>) semaphore(%arg18 : memref<!tpu.dma_semaphore, #tpu.memory_space<semaphore_mem>>) {add = true}
      %dma_wait3A_395 = arith.constant 10 : i32
      %dma_wait3A_396 = arith.constant 0 : i32
      %dma_wait3A_397 = tpu.memref_slice %arg7[%rem3A_91, %dma_wait3A_395, %dma_wait3A_396] : memref<2x16x128xi32, #tpu.memory_space<vmem>> -> memref<1x1x128xi32, #tpu.memory_space<vmem>>
      %dma_wait3A_398 = tpu.memref_squeeze %dma_wait3A_397 : memref<1x1x128xi32, #tpu.memory_space<vmem>> -> memref<128xi32, #tpu.memory_space<vmem>>
      %dma_wait3A_399 = arith.constant 0 : i32
      %dma_wait3A_400 = arith.constant 0 : i32
      %dma_wait3A_401 = tpu.memref_slice %arg12[%dma_wait3A_399, %dma_wait3A_400] : memref<50048x32xf32, #tpu.memory_space<vmem_shared>> -> memref<50048x32xf32, #tpu.memory_space<vmem_shared>>
      tpu.wait_indirect_dma semaphore(%arg18 : memref<!tpu.dma_semaphore, #tpu.memory_space<semaphore_mem>>) src(%arg9 : memref<128x32xf32, #tpu.memory_space<vmem>>) dst(%dma_wait3A_401 : memref<50048x32xf32, #tpu.memory_space<vmem_shared>>)
      %dma_start3A_402 = arith.constant 13 : i32
      %dma_start3A_403 = arith.constant 0 : i32
      %dma_start3A_404 = tpu.memref_slice %arg6[%rem3A_91, %dma_start3A_402, %dma_start3A_403] : memref<2x16x128xi32, #tpu.memory_space<vmem>> -> memref<1x1x128xi32, #tpu.memory_space<vmem>>
      %dma_start3A_405 = tpu.memref_squeeze %dma_start3A_404 : memref<1x1x128xi32, #tpu.memory_space<vmem>> -> memref<128xi32, #tpu.memory_space<vmem>>
      %dma_start3A_406 = arith.constant 0 : i32
      %dma_start3A_407 = arith.constant 0 : i32
      %dma_start3A_408 = tpu.memref_slice %arg2[%dma_start3A_406, %dma_start3A_407] : memref<102400x32xf32, #tpu.memory_space<hbm>> -> memref<102400x32xf32, #tpu.memory_space<hbm>>
      tpu.enqueue_indirect_dma source(%dma_start3A_408 : memref<102400x32xf32, #tpu.memory_space<hbm>>) target(%arg9 : memref<128x32xf32, #tpu.memory_space<vmem>>) offsets(%dma_start3A_405 : memref<128xi32, #tpu.memory_space<vmem>>) semaphore(%arg14 : memref<!tpu.dma_semaphore, #tpu.memory_space<semaphore_mem>>)
      %dma_wait3A_409 = arith.constant 10 : i32
      %dma_wait3A_410 = arith.constant 0 : i32
      %dma_wait3A_411 = tpu.memref_slice %arg6[%rem3A_91, %dma_wait3A_409, %dma_wait3A_410] : memref<2x16x128xi32, #tpu.memory_space<vmem>> -> memref<1x1x128xi32, #tpu.memory_space<vmem>>
      %dma_wait3A_412 = tpu.memref_squeeze %dma_wait3A_411 : memref<1x1x128xi32, #tpu.memory_space<vmem>> -> memref<128xi32, #tpu.memory_space<vmem>>
      %dma_wait3A_413 = arith.constant 0 : i32
      %dma_wait3A_414 = arith.constant 0 : i32
      %dma_wait3A_415 = tpu.memref_slice %arg2[%dma_wait3A_413, %dma_wait3A_414] : memref<102400x32xf32, #tpu.memory_space<hbm>> -> memref<102400x32xf32, #tpu.memory_space<hbm>>
      tpu.wait_indirect_dma semaphore(%arg15 : memref<!tpu.dma_semaphore, #tpu.memory_space<semaphore_mem>>) src(%dma_wait3A_415 : memref<102400x32xf32, #tpu.memory_space<hbm>>) dst(%arg10 : memref<128x32xf32, #tpu.memory_space<vmem>>)
      %dma_start3A_416 = arith.constant 10 : i32
      %dma_start3A_417 = arith.constant 0 : i32
      %dma_start3A_418 = tpu.memref_slice %arg7[%rem3A_91, %dma_start3A_416, %dma_start3A_417] : memref<2x16x128xi32, #tpu.memory_space<vmem>> -> memref<1x1x128xi32, #tpu.memory_space<vmem>>
      %dma_start3A_419 = tpu.memref_squeeze %dma_start3A_418 : memref<1x1x128xi32, #tpu.memory_space<vmem>> -> memref<128xi32, #tpu.memory_space<vmem>>
      %dma_start3A_420 = arith.constant 0 : i32
      %dma_start3A_421 = arith.constant 0 : i32
      %dma_start3A_422 = tpu.memref_slice %arg12[%dma_start3A_420, %dma_start3A_421] : memref<50048x32xf32, #tpu.memory_space<vmem_shared>> -> memref<50048x32xf32, #tpu.memory_space<vmem_shared>>
      tpu.enqueue_indirect_dma source(%arg10 : memref<128x32xf32, #tpu.memory_space<vmem>>) target(%dma_start3A_422 : memref<50048x32xf32, #tpu.memory_space<vmem_shared>>) offsets(%dma_start3A_419 : memref<128xi32, #tpu.memory_space<vmem>>) semaphore(%arg19 : memref<!tpu.dma_semaphore, #tpu.memory_space<semaphore_mem>>) {add = true}
      %dma_wait3A_423 = arith.constant 11 : i32
      %dma_wait3A_424 = arith.constant 0 : i32
      %dma_wait3A_425 = tpu.memref_slice %arg7[%rem3A_91, %dma_wait3A_423, %dma_wait3A_424] : memref<2x16x128xi32, #tpu.memory_space<vmem>> -> memref<1x1x128xi32, #tpu.memory_space<vmem>>
      %dma_wait3A_426 = tpu.memref_squeeze %dma_wait3A_425 : memref<1x1x128xi32, #tpu.memory_space<vmem>> -> memref<128xi32, #tpu.memory_space<vmem>>
      %dma_wait3A_427 = arith.constant 0 : i32
      %dma_wait3A_428 = arith.constant 0 : i32
      %dma_wait3A_429 = tpu.memref_slice %arg12[%dma_wait3A_427, %dma_wait3A_428] : memref<50048x32xf32, #tpu.memory_space<vmem_shared>> -> memref<50048x32xf32, #tpu.memory_space<vmem_shared>>
      tpu.wait_indirect_dma semaphore(%arg19 : memref<!tpu.dma_semaphore, #tpu.memory_space<semaphore_mem>>) src(%arg10 : memref<128x32xf32, #tpu.memory_space<vmem>>) dst(%dma_wait3A_429 : memref<50048x32xf32, #tpu.memory_space<vmem_shared>>)
      %dma_start3A_430 = arith.constant 14 : i32
      %dma_start3A_431 = arith.constant 0 : i32
      %dma_start3A_432 = tpu.memref_slice %arg6[%rem3A_91, %dma_start3A_430, %dma_start3A_431] : memref<2x16x128xi32, #tpu.memory_space<vmem>> -> memref<1x1x128xi32, #tpu.memory_space<vmem>>
      %dma_start3A_433 = tpu.memref_squeeze %dma_start3A_432 : memref<1x1x128xi32, #tpu.memory_space<vmem>> -> memref<128xi32, #tpu.memory_space<vmem>>
      %dma_start3A_434 = arith.constant 0 : i32
      %dma_start3A_435 = arith.constant 0 : i32
      %dma_start3A_436 = tpu.memref_slice %arg2[%dma_start3A_434, %dma_start3A_435] : memref<102400x32xf32, #tpu.memory_space<hbm>> -> memref<102400x32xf32, #tpu.memory_space<hbm>>
      tpu.enqueue_indirect_dma source(%dma_start3A_436 : memref<102400x32xf32, #tpu.memory_space<hbm>>) target(%arg10 : memref<128x32xf32, #tpu.memory_space<vmem>>) offsets(%dma_start3A_433 : memref<128xi32, #tpu.memory_space<vmem>>) semaphore(%arg15 : memref<!tpu.dma_semaphore, #tpu.memory_space<semaphore_mem>>)
      %dma_wait3A_437 = arith.constant 11 : i32
      %dma_wait3A_438 = arith.constant 0 : i32
      %dma_wait3A_439 = tpu.memref_slice %arg6[%rem3A_91, %dma_wait3A_437, %dma_wait3A_438] : memref<2x16x128xi32, #tpu.memory_space<vmem>> -> memref<1x1x128xi32, #tpu.memory_space<vmem>>
      %dma_wait3A_440 = tpu.memref_squeeze %dma_wait3A_439 : memref<1x1x128xi32, #tpu.memory_space<vmem>> -> memref<128xi32, #tpu.memory_space<vmem>>
      %dma_wait3A_441 = arith.constant 0 : i32
      %dma_wait3A_442 = arith.constant 0 : i32
      %dma_wait3A_443 = tpu.memref_slice %arg2[%dma_wait3A_441, %dma_wait3A_442] : memref<102400x32xf32, #tpu.memory_space<hbm>> -> memref<102400x32xf32, #tpu.memory_space<hbm>>
      tpu.wait_indirect_dma semaphore(%arg16 : memref<!tpu.dma_semaphore, #tpu.memory_space<semaphore_mem>>) src(%dma_wait3A_443 : memref<102400x32xf32, #tpu.memory_space<hbm>>) dst(%arg11 : memref<128x32xf32, #tpu.memory_space<vmem>>)
      %dma_start3A_444 = arith.constant 11 : i32
      %dma_start3A_445 = arith.constant 0 : i32
      %dma_start3A_446 = tpu.memref_slice %arg7[%rem3A_91, %dma_start3A_444, %dma_start3A_445] : memref<2x16x128xi32, #tpu.memory_space<vmem>> -> memref<1x1x128xi32, #tpu.memory_space<vmem>>
      %dma_start3A_447 = tpu.memref_squeeze %dma_start3A_446 : memref<1x1x128xi32, #tpu.memory_space<vmem>> -> memref<128xi32, #tpu.memory_space<vmem>>
      %dma_start3A_448 = arith.constant 0 : i32
      %dma_start3A_449 = arith.constant 0 : i32
      %dma_start3A_450 = tpu.memref_slice %arg12[%dma_start3A_448, %dma_start3A_449] : memref<50048x32xf32, #tpu.memory_space<vmem_shared>> -> memref<50048x32xf32, #tpu.memory_space<vmem_shared>>
      tpu.enqueue_indirect_dma source(%arg11 : memref<128x32xf32, #tpu.memory_space<vmem>>) target(%dma_start3A_450 : memref<50048x32xf32, #tpu.memory_space<vmem_shared>>) offsets(%dma_start3A_447 : memref<128xi32, #tpu.memory_space<vmem>>) semaphore(%arg20 : memref<!tpu.dma_semaphore, #tpu.memory_space<semaphore_mem>>) {add = true}
      %dma_wait3A_451 = arith.constant 12 : i32
      %dma_wait3A_452 = arith.constant 0 : i32
      %dma_wait3A_453 = tpu.memref_slice %arg7[%rem3A_91, %dma_wait3A_451, %dma_wait3A_452] : memref<2x16x128xi32, #tpu.memory_space<vmem>> -> memref<1x1x128xi32, #tpu.memory_space<vmem>>
      %dma_wait3A_454 = tpu.memref_squeeze %dma_wait3A_453 : memref<1x1x128xi32, #tpu.memory_space<vmem>> -> memref<128xi32, #tpu.memory_space<vmem>>
      %dma_wait3A_455 = arith.constant 0 : i32
      %dma_wait3A_456 = arith.constant 0 : i32
      %dma_wait3A_457 = tpu.memref_slice %arg12[%dma_wait3A_455, %dma_wait3A_456] : memref<50048x32xf32, #tpu.memory_space<vmem_shared>> -> memref<50048x32xf32, #tpu.memory_space<vmem_shared>>
      tpu.wait_indirect_dma semaphore(%arg20 : memref<!tpu.dma_semaphore, #tpu.memory_space<semaphore_mem>>) src(%arg11 : memref<128x32xf32, #tpu.memory_space<vmem>>) dst(%dma_wait3A_457 : memref<50048x32xf32, #tpu.memory_space<vmem_shared>>)
      %dma_start3A_458 = arith.constant 15 : i32
      %dma_start3A_459 = arith.constant 0 : i32
      %dma_start3A_460 = tpu.memref_slice %arg6[%rem3A_91, %dma_start3A_458, %dma_start3A_459] : memref<2x16x128xi32, #tpu.memory_space<vmem>> -> memref<1x1x128xi32, #tpu.memory_space<vmem>>
      %dma_start3A_461 = tpu.memref_squeeze %dma_start3A_460 : memref<1x1x128xi32, #tpu.memory_space<vmem>> -> memref<128xi32, #tpu.memory_space<vmem>>
      %dma_start3A_462 = arith.constant 0 : i32
      %dma_start3A_463 = arith.constant 0 : i32
      %dma_start3A_464 = tpu.memref_slice %arg2[%dma_start3A_462, %dma_start3A_463] : memref<102400x32xf32, #tpu.memory_space<hbm>> -> memref<102400x32xf32, #tpu.memory_space<hbm>>
      tpu.enqueue_indirect_dma source(%dma_start3A_464 : memref<102400x32xf32, #tpu.memory_space<hbm>>) target(%arg11 : memref<128x32xf32, #tpu.memory_space<vmem>>) offsets(%dma_start3A_461 : memref<128xi32, #tpu.memory_space<vmem>>) semaphore(%arg16 : memref<!tpu.dma_semaphore, #tpu.memory_space<semaphore_mem>>)
      %dma_wait3A_465 = arith.constant 12 : i32
      %dma_wait3A_466 = arith.constant 0 : i32
      %dma_wait3A_467 = tpu.memref_slice %arg6[%rem3A_91, %dma_wait3A_465, %dma_wait3A_466] : memref<2x16x128xi32, #tpu.memory_space<vmem>> -> memref<1x1x128xi32, #tpu.memory_space<vmem>>
      %dma_wait3A_468 = tpu.memref_squeeze %dma_wait3A_467 : memref<1x1x128xi32, #tpu.memory_space<vmem>> -> memref<128xi32, #tpu.memory_space<vmem>>
      %dma_wait3A_469 = arith.constant 0 : i32
      %dma_wait3A_470 = arith.constant 0 : i32
      %dma_wait3A_471 = tpu.memref_slice %arg2[%dma_wait3A_469, %dma_wait3A_470] : memref<102400x32xf32, #tpu.memory_space<hbm>> -> memref<102400x32xf32, #tpu.memory_space<hbm>>
      tpu.wait_indirect_dma semaphore(%arg13 : memref<!tpu.dma_semaphore, #tpu.memory_space<semaphore_mem>>) src(%dma_wait3A_471 : memref<102400x32xf32, #tpu.memory_space<hbm>>) dst(%arg8 : memref<128x32xf32, #tpu.memory_space<vmem>>)
      %dma_start3A_472 = arith.constant 12 : i32
      %dma_start3A_473 = arith.constant 0 : i32
      %dma_start3A_474 = tpu.memref_slice %arg7[%rem3A_91, %dma_start3A_472, %dma_start3A_473] : memref<2x16x128xi32, #tpu.memory_space<vmem>> -> memref<1x1x128xi32, #tpu.memory_space<vmem>>
      %dma_start3A_475 = tpu.memref_squeeze %dma_start3A_474 : memref<1x1x128xi32, #tpu.memory_space<vmem>> -> memref<128xi32, #tpu.memory_space<vmem>>
      %dma_start3A_476 = arith.constant 0 : i32
      %dma_start3A_477 = arith.constant 0 : i32
      %dma_start3A_478 = tpu.memref_slice %arg12[%dma_start3A_476, %dma_start3A_477] : memref<50048x32xf32, #tpu.memory_space<vmem_shared>> -> memref<50048x32xf32, #tpu.memory_space<vmem_shared>>
      tpu.enqueue_indirect_dma source(%arg8 : memref<128x32xf32, #tpu.memory_space<vmem>>) target(%dma_start3A_478 : memref<50048x32xf32, #tpu.memory_space<vmem_shared>>) offsets(%dma_start3A_475 : memref<128xi32, #tpu.memory_space<vmem>>) semaphore(%arg17 : memref<!tpu.dma_semaphore, #tpu.memory_space<semaphore_mem>>) {add = true}
      %dma_wait3A_479 = arith.constant 13 : i32
      %dma_wait3A_480 = arith.constant 0 : i32
      %dma_wait3A_481 = tpu.memref_slice %arg7[%rem3A_91, %dma_wait3A_479, %dma_wait3A_480] : memref<2x16x128xi32, #tpu.memory_space<vmem>> -> memref<1x1x128xi32, #tpu.memory_space<vmem>>
      %dma_wait3A_482 = tpu.memref_squeeze %dma_wait3A_481 : memref<1x1x128xi32, #tpu.memory_space<vmem>> -> memref<128xi32, #tpu.memory_space<vmem>>
      %dma_wait3A_483 = arith.constant 0 : i32
      %dma_wait3A_484 = arith.constant 0 : i32
      %dma_wait3A_485 = tpu.memref_slice %arg12[%dma_wait3A_483, %dma_wait3A_484] : memref<50048x32xf32, #tpu.memory_space<vmem_shared>> -> memref<50048x32xf32, #tpu.memory_space<vmem_shared>>
      tpu.wait_indirect_dma semaphore(%arg17 : memref<!tpu.dma_semaphore, #tpu.memory_space<semaphore_mem>>) src(%arg8 : memref<128x32xf32, #tpu.memory_space<vmem>>) dst(%dma_wait3A_485 : memref<50048x32xf32, #tpu.memory_space<vmem_shared>>)
      %dma_wait3A_486 = arith.constant 13 : i32
      %dma_wait3A_487 = arith.constant 0 : i32
      %dma_wait3A_488 = tpu.memref_slice %arg6[%rem3A_91, %dma_wait3A_486, %dma_wait3A_487] : memref<2x16x128xi32, #tpu.memory_space<vmem>> -> memref<1x1x128xi32, #tpu.memory_space<vmem>>
      %dma_wait3A_489 = tpu.memref_squeeze %dma_wait3A_488 : memref<1x1x128xi32, #tpu.memory_space<vmem>> -> memref<128xi32, #tpu.memory_space<vmem>>
      %dma_wait3A_490 = arith.constant 0 : i32
      %dma_wait3A_491 = arith.constant 0 : i32
      %dma_wait3A_492 = tpu.memref_slice %arg2[%dma_wait3A_490, %dma_wait3A_491] : memref<102400x32xf32, #tpu.memory_space<hbm>> -> memref<102400x32xf32, #tpu.memory_space<hbm>>
      tpu.wait_indirect_dma semaphore(%arg14 : memref<!tpu.dma_semaphore, #tpu.memory_space<semaphore_mem>>) src(%dma_wait3A_492 : memref<102400x32xf32, #tpu.memory_space<hbm>>) dst(%arg9 : memref<128x32xf32, #tpu.memory_space<vmem>>)
      %dma_start3A_493 = arith.constant 13 : i32
      %dma_start3A_494 = arith.constant 0 : i32
      %dma_start3A_495 = tpu.memref_slice %arg7[%rem3A_91, %dma_start3A_493, %dma_start3A_494] : memref<2x16x128xi32, #tpu.memory_space<vmem>> -> memref<1x1x128xi32, #tpu.memory_space<vmem>>
      %dma_start3A_496 = tpu.memref_squeeze %dma_start3A_495 : memref<1x1x128xi32, #tpu.memory_space<vmem>> -> memref<128xi32, #tpu.memory_space<vmem>>
      %dma_start3A_497 = arith.constant 0 : i32
      %dma_start3A_498 = arith.constant 0 : i32
      %dma_start3A_499 = tpu.memref_slice %arg12[%dma_start3A_497, %dma_start3A_498] : memref<50048x32xf32, #tpu.memory_space<vmem_shared>> -> memref<50048x32xf32, #tpu.memory_space<vmem_shared>>
      tpu.enqueue_indirect_dma source(%arg9 : memref<128x32xf32, #tpu.memory_space<vmem>>) target(%dma_start3A_499 : memref<50048x32xf32, #tpu.memory_space<vmem_shared>>) offsets(%dma_start3A_496 : memref<128xi32, #tpu.memory_space<vmem>>) semaphore(%arg18 : memref<!tpu.dma_semaphore, #tpu.memory_space<semaphore_mem>>) {add = true}
      %dma_wait3A_500 = arith.constant 14 : i32
      %dma_wait3A_501 = arith.constant 0 : i32
      %dma_wait3A_502 = tpu.memref_slice %arg7[%rem3A_91, %dma_wait3A_500, %dma_wait3A_501] : memref<2x16x128xi32, #tpu.memory_space<vmem>> -> memref<1x1x128xi32, #tpu.memory_space<vmem>>
      %dma_wait3A_503 = tpu.memref_squeeze %dma_wait3A_502 : memref<1x1x128xi32, #tpu.memory_space<vmem>> -> memref<128xi32, #tpu.memory_space<vmem>>
      %dma_wait3A_504 = arith.constant 0 : i32
      %dma_wait3A_505 = arith.constant 0 : i32
      %dma_wait3A_506 = tpu.memref_slice %arg12[%dma_wait3A_504, %dma_wait3A_505] : memref<50048x32xf32, #tpu.memory_space<vmem_shared>> -> memref<50048x32xf32, #tpu.memory_space<vmem_shared>>
      tpu.wait_indirect_dma semaphore(%arg18 : memref<!tpu.dma_semaphore, #tpu.memory_space<semaphore_mem>>) src(%arg9 : memref<128x32xf32, #tpu.memory_space<vmem>>) dst(%dma_wait3A_506 : memref<50048x32xf32, #tpu.memory_space<vmem_shared>>)
      %dma_wait3A_507 = arith.constant 14 : i32
      %dma_wait3A_508 = arith.constant 0 : i32
      %dma_wait3A_509 = tpu.memref_slice %arg6[%rem3A_91, %dma_wait3A_507, %dma_wait3A_508] : memref<2x16x128xi32, #tpu.memory_space<vmem>> -> memref<1x1x128xi32, #tpu.memory_space<vmem>>
      %dma_wait3A_510 = tpu.memref_squeeze %dma_wait3A_509 : memref<1x1x128xi32, #tpu.memory_space<vmem>> -> memref<128xi32, #tpu.memory_space<vmem>>
      %dma_wait3A_511 = arith.constant 0 : i32
      %dma_wait3A_512 = arith.constant 0 : i32
      %dma_wait3A_513 = tpu.memref_slice %arg2[%dma_wait3A_511, %dma_wait3A_512] : memref<102400x32xf32, #tpu.memory_space<hbm>> -> memref<102400x32xf32, #tpu.memory_space<hbm>>
      tpu.wait_indirect_dma semaphore(%arg15 : memref<!tpu.dma_semaphore, #tpu.memory_space<semaphore_mem>>) src(%dma_wait3A_513 : memref<102400x32xf32, #tpu.memory_space<hbm>>) dst(%arg10 : memref<128x32xf32, #tpu.memory_space<vmem>>)
      %dma_start3A_514 = arith.constant 14 : i32
      %dma_start3A_515 = arith.constant 0 : i32
      %dma_start3A_516 = tpu.memref_slice %arg7[%rem3A_91, %dma_start3A_514, %dma_start3A_515] : memref<2x16x128xi32, #tpu.memory_space<vmem>> -> memref<1x1x128xi32, #tpu.memory_space<vmem>>
      %dma_start3A_517 = tpu.memref_squeeze %dma_start3A_516 : memref<1x1x128xi32, #tpu.memory_space<vmem>> -> memref<128xi32, #tpu.memory_space<vmem>>
      %dma_start3A_518 = arith.constant 0 : i32
      %dma_start3A_519 = arith.constant 0 : i32
      %dma_start3A_520 = tpu.memref_slice %arg12[%dma_start3A_518, %dma_start3A_519] : memref<50048x32xf32, #tpu.memory_space<vmem_shared>> -> memref<50048x32xf32, #tpu.memory_space<vmem_shared>>
      tpu.enqueue_indirect_dma source(%arg10 : memref<128x32xf32, #tpu.memory_space<vmem>>) target(%dma_start3A_520 : memref<50048x32xf32, #tpu.memory_space<vmem_shared>>) offsets(%dma_start3A_517 : memref<128xi32, #tpu.memory_space<vmem>>) semaphore(%arg19 : memref<!tpu.dma_semaphore, #tpu.memory_space<semaphore_mem>>) {add = true}
      %dma_wait3A_521 = arith.constant 15 : i32
      %dma_wait3A_522 = arith.constant 0 : i32
      %dma_wait3A_523 = tpu.memref_slice %arg7[%rem3A_91, %dma_wait3A_521, %dma_wait3A_522] : memref<2x16x128xi32, #tpu.memory_space<vmem>> -> memref<1x1x128xi32, #tpu.memory_space<vmem>>
      %dma_wait3A_524 = tpu.memref_squeeze %dma_wait3A_523 : memref<1x1x128xi32, #tpu.memory_space<vmem>> -> memref<128xi32, #tpu.memory_space<vmem>>
      %dma_wait3A_525 = arith.constant 0 : i32
      %dma_wait3A_526 = arith.constant 0 : i32
      %dma_wait3A_527 = tpu.memref_slice %arg12[%dma_wait3A_525, %dma_wait3A_526] : memref<50048x32xf32, #tpu.memory_space<vmem_shared>> -> memref<50048x32xf32, #tpu.memory_space<vmem_shared>>
      tpu.wait_indirect_dma semaphore(%arg19 : memref<!tpu.dma_semaphore, #tpu.memory_space<semaphore_mem>>) src(%arg10 : memref<128x32xf32, #tpu.memory_space<vmem>>) dst(%dma_wait3A_527 : memref<50048x32xf32, #tpu.memory_space<vmem_shared>>)
      %dma_wait3A_528 = arith.constant 15 : i32
      %dma_wait3A_529 = arith.constant 0 : i32
      %dma_wait3A_530 = tpu.memref_slice %arg6[%rem3A_91, %dma_wait3A_528, %dma_wait3A_529] : memref<2x16x128xi32, #tpu.memory_space<vmem>> -> memref<1x1x128xi32, #tpu.memory_space<vmem>>
      %dma_wait3A_531 = tpu.memref_squeeze %dma_wait3A_530 : memref<1x1x128xi32, #tpu.memory_space<vmem>> -> memref<128xi32, #tpu.memory_space<vmem>>
      %dma_wait3A_532 = arith.constant 0 : i32
      %dma_wait3A_533 = arith.constant 0 : i32
      %dma_wait3A_534 = tpu.memref_slice %arg2[%dma_wait3A_532, %dma_wait3A_533] : memref<102400x32xf32, #tpu.memory_space<hbm>> -> memref<102400x32xf32, #tpu.memory_space<hbm>>
      tpu.wait_indirect_dma semaphore(%arg16 : memref<!tpu.dma_semaphore, #tpu.memory_space<semaphore_mem>>) src(%dma_wait3A_534 : memref<102400x32xf32, #tpu.memory_space<hbm>>) dst(%arg11 : memref<128x32xf32, #tpu.memory_space<vmem>>)
      %dma_start3A_535 = arith.constant 15 : i32
      %dma_start3A_536 = arith.constant 0 : i32
      %dma_start3A_537 = tpu.memref_slice %arg7[%rem3A_91, %dma_start3A_535, %dma_start3A_536] : memref<2x16x128xi32, #tpu.memory_space<vmem>> -> memref<1x1x128xi32, #tpu.memory_space<vmem>>
      %dma_start3A_538 = tpu.memref_squeeze %dma_start3A_537 : memref<1x1x128xi32, #tpu.memory_space<vmem>> -> memref<128xi32, #tpu.memory_space<vmem>>
      %dma_start3A_539 = arith.constant 0 : i32
      %dma_start3A_540 = arith.constant 0 : i32
      %dma_start3A_541 = tpu.memref_slice %arg12[%dma_start3A_539, %dma_start3A_540] : memref<50048x32xf32, #tpu.memory_space<vmem_shared>> -> memref<50048x32xf32, #tpu.memory_space<vmem_shared>>
      tpu.enqueue_indirect_dma source(%arg11 : memref<128x32xf32, #tpu.memory_space<vmem>>) target(%dma_start3A_541 : memref<50048x32xf32, #tpu.memory_space<vmem_shared>>) offsets(%dma_start3A_538 : memref<128xi32, #tpu.memory_space<vmem>>) semaphore(%arg20 : memref<!tpu.dma_semaphore, #tpu.memory_space<semaphore_mem>>) {add = true}
      %dma_wait3A_542 = arith.constant 15 : i32
      %dma_wait3A_543 = arith.constant 0 : i32
      %dma_wait3A_544 = tpu.memref_slice %arg7[%rem3A_91, %dma_wait3A_542, %dma_wait3A_543] : memref<2x16x128xi32, #tpu.memory_space<vmem>> -> memref<1x1x128xi32, #tpu.memory_space<vmem>>
      %dma_wait3A_545 = tpu.memref_squeeze %dma_wait3A_544 : memref<1x1x128xi32, #tpu.memory_space<vmem>> -> memref<128xi32, #tpu.memory_space<vmem>>
      %dma_wait3A_546 = arith.constant 0 : i32
      %dma_wait3A_547 = arith.constant 0 : i32
      %dma_wait3A_548 = tpu.memref_slice %arg12[%dma_wait3A_546, %dma_wait3A_547] : memref<50048x32xf32, #tpu.memory_space<vmem_shared>> -> memref<50048x32xf32, #tpu.memory_space<vmem_shared>>
      tpu.wait_indirect_dma semaphore(%arg20 : memref<!tpu.dma_semaphore, #tpu.memory_space<semaphore_mem>>) src(%arg11 : memref<128x32xf32, #tpu.memory_space<vmem>>) dst(%dma_wait3A_548 : memref<50048x32xf32, #tpu.memory_space<vmem_shared>>)
      %scan3A_549 = arith.constant 0 : i32
      scf.yield %scan3A_549 : i32
    }
    %scan3A_77 = arith.constant 25 : i32
    %barrier3A_78 = arith.constant 0 : index
    tpu.barrier barrier_id(%barrier3A_78)
    %lt3A_79 = arith.constant 15 : i32
    %lt3A_80 = arith.cmpi slt, %arg1, %lt3A_79 : i32
    %convert_element_type3A_81 = arith.extui %lt3A_80 : i1 to i32
    %cond3A_82 = arith.constant 0 : i32
    %cond3A_83 = arith.cmpi ne, %convert_element_type3A_81, %cond3A_82 : i32
    scf.if %cond3A_83 {
      %mul3A = arith.constant 3128 : i32
      %mul3A_89 = arith.muli %arg1, %mul3A : i32
      %dma_start3A_90 = arith.constant 0 : i32
      %dma_start3A_91 = tpu.memref_slice %arg5[%arg0, %mul3A_89, %dma_start3A_90] : memref<2x51200x32xf32, #tpu.memory_space<hbm>> -> memref<1x3128x32xf32, #tpu.memory_space<hbm>>
      %dma_start3A_92 = tpu.memref_squeeze %dma_start3A_91 : memref<1x3128x32xf32, #tpu.memory_space<hbm>> -> memref<3128x32xf32, #tpu.memory_space<hbm>>
      %dma_start3A_93 = arith.constant 0 : i32
      %dma_start3A_94 = tpu.memref_slice %arg12[%mul3A_89, %dma_start3A_93] : memref<50048x32xf32, #tpu.memory_space<vmem_shared>> -> memref<3128x32xf32, #tpu.memory_space<vmem_shared>>
      tpu.enqueue_dma source(%dma_start3A_94 : memref<3128x32xf32, #tpu.memory_space<vmem_shared>>) target(%dma_start3A_92 : memref<3128x32xf32, #tpu.memory_space<hbm>>) target_semaphore(%arg23 : memref<!tpu.dma_semaphore, #tpu.memory_space<semaphore_mem>>)
      %dma_wait3A_95 = arith.constant 0 : i32
      %dma_wait3A_96 = tpu.memref_slice %arg5[%arg0, %mul3A_89, %dma_wait3A_95] : memref<2x51200x32xf32, #tpu.memory_space<hbm>> -> memref<1x3128x32xf32, #tpu.memory_space<hbm>>
      %dma_wait3A_97 = tpu.memref_squeeze %dma_wait3A_96 : memref<1x3128x32xf32, #tpu.memory_space<hbm>> -> memref<3128x32xf32, #tpu.memory_space<hbm>>
      %dma_wait3A_98 = arith.constant 0 : i32
      %dma_wait3A_99 = tpu.memref_slice %arg12[%mul3A_89, %dma_wait3A_98] : memref<50048x32xf32, #tpu.memory_space<vmem_shared>> -> memref<3128x32xf32, #tpu.memory_space<vmem_shared>>
      tpu.wait_dma2 semaphore(%arg23 : memref<!tpu.dma_semaphore, #tpu.memory_space<semaphore_mem>>) src(%dma_wait3A_99 : memref<3128x32xf32, #tpu.memory_space<vmem_shared>>) dst(%dma_wait3A_97 : memref<3128x32xf32, #tpu.memory_space<hbm>>)
    } else {
    }
    %eq3A_84 = arith.constant 15 : i32
    %eq3A_85 = arith.cmpi eq, %arg1, %eq3A_84 : i32
    %convert_element_type3A_86 = arith.extui %eq3A_85 : i1 to i32
    %cond3A_87 = arith.constant 0 : i32
    %cond3A_88 = arith.cmpi ne, %convert_element_type3A_86, %cond3A_87 : i32
    scf.if %cond3A_88 {
      %dma_start3A_89 = arith.constant 46920 : i32
      %dma_start3A_90 = arith.constant 0 : i32
      %dma_start3A_91 = tpu.memref_slice %arg5[%arg0, %dma_start3A_89, %dma_start3A_90] : memref<2x51200x32xf32, #tpu.memory_space<hbm>> -> memref<1x3080x32xf32, #tpu.memory_space<hbm>>
      %dma_start3A_92 = tpu.memref_squeeze %dma_start3A_91 : memref<1x3080x32xf32, #tpu.memory_space<hbm>> -> memref<3080x32xf32, #tpu.memory_space<hbm>>
      %dma_start3A_93 = arith.constant 46920 : i32
      %dma_start3A_94 = arith.constant 0 : i32
      %dma_start3A_95 = tpu.memref_slice %arg12[%dma_start3A_93, %dma_start3A_94] : memref<50048x32xf32, #tpu.memory_space<vmem_shared>> -> memref<3080x32xf32, #tpu.memory_space<vmem_shared>>
      tpu.enqueue_dma source(%dma_start3A_95 : memref<3080x32xf32, #tpu.memory_space<vmem_shared>>) target(%dma_start3A_92 : memref<3080x32xf32, #tpu.memory_space<hbm>>) target_semaphore(%arg23 : memref<!tpu.dma_semaphore, #tpu.memory_space<semaphore_mem>>)
      %dma_wait3A_96 = arith.constant 46920 : i32
      %dma_wait3A_97 = arith.constant 0 : i32
      %dma_wait3A_98 = tpu.memref_slice %arg5[%arg0, %dma_wait3A_96, %dma_wait3A_97] : memref<2x51200x32xf32, #tpu.memory_space<hbm>> -> memref<1x3080x32xf32, #tpu.memory_space<hbm>>
      %dma_wait3A_99 = tpu.memref_squeeze %dma_wait3A_98 : memref<1x3080x32xf32, #tpu.memory_space<hbm>> -> memref<3080x32xf32, #tpu.memory_space<hbm>>
      %dma_wait3A_100 = arith.constant 46920 : i32
      %dma_wait3A_101 = arith.constant 0 : i32
      %dma_wait3A_102 = tpu.memref_slice %arg12[%dma_wait3A_100, %dma_wait3A_101] : memref<50048x32xf32, #tpu.memory_space<vmem_shared>> -> memref<3080x32xf32, #tpu.memory_space<vmem_shared>>
      tpu.wait_dma2 semaphore(%arg23 : memref<!tpu.dma_semaphore, #tpu.memory_space<semaphore_mem>>) src(%dma_wait3A_102 : memref<3080x32xf32, #tpu.memory_space<vmem_shared>>) dst(%dma_wait3A_99 : memref<3080x32xf32, #tpu.memory_space<hbm>>)
    } else {
    }
    return
  }
}

#map = affine_map<(d0, d1) -> (0, 0)>
#map1 = affine_map<(d0, d1) -> (0, 0, 0, 0)>
#map2 = affine_map<(d0, d1) -> (0, 0, 0)>
module attributes {stable_mosaic.version = 14 : i64} {
  func.func @_sc_agg(%arg0: i32, %arg1: i32, %arg2: memref<102400x32xf32, #tpu.memory_space<hbm>>, %arg3: memref<2x16x400x128xi32, #tpu.memory_space<hbm>>, %arg4: memref<16x400x128xi32, #tpu.memory_space<hbm>>, %arg5: memref<2x51200x32xf32, #tpu.memory_space<hbm>>, %arg6: memref<2x16x128xi32, #tpu.memory_space<vmem>>, %arg7: memref<2x16x128xi32, #tpu.memory_space<vmem>>, %arg8: memref<128x32xf32, #tpu.memory_space<vmem>>, %arg9: memref<128x32xf32, #tpu.memory_space<vmem>>, %arg10: memref<128x32xf32, #tpu.memory_space<vmem>>, %arg11: memref<128x32xf32, #tpu.memory_space<vmem>>, %arg12: memref<50048x32xf32, #tpu.memory_space<vmem_shared>>, %arg13: memref<!tpu.dma_semaphore, #tpu.memory_space<semaphore_mem>>, %arg14: memref<!tpu.dma_semaphore, #tpu.memory_space<semaphore_mem>>, %arg15: memref<!tpu.dma_semaphore, #tpu.memory_space<semaphore_mem>>, %arg16: memref<!tpu.dma_semaphore, #tpu.memory_space<semaphore_mem>>, %arg17: memref<!tpu.dma_semaphore, #tpu.memory_space<semaphore_mem>>, %arg18: memref<!tpu.dma_semaphore, #tpu.memory_space<semaphore_mem>>, %arg19: memref<!tpu.dma_semaphore, #tpu.memory_space<semaphore_mem>>, %arg20: memref<!tpu.dma_semaphore, #tpu.memory_space<semaphore_mem>>, %arg21: memref<!tpu.dma_semaphore, #tpu.memory_space<semaphore_mem>>, %arg22: memref<!tpu.dma_semaphore, #tpu.memory_space<semaphore_mem>>, %arg23: memref<!tpu.dma_semaphore, #tpu.memory_space<semaphore_mem>>) attributes {dimension_semantics = [#tpu.dimension_semantics<core_parallel>, #tpu.dimension_semantics<subcore_parallel>], iteration_bounds = array<i64: 2, 16>, scalar_prefetch = 0 : i64, scratch_operands = 18 : i64, tpu.core_type = #tpu.core_type<sc_vector_subcore>, window_params = [{transform_indices = #map}, {transform_indices = #map1}, {transform_indices = #map2}, {transform_indices = #map2}]} {
    %lt3A = arith.constant 15 : i32
    %lt3A_0 = arith.cmpi slt, %arg1, %lt3A : i32
    %convert_element_type3A = arith.extui %lt3A_0 : i1 to i32
    %cond3A = arith.constant 0 : i32
    %cond3A_1 = arith.cmpi ne, %convert_element_type3A, %cond3A : i32
    scf.if %cond3A_1 {
      %mul3A = arith.constant 3128 : i32
      %mul3A_89 = arith.muli %arg1, %mul3A : i32
      %mul3A_90 = arith.constant 51200 : i32
      %mul3A_91 = arith.muli %arg0, %mul3A_90 : i32
      %add3A = arith.addi %mul3A_91, %mul3A_89 : i32
      %dma_start3A_92 = arith.constant 0 : i32
      %dma_start3A_93 = tpu.memref_slice %arg12[%mul3A_89, %dma_start3A_92] : memref<50048x32xf32, #tpu.memory_space<vmem_shared>> -> memref<3128x32xf32, #tpu.memory_space<vmem_shared>>
      %dma_start3A_94 = arith.constant 0 : i32
      %dma_start3A_95 = tpu.memref_slice %arg2[%add3A, %dma_start3A_94] : memref<102400x32xf32, #tpu.memory_space<hbm>> -> memref<3128x32xf32, #tpu.memory_space<hbm>>
      tpu.enqueue_dma source(%dma_start3A_95 : memref<3128x32xf32, #tpu.memory_space<hbm>>) target(%dma_start3A_93 : memref<3128x32xf32, #tpu.memory_space<vmem_shared>>) target_semaphore(%arg23 : memref<!tpu.dma_semaphore, #tpu.memory_space<semaphore_mem>>)
      %dma_wait3A_96 = arith.constant 0 : i32
      %dma_wait3A_97 = tpu.memref_slice %arg12[%mul3A_89, %dma_wait3A_96] : memref<50048x32xf32, #tpu.memory_space<vmem_shared>> -> memref<3128x32xf32, #tpu.memory_space<vmem_shared>>
      %dma_wait3A_98 = arith.constant 0 : i32
      %dma_wait3A_99 = tpu.memref_slice %arg2[%add3A, %dma_wait3A_98] : memref<102400x32xf32, #tpu.memory_space<hbm>> -> memref<3128x32xf32, #tpu.memory_space<hbm>>
      tpu.wait_dma2 semaphore(%arg23 : memref<!tpu.dma_semaphore, #tpu.memory_space<semaphore_mem>>) src(%dma_wait3A_99 : memref<3128x32xf32, #tpu.memory_space<hbm>>) dst(%dma_wait3A_97 : memref<3128x32xf32, #tpu.memory_space<vmem_shared>>)
    } else {
    }
    %eq3A = arith.constant 15 : i32
    %eq3A_2 = arith.cmpi eq, %arg1, %eq3A : i32
    %convert_element_type3A_3 = arith.extui %eq3A_2 : i1 to i32
    %cond3A_4 = arith.constant 0 : i32
    %cond3A_5 = arith.cmpi ne, %convert_element_type3A_3, %cond3A_4 : i32
    scf.if %cond3A_5 {
      %mul3A = arith.constant 51200 : i32
      %mul3A_89 = arith.muli %arg0, %mul3A : i32
      %add3A = arith.constant 46920 : i32
      %add3A_90 = arith.addi %mul3A_89, %add3A : i32
      %dma_start3A_91 = arith.constant 46920 : i32
      %dma_start3A_92 = arith.constant 0 : i32
      %dma_start3A_93 = tpu.memref_slice %arg12[%dma_start3A_91, %dma_start3A_92] : memref<50048x32xf32, #tpu.memory_space<vmem_shared>> -> memref<3080x32xf32, #tpu.memory_space<vmem_shared>>
      %dma_start3A_94 = arith.constant 0 : i32
      %dma_start3A_95 = tpu.memref_slice %arg2[%add3A_90, %dma_start3A_94] : memref<102400x32xf32, #tpu.memory_space<hbm>> -> memref<3080x32xf32, #tpu.memory_space<hbm>>
      tpu.enqueue_dma source(%dma_start3A_95 : memref<3080x32xf32, #tpu.memory_space<hbm>>) target(%dma_start3A_93 : memref<3080x32xf32, #tpu.memory_space<vmem_shared>>) target_semaphore(%arg23 : memref<!tpu.dma_semaphore, #tpu.memory_space<semaphore_mem>>)
      %dma_wait3A_96 = arith.constant 46920 : i32
      %dma_wait3A_97 = arith.constant 0 : i32
      %dma_wait3A_98 = tpu.memref_slice %arg12[%dma_wait3A_96, %dma_wait3A_97] : memref<50048x32xf32, #tpu.memory_space<vmem_shared>> -> memref<3080x32xf32, #tpu.memory_space<vmem_shared>>
      %dma_wait3A_99 = arith.constant 0 : i32
      %dma_wait3A_100 = tpu.memref_slice %arg2[%add3A_90, %dma_wait3A_99] : memref<102400x32xf32, #tpu.memory_space<hbm>> -> memref<3080x32xf32, #tpu.memory_space<hbm>>
      tpu.wait_dma2 semaphore(%arg23 : memref<!tpu.dma_semaphore, #tpu.memory_space<semaphore_mem>>) src(%dma_wait3A_100 : memref<3080x32xf32, #tpu.memory_space<hbm>>) dst(%dma_wait3A_98 : memref<3080x32xf32, #tpu.memory_space<vmem_shared>>)
    } else {
    }
    %barrier3A = arith.constant 0 : index
    tpu.barrier barrier_id(%barrier3A)
    %dma_start3A = arith.constant 0 : i32
    %dma_start3A_6 = arith.constant 0 : i32
    %dma_start3A_7 = arith.constant 0 : i32
    %dma_start3A_8 = tpu.memref_slice %arg6[%dma_start3A, %dma_start3A_6, %dma_start3A_7] : memref<2x16x128xi32, #tpu.memory_space<vmem>> -> memref<1x16x128xi32, #tpu.memory_space<vmem>>
    %dma_start3A_9 = tpu.memref_squeeze %dma_start3A_8 : memref<1x16x128xi32, #tpu.memory_space<vmem>> -> memref<16x128xi32, #tpu.memory_space<vmem>>
    %dma_start3A_10 = arith.constant 0 : i32
    %dma_start3A_11 = arith.constant 0 : i32
    %dma_start3A_12 = tpu.memref_slice %arg3[%arg0, %arg1, %dma_start3A_10, %dma_start3A_11] : memref<2x16x400x128xi32, #tpu.memory_space<hbm>> -> memref<1x1x16x128xi32, #tpu.memory_space<hbm>>
    %dma_start3A_13 = tpu.memref_squeeze %dma_start3A_12 : memref<1x1x16x128xi32, #tpu.memory_space<hbm>> -> memref<16x128xi32, #tpu.memory_space<hbm>>
    %dma_start3A_14 = arith.constant 0 : i32
    %dma_start3A_15 = arith.constant 0 : i32
    %dma_start3A_16 = tpu.memref_slice %arg6[%dma_start3A, %dma_start3A_14, %dma_start3A_15] : memref<2x16x128xi32, #tpu.memory_space<vmem>> -> memref<1x16x128xi32, #tpu.memory_space<vmem>>
    %dma_start3A_17 = tpu.memref_squeeze %dma_start3A_16 : memref<1x16x128xi32, #tpu.memory_space<vmem>> -> memref<16x128xi32, #tpu.memory_space<vmem>>
    %dma_start3A_18 = arith.constant 0 : i32
    %dma_start3A_19 = arith.constant 0 : i32
    %dma_start3A_20 = tpu.memref_slice %arg3[%arg0, %arg1, %dma_start3A_18, %dma_start3A_19] : memref<2x16x400x128xi32, #tpu.memory_space<hbm>> -> memref<1x1x16x128xi32, #tpu.memory_space<hbm>>
    %dma_start3A_21 = tpu.memref_squeeze %dma_start3A_20 : memref<1x1x16x128xi32, #tpu.memory_space<hbm>> -> memref<16x128xi32, #tpu.memory_space<hbm>>
    tpu.enqueue_dma source(%dma_start3A_21 : memref<16x128xi32, #tpu.memory_space<hbm>>) target(%dma_start3A_17 : memref<16x128xi32, #tpu.memory_space<vmem>>) target_semaphore(%arg21 : memref<!tpu.dma_semaphore, #tpu.memory_space<semaphore_mem>>)
    %dma_wait3A = arith.constant 0 : i32
    %dma_wait3A_22 = arith.constant 0 : i32
    %dma_wait3A_23 = arith.constant 0 : i32
    %dma_wait3A_24 = tpu.memref_slice %arg6[%dma_wait3A, %dma_wait3A_22, %dma_wait3A_23] : memref<2x16x128xi32, #tpu.memory_space<vmem>> -> memref<1x16x128xi32, #tpu.memory_space<vmem>>
    %dma_wait3A_25 = tpu.memref_squeeze %dma_wait3A_24 : memref<1x16x128xi32, #tpu.memory_space<vmem>> -> memref<16x128xi32, #tpu.memory_space<vmem>>
    %dma_wait3A_26 = arith.constant 0 : i32
    %dma_wait3A_27 = arith.constant 0 : i32
    %dma_wait3A_28 = tpu.memref_slice %arg3[%arg0, %arg1, %dma_wait3A_26, %dma_wait3A_27] : memref<2x16x400x128xi32, #tpu.memory_space<hbm>> -> memref<1x1x16x128xi32, #tpu.memory_space<hbm>>
    %dma_wait3A_29 = tpu.memref_squeeze %dma_wait3A_28 : memref<1x1x16x128xi32, #tpu.memory_space<hbm>> -> memref<16x128xi32, #tpu.memory_space<hbm>>
    %dma_wait3A_30 = arith.constant 0 : i32
    %dma_wait3A_31 = arith.constant 0 : i32
    %dma_wait3A_32 = tpu.memref_slice %arg6[%dma_wait3A, %dma_wait3A_30, %dma_wait3A_31] : memref<2x16x128xi32, #tpu.memory_space<vmem>> -> memref<1x16x128xi32, #tpu.memory_space<vmem>>
    %dma_wait3A_33 = tpu.memref_squeeze %dma_wait3A_32 : memref<1x16x128xi32, #tpu.memory_space<vmem>> -> memref<16x128xi32, #tpu.memory_space<vmem>>
    %dma_wait3A_34 = arith.constant 0 : i32
    %dma_wait3A_35 = arith.constant 0 : i32
    %dma_wait3A_36 = tpu.memref_slice %arg3[%arg0, %arg1, %dma_wait3A_34, %dma_wait3A_35] : memref<2x16x400x128xi32, #tpu.memory_space<hbm>> -> memref<1x1x16x128xi32, #tpu.memory_space<hbm>>
    %dma_wait3A_37 = tpu.memref_squeeze %dma_wait3A_36 : memref<1x1x16x128xi32, #tpu.memory_space<hbm>> -> memref<16x128xi32, #tpu.memory_space<hbm>>
    tpu.wait_dma2 semaphore(%arg21 : memref<!tpu.dma_semaphore, #tpu.memory_space<semaphore_mem>>) src(%dma_wait3A_37 : memref<16x128xi32, #tpu.memory_space<hbm>>) dst(%dma_wait3A_33 : memref<16x128xi32, #tpu.memory_space<vmem>>)
    %dma_start3A_38 = arith.constant 0 : i32
    %dma_start3A_39 = arith.constant 0 : i32
    %dma_start3A_40 = arith.constant 0 : i32
    %dma_start3A_41 = tpu.memref_slice %arg7[%dma_start3A_38, %dma_start3A_39, %dma_start3A_40] : memref<2x16x128xi32, #tpu.memory_space<vmem>> -> memref<1x16x128xi32, #tpu.memory_space<vmem>>
    %dma_start3A_42 = tpu.memref_squeeze %dma_start3A_41 : memref<1x16x128xi32, #tpu.memory_space<vmem>> -> memref<16x128xi32, #tpu.memory_space<vmem>>
    %dma_start3A_43 = arith.constant 0 : i32
    %dma_start3A_44 = arith.constant 0 : i32
    %dma_start3A_45 = tpu.memref_slice %arg4[%arg1, %dma_start3A_43, %dma_start3A_44] : memref<16x400x128xi32, #tpu.memory_space<hbm>> -> memref<1x16x128xi32, #tpu.memory_space<hbm>>
    %dma_start3A_46 = tpu.memref_squeeze %dma_start3A_45 : memref<1x16x128xi32, #tpu.memory_space<hbm>> -> memref<16x128xi32, #tpu.memory_space<hbm>>
    %dma_start3A_47 = arith.constant 0 : i32
    %dma_start3A_48 = arith.constant 0 : i32
    %dma_start3A_49 = tpu.memref_slice %arg7[%dma_start3A_38, %dma_start3A_47, %dma_start3A_48] : memref<2x16x128xi32, #tpu.memory_space<vmem>> -> memref<1x16x128xi32, #tpu.memory_space<vmem>>
    %dma_start3A_50 = tpu.memref_squeeze %dma_start3A_49 : memref<1x16x128xi32, #tpu.memory_space<vmem>> -> memref<16x128xi32, #tpu.memory_space<vmem>>
    %dma_start3A_51 = arith.constant 0 : i32
    %dma_start3A_52 = arith.constant 0 : i32
    %dma_start3A_53 = tpu.memref_slice %arg4[%arg1, %dma_start3A_51, %dma_start3A_52] : memref<16x400x128xi32, #tpu.memory_space<hbm>> -> memref<1x16x128xi32, #tpu.memory_space<hbm>>
    %dma_start3A_54 = tpu.memref_squeeze %dma_start3A_53 : memref<1x16x128xi32, #tpu.memory_space<hbm>> -> memref<16x128xi32, #tpu.memory_space<hbm>>
    tpu.enqueue_dma source(%dma_start3A_54 : memref<16x128xi32, #tpu.memory_space<hbm>>) target(%dma_start3A_50 : memref<16x128xi32, #tpu.memory_space<vmem>>) target_semaphore(%arg22 : memref<!tpu.dma_semaphore, #tpu.memory_space<semaphore_mem>>)
    %dma_wait3A_55 = arith.constant 0 : i32
    %dma_wait3A_56 = arith.constant 0 : i32
    %dma_wait3A_57 = arith.constant 0 : i32
    %dma_wait3A_58 = tpu.memref_slice %arg7[%dma_wait3A_55, %dma_wait3A_56, %dma_wait3A_57] : memref<2x16x128xi32, #tpu.memory_space<vmem>> -> memref<1x16x128xi32, #tpu.memory_space<vmem>>
    %dma_wait3A_59 = tpu.memref_squeeze %dma_wait3A_58 : memref<1x16x128xi32, #tpu.memory_space<vmem>> -> memref<16x128xi32, #tpu.memory_space<vmem>>
    %dma_wait3A_60 = arith.constant 0 : i32
    %dma_wait3A_61 = arith.constant 0 : i32
    %dma_wait3A_62 = tpu.memref_slice %arg4[%arg1, %dma_wait3A_60, %dma_wait3A_61] : memref<16x400x128xi32, #tpu.memory_space<hbm>> -> memref<1x16x128xi32, #tpu.memory_space<hbm>>
    %dma_wait3A_63 = tpu.memref_squeeze %dma_wait3A_62 : memref<1x16x128xi32, #tpu.memory_space<hbm>> -> memref<16x128xi32, #tpu.memory_space<hbm>>
    %dma_wait3A_64 = arith.constant 0 : i32
    %dma_wait3A_65 = arith.constant 0 : i32
    %dma_wait3A_66 = tpu.memref_slice %arg7[%dma_wait3A_55, %dma_wait3A_64, %dma_wait3A_65] : memref<2x16x128xi32, #tpu.memory_space<vmem>> -> memref<1x16x128xi32, #tpu.memory_space<vmem>>
    %dma_wait3A_67 = tpu.memref_squeeze %dma_wait3A_66 : memref<1x16x128xi32, #tpu.memory_space<vmem>> -> memref<16x128xi32, #tpu.memory_space<vmem>>
    %dma_wait3A_68 = arith.constant 0 : i32
    %dma_wait3A_69 = arith.constant 0 : i32
    %dma_wait3A_70 = tpu.memref_slice %arg4[%arg1, %dma_wait3A_68, %dma_wait3A_69] : memref<16x400x128xi32, #tpu.memory_space<hbm>> -> memref<1x16x128xi32, #tpu.memory_space<hbm>>
    %dma_wait3A_71 = tpu.memref_squeeze %dma_wait3A_70 : memref<1x16x128xi32, #tpu.memory_space<hbm>> -> memref<16x128xi32, #tpu.memory_space<hbm>>
    tpu.wait_dma2 semaphore(%arg22 : memref<!tpu.dma_semaphore, #tpu.memory_space<semaphore_mem>>) src(%dma_wait3A_71 : memref<16x128xi32, #tpu.memory_space<hbm>>) dst(%dma_wait3A_67 : memref<16x128xi32, #tpu.memory_space<vmem>>)
    %scan3A = arith.constant 0 : i32
    %scan3A_72 = arith.constant 0 : i32
    %scan3A_73 = arith.constant 25 : i32
    %scan3A_74 = arith.addi %scan3A_72, %scan3A_73 : i32
    %scan3A_75 = arith.constant 1 : i32
    %scan3A_76 = scf.for %scan3A_89 = %scan3A_72 to %scan3A_74 step %scan3A_75 iter_args(%scan3A_90 = %scan3A) -> (i32)  : i32 {
      %rem3A = arith.constant 2 : i32
      %rem3A_91 = arith.remsi %scan3A_89, %rem3A : i32
      %gt3A = arith.constant 0 : i32
      %gt3A_92 = arith.cmpi sgt, %scan3A_89, %gt3A : i32
      %convert_element_type3A_93 = arith.extui %gt3A_92 : i1 to i32
      %cond3A_94 = arith.constant 0 : i32
      %cond3A_95 = arith.cmpi ne, %convert_element_type3A_93, %cond3A_94 : i32
      scf.if %cond3A_95 {
        %mul3A = arith.constant 16 : i32
        %mul3A_550 = arith.muli %scan3A_89, %mul3A : i32
        %dma_wait3A_551 = arith.constant 0 : i32
        %dma_wait3A_552 = arith.constant 0 : i32
        %dma_wait3A_553 = tpu.memref_slice %arg6[%rem3A_91, %dma_wait3A_551, %dma_wait3A_552] : memref<2x16x128xi32, #tpu.memory_space<vmem>> -> memref<1x16x128xi32, #tpu.memory_space<vmem>>
        %dma_wait3A_554 = tpu.memref_squeeze %dma_wait3A_553 : memref<1x16x128xi32, #tpu.memory_space<vmem>> -> memref<16x128xi32, #tpu.memory_space<vmem>>
        %dma_wait3A_555 = arith.constant 0 : i32
        %dma_wait3A_556 = tpu.memref_slice %arg3[%arg0, %arg1, %mul3A_550, %dma_wait3A_555] : memref<2x16x400x128xi32, #tpu.memory_space<hbm>> -> memref<1x1x16x128xi32, #tpu.memory_space<hbm>>
        %dma_wait3A_557 = tpu.memref_squeeze %dma_wait3A_556 : memref<1x1x16x128xi32, #tpu.memory_space<hbm>> -> memref<16x128xi32, #tpu.memory_space<hbm>>
        %dma_wait3A_558 = arith.constant 0 : i32
        %dma_wait3A_559 = arith.constant 0 : i32
        %dma_wait3A_560 = tpu.memref_slice %arg6[%rem3A_91, %dma_wait3A_558, %dma_wait3A_559] : memref<2x16x128xi32, #tpu.memory_space<vmem>> -> memref<1x16x128xi32, #tpu.memory_space<vmem>>
        %dma_wait3A_561 = tpu.memref_squeeze %dma_wait3A_560 : memref<1x16x128xi32, #tpu.memory_space<vmem>> -> memref<16x128xi32, #tpu.memory_space<vmem>>
        %dma_wait3A_562 = arith.constant 0 : i32
        %dma_wait3A_563 = tpu.memref_slice %arg3[%arg0, %arg1, %mul3A_550, %dma_wait3A_562] : memref<2x16x400x128xi32, #tpu.memory_space<hbm>> -> memref<1x1x16x128xi32, #tpu.memory_space<hbm>>
        %dma_wait3A_564 = tpu.memref_squeeze %dma_wait3A_563 : memref<1x1x16x128xi32, #tpu.memory_space<hbm>> -> memref<16x128xi32, #tpu.memory_space<hbm>>
        tpu.wait_dma2 semaphore(%arg21 : memref<!tpu.dma_semaphore, #tpu.memory_space<semaphore_mem>>) src(%dma_wait3A_564 : memref<16x128xi32, #tpu.memory_space<hbm>>) dst(%dma_wait3A_561 : memref<16x128xi32, #tpu.memory_space<vmem>>)
        %mul3A_565 = arith.constant 16 : i32
        %mul3A_566 = arith.muli %scan3A_89, %mul3A_565 : i32
        %dma_wait3A_567 = arith.constant 0 : i32
        %dma_wait3A_568 = arith.constant 0 : i32
        %dma_wait3A_569 = tpu.memref_slice %arg7[%rem3A_91, %dma_wait3A_567, %dma_wait3A_568] : memref<2x16x128xi32, #tpu.memory_space<vmem>> -> memref<1x16x128xi32, #tpu.memory_space<vmem>>
        %dma_wait3A_570 = tpu.memref_squeeze %dma_wait3A_569 : memref<1x16x128xi32, #tpu.memory_space<vmem>> -> memref<16x128xi32, #tpu.memory_space<vmem>>
        %dma_wait3A_571 = arith.constant 0 : i32
        %dma_wait3A_572 = tpu.memref_slice %arg4[%arg1, %mul3A_566, %dma_wait3A_571] : memref<16x400x128xi32, #tpu.memory_space<hbm>> -> memref<1x16x128xi32, #tpu.memory_space<hbm>>
        %dma_wait3A_573 = tpu.memref_squeeze %dma_wait3A_572 : memref<1x16x128xi32, #tpu.memory_space<hbm>> -> memref<16x128xi32, #tpu.memory_space<hbm>>
        %dma_wait3A_574 = arith.constant 0 : i32
        %dma_wait3A_575 = arith.constant 0 : i32
        %dma_wait3A_576 = tpu.memref_slice %arg7[%rem3A_91, %dma_wait3A_574, %dma_wait3A_575] : memref<2x16x128xi32, #tpu.memory_space<vmem>> -> memref<1x16x128xi32, #tpu.memory_space<vmem>>
        %dma_wait3A_577 = tpu.memref_squeeze %dma_wait3A_576 : memref<1x16x128xi32, #tpu.memory_space<vmem>> -> memref<16x128xi32, #tpu.memory_space<vmem>>
        %dma_wait3A_578 = arith.constant 0 : i32
        %dma_wait3A_579 = tpu.memref_slice %arg4[%arg1, %mul3A_566, %dma_wait3A_578] : memref<16x400x128xi32, #tpu.memory_space<hbm>> -> memref<1x16x128xi32, #tpu.memory_space<hbm>>
        %dma_wait3A_580 = tpu.memref_squeeze %dma_wait3A_579 : memref<1x16x128xi32, #tpu.memory_space<hbm>> -> memref<16x128xi32, #tpu.memory_space<hbm>>
        tpu.wait_dma2 semaphore(%arg22 : memref<!tpu.dma_semaphore, #tpu.memory_space<semaphore_mem>>) src(%dma_wait3A_580 : memref<16x128xi32, #tpu.memory_space<hbm>>) dst(%dma_wait3A_577 : memref<16x128xi32, #tpu.memory_space<vmem>>)
      } else {
      }
      %lt3A_96 = arith.constant 24 : i32
      %lt3A_97 = arith.cmpi slt, %scan3A_89, %lt3A_96 : i32
      %convert_element_type3A_98 = arith.extui %lt3A_97 : i1 to i32
      %cond3A_99 = arith.constant 0 : i32
      %cond3A_100 = arith.cmpi ne, %convert_element_type3A_98, %cond3A_99 : i32
      scf.if %cond3A_100 {
        %add3A = arith.constant 1 : i32
        %add3A_550 = arith.addi %scan3A_89, %add3A : i32
        %mul3A = arith.constant 16 : i32
        %mul3A_551 = arith.muli %add3A_550, %mul3A : i32
        %sub3A = arith.constant 1 : i32
        %sub3A_552 = arith.subi %sub3A, %rem3A_91 : i32
        %dma_start3A_553 = arith.constant 0 : i32
        %dma_start3A_554 = arith.constant 0 : i32
        %dma_start3A_555 = tpu.memref_slice %arg6[%sub3A_552, %dma_start3A_553, %dma_start3A_554] : memref<2x16x128xi32, #tpu.memory_space<vmem>> -> memref<1x16x128xi32, #tpu.memory_space<vmem>>
        %dma_start3A_556 = tpu.memref_squeeze %dma_start3A_555 : memref<1x16x128xi32, #tpu.memory_space<vmem>> -> memref<16x128xi32, #tpu.memory_space<vmem>>
        %dma_start3A_557 = arith.constant 0 : i32
        %dma_start3A_558 = tpu.memref_slice %arg3[%arg0, %arg1, %mul3A_551, %dma_start3A_557] : memref<2x16x400x128xi32, #tpu.memory_space<hbm>> -> memref<1x1x16x128xi32, #tpu.memory_space<hbm>>
        %dma_start3A_559 = tpu.memref_squeeze %dma_start3A_558 : memref<1x1x16x128xi32, #tpu.memory_space<hbm>> -> memref<16x128xi32, #tpu.memory_space<hbm>>
        %dma_start3A_560 = arith.constant 0 : i32
        %dma_start3A_561 = arith.constant 0 : i32
        %dma_start3A_562 = tpu.memref_slice %arg6[%sub3A_552, %dma_start3A_560, %dma_start3A_561] : memref<2x16x128xi32, #tpu.memory_space<vmem>> -> memref<1x16x128xi32, #tpu.memory_space<vmem>>
        %dma_start3A_563 = tpu.memref_squeeze %dma_start3A_562 : memref<1x16x128xi32, #tpu.memory_space<vmem>> -> memref<16x128xi32, #tpu.memory_space<vmem>>
        %dma_start3A_564 = arith.constant 0 : i32
        %dma_start3A_565 = tpu.memref_slice %arg3[%arg0, %arg1, %mul3A_551, %dma_start3A_564] : memref<2x16x400x128xi32, #tpu.memory_space<hbm>> -> memref<1x1x16x128xi32, #tpu.memory_space<hbm>>
        %dma_start3A_566 = tpu.memref_squeeze %dma_start3A_565 : memref<1x1x16x128xi32, #tpu.memory_space<hbm>> -> memref<16x128xi32, #tpu.memory_space<hbm>>
        tpu.enqueue_dma source(%dma_start3A_566 : memref<16x128xi32, #tpu.memory_space<hbm>>) target(%dma_start3A_563 : memref<16x128xi32, #tpu.memory_space<vmem>>) target_semaphore(%arg21 : memref<!tpu.dma_semaphore, #tpu.memory_space<semaphore_mem>>)
        %add3A_567 = arith.constant 1 : i32
        %add3A_568 = arith.addi %scan3A_89, %add3A_567 : i32
        %mul3A_569 = arith.constant 16 : i32
        %mul3A_570 = arith.muli %add3A_568, %mul3A_569 : i32
        %sub3A_571 = arith.constant 1 : i32
        %sub3A_572 = arith.subi %sub3A_571, %rem3A_91 : i32
        %dma_start3A_573 = arith.constant 0 : i32
        %dma_start3A_574 = arith.constant 0 : i32
        %dma_start3A_575 = tpu.memref_slice %arg7[%sub3A_572, %dma_start3A_573, %dma_start3A_574] : memref<2x16x128xi32, #tpu.memory_space<vmem>> -> memref<1x16x128xi32, #tpu.memory_space<vmem>>
        %dma_start3A_576 = tpu.memref_squeeze %dma_start3A_575 : memref<1x16x128xi32, #tpu.memory_space<vmem>> -> memref<16x128xi32, #tpu.memory_space<vmem>>
        %dma_start3A_577 = arith.constant 0 : i32
        %dma_start3A_578 = tpu.memref_slice %arg4[%arg1, %mul3A_570, %dma_start3A_577] : memref<16x400x128xi32, #tpu.memory_space<hbm>> -> memref<1x16x128xi32, #tpu.memory_space<hbm>>
        %dma_start3A_579 = tpu.memref_squeeze %dma_start3A_578 : memref<1x16x128xi32, #tpu.memory_space<hbm>> -> memref<16x128xi32, #tpu.memory_space<hbm>>
        %dma_start3A_580 = arith.constant 0 : i32
        %dma_start3A_581 = arith.constant 0 : i32
        %dma_start3A_582 = tpu.memref_slice %arg7[%sub3A_572, %dma_start3A_580, %dma_start3A_581] : memref<2x16x128xi32, #tpu.memory_space<vmem>> -> memref<1x16x128xi32, #tpu.memory_space<vmem>>
        %dma_start3A_583 = tpu.memref_squeeze %dma_start3A_582 : memref<1x16x128xi32, #tpu.memory_space<vmem>> -> memref<16x128xi32, #tpu.memory_space<vmem>>
        %dma_start3A_584 = arith.constant 0 : i32
        %dma_start3A_585 = tpu.memref_slice %arg4[%arg1, %mul3A_570, %dma_start3A_584] : memref<16x400x128xi32, #tpu.memory_space<hbm>> -> memref<1x16x128xi32, #tpu.memory_space<hbm>>
        %dma_start3A_586 = tpu.memref_squeeze %dma_start3A_585 : memref<1x16x128xi32, #tpu.memory_space<hbm>> -> memref<16x128xi32, #tpu.memory_space<hbm>>
        tpu.enqueue_dma source(%dma_start3A_586 : memref<16x128xi32, #tpu.memory_space<hbm>>) target(%dma_start3A_583 : memref<16x128xi32, #tpu.memory_space<vmem>>) target_semaphore(%arg22 : memref<!tpu.dma_semaphore, #tpu.memory_space<semaphore_mem>>)
      } else {
      }
      %dma_start3A_101 = arith.constant 0 : i32
      %dma_start3A_102 = arith.constant 0 : i32
      %dma_start3A_103 = tpu.memref_slice %arg6[%rem3A_91, %dma_start3A_101, %dma_start3A_102] : memref<2x16x128xi32, #tpu.memory_space<vmem>> -> memref<1x1x128xi32, #tpu.memory_space<vmem>>
      %dma_start3A_104 = tpu.memref_squeeze %dma_start3A_103 : memref<1x1x128xi32, #tpu.memory_space<vmem>> -> memref<128xi32, #tpu.memory_space<vmem>>
      %dma_start3A_105 = arith.constant 0 : i32
      %dma_start3A_106 = arith.constant 0 : i32
      %dma_start3A_107 = tpu.memref_slice %arg2[%dma_start3A_105, %dma_start3A_106] : memref<102400x32xf32, #tpu.memory_space<hbm>> -> memref<102400x32xf32, #tpu.memory_space<hbm>>
      tpu.enqueue_indirect_dma source(%dma_start3A_107 : memref<102400x32xf32, #tpu.memory_space<hbm>>) target(%arg8 : memref<128x32xf32, #tpu.memory_space<vmem>>) offsets(%dma_start3A_104 : memref<128xi32, #tpu.memory_space<vmem>>) semaphore(%arg13 : memref<!tpu.dma_semaphore, #tpu.memory_space<semaphore_mem>>)
      %dma_start3A_108 = arith.constant 1 : i32
      %dma_start3A_109 = arith.constant 0 : i32
      %dma_start3A_110 = tpu.memref_slice %arg6[%rem3A_91, %dma_start3A_108, %dma_start3A_109] : memref<2x16x128xi32, #tpu.memory_space<vmem>> -> memref<1x1x128xi32, #tpu.memory_space<vmem>>
      %dma_start3A_111 = tpu.memref_squeeze %dma_start3A_110 : memref<1x1x128xi32, #tpu.memory_space<vmem>> -> memref<128xi32, #tpu.memory_space<vmem>>
      %dma_start3A_112 = arith.constant 0 : i32
      %dma_start3A_113 = arith.constant 0 : i32
      %dma_start3A_114 = tpu.memref_slice %arg2[%dma_start3A_112, %dma_start3A_113] : memref<102400x32xf32, #tpu.memory_space<hbm>> -> memref<102400x32xf32, #tpu.memory_space<hbm>>
      tpu.enqueue_indirect_dma source(%dma_start3A_114 : memref<102400x32xf32, #tpu.memory_space<hbm>>) target(%arg9 : memref<128x32xf32, #tpu.memory_space<vmem>>) offsets(%dma_start3A_111 : memref<128xi32, #tpu.memory_space<vmem>>) semaphore(%arg14 : memref<!tpu.dma_semaphore, #tpu.memory_space<semaphore_mem>>)
      %dma_start3A_115 = arith.constant 2 : i32
      %dma_start3A_116 = arith.constant 0 : i32
      %dma_start3A_117 = tpu.memref_slice %arg6[%rem3A_91, %dma_start3A_115, %dma_start3A_116] : memref<2x16x128xi32, #tpu.memory_space<vmem>> -> memref<1x1x128xi32, #tpu.memory_space<vmem>>
      %dma_start3A_118 = tpu.memref_squeeze %dma_start3A_117 : memref<1x1x128xi32, #tpu.memory_space<vmem>> -> memref<128xi32, #tpu.memory_space<vmem>>
      %dma_start3A_119 = arith.constant 0 : i32
      %dma_start3A_120 = arith.constant 0 : i32
      %dma_start3A_121 = tpu.memref_slice %arg2[%dma_start3A_119, %dma_start3A_120] : memref<102400x32xf32, #tpu.memory_space<hbm>> -> memref<102400x32xf32, #tpu.memory_space<hbm>>
      tpu.enqueue_indirect_dma source(%dma_start3A_121 : memref<102400x32xf32, #tpu.memory_space<hbm>>) target(%arg10 : memref<128x32xf32, #tpu.memory_space<vmem>>) offsets(%dma_start3A_118 : memref<128xi32, #tpu.memory_space<vmem>>) semaphore(%arg15 : memref<!tpu.dma_semaphore, #tpu.memory_space<semaphore_mem>>)
      %dma_start3A_122 = arith.constant 3 : i32
      %dma_start3A_123 = arith.constant 0 : i32
      %dma_start3A_124 = tpu.memref_slice %arg6[%rem3A_91, %dma_start3A_122, %dma_start3A_123] : memref<2x16x128xi32, #tpu.memory_space<vmem>> -> memref<1x1x128xi32, #tpu.memory_space<vmem>>
      %dma_start3A_125 = tpu.memref_squeeze %dma_start3A_124 : memref<1x1x128xi32, #tpu.memory_space<vmem>> -> memref<128xi32, #tpu.memory_space<vmem>>
      %dma_start3A_126 = arith.constant 0 : i32
      %dma_start3A_127 = arith.constant 0 : i32
      %dma_start3A_128 = tpu.memref_slice %arg2[%dma_start3A_126, %dma_start3A_127] : memref<102400x32xf32, #tpu.memory_space<hbm>> -> memref<102400x32xf32, #tpu.memory_space<hbm>>
      tpu.enqueue_indirect_dma source(%dma_start3A_128 : memref<102400x32xf32, #tpu.memory_space<hbm>>) target(%arg11 : memref<128x32xf32, #tpu.memory_space<vmem>>) offsets(%dma_start3A_125 : memref<128xi32, #tpu.memory_space<vmem>>) semaphore(%arg16 : memref<!tpu.dma_semaphore, #tpu.memory_space<semaphore_mem>>)
      %dma_wait3A_129 = arith.constant 0 : i32
      %dma_wait3A_130 = arith.constant 0 : i32
      %dma_wait3A_131 = tpu.memref_slice %arg6[%rem3A_91, %dma_wait3A_129, %dma_wait3A_130] : memref<2x16x128xi32, #tpu.memory_space<vmem>> -> memref<1x1x128xi32, #tpu.memory_space<vmem>>
      %dma_wait3A_132 = tpu.memref_squeeze %dma_wait3A_131 : memref<1x1x128xi32, #tpu.memory_space<vmem>> -> memref<128xi32, #tpu.memory_space<vmem>>
      %dma_wait3A_133 = arith.constant 0 : i32
      %dma_wait3A_134 = arith.constant 0 : i32
      %dma_wait3A_135 = tpu.memref_slice %arg2[%dma_wait3A_133, %dma_wait3A_134] : memref<102400x32xf32, #tpu.memory_space<hbm>> -> memref<102400x32xf32, #tpu.memory_space<hbm>>
      tpu.wait_indirect_dma semaphore(%arg13 : memref<!tpu.dma_semaphore, #tpu.memory_space<semaphore_mem>>) src(%dma_wait3A_135 : memref<102400x32xf32, #tpu.memory_space<hbm>>) dst(%arg8 : memref<128x32xf32, #tpu.memory_space<vmem>>)
      %dma_start3A_136 = arith.constant 0 : i32
      %dma_start3A_137 = arith.constant 0 : i32
      %dma_start3A_138 = tpu.memref_slice %arg7[%rem3A_91, %dma_start3A_136, %dma_start3A_137] : memref<2x16x128xi32, #tpu.memory_space<vmem>> -> memref<1x1x128xi32, #tpu.memory_space<vmem>>
      %dma_start3A_139 = tpu.memref_squeeze %dma_start3A_138 : memref<1x1x128xi32, #tpu.memory_space<vmem>> -> memref<128xi32, #tpu.memory_space<vmem>>
      %dma_start3A_140 = arith.constant 0 : i32
      %dma_start3A_141 = arith.constant 0 : i32
      %dma_start3A_142 = tpu.memref_slice %arg12[%dma_start3A_140, %dma_start3A_141] : memref<50048x32xf32, #tpu.memory_space<vmem_shared>> -> memref<50048x32xf32, #tpu.memory_space<vmem_shared>>
      tpu.enqueue_indirect_dma source(%arg8 : memref<128x32xf32, #tpu.memory_space<vmem>>) target(%dma_start3A_142 : memref<50048x32xf32, #tpu.memory_space<vmem_shared>>) offsets(%dma_start3A_139 : memref<128xi32, #tpu.memory_space<vmem>>) semaphore(%arg17 : memref<!tpu.dma_semaphore, #tpu.memory_space<semaphore_mem>>) {add = true}
      %dma_wait3A_143 = arith.constant 1 : i32
      %dma_wait3A_144 = arith.constant 0 : i32
      %dma_wait3A_145 = tpu.memref_slice %arg7[%rem3A_91, %dma_wait3A_143, %dma_wait3A_144] : memref<2x16x128xi32, #tpu.memory_space<vmem>> -> memref<1x1x128xi32, #tpu.memory_space<vmem>>
      %dma_wait3A_146 = tpu.memref_squeeze %dma_wait3A_145 : memref<1x1x128xi32, #tpu.memory_space<vmem>> -> memref<128xi32, #tpu.memory_space<vmem>>
      %dma_wait3A_147 = arith.constant 0 : i32
      %dma_wait3A_148 = arith.constant 0 : i32
      %dma_wait3A_149 = tpu.memref_slice %arg12[%dma_wait3A_147, %dma_wait3A_148] : memref<50048x32xf32, #tpu.memory_space<vmem_shared>> -> memref<50048x32xf32, #tpu.memory_space<vmem_shared>>
      tpu.wait_indirect_dma semaphore(%arg17 : memref<!tpu.dma_semaphore, #tpu.memory_space<semaphore_mem>>) src(%arg8 : memref<128x32xf32, #tpu.memory_space<vmem>>) dst(%dma_wait3A_149 : memref<50048x32xf32, #tpu.memory_space<vmem_shared>>)
      %dma_start3A_150 = arith.constant 4 : i32
      %dma_start3A_151 = arith.constant 0 : i32
      %dma_start3A_152 = tpu.memref_slice %arg6[%rem3A_91, %dma_start3A_150, %dma_start3A_151] : memref<2x16x128xi32, #tpu.memory_space<vmem>> -> memref<1x1x128xi32, #tpu.memory_space<vmem>>
      %dma_start3A_153 = tpu.memref_squeeze %dma_start3A_152 : memref<1x1x128xi32, #tpu.memory_space<vmem>> -> memref<128xi32, #tpu.memory_space<vmem>>
      %dma_start3A_154 = arith.constant 0 : i32
      %dma_start3A_155 = arith.constant 0 : i32
      %dma_start3A_156 = tpu.memref_slice %arg2[%dma_start3A_154, %dma_start3A_155] : memref<102400x32xf32, #tpu.memory_space<hbm>> -> memref<102400x32xf32, #tpu.memory_space<hbm>>
      tpu.enqueue_indirect_dma source(%dma_start3A_156 : memref<102400x32xf32, #tpu.memory_space<hbm>>) target(%arg8 : memref<128x32xf32, #tpu.memory_space<vmem>>) offsets(%dma_start3A_153 : memref<128xi32, #tpu.memory_space<vmem>>) semaphore(%arg13 : memref<!tpu.dma_semaphore, #tpu.memory_space<semaphore_mem>>)
      %dma_wait3A_157 = arith.constant 1 : i32
      %dma_wait3A_158 = arith.constant 0 : i32
      %dma_wait3A_159 = tpu.memref_slice %arg6[%rem3A_91, %dma_wait3A_157, %dma_wait3A_158] : memref<2x16x128xi32, #tpu.memory_space<vmem>> -> memref<1x1x128xi32, #tpu.memory_space<vmem>>
      %dma_wait3A_160 = tpu.memref_squeeze %dma_wait3A_159 : memref<1x1x128xi32, #tpu.memory_space<vmem>> -> memref<128xi32, #tpu.memory_space<vmem>>
      %dma_wait3A_161 = arith.constant 0 : i32
      %dma_wait3A_162 = arith.constant 0 : i32
      %dma_wait3A_163 = tpu.memref_slice %arg2[%dma_wait3A_161, %dma_wait3A_162] : memref<102400x32xf32, #tpu.memory_space<hbm>> -> memref<102400x32xf32, #tpu.memory_space<hbm>>
      tpu.wait_indirect_dma semaphore(%arg14 : memref<!tpu.dma_semaphore, #tpu.memory_space<semaphore_mem>>) src(%dma_wait3A_163 : memref<102400x32xf32, #tpu.memory_space<hbm>>) dst(%arg9 : memref<128x32xf32, #tpu.memory_space<vmem>>)
      %dma_start3A_164 = arith.constant 1 : i32
      %dma_start3A_165 = arith.constant 0 : i32
      %dma_start3A_166 = tpu.memref_slice %arg7[%rem3A_91, %dma_start3A_164, %dma_start3A_165] : memref<2x16x128xi32, #tpu.memory_space<vmem>> -> memref<1x1x128xi32, #tpu.memory_space<vmem>>
      %dma_start3A_167 = tpu.memref_squeeze %dma_start3A_166 : memref<1x1x128xi32, #tpu.memory_space<vmem>> -> memref<128xi32, #tpu.memory_space<vmem>>
      %dma_start3A_168 = arith.constant 0 : i32
      %dma_start3A_169 = arith.constant 0 : i32
      %dma_start3A_170 = tpu.memref_slice %arg12[%dma_start3A_168, %dma_start3A_169] : memref<50048x32xf32, #tpu.memory_space<vmem_shared>> -> memref<50048x32xf32, #tpu.memory_space<vmem_shared>>
      tpu.enqueue_indirect_dma source(%arg9 : memref<128x32xf32, #tpu.memory_space<vmem>>) target(%dma_start3A_170 : memref<50048x32xf32, #tpu.memory_space<vmem_shared>>) offsets(%dma_start3A_167 : memref<128xi32, #tpu.memory_space<vmem>>) semaphore(%arg18 : memref<!tpu.dma_semaphore, #tpu.memory_space<semaphore_mem>>) {add = true}
      %dma_wait3A_171 = arith.constant 2 : i32
      %dma_wait3A_172 = arith.constant 0 : i32
      %dma_wait3A_173 = tpu.memref_slice %arg7[%rem3A_91, %dma_wait3A_171, %dma_wait3A_172] : memref<2x16x128xi32, #tpu.memory_space<vmem>> -> memref<1x1x128xi32, #tpu.memory_space<vmem>>
      %dma_wait3A_174 = tpu.memref_squeeze %dma_wait3A_173 : memref<1x1x128xi32, #tpu.memory_space<vmem>> -> memref<128xi32, #tpu.memory_space<vmem>>
      %dma_wait3A_175 = arith.constant 0 : i32
      %dma_wait3A_176 = arith.constant 0 : i32
      %dma_wait3A_177 = tpu.memref_slice %arg12[%dma_wait3A_175, %dma_wait3A_176] : memref<50048x32xf32, #tpu.memory_space<vmem_shared>> -> memref<50048x32xf32, #tpu.memory_space<vmem_shared>>
      tpu.wait_indirect_dma semaphore(%arg18 : memref<!tpu.dma_semaphore, #tpu.memory_space<semaphore_mem>>) src(%arg9 : memref<128x32xf32, #tpu.memory_space<vmem>>) dst(%dma_wait3A_177 : memref<50048x32xf32, #tpu.memory_space<vmem_shared>>)
      %dma_start3A_178 = arith.constant 5 : i32
      %dma_start3A_179 = arith.constant 0 : i32
      %dma_start3A_180 = tpu.memref_slice %arg6[%rem3A_91, %dma_start3A_178, %dma_start3A_179] : memref<2x16x128xi32, #tpu.memory_space<vmem>> -> memref<1x1x128xi32, #tpu.memory_space<vmem>>
      %dma_start3A_181 = tpu.memref_squeeze %dma_start3A_180 : memref<1x1x128xi32, #tpu.memory_space<vmem>> -> memref<128xi32, #tpu.memory_space<vmem>>
      %dma_start3A_182 = arith.constant 0 : i32
      %dma_start3A_183 = arith.constant 0 : i32
      %dma_start3A_184 = tpu.memref_slice %arg2[%dma_start3A_182, %dma_start3A_183] : memref<102400x32xf32, #tpu.memory_space<hbm>> -> memref<102400x32xf32, #tpu.memory_space<hbm>>
      tpu.enqueue_indirect_dma source(%dma_start3A_184 : memref<102400x32xf32, #tpu.memory_space<hbm>>) target(%arg9 : memref<128x32xf32, #tpu.memory_space<vmem>>) offsets(%dma_start3A_181 : memref<128xi32, #tpu.memory_space<vmem>>) semaphore(%arg14 : memref<!tpu.dma_semaphore, #tpu.memory_space<semaphore_mem>>)
      %dma_wait3A_185 = arith.constant 2 : i32
      %dma_wait3A_186 = arith.constant 0 : i32
      %dma_wait3A_187 = tpu.memref_slice %arg6[%rem3A_91, %dma_wait3A_185, %dma_wait3A_186] : memref<2x16x128xi32, #tpu.memory_space<vmem>> -> memref<1x1x128xi32, #tpu.memory_space<vmem>>
      %dma_wait3A_188 = tpu.memref_squeeze %dma_wait3A_187 : memref<1x1x128xi32, #tpu.memory_space<vmem>> -> memref<128xi32, #tpu.memory_space<vmem>>
      %dma_wait3A_189 = arith.constant 0 : i32
      %dma_wait3A_190 = arith.constant 0 : i32
      %dma_wait3A_191 = tpu.memref_slice %arg2[%dma_wait3A_189, %dma_wait3A_190] : memref<102400x32xf32, #tpu.memory_space<hbm>> -> memref<102400x32xf32, #tpu.memory_space<hbm>>
      tpu.wait_indirect_dma semaphore(%arg15 : memref<!tpu.dma_semaphore, #tpu.memory_space<semaphore_mem>>) src(%dma_wait3A_191 : memref<102400x32xf32, #tpu.memory_space<hbm>>) dst(%arg10 : memref<128x32xf32, #tpu.memory_space<vmem>>)
      %dma_start3A_192 = arith.constant 2 : i32
      %dma_start3A_193 = arith.constant 0 : i32
      %dma_start3A_194 = tpu.memref_slice %arg7[%rem3A_91, %dma_start3A_192, %dma_start3A_193] : memref<2x16x128xi32, #tpu.memory_space<vmem>> -> memref<1x1x128xi32, #tpu.memory_space<vmem>>
      %dma_start3A_195 = tpu.memref_squeeze %dma_start3A_194 : memref<1x1x128xi32, #tpu.memory_space<vmem>> -> memref<128xi32, #tpu.memory_space<vmem>>
      %dma_start3A_196 = arith.constant 0 : i32
      %dma_start3A_197 = arith.constant 0 : i32
      %dma_start3A_198 = tpu.memref_slice %arg12[%dma_start3A_196, %dma_start3A_197] : memref<50048x32xf32, #tpu.memory_space<vmem_shared>> -> memref<50048x32xf32, #tpu.memory_space<vmem_shared>>
      tpu.enqueue_indirect_dma source(%arg10 : memref<128x32xf32, #tpu.memory_space<vmem>>) target(%dma_start3A_198 : memref<50048x32xf32, #tpu.memory_space<vmem_shared>>) offsets(%dma_start3A_195 : memref<128xi32, #tpu.memory_space<vmem>>) semaphore(%arg19 : memref<!tpu.dma_semaphore, #tpu.memory_space<semaphore_mem>>) {add = true}
      %dma_wait3A_199 = arith.constant 3 : i32
      %dma_wait3A_200 = arith.constant 0 : i32
      %dma_wait3A_201 = tpu.memref_slice %arg7[%rem3A_91, %dma_wait3A_199, %dma_wait3A_200] : memref<2x16x128xi32, #tpu.memory_space<vmem>> -> memref<1x1x128xi32, #tpu.memory_space<vmem>>
      %dma_wait3A_202 = tpu.memref_squeeze %dma_wait3A_201 : memref<1x1x128xi32, #tpu.memory_space<vmem>> -> memref<128xi32, #tpu.memory_space<vmem>>
      %dma_wait3A_203 = arith.constant 0 : i32
      %dma_wait3A_204 = arith.constant 0 : i32
      %dma_wait3A_205 = tpu.memref_slice %arg12[%dma_wait3A_203, %dma_wait3A_204] : memref<50048x32xf32, #tpu.memory_space<vmem_shared>> -> memref<50048x32xf32, #tpu.memory_space<vmem_shared>>
      tpu.wait_indirect_dma semaphore(%arg19 : memref<!tpu.dma_semaphore, #tpu.memory_space<semaphore_mem>>) src(%arg10 : memref<128x32xf32, #tpu.memory_space<vmem>>) dst(%dma_wait3A_205 : memref<50048x32xf32, #tpu.memory_space<vmem_shared>>)
      %dma_start3A_206 = arith.constant 6 : i32
      %dma_start3A_207 = arith.constant 0 : i32
      %dma_start3A_208 = tpu.memref_slice %arg6[%rem3A_91, %dma_start3A_206, %dma_start3A_207] : memref<2x16x128xi32, #tpu.memory_space<vmem>> -> memref<1x1x128xi32, #tpu.memory_space<vmem>>
      %dma_start3A_209 = tpu.memref_squeeze %dma_start3A_208 : memref<1x1x128xi32, #tpu.memory_space<vmem>> -> memref<128xi32, #tpu.memory_space<vmem>>
      %dma_start3A_210 = arith.constant 0 : i32
      %dma_start3A_211 = arith.constant 0 : i32
      %dma_start3A_212 = tpu.memref_slice %arg2[%dma_start3A_210, %dma_start3A_211] : memref<102400x32xf32, #tpu.memory_space<hbm>> -> memref<102400x32xf32, #tpu.memory_space<hbm>>
      tpu.enqueue_indirect_dma source(%dma_start3A_212 : memref<102400x32xf32, #tpu.memory_space<hbm>>) target(%arg10 : memref<128x32xf32, #tpu.memory_space<vmem>>) offsets(%dma_start3A_209 : memref<128xi32, #tpu.memory_space<vmem>>) semaphore(%arg15 : memref<!tpu.dma_semaphore, #tpu.memory_space<semaphore_mem>>)
      %dma_wait3A_213 = arith.constant 3 : i32
      %dma_wait3A_214 = arith.constant 0 : i32
      %dma_wait3A_215 = tpu.memref_slice %arg6[%rem3A_91, %dma_wait3A_213, %dma_wait3A_214] : memref<2x16x128xi32, #tpu.memory_space<vmem>> -> memref<1x1x128xi32, #tpu.memory_space<vmem>>
      %dma_wait3A_216 = tpu.memref_squeeze %dma_wait3A_215 : memref<1x1x128xi32, #tpu.memory_space<vmem>> -> memref<128xi32, #tpu.memory_space<vmem>>
      %dma_wait3A_217 = arith.constant 0 : i32
      %dma_wait3A_218 = arith.constant 0 : i32
      %dma_wait3A_219 = tpu.memref_slice %arg2[%dma_wait3A_217, %dma_wait3A_218] : memref<102400x32xf32, #tpu.memory_space<hbm>> -> memref<102400x32xf32, #tpu.memory_space<hbm>>
      tpu.wait_indirect_dma semaphore(%arg16 : memref<!tpu.dma_semaphore, #tpu.memory_space<semaphore_mem>>) src(%dma_wait3A_219 : memref<102400x32xf32, #tpu.memory_space<hbm>>) dst(%arg11 : memref<128x32xf32, #tpu.memory_space<vmem>>)
      %dma_start3A_220 = arith.constant 3 : i32
      %dma_start3A_221 = arith.constant 0 : i32
      %dma_start3A_222 = tpu.memref_slice %arg7[%rem3A_91, %dma_start3A_220, %dma_start3A_221] : memref<2x16x128xi32, #tpu.memory_space<vmem>> -> memref<1x1x128xi32, #tpu.memory_space<vmem>>
      %dma_start3A_223 = tpu.memref_squeeze %dma_start3A_222 : memref<1x1x128xi32, #tpu.memory_space<vmem>> -> memref<128xi32, #tpu.memory_space<vmem>>
      %dma_start3A_224 = arith.constant 0 : i32
      %dma_start3A_225 = arith.constant 0 : i32
      %dma_start3A_226 = tpu.memref_slice %arg12[%dma_start3A_224, %dma_start3A_225] : memref<50048x32xf32, #tpu.memory_space<vmem_shared>> -> memref<50048x32xf32, #tpu.memory_space<vmem_shared>>
      tpu.enqueue_indirect_dma source(%arg11 : memref<128x32xf32, #tpu.memory_space<vmem>>) target(%dma_start3A_226 : memref<50048x32xf32, #tpu.memory_space<vmem_shared>>) offsets(%dma_start3A_223 : memref<128xi32, #tpu.memory_space<vmem>>) semaphore(%arg20 : memref<!tpu.dma_semaphore, #tpu.memory_space<semaphore_mem>>) {add = true}
      %dma_wait3A_227 = arith.constant 4 : i32
      %dma_wait3A_228 = arith.constant 0 : i32
      %dma_wait3A_229 = tpu.memref_slice %arg7[%rem3A_91, %dma_wait3A_227, %dma_wait3A_228] : memref<2x16x128xi32, #tpu.memory_space<vmem>> -> memref<1x1x128xi32, #tpu.memory_space<vmem>>
      %dma_wait3A_230 = tpu.memref_squeeze %dma_wait3A_229 : memref<1x1x128xi32, #tpu.memory_space<vmem>> -> memref<128xi32, #tpu.memory_space<vmem>>
      %dma_wait3A_231 = arith.constant 0 : i32
      %dma_wait3A_232 = arith.constant 0 : i32
      %dma_wait3A_233 = tpu.memref_slice %arg12[%dma_wait3A_231, %dma_wait3A_232] : memref<50048x32xf32, #tpu.memory_space<vmem_shared>> -> memref<50048x32xf32, #tpu.memory_space<vmem_shared>>
      tpu.wait_indirect_dma semaphore(%arg20 : memref<!tpu.dma_semaphore, #tpu.memory_space<semaphore_mem>>) src(%arg11 : memref<128x32xf32, #tpu.memory_space<vmem>>) dst(%dma_wait3A_233 : memref<50048x32xf32, #tpu.memory_space<vmem_shared>>)
      %dma_start3A_234 = arith.constant 7 : i32
      %dma_start3A_235 = arith.constant 0 : i32
      %dma_start3A_236 = tpu.memref_slice %arg6[%rem3A_91, %dma_start3A_234, %dma_start3A_235] : memref<2x16x128xi32, #tpu.memory_space<vmem>> -> memref<1x1x128xi32, #tpu.memory_space<vmem>>
      %dma_start3A_237 = tpu.memref_squeeze %dma_start3A_236 : memref<1x1x128xi32, #tpu.memory_space<vmem>> -> memref<128xi32, #tpu.memory_space<vmem>>
      %dma_start3A_238 = arith.constant 0 : i32
      %dma_start3A_239 = arith.constant 0 : i32
      %dma_start3A_240 = tpu.memref_slice %arg2[%dma_start3A_238, %dma_start3A_239] : memref<102400x32xf32, #tpu.memory_space<hbm>> -> memref<102400x32xf32, #tpu.memory_space<hbm>>
      tpu.enqueue_indirect_dma source(%dma_start3A_240 : memref<102400x32xf32, #tpu.memory_space<hbm>>) target(%arg11 : memref<128x32xf32, #tpu.memory_space<vmem>>) offsets(%dma_start3A_237 : memref<128xi32, #tpu.memory_space<vmem>>) semaphore(%arg16 : memref<!tpu.dma_semaphore, #tpu.memory_space<semaphore_mem>>)
      %dma_wait3A_241 = arith.constant 4 : i32
      %dma_wait3A_242 = arith.constant 0 : i32
      %dma_wait3A_243 = tpu.memref_slice %arg6[%rem3A_91, %dma_wait3A_241, %dma_wait3A_242] : memref<2x16x128xi32, #tpu.memory_space<vmem>> -> memref<1x1x128xi32, #tpu.memory_space<vmem>>
      %dma_wait3A_244 = tpu.memref_squeeze %dma_wait3A_243 : memref<1x1x128xi32, #tpu.memory_space<vmem>> -> memref<128xi32, #tpu.memory_space<vmem>>
      %dma_wait3A_245 = arith.constant 0 : i32
      %dma_wait3A_246 = arith.constant 0 : i32
      %dma_wait3A_247 = tpu.memref_slice %arg2[%dma_wait3A_245, %dma_wait3A_246] : memref<102400x32xf32, #tpu.memory_space<hbm>> -> memref<102400x32xf32, #tpu.memory_space<hbm>>
      tpu.wait_indirect_dma semaphore(%arg13 : memref<!tpu.dma_semaphore, #tpu.memory_space<semaphore_mem>>) src(%dma_wait3A_247 : memref<102400x32xf32, #tpu.memory_space<hbm>>) dst(%arg8 : memref<128x32xf32, #tpu.memory_space<vmem>>)
      %dma_start3A_248 = arith.constant 4 : i32
      %dma_start3A_249 = arith.constant 0 : i32
      %dma_start3A_250 = tpu.memref_slice %arg7[%rem3A_91, %dma_start3A_248, %dma_start3A_249] : memref<2x16x128xi32, #tpu.memory_space<vmem>> -> memref<1x1x128xi32, #tpu.memory_space<vmem>>
      %dma_start3A_251 = tpu.memref_squeeze %dma_start3A_250 : memref<1x1x128xi32, #tpu.memory_space<vmem>> -> memref<128xi32, #tpu.memory_space<vmem>>
      %dma_start3A_252 = arith.constant 0 : i32
      %dma_start3A_253 = arith.constant 0 : i32
      %dma_start3A_254 = tpu.memref_slice %arg12[%dma_start3A_252, %dma_start3A_253] : memref<50048x32xf32, #tpu.memory_space<vmem_shared>> -> memref<50048x32xf32, #tpu.memory_space<vmem_shared>>
      tpu.enqueue_indirect_dma source(%arg8 : memref<128x32xf32, #tpu.memory_space<vmem>>) target(%dma_start3A_254 : memref<50048x32xf32, #tpu.memory_space<vmem_shared>>) offsets(%dma_start3A_251 : memref<128xi32, #tpu.memory_space<vmem>>) semaphore(%arg17 : memref<!tpu.dma_semaphore, #tpu.memory_space<semaphore_mem>>) {add = true}
      %dma_wait3A_255 = arith.constant 5 : i32
      %dma_wait3A_256 = arith.constant 0 : i32
      %dma_wait3A_257 = tpu.memref_slice %arg7[%rem3A_91, %dma_wait3A_255, %dma_wait3A_256] : memref<2x16x128xi32, #tpu.memory_space<vmem>> -> memref<1x1x128xi32, #tpu.memory_space<vmem>>
      %dma_wait3A_258 = tpu.memref_squeeze %dma_wait3A_257 : memref<1x1x128xi32, #tpu.memory_space<vmem>> -> memref<128xi32, #tpu.memory_space<vmem>>
      %dma_wait3A_259 = arith.constant 0 : i32
      %dma_wait3A_260 = arith.constant 0 : i32
      %dma_wait3A_261 = tpu.memref_slice %arg12[%dma_wait3A_259, %dma_wait3A_260] : memref<50048x32xf32, #tpu.memory_space<vmem_shared>> -> memref<50048x32xf32, #tpu.memory_space<vmem_shared>>
      tpu.wait_indirect_dma semaphore(%arg17 : memref<!tpu.dma_semaphore, #tpu.memory_space<semaphore_mem>>) src(%arg8 : memref<128x32xf32, #tpu.memory_space<vmem>>) dst(%dma_wait3A_261 : memref<50048x32xf32, #tpu.memory_space<vmem_shared>>)
      %dma_start3A_262 = arith.constant 8 : i32
      %dma_start3A_263 = arith.constant 0 : i32
      %dma_start3A_264 = tpu.memref_slice %arg6[%rem3A_91, %dma_start3A_262, %dma_start3A_263] : memref<2x16x128xi32, #tpu.memory_space<vmem>> -> memref<1x1x128xi32, #tpu.memory_space<vmem>>
      %dma_start3A_265 = tpu.memref_squeeze %dma_start3A_264 : memref<1x1x128xi32, #tpu.memory_space<vmem>> -> memref<128xi32, #tpu.memory_space<vmem>>
      %dma_start3A_266 = arith.constant 0 : i32
      %dma_start3A_267 = arith.constant 0 : i32
      %dma_start3A_268 = tpu.memref_slice %arg2[%dma_start3A_266, %dma_start3A_267] : memref<102400x32xf32, #tpu.memory_space<hbm>> -> memref<102400x32xf32, #tpu.memory_space<hbm>>
      tpu.enqueue_indirect_dma source(%dma_start3A_268 : memref<102400x32xf32, #tpu.memory_space<hbm>>) target(%arg8 : memref<128x32xf32, #tpu.memory_space<vmem>>) offsets(%dma_start3A_265 : memref<128xi32, #tpu.memory_space<vmem>>) semaphore(%arg13 : memref<!tpu.dma_semaphore, #tpu.memory_space<semaphore_mem>>)
      %dma_wait3A_269 = arith.constant 5 : i32
      %dma_wait3A_270 = arith.constant 0 : i32
      %dma_wait3A_271 = tpu.memref_slice %arg6[%rem3A_91, %dma_wait3A_269, %dma_wait3A_270] : memref<2x16x128xi32, #tpu.memory_space<vmem>> -> memref<1x1x128xi32, #tpu.memory_space<vmem>>
      %dma_wait3A_272 = tpu.memref_squeeze %dma_wait3A_271 : memref<1x1x128xi32, #tpu.memory_space<vmem>> -> memref<128xi32, #tpu.memory_space<vmem>>
      %dma_wait3A_273 = arith.constant 0 : i32
      %dma_wait3A_274 = arith.constant 0 : i32
      %dma_wait3A_275 = tpu.memref_slice %arg2[%dma_wait3A_273, %dma_wait3A_274] : memref<102400x32xf32, #tpu.memory_space<hbm>> -> memref<102400x32xf32, #tpu.memory_space<hbm>>
      tpu.wait_indirect_dma semaphore(%arg14 : memref<!tpu.dma_semaphore, #tpu.memory_space<semaphore_mem>>) src(%dma_wait3A_275 : memref<102400x32xf32, #tpu.memory_space<hbm>>) dst(%arg9 : memref<128x32xf32, #tpu.memory_space<vmem>>)
      %dma_start3A_276 = arith.constant 5 : i32
      %dma_start3A_277 = arith.constant 0 : i32
      %dma_start3A_278 = tpu.memref_slice %arg7[%rem3A_91, %dma_start3A_276, %dma_start3A_277] : memref<2x16x128xi32, #tpu.memory_space<vmem>> -> memref<1x1x128xi32, #tpu.memory_space<vmem>>
      %dma_start3A_279 = tpu.memref_squeeze %dma_start3A_278 : memref<1x1x128xi32, #tpu.memory_space<vmem>> -> memref<128xi32, #tpu.memory_space<vmem>>
      %dma_start3A_280 = arith.constant 0 : i32
      %dma_start3A_281 = arith.constant 0 : i32
      %dma_start3A_282 = tpu.memref_slice %arg12[%dma_start3A_280, %dma_start3A_281] : memref<50048x32xf32, #tpu.memory_space<vmem_shared>> -> memref<50048x32xf32, #tpu.memory_space<vmem_shared>>
      tpu.enqueue_indirect_dma source(%arg9 : memref<128x32xf32, #tpu.memory_space<vmem>>) target(%dma_start3A_282 : memref<50048x32xf32, #tpu.memory_space<vmem_shared>>) offsets(%dma_start3A_279 : memref<128xi32, #tpu.memory_space<vmem>>) semaphore(%arg18 : memref<!tpu.dma_semaphore, #tpu.memory_space<semaphore_mem>>) {add = true}
      %dma_wait3A_283 = arith.constant 6 : i32
      %dma_wait3A_284 = arith.constant 0 : i32
      %dma_wait3A_285 = tpu.memref_slice %arg7[%rem3A_91, %dma_wait3A_283, %dma_wait3A_284] : memref<2x16x128xi32, #tpu.memory_space<vmem>> -> memref<1x1x128xi32, #tpu.memory_space<vmem>>
      %dma_wait3A_286 = tpu.memref_squeeze %dma_wait3A_285 : memref<1x1x128xi32, #tpu.memory_space<vmem>> -> memref<128xi32, #tpu.memory_space<vmem>>
      %dma_wait3A_287 = arith.constant 0 : i32
      %dma_wait3A_288 = arith.constant 0 : i32
      %dma_wait3A_289 = tpu.memref_slice %arg12[%dma_wait3A_287, %dma_wait3A_288] : memref<50048x32xf32, #tpu.memory_space<vmem_shared>> -> memref<50048x32xf32, #tpu.memory_space<vmem_shared>>
      tpu.wait_indirect_dma semaphore(%arg18 : memref<!tpu.dma_semaphore, #tpu.memory_space<semaphore_mem>>) src(%arg9 : memref<128x32xf32, #tpu.memory_space<vmem>>) dst(%dma_wait3A_289 : memref<50048x32xf32, #tpu.memory_space<vmem_shared>>)
      %dma_start3A_290 = arith.constant 9 : i32
      %dma_start3A_291 = arith.constant 0 : i32
      %dma_start3A_292 = tpu.memref_slice %arg6[%rem3A_91, %dma_start3A_290, %dma_start3A_291] : memref<2x16x128xi32, #tpu.memory_space<vmem>> -> memref<1x1x128xi32, #tpu.memory_space<vmem>>
      %dma_start3A_293 = tpu.memref_squeeze %dma_start3A_292 : memref<1x1x128xi32, #tpu.memory_space<vmem>> -> memref<128xi32, #tpu.memory_space<vmem>>
      %dma_start3A_294 = arith.constant 0 : i32
      %dma_start3A_295 = arith.constant 0 : i32
      %dma_start3A_296 = tpu.memref_slice %arg2[%dma_start3A_294, %dma_start3A_295] : memref<102400x32xf32, #tpu.memory_space<hbm>> -> memref<102400x32xf32, #tpu.memory_space<hbm>>
      tpu.enqueue_indirect_dma source(%dma_start3A_296 : memref<102400x32xf32, #tpu.memory_space<hbm>>) target(%arg9 : memref<128x32xf32, #tpu.memory_space<vmem>>) offsets(%dma_start3A_293 : memref<128xi32, #tpu.memory_space<vmem>>) semaphore(%arg14 : memref<!tpu.dma_semaphore, #tpu.memory_space<semaphore_mem>>)
      %dma_wait3A_297 = arith.constant 6 : i32
      %dma_wait3A_298 = arith.constant 0 : i32
      %dma_wait3A_299 = tpu.memref_slice %arg6[%rem3A_91, %dma_wait3A_297, %dma_wait3A_298] : memref<2x16x128xi32, #tpu.memory_space<vmem>> -> memref<1x1x128xi32, #tpu.memory_space<vmem>>
      %dma_wait3A_300 = tpu.memref_squeeze %dma_wait3A_299 : memref<1x1x128xi32, #tpu.memory_space<vmem>> -> memref<128xi32, #tpu.memory_space<vmem>>
      %dma_wait3A_301 = arith.constant 0 : i32
      %dma_wait3A_302 = arith.constant 0 : i32
      %dma_wait3A_303 = tpu.memref_slice %arg2[%dma_wait3A_301, %dma_wait3A_302] : memref<102400x32xf32, #tpu.memory_space<hbm>> -> memref<102400x32xf32, #tpu.memory_space<hbm>>
      tpu.wait_indirect_dma semaphore(%arg15 : memref<!tpu.dma_semaphore, #tpu.memory_space<semaphore_mem>>) src(%dma_wait3A_303 : memref<102400x32xf32, #tpu.memory_space<hbm>>) dst(%arg10 : memref<128x32xf32, #tpu.memory_space<vmem>>)
      %dma_start3A_304 = arith.constant 6 : i32
      %dma_start3A_305 = arith.constant 0 : i32
      %dma_start3A_306 = tpu.memref_slice %arg7[%rem3A_91, %dma_start3A_304, %dma_start3A_305] : memref<2x16x128xi32, #tpu.memory_space<vmem>> -> memref<1x1x128xi32, #tpu.memory_space<vmem>>
      %dma_start3A_307 = tpu.memref_squeeze %dma_start3A_306 : memref<1x1x128xi32, #tpu.memory_space<vmem>> -> memref<128xi32, #tpu.memory_space<vmem>>
      %dma_start3A_308 = arith.constant 0 : i32
      %dma_start3A_309 = arith.constant 0 : i32
      %dma_start3A_310 = tpu.memref_slice %arg12[%dma_start3A_308, %dma_start3A_309] : memref<50048x32xf32, #tpu.memory_space<vmem_shared>> -> memref<50048x32xf32, #tpu.memory_space<vmem_shared>>
      tpu.enqueue_indirect_dma source(%arg10 : memref<128x32xf32, #tpu.memory_space<vmem>>) target(%dma_start3A_310 : memref<50048x32xf32, #tpu.memory_space<vmem_shared>>) offsets(%dma_start3A_307 : memref<128xi32, #tpu.memory_space<vmem>>) semaphore(%arg19 : memref<!tpu.dma_semaphore, #tpu.memory_space<semaphore_mem>>) {add = true}
      %dma_wait3A_311 = arith.constant 7 : i32
      %dma_wait3A_312 = arith.constant 0 : i32
      %dma_wait3A_313 = tpu.memref_slice %arg7[%rem3A_91, %dma_wait3A_311, %dma_wait3A_312] : memref<2x16x128xi32, #tpu.memory_space<vmem>> -> memref<1x1x128xi32, #tpu.memory_space<vmem>>
      %dma_wait3A_314 = tpu.memref_squeeze %dma_wait3A_313 : memref<1x1x128xi32, #tpu.memory_space<vmem>> -> memref<128xi32, #tpu.memory_space<vmem>>
      %dma_wait3A_315 = arith.constant 0 : i32
      %dma_wait3A_316 = arith.constant 0 : i32
      %dma_wait3A_317 = tpu.memref_slice %arg12[%dma_wait3A_315, %dma_wait3A_316] : memref<50048x32xf32, #tpu.memory_space<vmem_shared>> -> memref<50048x32xf32, #tpu.memory_space<vmem_shared>>
      tpu.wait_indirect_dma semaphore(%arg19 : memref<!tpu.dma_semaphore, #tpu.memory_space<semaphore_mem>>) src(%arg10 : memref<128x32xf32, #tpu.memory_space<vmem>>) dst(%dma_wait3A_317 : memref<50048x32xf32, #tpu.memory_space<vmem_shared>>)
      %dma_start3A_318 = arith.constant 10 : i32
      %dma_start3A_319 = arith.constant 0 : i32
      %dma_start3A_320 = tpu.memref_slice %arg6[%rem3A_91, %dma_start3A_318, %dma_start3A_319] : memref<2x16x128xi32, #tpu.memory_space<vmem>> -> memref<1x1x128xi32, #tpu.memory_space<vmem>>
      %dma_start3A_321 = tpu.memref_squeeze %dma_start3A_320 : memref<1x1x128xi32, #tpu.memory_space<vmem>> -> memref<128xi32, #tpu.memory_space<vmem>>
      %dma_start3A_322 = arith.constant 0 : i32
      %dma_start3A_323 = arith.constant 0 : i32
      %dma_start3A_324 = tpu.memref_slice %arg2[%dma_start3A_322, %dma_start3A_323] : memref<102400x32xf32, #tpu.memory_space<hbm>> -> memref<102400x32xf32, #tpu.memory_space<hbm>>
      tpu.enqueue_indirect_dma source(%dma_start3A_324 : memref<102400x32xf32, #tpu.memory_space<hbm>>) target(%arg10 : memref<128x32xf32, #tpu.memory_space<vmem>>) offsets(%dma_start3A_321 : memref<128xi32, #tpu.memory_space<vmem>>) semaphore(%arg15 : memref<!tpu.dma_semaphore, #tpu.memory_space<semaphore_mem>>)
      %dma_wait3A_325 = arith.constant 7 : i32
      %dma_wait3A_326 = arith.constant 0 : i32
      %dma_wait3A_327 = tpu.memref_slice %arg6[%rem3A_91, %dma_wait3A_325, %dma_wait3A_326] : memref<2x16x128xi32, #tpu.memory_space<vmem>> -> memref<1x1x128xi32, #tpu.memory_space<vmem>>
      %dma_wait3A_328 = tpu.memref_squeeze %dma_wait3A_327 : memref<1x1x128xi32, #tpu.memory_space<vmem>> -> memref<128xi32, #tpu.memory_space<vmem>>
      %dma_wait3A_329 = arith.constant 0 : i32
      %dma_wait3A_330 = arith.constant 0 : i32
      %dma_wait3A_331 = tpu.memref_slice %arg2[%dma_wait3A_329, %dma_wait3A_330] : memref<102400x32xf32, #tpu.memory_space<hbm>> -> memref<102400x32xf32, #tpu.memory_space<hbm>>
      tpu.wait_indirect_dma semaphore(%arg16 : memref<!tpu.dma_semaphore, #tpu.memory_space<semaphore_mem>>) src(%dma_wait3A_331 : memref<102400x32xf32, #tpu.memory_space<hbm>>) dst(%arg11 : memref<128x32xf32, #tpu.memory_space<vmem>>)
      %dma_start3A_332 = arith.constant 7 : i32
      %dma_start3A_333 = arith.constant 0 : i32
      %dma_start3A_334 = tpu.memref_slice %arg7[%rem3A_91, %dma_start3A_332, %dma_start3A_333] : memref<2x16x128xi32, #tpu.memory_space<vmem>> -> memref<1x1x128xi32, #tpu.memory_space<vmem>>
      %dma_start3A_335 = tpu.memref_squeeze %dma_start3A_334 : memref<1x1x128xi32, #tpu.memory_space<vmem>> -> memref<128xi32, #tpu.memory_space<vmem>>
      %dma_start3A_336 = arith.constant 0 : i32
      %dma_start3A_337 = arith.constant 0 : i32
      %dma_start3A_338 = tpu.memref_slice %arg12[%dma_start3A_336, %dma_start3A_337] : memref<50048x32xf32, #tpu.memory_space<vmem_shared>> -> memref<50048x32xf32, #tpu.memory_space<vmem_shared>>
      tpu.enqueue_indirect_dma source(%arg11 : memref<128x32xf32, #tpu.memory_space<vmem>>) target(%dma_start3A_338 : memref<50048x32xf32, #tpu.memory_space<vmem_shared>>) offsets(%dma_start3A_335 : memref<128xi32, #tpu.memory_space<vmem>>) semaphore(%arg20 : memref<!tpu.dma_semaphore, #tpu.memory_space<semaphore_mem>>) {add = true}
      %dma_wait3A_339 = arith.constant 8 : i32
      %dma_wait3A_340 = arith.constant 0 : i32
      %dma_wait3A_341 = tpu.memref_slice %arg7[%rem3A_91, %dma_wait3A_339, %dma_wait3A_340] : memref<2x16x128xi32, #tpu.memory_space<vmem>> -> memref<1x1x128xi32, #tpu.memory_space<vmem>>
      %dma_wait3A_342 = tpu.memref_squeeze %dma_wait3A_341 : memref<1x1x128xi32, #tpu.memory_space<vmem>> -> memref<128xi32, #tpu.memory_space<vmem>>
      %dma_wait3A_343 = arith.constant 0 : i32
      %dma_wait3A_344 = arith.constant 0 : i32
      %dma_wait3A_345 = tpu.memref_slice %arg12[%dma_wait3A_343, %dma_wait3A_344] : memref<50048x32xf32, #tpu.memory_space<vmem_shared>> -> memref<50048x32xf32, #tpu.memory_space<vmem_shared>>
      tpu.wait_indirect_dma semaphore(%arg20 : memref<!tpu.dma_semaphore, #tpu.memory_space<semaphore_mem>>) src(%arg11 : memref<128x32xf32, #tpu.memory_space<vmem>>) dst(%dma_wait3A_345 : memref<50048x32xf32, #tpu.memory_space<vmem_shared>>)
      %dma_start3A_346 = arith.constant 11 : i32
      %dma_start3A_347 = arith.constant 0 : i32
      %dma_start3A_348 = tpu.memref_slice %arg6[%rem3A_91, %dma_start3A_346, %dma_start3A_347] : memref<2x16x128xi32, #tpu.memory_space<vmem>> -> memref<1x1x128xi32, #tpu.memory_space<vmem>>
      %dma_start3A_349 = tpu.memref_squeeze %dma_start3A_348 : memref<1x1x128xi32, #tpu.memory_space<vmem>> -> memref<128xi32, #tpu.memory_space<vmem>>
      %dma_start3A_350 = arith.constant 0 : i32
      %dma_start3A_351 = arith.constant 0 : i32
      %dma_start3A_352 = tpu.memref_slice %arg2[%dma_start3A_350, %dma_start3A_351] : memref<102400x32xf32, #tpu.memory_space<hbm>> -> memref<102400x32xf32, #tpu.memory_space<hbm>>
      tpu.enqueue_indirect_dma source(%dma_start3A_352 : memref<102400x32xf32, #tpu.memory_space<hbm>>) target(%arg11 : memref<128x32xf32, #tpu.memory_space<vmem>>) offsets(%dma_start3A_349 : memref<128xi32, #tpu.memory_space<vmem>>) semaphore(%arg16 : memref<!tpu.dma_semaphore, #tpu.memory_space<semaphore_mem>>)
      %dma_wait3A_353 = arith.constant 8 : i32
      %dma_wait3A_354 = arith.constant 0 : i32
      %dma_wait3A_355 = tpu.memref_slice %arg6[%rem3A_91, %dma_wait3A_353, %dma_wait3A_354] : memref<2x16x128xi32, #tpu.memory_space<vmem>> -> memref<1x1x128xi32, #tpu.memory_space<vmem>>
      %dma_wait3A_356 = tpu.memref_squeeze %dma_wait3A_355 : memref<1x1x128xi32, #tpu.memory_space<vmem>> -> memref<128xi32, #tpu.memory_space<vmem>>
      %dma_wait3A_357 = arith.constant 0 : i32
      %dma_wait3A_358 = arith.constant 0 : i32
      %dma_wait3A_359 = tpu.memref_slice %arg2[%dma_wait3A_357, %dma_wait3A_358] : memref<102400x32xf32, #tpu.memory_space<hbm>> -> memref<102400x32xf32, #tpu.memory_space<hbm>>
      tpu.wait_indirect_dma semaphore(%arg13 : memref<!tpu.dma_semaphore, #tpu.memory_space<semaphore_mem>>) src(%dma_wait3A_359 : memref<102400x32xf32, #tpu.memory_space<hbm>>) dst(%arg8 : memref<128x32xf32, #tpu.memory_space<vmem>>)
      %dma_start3A_360 = arith.constant 8 : i32
      %dma_start3A_361 = arith.constant 0 : i32
      %dma_start3A_362 = tpu.memref_slice %arg7[%rem3A_91, %dma_start3A_360, %dma_start3A_361] : memref<2x16x128xi32, #tpu.memory_space<vmem>> -> memref<1x1x128xi32, #tpu.memory_space<vmem>>
      %dma_start3A_363 = tpu.memref_squeeze %dma_start3A_362 : memref<1x1x128xi32, #tpu.memory_space<vmem>> -> memref<128xi32, #tpu.memory_space<vmem>>
      %dma_start3A_364 = arith.constant 0 : i32
      %dma_start3A_365 = arith.constant 0 : i32
      %dma_start3A_366 = tpu.memref_slice %arg12[%dma_start3A_364, %dma_start3A_365] : memref<50048x32xf32, #tpu.memory_space<vmem_shared>> -> memref<50048x32xf32, #tpu.memory_space<vmem_shared>>
      tpu.enqueue_indirect_dma source(%arg8 : memref<128x32xf32, #tpu.memory_space<vmem>>) target(%dma_start3A_366 : memref<50048x32xf32, #tpu.memory_space<vmem_shared>>) offsets(%dma_start3A_363 : memref<128xi32, #tpu.memory_space<vmem>>) semaphore(%arg17 : memref<!tpu.dma_semaphore, #tpu.memory_space<semaphore_mem>>) {add = true}
      %dma_wait3A_367 = arith.constant 9 : i32
      %dma_wait3A_368 = arith.constant 0 : i32
      %dma_wait3A_369 = tpu.memref_slice %arg7[%rem3A_91, %dma_wait3A_367, %dma_wait3A_368] : memref<2x16x128xi32, #tpu.memory_space<vmem>> -> memref<1x1x128xi32, #tpu.memory_space<vmem>>
      %dma_wait3A_370 = tpu.memref_squeeze %dma_wait3A_369 : memref<1x1x128xi32, #tpu.memory_space<vmem>> -> memref<128xi32, #tpu.memory_space<vmem>>
      %dma_wait3A_371 = arith.constant 0 : i32
      %dma_wait3A_372 = arith.constant 0 : i32
      %dma_wait3A_373 = tpu.memref_slice %arg12[%dma_wait3A_371, %dma_wait3A_372] : memref<50048x32xf32, #tpu.memory_space<vmem_shared>> -> memref<50048x32xf32, #tpu.memory_space<vmem_shared>>
      tpu.wait_indirect_dma semaphore(%arg17 : memref<!tpu.dma_semaphore, #tpu.memory_space<semaphore_mem>>) src(%arg8 : memref<128x32xf32, #tpu.memory_space<vmem>>) dst(%dma_wait3A_373 : memref<50048x32xf32, #tpu.memory_space<vmem_shared>>)
      %dma_start3A_374 = arith.constant 12 : i32
      %dma_start3A_375 = arith.constant 0 : i32
      %dma_start3A_376 = tpu.memref_slice %arg6[%rem3A_91, %dma_start3A_374, %dma_start3A_375] : memref<2x16x128xi32, #tpu.memory_space<vmem>> -> memref<1x1x128xi32, #tpu.memory_space<vmem>>
      %dma_start3A_377 = tpu.memref_squeeze %dma_start3A_376 : memref<1x1x128xi32, #tpu.memory_space<vmem>> -> memref<128xi32, #tpu.memory_space<vmem>>
      %dma_start3A_378 = arith.constant 0 : i32
      %dma_start3A_379 = arith.constant 0 : i32
      %dma_start3A_380 = tpu.memref_slice %arg2[%dma_start3A_378, %dma_start3A_379] : memref<102400x32xf32, #tpu.memory_space<hbm>> -> memref<102400x32xf32, #tpu.memory_space<hbm>>
      tpu.enqueue_indirect_dma source(%dma_start3A_380 : memref<102400x32xf32, #tpu.memory_space<hbm>>) target(%arg8 : memref<128x32xf32, #tpu.memory_space<vmem>>) offsets(%dma_start3A_377 : memref<128xi32, #tpu.memory_space<vmem>>) semaphore(%arg13 : memref<!tpu.dma_semaphore, #tpu.memory_space<semaphore_mem>>)
      %dma_wait3A_381 = arith.constant 9 : i32
      %dma_wait3A_382 = arith.constant 0 : i32
      %dma_wait3A_383 = tpu.memref_slice %arg6[%rem3A_91, %dma_wait3A_381, %dma_wait3A_382] : memref<2x16x128xi32, #tpu.memory_space<vmem>> -> memref<1x1x128xi32, #tpu.memory_space<vmem>>
      %dma_wait3A_384 = tpu.memref_squeeze %dma_wait3A_383 : memref<1x1x128xi32, #tpu.memory_space<vmem>> -> memref<128xi32, #tpu.memory_space<vmem>>
      %dma_wait3A_385 = arith.constant 0 : i32
      %dma_wait3A_386 = arith.constant 0 : i32
      %dma_wait3A_387 = tpu.memref_slice %arg2[%dma_wait3A_385, %dma_wait3A_386] : memref<102400x32xf32, #tpu.memory_space<hbm>> -> memref<102400x32xf32, #tpu.memory_space<hbm>>
      tpu.wait_indirect_dma semaphore(%arg14 : memref<!tpu.dma_semaphore, #tpu.memory_space<semaphore_mem>>) src(%dma_wait3A_387 : memref<102400x32xf32, #tpu.memory_space<hbm>>) dst(%arg9 : memref<128x32xf32, #tpu.memory_space<vmem>>)
      %dma_start3A_388 = arith.constant 9 : i32
      %dma_start3A_389 = arith.constant 0 : i32
      %dma_start3A_390 = tpu.memref_slice %arg7[%rem3A_91, %dma_start3A_388, %dma_start3A_389] : memref<2x16x128xi32, #tpu.memory_space<vmem>> -> memref<1x1x128xi32, #tpu.memory_space<vmem>>
      %dma_start3A_391 = tpu.memref_squeeze %dma_start3A_390 : memref<1x1x128xi32, #tpu.memory_space<vmem>> -> memref<128xi32, #tpu.memory_space<vmem>>
      %dma_start3A_392 = arith.constant 0 : i32
      %dma_start3A_393 = arith.constant 0 : i32
      %dma_start3A_394 = tpu.memref_slice %arg12[%dma_start3A_392, %dma_start3A_393] : memref<50048x32xf32, #tpu.memory_space<vmem_shared>> -> memref<50048x32xf32, #tpu.memory_space<vmem_shared>>
      tpu.enqueue_indirect_dma source(%arg9 : memref<128x32xf32, #tpu.memory_space<vmem>>) target(%dma_start3A_394 : memref<50048x32xf32, #tpu.memory_space<vmem_shared>>) offsets(%dma_start3A_391 : memref<128xi32, #tpu.memory_space<vmem>>) semaphore(%arg18 : memref<!tpu.dma_semaphore, #tpu.memory_space<semaphore_mem>>) {add = true}
      %dma_wait3A_395 = arith.constant 10 : i32
      %dma_wait3A_396 = arith.constant 0 : i32
      %dma_wait3A_397 = tpu.memref_slice %arg7[%rem3A_91, %dma_wait3A_395, %dma_wait3A_396] : memref<2x16x128xi32, #tpu.memory_space<vmem>> -> memref<1x1x128xi32, #tpu.memory_space<vmem>>
      %dma_wait3A_398 = tpu.memref_squeeze %dma_wait3A_397 : memref<1x1x128xi32, #tpu.memory_space<vmem>> -> memref<128xi32, #tpu.memory_space<vmem>>
      %dma_wait3A_399 = arith.constant 0 : i32
      %dma_wait3A_400 = arith.constant 0 : i32
      %dma_wait3A_401 = tpu.memref_slice %arg12[%dma_wait3A_399, %dma_wait3A_400] : memref<50048x32xf32, #tpu.memory_space<vmem_shared>> -> memref<50048x32xf32, #tpu.memory_space<vmem_shared>>
      tpu.wait_indirect_dma semaphore(%arg18 : memref<!tpu.dma_semaphore, #tpu.memory_space<semaphore_mem>>) src(%arg9 : memref<128x32xf32, #tpu.memory_space<vmem>>) dst(%dma_wait3A_401 : memref<50048x32xf32, #tpu.memory_space<vmem_shared>>)
      %dma_start3A_402 = arith.constant 13 : i32
      %dma_start3A_403 = arith.constant 0 : i32
      %dma_start3A_404 = tpu.memref_slice %arg6[%rem3A_91, %dma_start3A_402, %dma_start3A_403] : memref<2x16x128xi32, #tpu.memory_space<vmem>> -> memref<1x1x128xi32, #tpu.memory_space<vmem>>
      %dma_start3A_405 = tpu.memref_squeeze %dma_start3A_404 : memref<1x1x128xi32, #tpu.memory_space<vmem>> -> memref<128xi32, #tpu.memory_space<vmem>>
      %dma_start3A_406 = arith.constant 0 : i32
      %dma_start3A_407 = arith.constant 0 : i32
      %dma_start3A_408 = tpu.memref_slice %arg2[%dma_start3A_406, %dma_start3A_407] : memref<102400x32xf32, #tpu.memory_space<hbm>> -> memref<102400x32xf32, #tpu.memory_space<hbm>>
      tpu.enqueue_indirect_dma source(%dma_start3A_408 : memref<102400x32xf32, #tpu.memory_space<hbm>>) target(%arg9 : memref<128x32xf32, #tpu.memory_space<vmem>>) offsets(%dma_start3A_405 : memref<128xi32, #tpu.memory_space<vmem>>) semaphore(%arg14 : memref<!tpu.dma_semaphore, #tpu.memory_space<semaphore_mem>>)
      %dma_wait3A_409 = arith.constant 10 : i32
      %dma_wait3A_410 = arith.constant 0 : i32
      %dma_wait3A_411 = tpu.memref_slice %arg6[%rem3A_91, %dma_wait3A_409, %dma_wait3A_410] : memref<2x16x128xi32, #tpu.memory_space<vmem>> -> memref<1x1x128xi32, #tpu.memory_space<vmem>>
      %dma_wait3A_412 = tpu.memref_squeeze %dma_wait3A_411 : memref<1x1x128xi32, #tpu.memory_space<vmem>> -> memref<128xi32, #tpu.memory_space<vmem>>
      %dma_wait3A_413 = arith.constant 0 : i32
      %dma_wait3A_414 = arith.constant 0 : i32
      %dma_wait3A_415 = tpu.memref_slice %arg2[%dma_wait3A_413, %dma_wait3A_414] : memref<102400x32xf32, #tpu.memory_space<hbm>> -> memref<102400x32xf32, #tpu.memory_space<hbm>>
      tpu.wait_indirect_dma semaphore(%arg15 : memref<!tpu.dma_semaphore, #tpu.memory_space<semaphore_mem>>) src(%dma_wait3A_415 : memref<102400x32xf32, #tpu.memory_space<hbm>>) dst(%arg10 : memref<128x32xf32, #tpu.memory_space<vmem>>)
      %dma_start3A_416 = arith.constant 10 : i32
      %dma_start3A_417 = arith.constant 0 : i32
      %dma_start3A_418 = tpu.memref_slice %arg7[%rem3A_91, %dma_start3A_416, %dma_start3A_417] : memref<2x16x128xi32, #tpu.memory_space<vmem>> -> memref<1x1x128xi32, #tpu.memory_space<vmem>>
      %dma_start3A_419 = tpu.memref_squeeze %dma_start3A_418 : memref<1x1x128xi32, #tpu.memory_space<vmem>> -> memref<128xi32, #tpu.memory_space<vmem>>
      %dma_start3A_420 = arith.constant 0 : i32
      %dma_start3A_421 = arith.constant 0 : i32
      %dma_start3A_422 = tpu.memref_slice %arg12[%dma_start3A_420, %dma_start3A_421] : memref<50048x32xf32, #tpu.memory_space<vmem_shared>> -> memref<50048x32xf32, #tpu.memory_space<vmem_shared>>
      tpu.enqueue_indirect_dma source(%arg10 : memref<128x32xf32, #tpu.memory_space<vmem>>) target(%dma_start3A_422 : memref<50048x32xf32, #tpu.memory_space<vmem_shared>>) offsets(%dma_start3A_419 : memref<128xi32, #tpu.memory_space<vmem>>) semaphore(%arg19 : memref<!tpu.dma_semaphore, #tpu.memory_space<semaphore_mem>>) {add = true}
      %dma_wait3A_423 = arith.constant 11 : i32
      %dma_wait3A_424 = arith.constant 0 : i32
      %dma_wait3A_425 = tpu.memref_slice %arg7[%rem3A_91, %dma_wait3A_423, %dma_wait3A_424] : memref<2x16x128xi32, #tpu.memory_space<vmem>> -> memref<1x1x128xi32, #tpu.memory_space<vmem>>
      %dma_wait3A_426 = tpu.memref_squeeze %dma_wait3A_425 : memref<1x1x128xi32, #tpu.memory_space<vmem>> -> memref<128xi32, #tpu.memory_space<vmem>>
      %dma_wait3A_427 = arith.constant 0 : i32
      %dma_wait3A_428 = arith.constant 0 : i32
      %dma_wait3A_429 = tpu.memref_slice %arg12[%dma_wait3A_427, %dma_wait3A_428] : memref<50048x32xf32, #tpu.memory_space<vmem_shared>> -> memref<50048x32xf32, #tpu.memory_space<vmem_shared>>
      tpu.wait_indirect_dma semaphore(%arg19 : memref<!tpu.dma_semaphore, #tpu.memory_space<semaphore_mem>>) src(%arg10 : memref<128x32xf32, #tpu.memory_space<vmem>>) dst(%dma_wait3A_429 : memref<50048x32xf32, #tpu.memory_space<vmem_shared>>)
      %dma_start3A_430 = arith.constant 14 : i32
      %dma_start3A_431 = arith.constant 0 : i32
      %dma_start3A_432 = tpu.memref_slice %arg6[%rem3A_91, %dma_start3A_430, %dma_start3A_431] : memref<2x16x128xi32, #tpu.memory_space<vmem>> -> memref<1x1x128xi32, #tpu.memory_space<vmem>>
      %dma_start3A_433 = tpu.memref_squeeze %dma_start3A_432 : memref<1x1x128xi32, #tpu.memory_space<vmem>> -> memref<128xi32, #tpu.memory_space<vmem>>
      %dma_start3A_434 = arith.constant 0 : i32
      %dma_start3A_435 = arith.constant 0 : i32
      %dma_start3A_436 = tpu.memref_slice %arg2[%dma_start3A_434, %dma_start3A_435] : memref<102400x32xf32, #tpu.memory_space<hbm>> -> memref<102400x32xf32, #tpu.memory_space<hbm>>
      tpu.enqueue_indirect_dma source(%dma_start3A_436 : memref<102400x32xf32, #tpu.memory_space<hbm>>) target(%arg10 : memref<128x32xf32, #tpu.memory_space<vmem>>) offsets(%dma_start3A_433 : memref<128xi32, #tpu.memory_space<vmem>>) semaphore(%arg15 : memref<!tpu.dma_semaphore, #tpu.memory_space<semaphore_mem>>)
      %dma_wait3A_437 = arith.constant 11 : i32
      %dma_wait3A_438 = arith.constant 0 : i32
      %dma_wait3A_439 = tpu.memref_slice %arg6[%rem3A_91, %dma_wait3A_437, %dma_wait3A_438] : memref<2x16x128xi32, #tpu.memory_space<vmem>> -> memref<1x1x128xi32, #tpu.memory_space<vmem>>
      %dma_wait3A_440 = tpu.memref_squeeze %dma_wait3A_439 : memref<1x1x128xi32, #tpu.memory_space<vmem>> -> memref<128xi32, #tpu.memory_space<vmem>>
      %dma_wait3A_441 = arith.constant 0 : i32
      %dma_wait3A_442 = arith.constant 0 : i32
      %dma_wait3A_443 = tpu.memref_slice %arg2[%dma_wait3A_441, %dma_wait3A_442] : memref<102400x32xf32, #tpu.memory_space<hbm>> -> memref<102400x32xf32, #tpu.memory_space<hbm>>
      tpu.wait_indirect_dma semaphore(%arg16 : memref<!tpu.dma_semaphore, #tpu.memory_space<semaphore_mem>>) src(%dma_wait3A_443 : memref<102400x32xf32, #tpu.memory_space<hbm>>) dst(%arg11 : memref<128x32xf32, #tpu.memory_space<vmem>>)
      %dma_start3A_444 = arith.constant 11 : i32
      %dma_start3A_445 = arith.constant 0 : i32
      %dma_start3A_446 = tpu.memref_slice %arg7[%rem3A_91, %dma_start3A_444, %dma_start3A_445] : memref<2x16x128xi32, #tpu.memory_space<vmem>> -> memref<1x1x128xi32, #tpu.memory_space<vmem>>
      %dma_start3A_447 = tpu.memref_squeeze %dma_start3A_446 : memref<1x1x128xi32, #tpu.memory_space<vmem>> -> memref<128xi32, #tpu.memory_space<vmem>>
      %dma_start3A_448 = arith.constant 0 : i32
      %dma_start3A_449 = arith.constant 0 : i32
      %dma_start3A_450 = tpu.memref_slice %arg12[%dma_start3A_448, %dma_start3A_449] : memref<50048x32xf32, #tpu.memory_space<vmem_shared>> -> memref<50048x32xf32, #tpu.memory_space<vmem_shared>>
      tpu.enqueue_indirect_dma source(%arg11 : memref<128x32xf32, #tpu.memory_space<vmem>>) target(%dma_start3A_450 : memref<50048x32xf32, #tpu.memory_space<vmem_shared>>) offsets(%dma_start3A_447 : memref<128xi32, #tpu.memory_space<vmem>>) semaphore(%arg20 : memref<!tpu.dma_semaphore, #tpu.memory_space<semaphore_mem>>) {add = true}
      %dma_wait3A_451 = arith.constant 12 : i32
      %dma_wait3A_452 = arith.constant 0 : i32
      %dma_wait3A_453 = tpu.memref_slice %arg7[%rem3A_91, %dma_wait3A_451, %dma_wait3A_452] : memref<2x16x128xi32, #tpu.memory_space<vmem>> -> memref<1x1x128xi32, #tpu.memory_space<vmem>>
      %dma_wait3A_454 = tpu.memref_squeeze %dma_wait3A_453 : memref<1x1x128xi32, #tpu.memory_space<vmem>> -> memref<128xi32, #tpu.memory_space<vmem>>
      %dma_wait3A_455 = arith.constant 0 : i32
      %dma_wait3A_456 = arith.constant 0 : i32
      %dma_wait3A_457 = tpu.memref_slice %arg12[%dma_wait3A_455, %dma_wait3A_456] : memref<50048x32xf32, #tpu.memory_space<vmem_shared>> -> memref<50048x32xf32, #tpu.memory_space<vmem_shared>>
      tpu.wait_indirect_dma semaphore(%arg20 : memref<!tpu.dma_semaphore, #tpu.memory_space<semaphore_mem>>) src(%arg11 : memref<128x32xf32, #tpu.memory_space<vmem>>) dst(%dma_wait3A_457 : memref<50048x32xf32, #tpu.memory_space<vmem_shared>>)
      %dma_start3A_458 = arith.constant 15 : i32
      %dma_start3A_459 = arith.constant 0 : i32
      %dma_start3A_460 = tpu.memref_slice %arg6[%rem3A_91, %dma_start3A_458, %dma_start3A_459] : memref<2x16x128xi32, #tpu.memory_space<vmem>> -> memref<1x1x128xi32, #tpu.memory_space<vmem>>
      %dma_start3A_461 = tpu.memref_squeeze %dma_start3A_460 : memref<1x1x128xi32, #tpu.memory_space<vmem>> -> memref<128xi32, #tpu.memory_space<vmem>>
      %dma_start3A_462 = arith.constant 0 : i32
      %dma_start3A_463 = arith.constant 0 : i32
      %dma_start3A_464 = tpu.memref_slice %arg2[%dma_start3A_462, %dma_start3A_463] : memref<102400x32xf32, #tpu.memory_space<hbm>> -> memref<102400x32xf32, #tpu.memory_space<hbm>>
      tpu.enqueue_indirect_dma source(%dma_start3A_464 : memref<102400x32xf32, #tpu.memory_space<hbm>>) target(%arg11 : memref<128x32xf32, #tpu.memory_space<vmem>>) offsets(%dma_start3A_461 : memref<128xi32, #tpu.memory_space<vmem>>) semaphore(%arg16 : memref<!tpu.dma_semaphore, #tpu.memory_space<semaphore_mem>>)
      %dma_wait3A_465 = arith.constant 12 : i32
      %dma_wait3A_466 = arith.constant 0 : i32
      %dma_wait3A_467 = tpu.memref_slice %arg6[%rem3A_91, %dma_wait3A_465, %dma_wait3A_466] : memref<2x16x128xi32, #tpu.memory_space<vmem>> -> memref<1x1x128xi32, #tpu.memory_space<vmem>>
      %dma_wait3A_468 = tpu.memref_squeeze %dma_wait3A_467 : memref<1x1x128xi32, #tpu.memory_space<vmem>> -> memref<128xi32, #tpu.memory_space<vmem>>
      %dma_wait3A_469 = arith.constant 0 : i32
      %dma_wait3A_470 = arith.constant 0 : i32
      %dma_wait3A_471 = tpu.memref_slice %arg2[%dma_wait3A_469, %dma_wait3A_470] : memref<102400x32xf32, #tpu.memory_space<hbm>> -> memref<102400x32xf32, #tpu.memory_space<hbm>>
      tpu.wait_indirect_dma semaphore(%arg13 : memref<!tpu.dma_semaphore, #tpu.memory_space<semaphore_mem>>) src(%dma_wait3A_471 : memref<102400x32xf32, #tpu.memory_space<hbm>>) dst(%arg8 : memref<128x32xf32, #tpu.memory_space<vmem>>)
      %dma_start3A_472 = arith.constant 12 : i32
      %dma_start3A_473 = arith.constant 0 : i32
      %dma_start3A_474 = tpu.memref_slice %arg7[%rem3A_91, %dma_start3A_472, %dma_start3A_473] : memref<2x16x128xi32, #tpu.memory_space<vmem>> -> memref<1x1x128xi32, #tpu.memory_space<vmem>>
      %dma_start3A_475 = tpu.memref_squeeze %dma_start3A_474 : memref<1x1x128xi32, #tpu.memory_space<vmem>> -> memref<128xi32, #tpu.memory_space<vmem>>
      %dma_start3A_476 = arith.constant 0 : i32
      %dma_start3A_477 = arith.constant 0 : i32
      %dma_start3A_478 = tpu.memref_slice %arg12[%dma_start3A_476, %dma_start3A_477] : memref<50048x32xf32, #tpu.memory_space<vmem_shared>> -> memref<50048x32xf32, #tpu.memory_space<vmem_shared>>
      tpu.enqueue_indirect_dma source(%arg8 : memref<128x32xf32, #tpu.memory_space<vmem>>) target(%dma_start3A_478 : memref<50048x32xf32, #tpu.memory_space<vmem_shared>>) offsets(%dma_start3A_475 : memref<128xi32, #tpu.memory_space<vmem>>) semaphore(%arg17 : memref<!tpu.dma_semaphore, #tpu.memory_space<semaphore_mem>>) {add = true}
      %dma_wait3A_479 = arith.constant 13 : i32
      %dma_wait3A_480 = arith.constant 0 : i32
      %dma_wait3A_481 = tpu.memref_slice %arg7[%rem3A_91, %dma_wait3A_479, %dma_wait3A_480] : memref<2x16x128xi32, #tpu.memory_space<vmem>> -> memref<1x1x128xi32, #tpu.memory_space<vmem>>
      %dma_wait3A_482 = tpu.memref_squeeze %dma_wait3A_481 : memref<1x1x128xi32, #tpu.memory_space<vmem>> -> memref<128xi32, #tpu.memory_space<vmem>>
      %dma_wait3A_483 = arith.constant 0 : i32
      %dma_wait3A_484 = arith.constant 0 : i32
      %dma_wait3A_485 = tpu.memref_slice %arg12[%dma_wait3A_483, %dma_wait3A_484] : memref<50048x32xf32, #tpu.memory_space<vmem_shared>> -> memref<50048x32xf32, #tpu.memory_space<vmem_shared>>
      tpu.wait_indirect_dma semaphore(%arg17 : memref<!tpu.dma_semaphore, #tpu.memory_space<semaphore_mem>>) src(%arg8 : memref<128x32xf32, #tpu.memory_space<vmem>>) dst(%dma_wait3A_485 : memref<50048x32xf32, #tpu.memory_space<vmem_shared>>)
      %dma_wait3A_486 = arith.constant 13 : i32
      %dma_wait3A_487 = arith.constant 0 : i32
      %dma_wait3A_488 = tpu.memref_slice %arg6[%rem3A_91, %dma_wait3A_486, %dma_wait3A_487] : memref<2x16x128xi32, #tpu.memory_space<vmem>> -> memref<1x1x128xi32, #tpu.memory_space<vmem>>
      %dma_wait3A_489 = tpu.memref_squeeze %dma_wait3A_488 : memref<1x1x128xi32, #tpu.memory_space<vmem>> -> memref<128xi32, #tpu.memory_space<vmem>>
      %dma_wait3A_490 = arith.constant 0 : i32
      %dma_wait3A_491 = arith.constant 0 : i32
      %dma_wait3A_492 = tpu.memref_slice %arg2[%dma_wait3A_490, %dma_wait3A_491] : memref<102400x32xf32, #tpu.memory_space<hbm>> -> memref<102400x32xf32, #tpu.memory_space<hbm>>
      tpu.wait_indirect_dma semaphore(%arg14 : memref<!tpu.dma_semaphore, #tpu.memory_space<semaphore_mem>>) src(%dma_wait3A_492 : memref<102400x32xf32, #tpu.memory_space<hbm>>) dst(%arg9 : memref<128x32xf32, #tpu.memory_space<vmem>>)
      %dma_start3A_493 = arith.constant 13 : i32
      %dma_start3A_494 = arith.constant 0 : i32
      %dma_start3A_495 = tpu.memref_slice %arg7[%rem3A_91, %dma_start3A_493, %dma_start3A_494] : memref<2x16x128xi32, #tpu.memory_space<vmem>> -> memref<1x1x128xi32, #tpu.memory_space<vmem>>
      %dma_start3A_496 = tpu.memref_squeeze %dma_start3A_495 : memref<1x1x128xi32, #tpu.memory_space<vmem>> -> memref<128xi32, #tpu.memory_space<vmem>>
      %dma_start3A_497 = arith.constant 0 : i32
      %dma_start3A_498 = arith.constant 0 : i32
      %dma_start3A_499 = tpu.memref_slice %arg12[%dma_start3A_497, %dma_start3A_498] : memref<50048x32xf32, #tpu.memory_space<vmem_shared>> -> memref<50048x32xf32, #tpu.memory_space<vmem_shared>>
      tpu.enqueue_indirect_dma source(%arg9 : memref<128x32xf32, #tpu.memory_space<vmem>>) target(%dma_start3A_499 : memref<50048x32xf32, #tpu.memory_space<vmem_shared>>) offsets(%dma_start3A_496 : memref<128xi32, #tpu.memory_space<vmem>>) semaphore(%arg18 : memref<!tpu.dma_semaphore, #tpu.memory_space<semaphore_mem>>) {add = true}
      %dma_wait3A_500 = arith.constant 14 : i32
      %dma_wait3A_501 = arith.constant 0 : i32
      %dma_wait3A_502 = tpu.memref_slice %arg7[%rem3A_91, %dma_wait3A_500, %dma_wait3A_501] : memref<2x16x128xi32, #tpu.memory_space<vmem>> -> memref<1x1x128xi32, #tpu.memory_space<vmem>>
      %dma_wait3A_503 = tpu.memref_squeeze %dma_wait3A_502 : memref<1x1x128xi32, #tpu.memory_space<vmem>> -> memref<128xi32, #tpu.memory_space<vmem>>
      %dma_wait3A_504 = arith.constant 0 : i32
      %dma_wait3A_505 = arith.constant 0 : i32
      %dma_wait3A_506 = tpu.memref_slice %arg12[%dma_wait3A_504, %dma_wait3A_505] : memref<50048x32xf32, #tpu.memory_space<vmem_shared>> -> memref<50048x32xf32, #tpu.memory_space<vmem_shared>>
      tpu.wait_indirect_dma semaphore(%arg18 : memref<!tpu.dma_semaphore, #tpu.memory_space<semaphore_mem>>) src(%arg9 : memref<128x32xf32, #tpu.memory_space<vmem>>) dst(%dma_wait3A_506 : memref<50048x32xf32, #tpu.memory_space<vmem_shared>>)
      %dma_wait3A_507 = arith.constant 14 : i32
      %dma_wait3A_508 = arith.constant 0 : i32
      %dma_wait3A_509 = tpu.memref_slice %arg6[%rem3A_91, %dma_wait3A_507, %dma_wait3A_508] : memref<2x16x128xi32, #tpu.memory_space<vmem>> -> memref<1x1x128xi32, #tpu.memory_space<vmem>>
      %dma_wait3A_510 = tpu.memref_squeeze %dma_wait3A_509 : memref<1x1x128xi32, #tpu.memory_space<vmem>> -> memref<128xi32, #tpu.memory_space<vmem>>
      %dma_wait3A_511 = arith.constant 0 : i32
      %dma_wait3A_512 = arith.constant 0 : i32
      %dma_wait3A_513 = tpu.memref_slice %arg2[%dma_wait3A_511, %dma_wait3A_512] : memref<102400x32xf32, #tpu.memory_space<hbm>> -> memref<102400x32xf32, #tpu.memory_space<hbm>>
      tpu.wait_indirect_dma semaphore(%arg15 : memref<!tpu.dma_semaphore, #tpu.memory_space<semaphore_mem>>) src(%dma_wait3A_513 : memref<102400x32xf32, #tpu.memory_space<hbm>>) dst(%arg10 : memref<128x32xf32, #tpu.memory_space<vmem>>)
      %dma_start3A_514 = arith.constant 14 : i32
      %dma_start3A_515 = arith.constant 0 : i32
      %dma_start3A_516 = tpu.memref_slice %arg7[%rem3A_91, %dma_start3A_514, %dma_start3A_515] : memref<2x16x128xi32, #tpu.memory_space<vmem>> -> memref<1x1x128xi32, #tpu.memory_space<vmem>>
      %dma_start3A_517 = tpu.memref_squeeze %dma_start3A_516 : memref<1x1x128xi32, #tpu.memory_space<vmem>> -> memref<128xi32, #tpu.memory_space<vmem>>
      %dma_start3A_518 = arith.constant 0 : i32
      %dma_start3A_519 = arith.constant 0 : i32
      %dma_start3A_520 = tpu.memref_slice %arg12[%dma_start3A_518, %dma_start3A_519] : memref<50048x32xf32, #tpu.memory_space<vmem_shared>> -> memref<50048x32xf32, #tpu.memory_space<vmem_shared>>
      tpu.enqueue_indirect_dma source(%arg10 : memref<128x32xf32, #tpu.memory_space<vmem>>) target(%dma_start3A_520 : memref<50048x32xf32, #tpu.memory_space<vmem_shared>>) offsets(%dma_start3A_517 : memref<128xi32, #tpu.memory_space<vmem>>) semaphore(%arg19 : memref<!tpu.dma_semaphore, #tpu.memory_space<semaphore_mem>>) {add = true}
      %dma_wait3A_521 = arith.constant 15 : i32
      %dma_wait3A_522 = arith.constant 0 : i32
      %dma_wait3A_523 = tpu.memref_slice %arg7[%rem3A_91, %dma_wait3A_521, %dma_wait3A_522] : memref<2x16x128xi32, #tpu.memory_space<vmem>> -> memref<1x1x128xi32, #tpu.memory_space<vmem>>
      %dma_wait3A_524 = tpu.memref_squeeze %dma_wait3A_523 : memref<1x1x128xi32, #tpu.memory_space<vmem>> -> memref<128xi32, #tpu.memory_space<vmem>>
      %dma_wait3A_525 = arith.constant 0 : i32
      %dma_wait3A_526 = arith.constant 0 : i32
      %dma_wait3A_527 = tpu.memref_slice %arg12[%dma_wait3A_525, %dma_wait3A_526] : memref<50048x32xf32, #tpu.memory_space<vmem_shared>> -> memref<50048x32xf32, #tpu.memory_space<vmem_shared>>
      tpu.wait_indirect_dma semaphore(%arg19 : memref<!tpu.dma_semaphore, #tpu.memory_space<semaphore_mem>>) src(%arg10 : memref<128x32xf32, #tpu.memory_space<vmem>>) dst(%dma_wait3A_527 : memref<50048x32xf32, #tpu.memory_space<vmem_shared>>)
      %dma_wait3A_528 = arith.constant 15 : i32
      %dma_wait3A_529 = arith.constant 0 : i32
      %dma_wait3A_530 = tpu.memref_slice %arg6[%rem3A_91, %dma_wait3A_528, %dma_wait3A_529] : memref<2x16x128xi32, #tpu.memory_space<vmem>> -> memref<1x1x128xi32, #tpu.memory_space<vmem>>
      %dma_wait3A_531 = tpu.memref_squeeze %dma_wait3A_530 : memref<1x1x128xi32, #tpu.memory_space<vmem>> -> memref<128xi32, #tpu.memory_space<vmem>>
      %dma_wait3A_532 = arith.constant 0 : i32
      %dma_wait3A_533 = arith.constant 0 : i32
      %dma_wait3A_534 = tpu.memref_slice %arg2[%dma_wait3A_532, %dma_wait3A_533] : memref<102400x32xf32, #tpu.memory_space<hbm>> -> memref<102400x32xf32, #tpu.memory_space<hbm>>
      tpu.wait_indirect_dma semaphore(%arg16 : memref<!tpu.dma_semaphore, #tpu.memory_space<semaphore_mem>>) src(%dma_wait3A_534 : memref<102400x32xf32, #tpu.memory_space<hbm>>) dst(%arg11 : memref<128x32xf32, #tpu.memory_space<vmem>>)
      %dma_start3A_535 = arith.constant 15 : i32
      %dma_start3A_536 = arith.constant 0 : i32
      %dma_start3A_537 = tpu.memref_slice %arg7[%rem3A_91, %dma_start3A_535, %dma_start3A_536] : memref<2x16x128xi32, #tpu.memory_space<vmem>> -> memref<1x1x128xi32, #tpu.memory_space<vmem>>
      %dma_start3A_538 = tpu.memref_squeeze %dma_start3A_537 : memref<1x1x128xi32, #tpu.memory_space<vmem>> -> memref<128xi32, #tpu.memory_space<vmem>>
      %dma_start3A_539 = arith.constant 0 : i32
      %dma_start3A_540 = arith.constant 0 : i32
      %dma_start3A_541 = tpu.memref_slice %arg12[%dma_start3A_539, %dma_start3A_540] : memref<50048x32xf32, #tpu.memory_space<vmem_shared>> -> memref<50048x32xf32, #tpu.memory_space<vmem_shared>>
      tpu.enqueue_indirect_dma source(%arg11 : memref<128x32xf32, #tpu.memory_space<vmem>>) target(%dma_start3A_541 : memref<50048x32xf32, #tpu.memory_space<vmem_shared>>) offsets(%dma_start3A_538 : memref<128xi32, #tpu.memory_space<vmem>>) semaphore(%arg20 : memref<!tpu.dma_semaphore, #tpu.memory_space<semaphore_mem>>) {add = true}
      %dma_wait3A_542 = arith.constant 15 : i32
      %dma_wait3A_543 = arith.constant 0 : i32
      %dma_wait3A_544 = tpu.memref_slice %arg7[%rem3A_91, %dma_wait3A_542, %dma_wait3A_543] : memref<2x16x128xi32, #tpu.memory_space<vmem>> -> memref<1x1x128xi32, #tpu.memory_space<vmem>>
      %dma_wait3A_545 = tpu.memref_squeeze %dma_wait3A_544 : memref<1x1x128xi32, #tpu.memory_space<vmem>> -> memref<128xi32, #tpu.memory_space<vmem>>
      %dma_wait3A_546 = arith.constant 0 : i32
      %dma_wait3A_547 = arith.constant 0 : i32
      %dma_wait3A_548 = tpu.memref_slice %arg12[%dma_wait3A_546, %dma_wait3A_547] : memref<50048x32xf32, #tpu.memory_space<vmem_shared>> -> memref<50048x32xf32, #tpu.memory_space<vmem_shared>>
      tpu.wait_indirect_dma semaphore(%arg20 : memref<!tpu.dma_semaphore, #tpu.memory_space<semaphore_mem>>) src(%arg11 : memref<128x32xf32, #tpu.memory_space<vmem>>) dst(%dma_wait3A_548 : memref<50048x32xf32, #tpu.memory_space<vmem_shared>>)
      %scan3A_549 = arith.constant 0 : i32
      scf.yield %scan3A_549 : i32
    }
    %scan3A_77 = arith.constant 25 : i32
    %barrier3A_78 = arith.constant 0 : index
    tpu.barrier barrier_id(%barrier3A_78)
    %lt3A_79 = arith.constant 15 : i32
    %lt3A_80 = arith.cmpi slt, %arg1, %lt3A_79 : i32
    %convert_element_type3A_81 = arith.extui %lt3A_80 : i1 to i32
    %cond3A_82 = arith.constant 0 : i32
    %cond3A_83 = arith.cmpi ne, %convert_element_type3A_81, %cond3A_82 : i32
    scf.if %cond3A_83 {
      %mul3A = arith.constant 3128 : i32
      %mul3A_89 = arith.muli %arg1, %mul3A : i32
      %dma_start3A_90 = arith.constant 0 : i32
      %dma_start3A_91 = tpu.memref_slice %arg5[%arg0, %mul3A_89, %dma_start3A_90] : memref<2x51200x32xf32, #tpu.memory_space<hbm>> -> memref<1x3128x32xf32, #tpu.memory_space<hbm>>
      %dma_start3A_92 = tpu.memref_squeeze %dma_start3A_91 : memref<1x3128x32xf32, #tpu.memory_space<hbm>> -> memref<3128x32xf32, #tpu.memory_space<hbm>>
      %dma_start3A_93 = arith.constant 0 : i32
      %dma_start3A_94 = tpu.memref_slice %arg12[%mul3A_89, %dma_start3A_93] : memref<50048x32xf32, #tpu.memory_space<vmem_shared>> -> memref<3128x32xf32, #tpu.memory_space<vmem_shared>>
      tpu.enqueue_dma source(%dma_start3A_94 : memref<3128x32xf32, #tpu.memory_space<vmem_shared>>) target(%dma_start3A_92 : memref<3128x32xf32, #tpu.memory_space<hbm>>) target_semaphore(%arg23 : memref<!tpu.dma_semaphore, #tpu.memory_space<semaphore_mem>>)
      %dma_wait3A_95 = arith.constant 0 : i32
      %dma_wait3A_96 = tpu.memref_slice %arg5[%arg0, %mul3A_89, %dma_wait3A_95] : memref<2x51200x32xf32, #tpu.memory_space<hbm>> -> memref<1x3128x32xf32, #tpu.memory_space<hbm>>
      %dma_wait3A_97 = tpu.memref_squeeze %dma_wait3A_96 : memref<1x3128x32xf32, #tpu.memory_space<hbm>> -> memref<3128x32xf32, #tpu.memory_space<hbm>>
      %dma_wait3A_98 = arith.constant 0 : i32
      %dma_wait3A_99 = tpu.memref_slice %arg12[%mul3A_89, %dma_wait3A_98] : memref<50048x32xf32, #tpu.memory_space<vmem_shared>> -> memref<3128x32xf32, #tpu.memory_space<vmem_shared>>
      tpu.wait_dma2 semaphore(%arg23 : memref<!tpu.dma_semaphore, #tpu.memory_space<semaphore_mem>>) src(%dma_wait3A_99 : memref<3128x32xf32, #tpu.memory_space<vmem_shared>>) dst(%dma_wait3A_97 : memref<3128x32xf32, #tpu.memory_space<hbm>>)
    } else {
    }
    %eq3A_84 = arith.constant 15 : i32
    %eq3A_85 = arith.cmpi eq, %arg1, %eq3A_84 : i32
    %convert_element_type3A_86 = arith.extui %eq3A_85 : i1 to i32
    %cond3A_87 = arith.constant 0 : i32
    %cond3A_88 = arith.cmpi ne, %convert_element_type3A_86, %cond3A_87 : i32
    scf.if %cond3A_88 {
      %dma_start3A_89 = arith.constant 46920 : i32
      %dma_start3A_90 = arith.constant 0 : i32
      %dma_start3A_91 = tpu.memref_slice %arg5[%arg0, %dma_start3A_89, %dma_start3A_90] : memref<2x51200x32xf32, #tpu.memory_space<hbm>> -> memref<1x3080x32xf32, #tpu.memory_space<hbm>>
      %dma_start3A_92 = tpu.memref_squeeze %dma_start3A_91 : memref<1x3080x32xf32, #tpu.memory_space<hbm>> -> memref<3080x32xf32, #tpu.memory_space<hbm>>
      %dma_start3A_93 = arith.constant 46920 : i32
      %dma_start3A_94 = arith.constant 0 : i32
      %dma_start3A_95 = tpu.memref_slice %arg12[%dma_start3A_93, %dma_start3A_94] : memref<50048x32xf32, #tpu.memory_space<vmem_shared>> -> memref<3080x32xf32, #tpu.memory_space<vmem_shared>>
      tpu.enqueue_dma source(%dma_start3A_95 : memref<3080x32xf32, #tpu.memory_space<vmem_shared>>) target(%dma_start3A_92 : memref<3080x32xf32, #tpu.memory_space<hbm>>) target_semaphore(%arg23 : memref<!tpu.dma_semaphore, #tpu.memory_space<semaphore_mem>>)
      %dma_wait3A_96 = arith.constant 46920 : i32
      %dma_wait3A_97 = arith.constant 0 : i32
      %dma_wait3A_98 = tpu.memref_slice %arg5[%arg0, %dma_wait3A_96, %dma_wait3A_97] : memref<2x51200x32xf32, #tpu.memory_space<hbm>> -> memref<1x3080x32xf32, #tpu.memory_space<hbm>>
      %dma_wait3A_99 = tpu.memref_squeeze %dma_wait3A_98 : memref<1x3080x32xf32, #tpu.memory_space<hbm>> -> memref<3080x32xf32, #tpu.memory_space<hbm>>
      %dma_wait3A_100 = arith.constant 46920 : i32
      %dma_wait3A_101 = arith.constant 0 : i32
      %dma_wait3A_102 = tpu.memref_slice %arg12[%dma_wait3A_100, %dma_wait3A_101] : memref<50048x32xf32, #tpu.memory_space<vmem_shared>> -> memref<3080x32xf32, #tpu.memory_space<vmem_shared>>
      tpu.wait_dma2 semaphore(%arg23 : memref<!tpu.dma_semaphore, #tpu.memory_space<semaphore_mem>>) src(%dma_wait3A_102 : memref<3080x32xf32, #tpu.memory_space<vmem_shared>>) dst(%dma_wait3A_99 : memref<3080x32xf32, #tpu.memory_space<hbm>>)
    } else {
    }
    return
  }
}

#map = affine_map<(d0, d1) -> (0, 0)>
#map1 = affine_map<(d0, d1) -> (0, 0, 0, 0)>
#map2 = affine_map<(d0, d1) -> (0, 0, 0)>
module attributes {stable_mosaic.version = 14 : i64} {
  func.func @_sc_agg(%arg0: i32, %arg1: i32, %arg2: memref<102400x32xf32, #tpu.memory_space<hbm>>, %arg3: memref<2x16x400x128xi32, #tpu.memory_space<hbm>>, %arg4: memref<16x400x128xi32, #tpu.memory_space<hbm>>, %arg5: memref<2x51200x32xf32, #tpu.memory_space<hbm>>, %arg6: memref<2x16x128xi32, #tpu.memory_space<vmem>>, %arg7: memref<2x16x128xi32, #tpu.memory_space<vmem>>, %arg8: memref<128x32xf32, #tpu.memory_space<vmem>>, %arg9: memref<128x32xf32, #tpu.memory_space<vmem>>, %arg10: memref<128x32xf32, #tpu.memory_space<vmem>>, %arg11: memref<128x32xf32, #tpu.memory_space<vmem>>, %arg12: memref<50048x32xf32, #tpu.memory_space<vmem_shared>>, %arg13: memref<!tpu.dma_semaphore, #tpu.memory_space<semaphore_mem>>, %arg14: memref<!tpu.dma_semaphore, #tpu.memory_space<semaphore_mem>>, %arg15: memref<!tpu.dma_semaphore, #tpu.memory_space<semaphore_mem>>, %arg16: memref<!tpu.dma_semaphore, #tpu.memory_space<semaphore_mem>>, %arg17: memref<!tpu.dma_semaphore, #tpu.memory_space<semaphore_mem>>, %arg18: memref<!tpu.dma_semaphore, #tpu.memory_space<semaphore_mem>>, %arg19: memref<!tpu.dma_semaphore, #tpu.memory_space<semaphore_mem>>, %arg20: memref<!tpu.dma_semaphore, #tpu.memory_space<semaphore_mem>>, %arg21: memref<!tpu.dma_semaphore, #tpu.memory_space<semaphore_mem>>, %arg22: memref<!tpu.dma_semaphore, #tpu.memory_space<semaphore_mem>>, %arg23: memref<!tpu.dma_semaphore, #tpu.memory_space<semaphore_mem>>) attributes {dimension_semantics = [#tpu.dimension_semantics<core_parallel>, #tpu.dimension_semantics<subcore_parallel>], iteration_bounds = array<i64: 2, 16>, scalar_prefetch = 0 : i64, scratch_operands = 18 : i64, tpu.core_type = #tpu.core_type<sc_vector_subcore>, window_params = [{transform_indices = #map}, {transform_indices = #map1}, {transform_indices = #map2}, {transform_indices = #map2}]} {
    %lt3A = arith.constant 15 : i32
    %lt3A_0 = arith.cmpi slt, %arg1, %lt3A : i32
    %convert_element_type3A = arith.extui %lt3A_0 : i1 to i32
    %cond3A = arith.constant 0 : i32
    %cond3A_1 = arith.cmpi ne, %convert_element_type3A, %cond3A : i32
    scf.if %cond3A_1 {
      %mul3A = arith.constant 3128 : i32
      %mul3A_89 = arith.muli %arg1, %mul3A : i32
      %mul3A_90 = arith.constant 51200 : i32
      %mul3A_91 = arith.muli %arg0, %mul3A_90 : i32
      %add3A = arith.addi %mul3A_91, %mul3A_89 : i32
      %dma_start3A_92 = arith.constant 0 : i32
      %dma_start3A_93 = tpu.memref_slice %arg12[%mul3A_89, %dma_start3A_92] : memref<50048x32xf32, #tpu.memory_space<vmem_shared>> -> memref<3128x32xf32, #tpu.memory_space<vmem_shared>>
      %dma_start3A_94 = arith.constant 0 : i32
      %dma_start3A_95 = tpu.memref_slice %arg2[%add3A, %dma_start3A_94] : memref<102400x32xf32, #tpu.memory_space<hbm>> -> memref<3128x32xf32, #tpu.memory_space<hbm>>
      tpu.enqueue_dma source(%dma_start3A_95 : memref<3128x32xf32, #tpu.memory_space<hbm>>) target(%dma_start3A_93 : memref<3128x32xf32, #tpu.memory_space<vmem_shared>>) target_semaphore(%arg23 : memref<!tpu.dma_semaphore, #tpu.memory_space<semaphore_mem>>)
      %dma_wait3A_96 = arith.constant 0 : i32
      %dma_wait3A_97 = tpu.memref_slice %arg12[%mul3A_89, %dma_wait3A_96] : memref<50048x32xf32, #tpu.memory_space<vmem_shared>> -> memref<3128x32xf32, #tpu.memory_space<vmem_shared>>
      %dma_wait3A_98 = arith.constant 0 : i32
      %dma_wait3A_99 = tpu.memref_slice %arg2[%add3A, %dma_wait3A_98] : memref<102400x32xf32, #tpu.memory_space<hbm>> -> memref<3128x32xf32, #tpu.memory_space<hbm>>
      tpu.wait_dma2 semaphore(%arg23 : memref<!tpu.dma_semaphore, #tpu.memory_space<semaphore_mem>>) src(%dma_wait3A_99 : memref<3128x32xf32, #tpu.memory_space<hbm>>) dst(%dma_wait3A_97 : memref<3128x32xf32, #tpu.memory_space<vmem_shared>>)
    } else {
    }
    %eq3A = arith.constant 15 : i32
    %eq3A_2 = arith.cmpi eq, %arg1, %eq3A : i32
    %convert_element_type3A_3 = arith.extui %eq3A_2 : i1 to i32
    %cond3A_4 = arith.constant 0 : i32
    %cond3A_5 = arith.cmpi ne, %convert_element_type3A_3, %cond3A_4 : i32
    scf.if %cond3A_5 {
      %mul3A = arith.constant 51200 : i32
      %mul3A_89 = arith.muli %arg0, %mul3A : i32
      %add3A = arith.constant 46920 : i32
      %add3A_90 = arith.addi %mul3A_89, %add3A : i32
      %dma_start3A_91 = arith.constant 46920 : i32
      %dma_start3A_92 = arith.constant 0 : i32
      %dma_start3A_93 = tpu.memref_slice %arg12[%dma_start3A_91, %dma_start3A_92] : memref<50048x32xf32, #tpu.memory_space<vmem_shared>> -> memref<3080x32xf32, #tpu.memory_space<vmem_shared>>
      %dma_start3A_94 = arith.constant 0 : i32
      %dma_start3A_95 = tpu.memref_slice %arg2[%add3A_90, %dma_start3A_94] : memref<102400x32xf32, #tpu.memory_space<hbm>> -> memref<3080x32xf32, #tpu.memory_space<hbm>>
      tpu.enqueue_dma source(%dma_start3A_95 : memref<3080x32xf32, #tpu.memory_space<hbm>>) target(%dma_start3A_93 : memref<3080x32xf32, #tpu.memory_space<vmem_shared>>) target_semaphore(%arg23 : memref<!tpu.dma_semaphore, #tpu.memory_space<semaphore_mem>>)
      %dma_wait3A_96 = arith.constant 46920 : i32
      %dma_wait3A_97 = arith.constant 0 : i32
      %dma_wait3A_98 = tpu.memref_slice %arg12[%dma_wait3A_96, %dma_wait3A_97] : memref<50048x32xf32, #tpu.memory_space<vmem_shared>> -> memref<3080x32xf32, #tpu.memory_space<vmem_shared>>
      %dma_wait3A_99 = arith.constant 0 : i32
      %dma_wait3A_100 = tpu.memref_slice %arg2[%add3A_90, %dma_wait3A_99] : memref<102400x32xf32, #tpu.memory_space<hbm>> -> memref<3080x32xf32, #tpu.memory_space<hbm>>
      tpu.wait_dma2 semaphore(%arg23 : memref<!tpu.dma_semaphore, #tpu.memory_space<semaphore_mem>>) src(%dma_wait3A_100 : memref<3080x32xf32, #tpu.memory_space<hbm>>) dst(%dma_wait3A_98 : memref<3080x32xf32, #tpu.memory_space<vmem_shared>>)
    } else {
    }
    %barrier3A = arith.constant 0 : index
    tpu.barrier barrier_id(%barrier3A)
    %dma_start3A = arith.constant 0 : i32
    %dma_start3A_6 = arith.constant 0 : i32
    %dma_start3A_7 = arith.constant 0 : i32
    %dma_start3A_8 = tpu.memref_slice %arg6[%dma_start3A, %dma_start3A_6, %dma_start3A_7] : memref<2x16x128xi32, #tpu.memory_space<vmem>> -> memref<1x16x128xi32, #tpu.memory_space<vmem>>
    %dma_start3A_9 = tpu.memref_squeeze %dma_start3A_8 : memref<1x16x128xi32, #tpu.memory_space<vmem>> -> memref<16x128xi32, #tpu.memory_space<vmem>>
    %dma_start3A_10 = arith.constant 0 : i32
    %dma_start3A_11 = arith.constant 0 : i32
    %dma_start3A_12 = tpu.memref_slice %arg3[%arg0, %arg1, %dma_start3A_10, %dma_start3A_11] : memref<2x16x400x128xi32, #tpu.memory_space<hbm>> -> memref<1x1x16x128xi32, #tpu.memory_space<hbm>>
    %dma_start3A_13 = tpu.memref_squeeze %dma_start3A_12 : memref<1x1x16x128xi32, #tpu.memory_space<hbm>> -> memref<16x128xi32, #tpu.memory_space<hbm>>
    %dma_start3A_14 = arith.constant 0 : i32
    %dma_start3A_15 = arith.constant 0 : i32
    %dma_start3A_16 = tpu.memref_slice %arg6[%dma_start3A, %dma_start3A_14, %dma_start3A_15] : memref<2x16x128xi32, #tpu.memory_space<vmem>> -> memref<1x16x128xi32, #tpu.memory_space<vmem>>
    %dma_start3A_17 = tpu.memref_squeeze %dma_start3A_16 : memref<1x16x128xi32, #tpu.memory_space<vmem>> -> memref<16x128xi32, #tpu.memory_space<vmem>>
    %dma_start3A_18 = arith.constant 0 : i32
    %dma_start3A_19 = arith.constant 0 : i32
    %dma_start3A_20 = tpu.memref_slice %arg3[%arg0, %arg1, %dma_start3A_18, %dma_start3A_19] : memref<2x16x400x128xi32, #tpu.memory_space<hbm>> -> memref<1x1x16x128xi32, #tpu.memory_space<hbm>>
    %dma_start3A_21 = tpu.memref_squeeze %dma_start3A_20 : memref<1x1x16x128xi32, #tpu.memory_space<hbm>> -> memref<16x128xi32, #tpu.memory_space<hbm>>
    tpu.enqueue_dma source(%dma_start3A_21 : memref<16x128xi32, #tpu.memory_space<hbm>>) target(%dma_start3A_17 : memref<16x128xi32, #tpu.memory_space<vmem>>) target_semaphore(%arg21 : memref<!tpu.dma_semaphore, #tpu.memory_space<semaphore_mem>>)
    %dma_wait3A = arith.constant 0 : i32
    %dma_wait3A_22 = arith.constant 0 : i32
    %dma_wait3A_23 = arith.constant 0 : i32
    %dma_wait3A_24 = tpu.memref_slice %arg6[%dma_wait3A, %dma_wait3A_22, %dma_wait3A_23] : memref<2x16x128xi32, #tpu.memory_space<vmem>> -> memref<1x16x128xi32, #tpu.memory_space<vmem>>
    %dma_wait3A_25 = tpu.memref_squeeze %dma_wait3A_24 : memref<1x16x128xi32, #tpu.memory_space<vmem>> -> memref<16x128xi32, #tpu.memory_space<vmem>>
    %dma_wait3A_26 = arith.constant 0 : i32
    %dma_wait3A_27 = arith.constant 0 : i32
    %dma_wait3A_28 = tpu.memref_slice %arg3[%arg0, %arg1, %dma_wait3A_26, %dma_wait3A_27] : memref<2x16x400x128xi32, #tpu.memory_space<hbm>> -> memref<1x1x16x128xi32, #tpu.memory_space<hbm>>
    %dma_wait3A_29 = tpu.memref_squeeze %dma_wait3A_28 : memref<1x1x16x128xi32, #tpu.memory_space<hbm>> -> memref<16x128xi32, #tpu.memory_space<hbm>>
    %dma_wait3A_30 = arith.constant 0 : i32
    %dma_wait3A_31 = arith.constant 0 : i32
    %dma_wait3A_32 = tpu.memref_slice %arg6[%dma_wait3A, %dma_wait3A_30, %dma_wait3A_31] : memref<2x16x128xi32, #tpu.memory_space<vmem>> -> memref<1x16x128xi32, #tpu.memory_space<vmem>>
    %dma_wait3A_33 = tpu.memref_squeeze %dma_wait3A_32 : memref<1x16x128xi32, #tpu.memory_space<vmem>> -> memref<16x128xi32, #tpu.memory_space<vmem>>
    %dma_wait3A_34 = arith.constant 0 : i32
    %dma_wait3A_35 = arith.constant 0 : i32
    %dma_wait3A_36 = tpu.memref_slice %arg3[%arg0, %arg1, %dma_wait3A_34, %dma_wait3A_35] : memref<2x16x400x128xi32, #tpu.memory_space<hbm>> -> memref<1x1x16x128xi32, #tpu.memory_space<hbm>>
    %dma_wait3A_37 = tpu.memref_squeeze %dma_wait3A_36 : memref<1x1x16x128xi32, #tpu.memory_space<hbm>> -> memref<16x128xi32, #tpu.memory_space<hbm>>
    tpu.wait_dma2 semaphore(%arg21 : memref<!tpu.dma_semaphore, #tpu.memory_space<semaphore_mem>>) src(%dma_wait3A_37 : memref<16x128xi32, #tpu.memory_space<hbm>>) dst(%dma_wait3A_33 : memref<16x128xi32, #tpu.memory_space<vmem>>)
    %dma_start3A_38 = arith.constant 0 : i32
    %dma_start3A_39 = arith.constant 0 : i32
    %dma_start3A_40 = arith.constant 0 : i32
    %dma_start3A_41 = tpu.memref_slice %arg7[%dma_start3A_38, %dma_start3A_39, %dma_start3A_40] : memref<2x16x128xi32, #tpu.memory_space<vmem>> -> memref<1x16x128xi32, #tpu.memory_space<vmem>>
    %dma_start3A_42 = tpu.memref_squeeze %dma_start3A_41 : memref<1x16x128xi32, #tpu.memory_space<vmem>> -> memref<16x128xi32, #tpu.memory_space<vmem>>
    %dma_start3A_43 = arith.constant 0 : i32
    %dma_start3A_44 = arith.constant 0 : i32
    %dma_start3A_45 = tpu.memref_slice %arg4[%arg1, %dma_start3A_43, %dma_start3A_44] : memref<16x400x128xi32, #tpu.memory_space<hbm>> -> memref<1x16x128xi32, #tpu.memory_space<hbm>>
    %dma_start3A_46 = tpu.memref_squeeze %dma_start3A_45 : memref<1x16x128xi32, #tpu.memory_space<hbm>> -> memref<16x128xi32, #tpu.memory_space<hbm>>
    %dma_start3A_47 = arith.constant 0 : i32
    %dma_start3A_48 = arith.constant 0 : i32
    %dma_start3A_49 = tpu.memref_slice %arg7[%dma_start3A_38, %dma_start3A_47, %dma_start3A_48] : memref<2x16x128xi32, #tpu.memory_space<vmem>> -> memref<1x16x128xi32, #tpu.memory_space<vmem>>
    %dma_start3A_50 = tpu.memref_squeeze %dma_start3A_49 : memref<1x16x128xi32, #tpu.memory_space<vmem>> -> memref<16x128xi32, #tpu.memory_space<vmem>>
    %dma_start3A_51 = arith.constant 0 : i32
    %dma_start3A_52 = arith.constant 0 : i32
    %dma_start3A_53 = tpu.memref_slice %arg4[%arg1, %dma_start3A_51, %dma_start3A_52] : memref<16x400x128xi32, #tpu.memory_space<hbm>> -> memref<1x16x128xi32, #tpu.memory_space<hbm>>
    %dma_start3A_54 = tpu.memref_squeeze %dma_start3A_53 : memref<1x16x128xi32, #tpu.memory_space<hbm>> -> memref<16x128xi32, #tpu.memory_space<hbm>>
    tpu.enqueue_dma source(%dma_start3A_54 : memref<16x128xi32, #tpu.memory_space<hbm>>) target(%dma_start3A_50 : memref<16x128xi32, #tpu.memory_space<vmem>>) target_semaphore(%arg22 : memref<!tpu.dma_semaphore, #tpu.memory_space<semaphore_mem>>)
    %dma_wait3A_55 = arith.constant 0 : i32
    %dma_wait3A_56 = arith.constant 0 : i32
    %dma_wait3A_57 = arith.constant 0 : i32
    %dma_wait3A_58 = tpu.memref_slice %arg7[%dma_wait3A_55, %dma_wait3A_56, %dma_wait3A_57] : memref<2x16x128xi32, #tpu.memory_space<vmem>> -> memref<1x16x128xi32, #tpu.memory_space<vmem>>
    %dma_wait3A_59 = tpu.memref_squeeze %dma_wait3A_58 : memref<1x16x128xi32, #tpu.memory_space<vmem>> -> memref<16x128xi32, #tpu.memory_space<vmem>>
    %dma_wait3A_60 = arith.constant 0 : i32
    %dma_wait3A_61 = arith.constant 0 : i32
    %dma_wait3A_62 = tpu.memref_slice %arg4[%arg1, %dma_wait3A_60, %dma_wait3A_61] : memref<16x400x128xi32, #tpu.memory_space<hbm>> -> memref<1x16x128xi32, #tpu.memory_space<hbm>>
    %dma_wait3A_63 = tpu.memref_squeeze %dma_wait3A_62 : memref<1x16x128xi32, #tpu.memory_space<hbm>> -> memref<16x128xi32, #tpu.memory_space<hbm>>
    %dma_wait3A_64 = arith.constant 0 : i32
    %dma_wait3A_65 = arith.constant 0 : i32
    %dma_wait3A_66 = tpu.memref_slice %arg7[%dma_wait3A_55, %dma_wait3A_64, %dma_wait3A_65] : memref<2x16x128xi32, #tpu.memory_space<vmem>> -> memref<1x16x128xi32, #tpu.memory_space<vmem>>
    %dma_wait3A_67 = tpu.memref_squeeze %dma_wait3A_66 : memref<1x16x128xi32, #tpu.memory_space<vmem>> -> memref<16x128xi32, #tpu.memory_space<vmem>>
    %dma_wait3A_68 = arith.constant 0 : i32
    %dma_wait3A_69 = arith.constant 0 : i32
    %dma_wait3A_70 = tpu.memref_slice %arg4[%arg1, %dma_wait3A_68, %dma_wait3A_69] : memref<16x400x128xi32, #tpu.memory_space<hbm>> -> memref<1x16x128xi32, #tpu.memory_space<hbm>>
    %dma_wait3A_71 = tpu.memref_squeeze %dma_wait3A_70 : memref<1x16x128xi32, #tpu.memory_space<hbm>> -> memref<16x128xi32, #tpu.memory_space<hbm>>
    tpu.wait_dma2 semaphore(%arg22 : memref<!tpu.dma_semaphore, #tpu.memory_space<semaphore_mem>>) src(%dma_wait3A_71 : memref<16x128xi32, #tpu.memory_space<hbm>>) dst(%dma_wait3A_67 : memref<16x128xi32, #tpu.memory_space<vmem>>)
    %scan3A = arith.constant 0 : i32
    %scan3A_72 = arith.constant 0 : i32
    %scan3A_73 = arith.constant 25 : i32
    %scan3A_74 = arith.addi %scan3A_72, %scan3A_73 : i32
    %scan3A_75 = arith.constant 1 : i32
    %scan3A_76 = scf.for %scan3A_89 = %scan3A_72 to %scan3A_74 step %scan3A_75 iter_args(%scan3A_90 = %scan3A) -> (i32)  : i32 {
      %rem3A = arith.constant 2 : i32
      %rem3A_91 = arith.remsi %scan3A_89, %rem3A : i32
      %gt3A = arith.constant 0 : i32
      %gt3A_92 = arith.cmpi sgt, %scan3A_89, %gt3A : i32
      %convert_element_type3A_93 = arith.extui %gt3A_92 : i1 to i32
      %cond3A_94 = arith.constant 0 : i32
      %cond3A_95 = arith.cmpi ne, %convert_element_type3A_93, %cond3A_94 : i32
      scf.if %cond3A_95 {
        %mul3A = arith.constant 16 : i32
        %mul3A_550 = arith.muli %scan3A_89, %mul3A : i32
        %dma_wait3A_551 = arith.constant 0 : i32
        %dma_wait3A_552 = arith.constant 0 : i32
        %dma_wait3A_553 = tpu.memref_slice %arg6[%rem3A_91, %dma_wait3A_551, %dma_wait3A_552] : memref<2x16x128xi32, #tpu.memory_space<vmem>> -> memref<1x16x128xi32, #tpu.memory_space<vmem>>
        %dma_wait3A_554 = tpu.memref_squeeze %dma_wait3A_553 : memref<1x16x128xi32, #tpu.memory_space<vmem>> -> memref<16x128xi32, #tpu.memory_space<vmem>>
        %dma_wait3A_555 = arith.constant 0 : i32
        %dma_wait3A_556 = tpu.memref_slice %arg3[%arg0, %arg1, %mul3A_550, %dma_wait3A_555] : memref<2x16x400x128xi32, #tpu.memory_space<hbm>> -> memref<1x1x16x128xi32, #tpu.memory_space<hbm>>
        %dma_wait3A_557 = tpu.memref_squeeze %dma_wait3A_556 : memref<1x1x16x128xi32, #tpu.memory_space<hbm>> -> memref<16x128xi32, #tpu.memory_space<hbm>>
        %dma_wait3A_558 = arith.constant 0 : i32
        %dma_wait3A_559 = arith.constant 0 : i32
        %dma_wait3A_560 = tpu.memref_slice %arg6[%rem3A_91, %dma_wait3A_558, %dma_wait3A_559] : memref<2x16x128xi32, #tpu.memory_space<vmem>> -> memref<1x16x128xi32, #tpu.memory_space<vmem>>
        %dma_wait3A_561 = tpu.memref_squeeze %dma_wait3A_560 : memref<1x16x128xi32, #tpu.memory_space<vmem>> -> memref<16x128xi32, #tpu.memory_space<vmem>>
        %dma_wait3A_562 = arith.constant 0 : i32
        %dma_wait3A_563 = tpu.memref_slice %arg3[%arg0, %arg1, %mul3A_550, %dma_wait3A_562] : memref<2x16x400x128xi32, #tpu.memory_space<hbm>> -> memref<1x1x16x128xi32, #tpu.memory_space<hbm>>
        %dma_wait3A_564 = tpu.memref_squeeze %dma_wait3A_563 : memref<1x1x16x128xi32, #tpu.memory_space<hbm>> -> memref<16x128xi32, #tpu.memory_space<hbm>>
        tpu.wait_dma2 semaphore(%arg21 : memref<!tpu.dma_semaphore, #tpu.memory_space<semaphore_mem>>) src(%dma_wait3A_564 : memref<16x128xi32, #tpu.memory_space<hbm>>) dst(%dma_wait3A_561 : memref<16x128xi32, #tpu.memory_space<vmem>>)
        %mul3A_565 = arith.constant 16 : i32
        %mul3A_566 = arith.muli %scan3A_89, %mul3A_565 : i32
        %dma_wait3A_567 = arith.constant 0 : i32
        %dma_wait3A_568 = arith.constant 0 : i32
        %dma_wait3A_569 = tpu.memref_slice %arg7[%rem3A_91, %dma_wait3A_567, %dma_wait3A_568] : memref<2x16x128xi32, #tpu.memory_space<vmem>> -> memref<1x16x128xi32, #tpu.memory_space<vmem>>
        %dma_wait3A_570 = tpu.memref_squeeze %dma_wait3A_569 : memref<1x16x128xi32, #tpu.memory_space<vmem>> -> memref<16x128xi32, #tpu.memory_space<vmem>>
        %dma_wait3A_571 = arith.constant 0 : i32
        %dma_wait3A_572 = tpu.memref_slice %arg4[%arg1, %mul3A_566, %dma_wait3A_571] : memref<16x400x128xi32, #tpu.memory_space<hbm>> -> memref<1x16x128xi32, #tpu.memory_space<hbm>>
        %dma_wait3A_573 = tpu.memref_squeeze %dma_wait3A_572 : memref<1x16x128xi32, #tpu.memory_space<hbm>> -> memref<16x128xi32, #tpu.memory_space<hbm>>
        %dma_wait3A_574 = arith.constant 0 : i32
        %dma_wait3A_575 = arith.constant 0 : i32
        %dma_wait3A_576 = tpu.memref_slice %arg7[%rem3A_91, %dma_wait3A_574, %dma_wait3A_575] : memref<2x16x128xi32, #tpu.memory_space<vmem>> -> memref<1x16x128xi32, #tpu.memory_space<vmem>>
        %dma_wait3A_577 = tpu.memref_squeeze %dma_wait3A_576 : memref<1x16x128xi32, #tpu.memory_space<vmem>> -> memref<16x128xi32, #tpu.memory_space<vmem>>
        %dma_wait3A_578 = arith.constant 0 : i32
        %dma_wait3A_579 = tpu.memref_slice %arg4[%arg1, %mul3A_566, %dma_wait3A_578] : memref<16x400x128xi32, #tpu.memory_space<hbm>> -> memref<1x16x128xi32, #tpu.memory_space<hbm>>
        %dma_wait3A_580 = tpu.memref_squeeze %dma_wait3A_579 : memref<1x16x128xi32, #tpu.memory_space<hbm>> -> memref<16x128xi32, #tpu.memory_space<hbm>>
        tpu.wait_dma2 semaphore(%arg22 : memref<!tpu.dma_semaphore, #tpu.memory_space<semaphore_mem>>) src(%dma_wait3A_580 : memref<16x128xi32, #tpu.memory_space<hbm>>) dst(%dma_wait3A_577 : memref<16x128xi32, #tpu.memory_space<vmem>>)
      } else {
      }
      %lt3A_96 = arith.constant 24 : i32
      %lt3A_97 = arith.cmpi slt, %scan3A_89, %lt3A_96 : i32
      %convert_element_type3A_98 = arith.extui %lt3A_97 : i1 to i32
      %cond3A_99 = arith.constant 0 : i32
      %cond3A_100 = arith.cmpi ne, %convert_element_type3A_98, %cond3A_99 : i32
      scf.if %cond3A_100 {
        %add3A = arith.constant 1 : i32
        %add3A_550 = arith.addi %scan3A_89, %add3A : i32
        %mul3A = arith.constant 16 : i32
        %mul3A_551 = arith.muli %add3A_550, %mul3A : i32
        %sub3A = arith.constant 1 : i32
        %sub3A_552 = arith.subi %sub3A, %rem3A_91 : i32
        %dma_start3A_553 = arith.constant 0 : i32
        %dma_start3A_554 = arith.constant 0 : i32
        %dma_start3A_555 = tpu.memref_slice %arg6[%sub3A_552, %dma_start3A_553, %dma_start3A_554] : memref<2x16x128xi32, #tpu.memory_space<vmem>> -> memref<1x16x128xi32, #tpu.memory_space<vmem>>
        %dma_start3A_556 = tpu.memref_squeeze %dma_start3A_555 : memref<1x16x128xi32, #tpu.memory_space<vmem>> -> memref<16x128xi32, #tpu.memory_space<vmem>>
        %dma_start3A_557 = arith.constant 0 : i32
        %dma_start3A_558 = tpu.memref_slice %arg3[%arg0, %arg1, %mul3A_551, %dma_start3A_557] : memref<2x16x400x128xi32, #tpu.memory_space<hbm>> -> memref<1x1x16x128xi32, #tpu.memory_space<hbm>>
        %dma_start3A_559 = tpu.memref_squeeze %dma_start3A_558 : memref<1x1x16x128xi32, #tpu.memory_space<hbm>> -> memref<16x128xi32, #tpu.memory_space<hbm>>
        %dma_start3A_560 = arith.constant 0 : i32
        %dma_start3A_561 = arith.constant 0 : i32
        %dma_start3A_562 = tpu.memref_slice %arg6[%sub3A_552, %dma_start3A_560, %dma_start3A_561] : memref<2x16x128xi32, #tpu.memory_space<vmem>> -> memref<1x16x128xi32, #tpu.memory_space<vmem>>
        %dma_start3A_563 = tpu.memref_squeeze %dma_start3A_562 : memref<1x16x128xi32, #tpu.memory_space<vmem>> -> memref<16x128xi32, #tpu.memory_space<vmem>>
        %dma_start3A_564 = arith.constant 0 : i32
        %dma_start3A_565 = tpu.memref_slice %arg3[%arg0, %arg1, %mul3A_551, %dma_start3A_564] : memref<2x16x400x128xi32, #tpu.memory_space<hbm>> -> memref<1x1x16x128xi32, #tpu.memory_space<hbm>>
        %dma_start3A_566 = tpu.memref_squeeze %dma_start3A_565 : memref<1x1x16x128xi32, #tpu.memory_space<hbm>> -> memref<16x128xi32, #tpu.memory_space<hbm>>
        tpu.enqueue_dma source(%dma_start3A_566 : memref<16x128xi32, #tpu.memory_space<hbm>>) target(%dma_start3A_563 : memref<16x128xi32, #tpu.memory_space<vmem>>) target_semaphore(%arg21 : memref<!tpu.dma_semaphore, #tpu.memory_space<semaphore_mem>>)
        %add3A_567 = arith.constant 1 : i32
        %add3A_568 = arith.addi %scan3A_89, %add3A_567 : i32
        %mul3A_569 = arith.constant 16 : i32
        %mul3A_570 = arith.muli %add3A_568, %mul3A_569 : i32
        %sub3A_571 = arith.constant 1 : i32
        %sub3A_572 = arith.subi %sub3A_571, %rem3A_91 : i32
        %dma_start3A_573 = arith.constant 0 : i32
        %dma_start3A_574 = arith.constant 0 : i32
        %dma_start3A_575 = tpu.memref_slice %arg7[%sub3A_572, %dma_start3A_573, %dma_start3A_574] : memref<2x16x128xi32, #tpu.memory_space<vmem>> -> memref<1x16x128xi32, #tpu.memory_space<vmem>>
        %dma_start3A_576 = tpu.memref_squeeze %dma_start3A_575 : memref<1x16x128xi32, #tpu.memory_space<vmem>> -> memref<16x128xi32, #tpu.memory_space<vmem>>
        %dma_start3A_577 = arith.constant 0 : i32
        %dma_start3A_578 = tpu.memref_slice %arg4[%arg1, %mul3A_570, %dma_start3A_577] : memref<16x400x128xi32, #tpu.memory_space<hbm>> -> memref<1x16x128xi32, #tpu.memory_space<hbm>>
        %dma_start3A_579 = tpu.memref_squeeze %dma_start3A_578 : memref<1x16x128xi32, #tpu.memory_space<hbm>> -> memref<16x128xi32, #tpu.memory_space<hbm>>
        %dma_start3A_580 = arith.constant 0 : i32
        %dma_start3A_581 = arith.constant 0 : i32
        %dma_start3A_582 = tpu.memref_slice %arg7[%sub3A_572, %dma_start3A_580, %dma_start3A_581] : memref<2x16x128xi32, #tpu.memory_space<vmem>> -> memref<1x16x128xi32, #tpu.memory_space<vmem>>
        %dma_start3A_583 = tpu.memref_squeeze %dma_start3A_582 : memref<1x16x128xi32, #tpu.memory_space<vmem>> -> memref<16x128xi32, #tpu.memory_space<vmem>>
        %dma_start3A_584 = arith.constant 0 : i32
        %dma_start3A_585 = tpu.memref_slice %arg4[%arg1, %mul3A_570, %dma_start3A_584] : memref<16x400x128xi32, #tpu.memory_space<hbm>> -> memref<1x16x128xi32, #tpu.memory_space<hbm>>
        %dma_start3A_586 = tpu.memref_squeeze %dma_start3A_585 : memref<1x16x128xi32, #tpu.memory_space<hbm>> -> memref<16x128xi32, #tpu.memory_space<hbm>>
        tpu.enqueue_dma source(%dma_start3A_586 : memref<16x128xi32, #tpu.memory_space<hbm>>) target(%dma_start3A_583 : memref<16x128xi32, #tpu.memory_space<vmem>>) target_semaphore(%arg22 : memref<!tpu.dma_semaphore, #tpu.memory_space<semaphore_mem>>)
      } else {
      }
      %dma_start3A_101 = arith.constant 0 : i32
      %dma_start3A_102 = arith.constant 0 : i32
      %dma_start3A_103 = tpu.memref_slice %arg6[%rem3A_91, %dma_start3A_101, %dma_start3A_102] : memref<2x16x128xi32, #tpu.memory_space<vmem>> -> memref<1x1x128xi32, #tpu.memory_space<vmem>>
      %dma_start3A_104 = tpu.memref_squeeze %dma_start3A_103 : memref<1x1x128xi32, #tpu.memory_space<vmem>> -> memref<128xi32, #tpu.memory_space<vmem>>
      %dma_start3A_105 = arith.constant 0 : i32
      %dma_start3A_106 = arith.constant 0 : i32
      %dma_start3A_107 = tpu.memref_slice %arg2[%dma_start3A_105, %dma_start3A_106] : memref<102400x32xf32, #tpu.memory_space<hbm>> -> memref<102400x32xf32, #tpu.memory_space<hbm>>
      tpu.enqueue_indirect_dma source(%dma_start3A_107 : memref<102400x32xf32, #tpu.memory_space<hbm>>) target(%arg8 : memref<128x32xf32, #tpu.memory_space<vmem>>) offsets(%dma_start3A_104 : memref<128xi32, #tpu.memory_space<vmem>>) semaphore(%arg13 : memref<!tpu.dma_semaphore, #tpu.memory_space<semaphore_mem>>)
      %dma_start3A_108 = arith.constant 1 : i32
      %dma_start3A_109 = arith.constant 0 : i32
      %dma_start3A_110 = tpu.memref_slice %arg6[%rem3A_91, %dma_start3A_108, %dma_start3A_109] : memref<2x16x128xi32, #tpu.memory_space<vmem>> -> memref<1x1x128xi32, #tpu.memory_space<vmem>>
      %dma_start3A_111 = tpu.memref_squeeze %dma_start3A_110 : memref<1x1x128xi32, #tpu.memory_space<vmem>> -> memref<128xi32, #tpu.memory_space<vmem>>
      %dma_start3A_112 = arith.constant 0 : i32
      %dma_start3A_113 = arith.constant 0 : i32
      %dma_start3A_114 = tpu.memref_slice %arg2[%dma_start3A_112, %dma_start3A_113] : memref<102400x32xf32, #tpu.memory_space<hbm>> -> memref<102400x32xf32, #tpu.memory_space<hbm>>
      tpu.enqueue_indirect_dma source(%dma_start3A_114 : memref<102400x32xf32, #tpu.memory_space<hbm>>) target(%arg9 : memref<128x32xf32, #tpu.memory_space<vmem>>) offsets(%dma_start3A_111 : memref<128xi32, #tpu.memory_space<vmem>>) semaphore(%arg14 : memref<!tpu.dma_semaphore, #tpu.memory_space<semaphore_mem>>)
      %dma_start3A_115 = arith.constant 2 : i32
      %dma_start3A_116 = arith.constant 0 : i32
      %dma_start3A_117 = tpu.memref_slice %arg6[%rem3A_91, %dma_start3A_115, %dma_start3A_116] : memref<2x16x128xi32, #tpu.memory_space<vmem>> -> memref<1x1x128xi32, #tpu.memory_space<vmem>>
      %dma_start3A_118 = tpu.memref_squeeze %dma_start3A_117 : memref<1x1x128xi32, #tpu.memory_space<vmem>> -> memref<128xi32, #tpu.memory_space<vmem>>
      %dma_start3A_119 = arith.constant 0 : i32
      %dma_start3A_120 = arith.constant 0 : i32
      %dma_start3A_121 = tpu.memref_slice %arg2[%dma_start3A_119, %dma_start3A_120] : memref<102400x32xf32, #tpu.memory_space<hbm>> -> memref<102400x32xf32, #tpu.memory_space<hbm>>
      tpu.enqueue_indirect_dma source(%dma_start3A_121 : memref<102400x32xf32, #tpu.memory_space<hbm>>) target(%arg10 : memref<128x32xf32, #tpu.memory_space<vmem>>) offsets(%dma_start3A_118 : memref<128xi32, #tpu.memory_space<vmem>>) semaphore(%arg15 : memref<!tpu.dma_semaphore, #tpu.memory_space<semaphore_mem>>)
      %dma_start3A_122 = arith.constant 3 : i32
      %dma_start3A_123 = arith.constant 0 : i32
      %dma_start3A_124 = tpu.memref_slice %arg6[%rem3A_91, %dma_start3A_122, %dma_start3A_123] : memref<2x16x128xi32, #tpu.memory_space<vmem>> -> memref<1x1x128xi32, #tpu.memory_space<vmem>>
      %dma_start3A_125 = tpu.memref_squeeze %dma_start3A_124 : memref<1x1x128xi32, #tpu.memory_space<vmem>> -> memref<128xi32, #tpu.memory_space<vmem>>
      %dma_start3A_126 = arith.constant 0 : i32
      %dma_start3A_127 = arith.constant 0 : i32
      %dma_start3A_128 = tpu.memref_slice %arg2[%dma_start3A_126, %dma_start3A_127] : memref<102400x32xf32, #tpu.memory_space<hbm>> -> memref<102400x32xf32, #tpu.memory_space<hbm>>
      tpu.enqueue_indirect_dma source(%dma_start3A_128 : memref<102400x32xf32, #tpu.memory_space<hbm>>) target(%arg11 : memref<128x32xf32, #tpu.memory_space<vmem>>) offsets(%dma_start3A_125 : memref<128xi32, #tpu.memory_space<vmem>>) semaphore(%arg16 : memref<!tpu.dma_semaphore, #tpu.memory_space<semaphore_mem>>)
      %dma_wait3A_129 = arith.constant 0 : i32
      %dma_wait3A_130 = arith.constant 0 : i32
      %dma_wait3A_131 = tpu.memref_slice %arg6[%rem3A_91, %dma_wait3A_129, %dma_wait3A_130] : memref<2x16x128xi32, #tpu.memory_space<vmem>> -> memref<1x1x128xi32, #tpu.memory_space<vmem>>
      %dma_wait3A_132 = tpu.memref_squeeze %dma_wait3A_131 : memref<1x1x128xi32, #tpu.memory_space<vmem>> -> memref<128xi32, #tpu.memory_space<vmem>>
      %dma_wait3A_133 = arith.constant 0 : i32
      %dma_wait3A_134 = arith.constant 0 : i32
      %dma_wait3A_135 = tpu.memref_slice %arg2[%dma_wait3A_133, %dma_wait3A_134] : memref<102400x32xf32, #tpu.memory_space<hbm>> -> memref<102400x32xf32, #tpu.memory_space<hbm>>
      tpu.wait_indirect_dma semaphore(%arg13 : memref<!tpu.dma_semaphore, #tpu.memory_space<semaphore_mem>>) src(%dma_wait3A_135 : memref<102400x32xf32, #tpu.memory_space<hbm>>) dst(%arg8 : memref<128x32xf32, #tpu.memory_space<vmem>>)
      %dma_start3A_136 = arith.constant 0 : i32
      %dma_start3A_137 = arith.constant 0 : i32
      %dma_start3A_138 = tpu.memref_slice %arg7[%rem3A_91, %dma_start3A_136, %dma_start3A_137] : memref<2x16x128xi32, #tpu.memory_space<vmem>> -> memref<1x1x128xi32, #tpu.memory_space<vmem>>
      %dma_start3A_139 = tpu.memref_squeeze %dma_start3A_138 : memref<1x1x128xi32, #tpu.memory_space<vmem>> -> memref<128xi32, #tpu.memory_space<vmem>>
      %dma_start3A_140 = arith.constant 0 : i32
      %dma_start3A_141 = arith.constant 0 : i32
      %dma_start3A_142 = tpu.memref_slice %arg12[%dma_start3A_140, %dma_start3A_141] : memref<50048x32xf32, #tpu.memory_space<vmem_shared>> -> memref<50048x32xf32, #tpu.memory_space<vmem_shared>>
      tpu.enqueue_indirect_dma source(%arg8 : memref<128x32xf32, #tpu.memory_space<vmem>>) target(%dma_start3A_142 : memref<50048x32xf32, #tpu.memory_space<vmem_shared>>) offsets(%dma_start3A_139 : memref<128xi32, #tpu.memory_space<vmem>>) semaphore(%arg17 : memref<!tpu.dma_semaphore, #tpu.memory_space<semaphore_mem>>) {add = true}
      %dma_wait3A_143 = arith.constant 1 : i32
      %dma_wait3A_144 = arith.constant 0 : i32
      %dma_wait3A_145 = tpu.memref_slice %arg7[%rem3A_91, %dma_wait3A_143, %dma_wait3A_144] : memref<2x16x128xi32, #tpu.memory_space<vmem>> -> memref<1x1x128xi32, #tpu.memory_space<vmem>>
      %dma_wait3A_146 = tpu.memref_squeeze %dma_wait3A_145 : memref<1x1x128xi32, #tpu.memory_space<vmem>> -> memref<128xi32, #tpu.memory_space<vmem>>
      %dma_wait3A_147 = arith.constant 0 : i32
      %dma_wait3A_148 = arith.constant 0 : i32
      %dma_wait3A_149 = tpu.memref_slice %arg12[%dma_wait3A_147, %dma_wait3A_148] : memref<50048x32xf32, #tpu.memory_space<vmem_shared>> -> memref<50048x32xf32, #tpu.memory_space<vmem_shared>>
      tpu.wait_indirect_dma semaphore(%arg17 : memref<!tpu.dma_semaphore, #tpu.memory_space<semaphore_mem>>) src(%arg8 : memref<128x32xf32, #tpu.memory_space<vmem>>) dst(%dma_wait3A_149 : memref<50048x32xf32, #tpu.memory_space<vmem_shared>>)
      %dma_start3A_150 = arith.constant 4 : i32
      %dma_start3A_151 = arith.constant 0 : i32
      %dma_start3A_152 = tpu.memref_slice %arg6[%rem3A_91, %dma_start3A_150, %dma_start3A_151] : memref<2x16x128xi32, #tpu.memory_space<vmem>> -> memref<1x1x128xi32, #tpu.memory_space<vmem>>
      %dma_start3A_153 = tpu.memref_squeeze %dma_start3A_152 : memref<1x1x128xi32, #tpu.memory_space<vmem>> -> memref<128xi32, #tpu.memory_space<vmem>>
      %dma_start3A_154 = arith.constant 0 : i32
      %dma_start3A_155 = arith.constant 0 : i32
      %dma_start3A_156 = tpu.memref_slice %arg2[%dma_start3A_154, %dma_start3A_155] : memref<102400x32xf32, #tpu.memory_space<hbm>> -> memref<102400x32xf32, #tpu.memory_space<hbm>>
      tpu.enqueue_indirect_dma source(%dma_start3A_156 : memref<102400x32xf32, #tpu.memory_space<hbm>>) target(%arg8 : memref<128x32xf32, #tpu.memory_space<vmem>>) offsets(%dma_start3A_153 : memref<128xi32, #tpu.memory_space<vmem>>) semaphore(%arg13 : memref<!tpu.dma_semaphore, #tpu.memory_space<semaphore_mem>>)
      %dma_wait3A_157 = arith.constant 1 : i32
      %dma_wait3A_158 = arith.constant 0 : i32
      %dma_wait3A_159 = tpu.memref_slice %arg6[%rem3A_91, %dma_wait3A_157, %dma_wait3A_158] : memref<2x16x128xi32, #tpu.memory_space<vmem>> -> memref<1x1x128xi32, #tpu.memory_space<vmem>>
      %dma_wait3A_160 = tpu.memref_squeeze %dma_wait3A_159 : memref<1x1x128xi32, #tpu.memory_space<vmem>> -> memref<128xi32, #tpu.memory_space<vmem>>
      %dma_wait3A_161 = arith.constant 0 : i32
      %dma_wait3A_162 = arith.constant 0 : i32
      %dma_wait3A_163 = tpu.memref_slice %arg2[%dma_wait3A_161, %dma_wait3A_162] : memref<102400x32xf32, #tpu.memory_space<hbm>> -> memref<102400x32xf32, #tpu.memory_space<hbm>>
      tpu.wait_indirect_dma semaphore(%arg14 : memref<!tpu.dma_semaphore, #tpu.memory_space<semaphore_mem>>) src(%dma_wait3A_163 : memref<102400x32xf32, #tpu.memory_space<hbm>>) dst(%arg9 : memref<128x32xf32, #tpu.memory_space<vmem>>)
      %dma_start3A_164 = arith.constant 1 : i32
      %dma_start3A_165 = arith.constant 0 : i32
      %dma_start3A_166 = tpu.memref_slice %arg7[%rem3A_91, %dma_start3A_164, %dma_start3A_165] : memref<2x16x128xi32, #tpu.memory_space<vmem>> -> memref<1x1x128xi32, #tpu.memory_space<vmem>>
      %dma_start3A_167 = tpu.memref_squeeze %dma_start3A_166 : memref<1x1x128xi32, #tpu.memory_space<vmem>> -> memref<128xi32, #tpu.memory_space<vmem>>
      %dma_start3A_168 = arith.constant 0 : i32
      %dma_start3A_169 = arith.constant 0 : i32
      %dma_start3A_170 = tpu.memref_slice %arg12[%dma_start3A_168, %dma_start3A_169] : memref<50048x32xf32, #tpu.memory_space<vmem_shared>> -> memref<50048x32xf32, #tpu.memory_space<vmem_shared>>
      tpu.enqueue_indirect_dma source(%arg9 : memref<128x32xf32, #tpu.memory_space<vmem>>) target(%dma_start3A_170 : memref<50048x32xf32, #tpu.memory_space<vmem_shared>>) offsets(%dma_start3A_167 : memref<128xi32, #tpu.memory_space<vmem>>) semaphore(%arg18 : memref<!tpu.dma_semaphore, #tpu.memory_space<semaphore_mem>>) {add = true}
      %dma_wait3A_171 = arith.constant 2 : i32
      %dma_wait3A_172 = arith.constant 0 : i32
      %dma_wait3A_173 = tpu.memref_slice %arg7[%rem3A_91, %dma_wait3A_171, %dma_wait3A_172] : memref<2x16x128xi32, #tpu.memory_space<vmem>> -> memref<1x1x128xi32, #tpu.memory_space<vmem>>
      %dma_wait3A_174 = tpu.memref_squeeze %dma_wait3A_173 : memref<1x1x128xi32, #tpu.memory_space<vmem>> -> memref<128xi32, #tpu.memory_space<vmem>>
      %dma_wait3A_175 = arith.constant 0 : i32
      %dma_wait3A_176 = arith.constant 0 : i32
      %dma_wait3A_177 = tpu.memref_slice %arg12[%dma_wait3A_175, %dma_wait3A_176] : memref<50048x32xf32, #tpu.memory_space<vmem_shared>> -> memref<50048x32xf32, #tpu.memory_space<vmem_shared>>
      tpu.wait_indirect_dma semaphore(%arg18 : memref<!tpu.dma_semaphore, #tpu.memory_space<semaphore_mem>>) src(%arg9 : memref<128x32xf32, #tpu.memory_space<vmem>>) dst(%dma_wait3A_177 : memref<50048x32xf32, #tpu.memory_space<vmem_shared>>)
      %dma_start3A_178 = arith.constant 5 : i32
      %dma_start3A_179 = arith.constant 0 : i32
      %dma_start3A_180 = tpu.memref_slice %arg6[%rem3A_91, %dma_start3A_178, %dma_start3A_179] : memref<2x16x128xi32, #tpu.memory_space<vmem>> -> memref<1x1x128xi32, #tpu.memory_space<vmem>>
      %dma_start3A_181 = tpu.memref_squeeze %dma_start3A_180 : memref<1x1x128xi32, #tpu.memory_space<vmem>> -> memref<128xi32, #tpu.memory_space<vmem>>
      %dma_start3A_182 = arith.constant 0 : i32
      %dma_start3A_183 = arith.constant 0 : i32
      %dma_start3A_184 = tpu.memref_slice %arg2[%dma_start3A_182, %dma_start3A_183] : memref<102400x32xf32, #tpu.memory_space<hbm>> -> memref<102400x32xf32, #tpu.memory_space<hbm>>
      tpu.enqueue_indirect_dma source(%dma_start3A_184 : memref<102400x32xf32, #tpu.memory_space<hbm>>) target(%arg9 : memref<128x32xf32, #tpu.memory_space<vmem>>) offsets(%dma_start3A_181 : memref<128xi32, #tpu.memory_space<vmem>>) semaphore(%arg14 : memref<!tpu.dma_semaphore, #tpu.memory_space<semaphore_mem>>)
      %dma_wait3A_185 = arith.constant 2 : i32
      %dma_wait3A_186 = arith.constant 0 : i32
      %dma_wait3A_187 = tpu.memref_slice %arg6[%rem3A_91, %dma_wait3A_185, %dma_wait3A_186] : memref<2x16x128xi32, #tpu.memory_space<vmem>> -> memref<1x1x128xi32, #tpu.memory_space<vmem>>
      %dma_wait3A_188 = tpu.memref_squeeze %dma_wait3A_187 : memref<1x1x128xi32, #tpu.memory_space<vmem>> -> memref<128xi32, #tpu.memory_space<vmem>>
      %dma_wait3A_189 = arith.constant 0 : i32
      %dma_wait3A_190 = arith.constant 0 : i32
      %dma_wait3A_191 = tpu.memref_slice %arg2[%dma_wait3A_189, %dma_wait3A_190] : memref<102400x32xf32, #tpu.memory_space<hbm>> -> memref<102400x32xf32, #tpu.memory_space<hbm>>
      tpu.wait_indirect_dma semaphore(%arg15 : memref<!tpu.dma_semaphore, #tpu.memory_space<semaphore_mem>>) src(%dma_wait3A_191 : memref<102400x32xf32, #tpu.memory_space<hbm>>) dst(%arg10 : memref<128x32xf32, #tpu.memory_space<vmem>>)
      %dma_start3A_192 = arith.constant 2 : i32
      %dma_start3A_193 = arith.constant 0 : i32
      %dma_start3A_194 = tpu.memref_slice %arg7[%rem3A_91, %dma_start3A_192, %dma_start3A_193] : memref<2x16x128xi32, #tpu.memory_space<vmem>> -> memref<1x1x128xi32, #tpu.memory_space<vmem>>
      %dma_start3A_195 = tpu.memref_squeeze %dma_start3A_194 : memref<1x1x128xi32, #tpu.memory_space<vmem>> -> memref<128xi32, #tpu.memory_space<vmem>>
      %dma_start3A_196 = arith.constant 0 : i32
      %dma_start3A_197 = arith.constant 0 : i32
      %dma_start3A_198 = tpu.memref_slice %arg12[%dma_start3A_196, %dma_start3A_197] : memref<50048x32xf32, #tpu.memory_space<vmem_shared>> -> memref<50048x32xf32, #tpu.memory_space<vmem_shared>>
      tpu.enqueue_indirect_dma source(%arg10 : memref<128x32xf32, #tpu.memory_space<vmem>>) target(%dma_start3A_198 : memref<50048x32xf32, #tpu.memory_space<vmem_shared>>) offsets(%dma_start3A_195 : memref<128xi32, #tpu.memory_space<vmem>>) semaphore(%arg19 : memref<!tpu.dma_semaphore, #tpu.memory_space<semaphore_mem>>) {add = true}
      %dma_wait3A_199 = arith.constant 3 : i32
      %dma_wait3A_200 = arith.constant 0 : i32
      %dma_wait3A_201 = tpu.memref_slice %arg7[%rem3A_91, %dma_wait3A_199, %dma_wait3A_200] : memref<2x16x128xi32, #tpu.memory_space<vmem>> -> memref<1x1x128xi32, #tpu.memory_space<vmem>>
      %dma_wait3A_202 = tpu.memref_squeeze %dma_wait3A_201 : memref<1x1x128xi32, #tpu.memory_space<vmem>> -> memref<128xi32, #tpu.memory_space<vmem>>
      %dma_wait3A_203 = arith.constant 0 : i32
      %dma_wait3A_204 = arith.constant 0 : i32
      %dma_wait3A_205 = tpu.memref_slice %arg12[%dma_wait3A_203, %dma_wait3A_204] : memref<50048x32xf32, #tpu.memory_space<vmem_shared>> -> memref<50048x32xf32, #tpu.memory_space<vmem_shared>>
      tpu.wait_indirect_dma semaphore(%arg19 : memref<!tpu.dma_semaphore, #tpu.memory_space<semaphore_mem>>) src(%arg10 : memref<128x32xf32, #tpu.memory_space<vmem>>) dst(%dma_wait3A_205 : memref<50048x32xf32, #tpu.memory_space<vmem_shared>>)
      %dma_start3A_206 = arith.constant 6 : i32
      %dma_start3A_207 = arith.constant 0 : i32
      %dma_start3A_208 = tpu.memref_slice %arg6[%rem3A_91, %dma_start3A_206, %dma_start3A_207] : memref<2x16x128xi32, #tpu.memory_space<vmem>> -> memref<1x1x128xi32, #tpu.memory_space<vmem>>
      %dma_start3A_209 = tpu.memref_squeeze %dma_start3A_208 : memref<1x1x128xi32, #tpu.memory_space<vmem>> -> memref<128xi32, #tpu.memory_space<vmem>>
      %dma_start3A_210 = arith.constant 0 : i32
      %dma_start3A_211 = arith.constant 0 : i32
      %dma_start3A_212 = tpu.memref_slice %arg2[%dma_start3A_210, %dma_start3A_211] : memref<102400x32xf32, #tpu.memory_space<hbm>> -> memref<102400x32xf32, #tpu.memory_space<hbm>>
      tpu.enqueue_indirect_dma source(%dma_start3A_212 : memref<102400x32xf32, #tpu.memory_space<hbm>>) target(%arg10 : memref<128x32xf32, #tpu.memory_space<vmem>>) offsets(%dma_start3A_209 : memref<128xi32, #tpu.memory_space<vmem>>) semaphore(%arg15 : memref<!tpu.dma_semaphore, #tpu.memory_space<semaphore_mem>>)
      %dma_wait3A_213 = arith.constant 3 : i32
      %dma_wait3A_214 = arith.constant 0 : i32
      %dma_wait3A_215 = tpu.memref_slice %arg6[%rem3A_91, %dma_wait3A_213, %dma_wait3A_214] : memref<2x16x128xi32, #tpu.memory_space<vmem>> -> memref<1x1x128xi32, #tpu.memory_space<vmem>>
      %dma_wait3A_216 = tpu.memref_squeeze %dma_wait3A_215 : memref<1x1x128xi32, #tpu.memory_space<vmem>> -> memref<128xi32, #tpu.memory_space<vmem>>
      %dma_wait3A_217 = arith.constant 0 : i32
      %dma_wait3A_218 = arith.constant 0 : i32
      %dma_wait3A_219 = tpu.memref_slice %arg2[%dma_wait3A_217, %dma_wait3A_218] : memref<102400x32xf32, #tpu.memory_space<hbm>> -> memref<102400x32xf32, #tpu.memory_space<hbm>>
      tpu.wait_indirect_dma semaphore(%arg16 : memref<!tpu.dma_semaphore, #tpu.memory_space<semaphore_mem>>) src(%dma_wait3A_219 : memref<102400x32xf32, #tpu.memory_space<hbm>>) dst(%arg11 : memref<128x32xf32, #tpu.memory_space<vmem>>)
      %dma_start3A_220 = arith.constant 3 : i32
      %dma_start3A_221 = arith.constant 0 : i32
      %dma_start3A_222 = tpu.memref_slice %arg7[%rem3A_91, %dma_start3A_220, %dma_start3A_221] : memref<2x16x128xi32, #tpu.memory_space<vmem>> -> memref<1x1x128xi32, #tpu.memory_space<vmem>>
      %dma_start3A_223 = tpu.memref_squeeze %dma_start3A_222 : memref<1x1x128xi32, #tpu.memory_space<vmem>> -> memref<128xi32, #tpu.memory_space<vmem>>
      %dma_start3A_224 = arith.constant 0 : i32
      %dma_start3A_225 = arith.constant 0 : i32
      %dma_start3A_226 = tpu.memref_slice %arg12[%dma_start3A_224, %dma_start3A_225] : memref<50048x32xf32, #tpu.memory_space<vmem_shared>> -> memref<50048x32xf32, #tpu.memory_space<vmem_shared>>
      tpu.enqueue_indirect_dma source(%arg11 : memref<128x32xf32, #tpu.memory_space<vmem>>) target(%dma_start3A_226 : memref<50048x32xf32, #tpu.memory_space<vmem_shared>>) offsets(%dma_start3A_223 : memref<128xi32, #tpu.memory_space<vmem>>) semaphore(%arg20 : memref<!tpu.dma_semaphore, #tpu.memory_space<semaphore_mem>>) {add = true}
      %dma_wait3A_227 = arith.constant 4 : i32
      %dma_wait3A_228 = arith.constant 0 : i32
      %dma_wait3A_229 = tpu.memref_slice %arg7[%rem3A_91, %dma_wait3A_227, %dma_wait3A_228] : memref<2x16x128xi32, #tpu.memory_space<vmem>> -> memref<1x1x128xi32, #tpu.memory_space<vmem>>
      %dma_wait3A_230 = tpu.memref_squeeze %dma_wait3A_229 : memref<1x1x128xi32, #tpu.memory_space<vmem>> -> memref<128xi32, #tpu.memory_space<vmem>>
      %dma_wait3A_231 = arith.constant 0 : i32
      %dma_wait3A_232 = arith.constant 0 : i32
      %dma_wait3A_233 = tpu.memref_slice %arg12[%dma_wait3A_231, %dma_wait3A_232] : memref<50048x32xf32, #tpu.memory_space<vmem_shared>> -> memref<50048x32xf32, #tpu.memory_space<vmem_shared>>
      tpu.wait_indirect_dma semaphore(%arg20 : memref<!tpu.dma_semaphore, #tpu.memory_space<semaphore_mem>>) src(%arg11 : memref<128x32xf32, #tpu.memory_space<vmem>>) dst(%dma_wait3A_233 : memref<50048x32xf32, #tpu.memory_space<vmem_shared>>)
      %dma_start3A_234 = arith.constant 7 : i32
      %dma_start3A_235 = arith.constant 0 : i32
      %dma_start3A_236 = tpu.memref_slice %arg6[%rem3A_91, %dma_start3A_234, %dma_start3A_235] : memref<2x16x128xi32, #tpu.memory_space<vmem>> -> memref<1x1x128xi32, #tpu.memory_space<vmem>>
      %dma_start3A_237 = tpu.memref_squeeze %dma_start3A_236 : memref<1x1x128xi32, #tpu.memory_space<vmem>> -> memref<128xi32, #tpu.memory_space<vmem>>
      %dma_start3A_238 = arith.constant 0 : i32
      %dma_start3A_239 = arith.constant 0 : i32
      %dma_start3A_240 = tpu.memref_slice %arg2[%dma_start3A_238, %dma_start3A_239] : memref<102400x32xf32, #tpu.memory_space<hbm>> -> memref<102400x32xf32, #tpu.memory_space<hbm>>
      tpu.enqueue_indirect_dma source(%dma_start3A_240 : memref<102400x32xf32, #tpu.memory_space<hbm>>) target(%arg11 : memref<128x32xf32, #tpu.memory_space<vmem>>) offsets(%dma_start3A_237 : memref<128xi32, #tpu.memory_space<vmem>>) semaphore(%arg16 : memref<!tpu.dma_semaphore, #tpu.memory_space<semaphore_mem>>)
      %dma_wait3A_241 = arith.constant 4 : i32
      %dma_wait3A_242 = arith.constant 0 : i32
      %dma_wait3A_243 = tpu.memref_slice %arg6[%rem3A_91, %dma_wait3A_241, %dma_wait3A_242] : memref<2x16x128xi32, #tpu.memory_space<vmem>> -> memref<1x1x128xi32, #tpu.memory_space<vmem>>
      %dma_wait3A_244 = tpu.memref_squeeze %dma_wait3A_243 : memref<1x1x128xi32, #tpu.memory_space<vmem>> -> memref<128xi32, #tpu.memory_space<vmem>>
      %dma_wait3A_245 = arith.constant 0 : i32
      %dma_wait3A_246 = arith.constant 0 : i32
      %dma_wait3A_247 = tpu.memref_slice %arg2[%dma_wait3A_245, %dma_wait3A_246] : memref<102400x32xf32, #tpu.memory_space<hbm>> -> memref<102400x32xf32, #tpu.memory_space<hbm>>
      tpu.wait_indirect_dma semaphore(%arg13 : memref<!tpu.dma_semaphore, #tpu.memory_space<semaphore_mem>>) src(%dma_wait3A_247 : memref<102400x32xf32, #tpu.memory_space<hbm>>) dst(%arg8 : memref<128x32xf32, #tpu.memory_space<vmem>>)
      %dma_start3A_248 = arith.constant 4 : i32
      %dma_start3A_249 = arith.constant 0 : i32
      %dma_start3A_250 = tpu.memref_slice %arg7[%rem3A_91, %dma_start3A_248, %dma_start3A_249] : memref<2x16x128xi32, #tpu.memory_space<vmem>> -> memref<1x1x128xi32, #tpu.memory_space<vmem>>
      %dma_start3A_251 = tpu.memref_squeeze %dma_start3A_250 : memref<1x1x128xi32, #tpu.memory_space<vmem>> -> memref<128xi32, #tpu.memory_space<vmem>>
      %dma_start3A_252 = arith.constant 0 : i32
      %dma_start3A_253 = arith.constant 0 : i32
      %dma_start3A_254 = tpu.memref_slice %arg12[%dma_start3A_252, %dma_start3A_253] : memref<50048x32xf32, #tpu.memory_space<vmem_shared>> -> memref<50048x32xf32, #tpu.memory_space<vmem_shared>>
      tpu.enqueue_indirect_dma source(%arg8 : memref<128x32xf32, #tpu.memory_space<vmem>>) target(%dma_start3A_254 : memref<50048x32xf32, #tpu.memory_space<vmem_shared>>) offsets(%dma_start3A_251 : memref<128xi32, #tpu.memory_space<vmem>>) semaphore(%arg17 : memref<!tpu.dma_semaphore, #tpu.memory_space<semaphore_mem>>) {add = true}
      %dma_wait3A_255 = arith.constant 5 : i32
      %dma_wait3A_256 = arith.constant 0 : i32
      %dma_wait3A_257 = tpu.memref_slice %arg7[%rem3A_91, %dma_wait3A_255, %dma_wait3A_256] : memref<2x16x128xi32, #tpu.memory_space<vmem>> -> memref<1x1x128xi32, #tpu.memory_space<vmem>>
      %dma_wait3A_258 = tpu.memref_squeeze %dma_wait3A_257 : memref<1x1x128xi32, #tpu.memory_space<vmem>> -> memref<128xi32, #tpu.memory_space<vmem>>
      %dma_wait3A_259 = arith.constant 0 : i32
      %dma_wait3A_260 = arith.constant 0 : i32
      %dma_wait3A_261 = tpu.memref_slice %arg12[%dma_wait3A_259, %dma_wait3A_260] : memref<50048x32xf32, #tpu.memory_space<vmem_shared>> -> memref<50048x32xf32, #tpu.memory_space<vmem_shared>>
      tpu.wait_indirect_dma semaphore(%arg17 : memref<!tpu.dma_semaphore, #tpu.memory_space<semaphore_mem>>) src(%arg8 : memref<128x32xf32, #tpu.memory_space<vmem>>) dst(%dma_wait3A_261 : memref<50048x32xf32, #tpu.memory_space<vmem_shared>>)
      %dma_start3A_262 = arith.constant 8 : i32
      %dma_start3A_263 = arith.constant 0 : i32
      %dma_start3A_264 = tpu.memref_slice %arg6[%rem3A_91, %dma_start3A_262, %dma_start3A_263] : memref<2x16x128xi32, #tpu.memory_space<vmem>> -> memref<1x1x128xi32, #tpu.memory_space<vmem>>
      %dma_start3A_265 = tpu.memref_squeeze %dma_start3A_264 : memref<1x1x128xi32, #tpu.memory_space<vmem>> -> memref<128xi32, #tpu.memory_space<vmem>>
      %dma_start3A_266 = arith.constant 0 : i32
      %dma_start3A_267 = arith.constant 0 : i32
      %dma_start3A_268 = tpu.memref_slice %arg2[%dma_start3A_266, %dma_start3A_267] : memref<102400x32xf32, #tpu.memory_space<hbm>> -> memref<102400x32xf32, #tpu.memory_space<hbm>>
      tpu.enqueue_indirect_dma source(%dma_start3A_268 : memref<102400x32xf32, #tpu.memory_space<hbm>>) target(%arg8 : memref<128x32xf32, #tpu.memory_space<vmem>>) offsets(%dma_start3A_265 : memref<128xi32, #tpu.memory_space<vmem>>) semaphore(%arg13 : memref<!tpu.dma_semaphore, #tpu.memory_space<semaphore_mem>>)
      %dma_wait3A_269 = arith.constant 5 : i32
      %dma_wait3A_270 = arith.constant 0 : i32
      %dma_wait3A_271 = tpu.memref_slice %arg6[%rem3A_91, %dma_wait3A_269, %dma_wait3A_270] : memref<2x16x128xi32, #tpu.memory_space<vmem>> -> memref<1x1x128xi32, #tpu.memory_space<vmem>>
      %dma_wait3A_272 = tpu.memref_squeeze %dma_wait3A_271 : memref<1x1x128xi32, #tpu.memory_space<vmem>> -> memref<128xi32, #tpu.memory_space<vmem>>
      %dma_wait3A_273 = arith.constant 0 : i32
      %dma_wait3A_274 = arith.constant 0 : i32
      %dma_wait3A_275 = tpu.memref_slice %arg2[%dma_wait3A_273, %dma_wait3A_274] : memref<102400x32xf32, #tpu.memory_space<hbm>> -> memref<102400x32xf32, #tpu.memory_space<hbm>>
      tpu.wait_indirect_dma semaphore(%arg14 : memref<!tpu.dma_semaphore, #tpu.memory_space<semaphore_mem>>) src(%dma_wait3A_275 : memref<102400x32xf32, #tpu.memory_space<hbm>>) dst(%arg9 : memref<128x32xf32, #tpu.memory_space<vmem>>)
      %dma_start3A_276 = arith.constant 5 : i32
      %dma_start3A_277 = arith.constant 0 : i32
      %dma_start3A_278 = tpu.memref_slice %arg7[%rem3A_91, %dma_start3A_276, %dma_start3A_277] : memref<2x16x128xi32, #tpu.memory_space<vmem>> -> memref<1x1x128xi32, #tpu.memory_space<vmem>>
      %dma_start3A_279 = tpu.memref_squeeze %dma_start3A_278 : memref<1x1x128xi32, #tpu.memory_space<vmem>> -> memref<128xi32, #tpu.memory_space<vmem>>
      %dma_start3A_280 = arith.constant 0 : i32
      %dma_start3A_281 = arith.constant 0 : i32
      %dma_start3A_282 = tpu.memref_slice %arg12[%dma_start3A_280, %dma_start3A_281] : memref<50048x32xf32, #tpu.memory_space<vmem_shared>> -> memref<50048x32xf32, #tpu.memory_space<vmem_shared>>
      tpu.enqueue_indirect_dma source(%arg9 : memref<128x32xf32, #tpu.memory_space<vmem>>) target(%dma_start3A_282 : memref<50048x32xf32, #tpu.memory_space<vmem_shared>>) offsets(%dma_start3A_279 : memref<128xi32, #tpu.memory_space<vmem>>) semaphore(%arg18 : memref<!tpu.dma_semaphore, #tpu.memory_space<semaphore_mem>>) {add = true}
      %dma_wait3A_283 = arith.constant 6 : i32
      %dma_wait3A_284 = arith.constant 0 : i32
      %dma_wait3A_285 = tpu.memref_slice %arg7[%rem3A_91, %dma_wait3A_283, %dma_wait3A_284] : memref<2x16x128xi32, #tpu.memory_space<vmem>> -> memref<1x1x128xi32, #tpu.memory_space<vmem>>
      %dma_wait3A_286 = tpu.memref_squeeze %dma_wait3A_285 : memref<1x1x128xi32, #tpu.memory_space<vmem>> -> memref<128xi32, #tpu.memory_space<vmem>>
      %dma_wait3A_287 = arith.constant 0 : i32
      %dma_wait3A_288 = arith.constant 0 : i32
      %dma_wait3A_289 = tpu.memref_slice %arg12[%dma_wait3A_287, %dma_wait3A_288] : memref<50048x32xf32, #tpu.memory_space<vmem_shared>> -> memref<50048x32xf32, #tpu.memory_space<vmem_shared>>
      tpu.wait_indirect_dma semaphore(%arg18 : memref<!tpu.dma_semaphore, #tpu.memory_space<semaphore_mem>>) src(%arg9 : memref<128x32xf32, #tpu.memory_space<vmem>>) dst(%dma_wait3A_289 : memref<50048x32xf32, #tpu.memory_space<vmem_shared>>)
      %dma_start3A_290 = arith.constant 9 : i32
      %dma_start3A_291 = arith.constant 0 : i32
      %dma_start3A_292 = tpu.memref_slice %arg6[%rem3A_91, %dma_start3A_290, %dma_start3A_291] : memref<2x16x128xi32, #tpu.memory_space<vmem>> -> memref<1x1x128xi32, #tpu.memory_space<vmem>>
      %dma_start3A_293 = tpu.memref_squeeze %dma_start3A_292 : memref<1x1x128xi32, #tpu.memory_space<vmem>> -> memref<128xi32, #tpu.memory_space<vmem>>
      %dma_start3A_294 = arith.constant 0 : i32
      %dma_start3A_295 = arith.constant 0 : i32
      %dma_start3A_296 = tpu.memref_slice %arg2[%dma_start3A_294, %dma_start3A_295] : memref<102400x32xf32, #tpu.memory_space<hbm>> -> memref<102400x32xf32, #tpu.memory_space<hbm>>
      tpu.enqueue_indirect_dma source(%dma_start3A_296 : memref<102400x32xf32, #tpu.memory_space<hbm>>) target(%arg9 : memref<128x32xf32, #tpu.memory_space<vmem>>) offsets(%dma_start3A_293 : memref<128xi32, #tpu.memory_space<vmem>>) semaphore(%arg14 : memref<!tpu.dma_semaphore, #tpu.memory_space<semaphore_mem>>)
      %dma_wait3A_297 = arith.constant 6 : i32
      %dma_wait3A_298 = arith.constant 0 : i32
      %dma_wait3A_299 = tpu.memref_slice %arg6[%rem3A_91, %dma_wait3A_297, %dma_wait3A_298] : memref<2x16x128xi32, #tpu.memory_space<vmem>> -> memref<1x1x128xi32, #tpu.memory_space<vmem>>
      %dma_wait3A_300 = tpu.memref_squeeze %dma_wait3A_299 : memref<1x1x128xi32, #tpu.memory_space<vmem>> -> memref<128xi32, #tpu.memory_space<vmem>>
      %dma_wait3A_301 = arith.constant 0 : i32
      %dma_wait3A_302 = arith.constant 0 : i32
      %dma_wait3A_303 = tpu.memref_slice %arg2[%dma_wait3A_301, %dma_wait3A_302] : memref<102400x32xf32, #tpu.memory_space<hbm>> -> memref<102400x32xf32, #tpu.memory_space<hbm>>
      tpu.wait_indirect_dma semaphore(%arg15 : memref<!tpu.dma_semaphore, #tpu.memory_space<semaphore_mem>>) src(%dma_wait3A_303 : memref<102400x32xf32, #tpu.memory_space<hbm>>) dst(%arg10 : memref<128x32xf32, #tpu.memory_space<vmem>>)
      %dma_start3A_304 = arith.constant 6 : i32
      %dma_start3A_305 = arith.constant 0 : i32
      %dma_start3A_306 = tpu.memref_slice %arg7[%rem3A_91, %dma_start3A_304, %dma_start3A_305] : memref<2x16x128xi32, #tpu.memory_space<vmem>> -> memref<1x1x128xi32, #tpu.memory_space<vmem>>
      %dma_start3A_307 = tpu.memref_squeeze %dma_start3A_306 : memref<1x1x128xi32, #tpu.memory_space<vmem>> -> memref<128xi32, #tpu.memory_space<vmem>>
      %dma_start3A_308 = arith.constant 0 : i32
      %dma_start3A_309 = arith.constant 0 : i32
      %dma_start3A_310 = tpu.memref_slice %arg12[%dma_start3A_308, %dma_start3A_309] : memref<50048x32xf32, #tpu.memory_space<vmem_shared>> -> memref<50048x32xf32, #tpu.memory_space<vmem_shared>>
      tpu.enqueue_indirect_dma source(%arg10 : memref<128x32xf32, #tpu.memory_space<vmem>>) target(%dma_start3A_310 : memref<50048x32xf32, #tpu.memory_space<vmem_shared>>) offsets(%dma_start3A_307 : memref<128xi32, #tpu.memory_space<vmem>>) semaphore(%arg19 : memref<!tpu.dma_semaphore, #tpu.memory_space<semaphore_mem>>) {add = true}
      %dma_wait3A_311 = arith.constant 7 : i32
      %dma_wait3A_312 = arith.constant 0 : i32
      %dma_wait3A_313 = tpu.memref_slice %arg7[%rem3A_91, %dma_wait3A_311, %dma_wait3A_312] : memref<2x16x128xi32, #tpu.memory_space<vmem>> -> memref<1x1x128xi32, #tpu.memory_space<vmem>>
      %dma_wait3A_314 = tpu.memref_squeeze %dma_wait3A_313 : memref<1x1x128xi32, #tpu.memory_space<vmem>> -> memref<128xi32, #tpu.memory_space<vmem>>
      %dma_wait3A_315 = arith.constant 0 : i32
      %dma_wait3A_316 = arith.constant 0 : i32
      %dma_wait3A_317 = tpu.memref_slice %arg12[%dma_wait3A_315, %dma_wait3A_316] : memref<50048x32xf32, #tpu.memory_space<vmem_shared>> -> memref<50048x32xf32, #tpu.memory_space<vmem_shared>>
      tpu.wait_indirect_dma semaphore(%arg19 : memref<!tpu.dma_semaphore, #tpu.memory_space<semaphore_mem>>) src(%arg10 : memref<128x32xf32, #tpu.memory_space<vmem>>) dst(%dma_wait3A_317 : memref<50048x32xf32, #tpu.memory_space<vmem_shared>>)
      %dma_start3A_318 = arith.constant 10 : i32
      %dma_start3A_319 = arith.constant 0 : i32
      %dma_start3A_320 = tpu.memref_slice %arg6[%rem3A_91, %dma_start3A_318, %dma_start3A_319] : memref<2x16x128xi32, #tpu.memory_space<vmem>> -> memref<1x1x128xi32, #tpu.memory_space<vmem>>
      %dma_start3A_321 = tpu.memref_squeeze %dma_start3A_320 : memref<1x1x128xi32, #tpu.memory_space<vmem>> -> memref<128xi32, #tpu.memory_space<vmem>>
      %dma_start3A_322 = arith.constant 0 : i32
      %dma_start3A_323 = arith.constant 0 : i32
      %dma_start3A_324 = tpu.memref_slice %arg2[%dma_start3A_322, %dma_start3A_323] : memref<102400x32xf32, #tpu.memory_space<hbm>> -> memref<102400x32xf32, #tpu.memory_space<hbm>>
      tpu.enqueue_indirect_dma source(%dma_start3A_324 : memref<102400x32xf32, #tpu.memory_space<hbm>>) target(%arg10 : memref<128x32xf32, #tpu.memory_space<vmem>>) offsets(%dma_start3A_321 : memref<128xi32, #tpu.memory_space<vmem>>) semaphore(%arg15 : memref<!tpu.dma_semaphore, #tpu.memory_space<semaphore_mem>>)
      %dma_wait3A_325 = arith.constant 7 : i32
      %dma_wait3A_326 = arith.constant 0 : i32
      %dma_wait3A_327 = tpu.memref_slice %arg6[%rem3A_91, %dma_wait3A_325, %dma_wait3A_326] : memref<2x16x128xi32, #tpu.memory_space<vmem>> -> memref<1x1x128xi32, #tpu.memory_space<vmem>>
      %dma_wait3A_328 = tpu.memref_squeeze %dma_wait3A_327 : memref<1x1x128xi32, #tpu.memory_space<vmem>> -> memref<128xi32, #tpu.memory_space<vmem>>
      %dma_wait3A_329 = arith.constant 0 : i32
      %dma_wait3A_330 = arith.constant 0 : i32
      %dma_wait3A_331 = tpu.memref_slice %arg2[%dma_wait3A_329, %dma_wait3A_330] : memref<102400x32xf32, #tpu.memory_space<hbm>> -> memref<102400x32xf32, #tpu.memory_space<hbm>>
      tpu.wait_indirect_dma semaphore(%arg16 : memref<!tpu.dma_semaphore, #tpu.memory_space<semaphore_mem>>) src(%dma_wait3A_331 : memref<102400x32xf32, #tpu.memory_space<hbm>>) dst(%arg11 : memref<128x32xf32, #tpu.memory_space<vmem>>)
      %dma_start3A_332 = arith.constant 7 : i32
      %dma_start3A_333 = arith.constant 0 : i32
      %dma_start3A_334 = tpu.memref_slice %arg7[%rem3A_91, %dma_start3A_332, %dma_start3A_333] : memref<2x16x128xi32, #tpu.memory_space<vmem>> -> memref<1x1x128xi32, #tpu.memory_space<vmem>>
      %dma_start3A_335 = tpu.memref_squeeze %dma_start3A_334 : memref<1x1x128xi32, #tpu.memory_space<vmem>> -> memref<128xi32, #tpu.memory_space<vmem>>
      %dma_start3A_336 = arith.constant 0 : i32
      %dma_start3A_337 = arith.constant 0 : i32
      %dma_start3A_338 = tpu.memref_slice %arg12[%dma_start3A_336, %dma_start3A_337] : memref<50048x32xf32, #tpu.memory_space<vmem_shared>> -> memref<50048x32xf32, #tpu.memory_space<vmem_shared>>
      tpu.enqueue_indirect_dma source(%arg11 : memref<128x32xf32, #tpu.memory_space<vmem>>) target(%dma_start3A_338 : memref<50048x32xf32, #tpu.memory_space<vmem_shared>>) offsets(%dma_start3A_335 : memref<128xi32, #tpu.memory_space<vmem>>) semaphore(%arg20 : memref<!tpu.dma_semaphore, #tpu.memory_space<semaphore_mem>>) {add = true}
      %dma_wait3A_339 = arith.constant 8 : i32
      %dma_wait3A_340 = arith.constant 0 : i32
      %dma_wait3A_341 = tpu.memref_slice %arg7[%rem3A_91, %dma_wait3A_339, %dma_wait3A_340] : memref<2x16x128xi32, #tpu.memory_space<vmem>> -> memref<1x1x128xi32, #tpu.memory_space<vmem>>
      %dma_wait3A_342 = tpu.memref_squeeze %dma_wait3A_341 : memref<1x1x128xi32, #tpu.memory_space<vmem>> -> memref<128xi32, #tpu.memory_space<vmem>>
      %dma_wait3A_343 = arith.constant 0 : i32
      %dma_wait3A_344 = arith.constant 0 : i32
      %dma_wait3A_345 = tpu.memref_slice %arg12[%dma_wait3A_343, %dma_wait3A_344] : memref<50048x32xf32, #tpu.memory_space<vmem_shared>> -> memref<50048x32xf32, #tpu.memory_space<vmem_shared>>
      tpu.wait_indirect_dma semaphore(%arg20 : memref<!tpu.dma_semaphore, #tpu.memory_space<semaphore_mem>>) src(%arg11 : memref<128x32xf32, #tpu.memory_space<vmem>>) dst(%dma_wait3A_345 : memref<50048x32xf32, #tpu.memory_space<vmem_shared>>)
      %dma_start3A_346 = arith.constant 11 : i32
      %dma_start3A_347 = arith.constant 0 : i32
      %dma_start3A_348 = tpu.memref_slice %arg6[%rem3A_91, %dma_start3A_346, %dma_start3A_347] : memref<2x16x128xi32, #tpu.memory_space<vmem>> -> memref<1x1x128xi32, #tpu.memory_space<vmem>>
      %dma_start3A_349 = tpu.memref_squeeze %dma_start3A_348 : memref<1x1x128xi32, #tpu.memory_space<vmem>> -> memref<128xi32, #tpu.memory_space<vmem>>
      %dma_start3A_350 = arith.constant 0 : i32
      %dma_start3A_351 = arith.constant 0 : i32
      %dma_start3A_352 = tpu.memref_slice %arg2[%dma_start3A_350, %dma_start3A_351] : memref<102400x32xf32, #tpu.memory_space<hbm>> -> memref<102400x32xf32, #tpu.memory_space<hbm>>
      tpu.enqueue_indirect_dma source(%dma_start3A_352 : memref<102400x32xf32, #tpu.memory_space<hbm>>) target(%arg11 : memref<128x32xf32, #tpu.memory_space<vmem>>) offsets(%dma_start3A_349 : memref<128xi32, #tpu.memory_space<vmem>>) semaphore(%arg16 : memref<!tpu.dma_semaphore, #tpu.memory_space<semaphore_mem>>)
      %dma_wait3A_353 = arith.constant 8 : i32
      %dma_wait3A_354 = arith.constant 0 : i32
      %dma_wait3A_355 = tpu.memref_slice %arg6[%rem3A_91, %dma_wait3A_353, %dma_wait3A_354] : memref<2x16x128xi32, #tpu.memory_space<vmem>> -> memref<1x1x128xi32, #tpu.memory_space<vmem>>
      %dma_wait3A_356 = tpu.memref_squeeze %dma_wait3A_355 : memref<1x1x128xi32, #tpu.memory_space<vmem>> -> memref<128xi32, #tpu.memory_space<vmem>>
      %dma_wait3A_357 = arith.constant 0 : i32
      %dma_wait3A_358 = arith.constant 0 : i32
      %dma_wait3A_359 = tpu.memref_slice %arg2[%dma_wait3A_357, %dma_wait3A_358] : memref<102400x32xf32, #tpu.memory_space<hbm>> -> memref<102400x32xf32, #tpu.memory_space<hbm>>
      tpu.wait_indirect_dma semaphore(%arg13 : memref<!tpu.dma_semaphore, #tpu.memory_space<semaphore_mem>>) src(%dma_wait3A_359 : memref<102400x32xf32, #tpu.memory_space<hbm>>) dst(%arg8 : memref<128x32xf32, #tpu.memory_space<vmem>>)
      %dma_start3A_360 = arith.constant 8 : i32
      %dma_start3A_361 = arith.constant 0 : i32
      %dma_start3A_362 = tpu.memref_slice %arg7[%rem3A_91, %dma_start3A_360, %dma_start3A_361] : memref<2x16x128xi32, #tpu.memory_space<vmem>> -> memref<1x1x128xi32, #tpu.memory_space<vmem>>
      %dma_start3A_363 = tpu.memref_squeeze %dma_start3A_362 : memref<1x1x128xi32, #tpu.memory_space<vmem>> -> memref<128xi32, #tpu.memory_space<vmem>>
      %dma_start3A_364 = arith.constant 0 : i32
      %dma_start3A_365 = arith.constant 0 : i32
      %dma_start3A_366 = tpu.memref_slice %arg12[%dma_start3A_364, %dma_start3A_365] : memref<50048x32xf32, #tpu.memory_space<vmem_shared>> -> memref<50048x32xf32, #tpu.memory_space<vmem_shared>>
      tpu.enqueue_indirect_dma source(%arg8 : memref<128x32xf32, #tpu.memory_space<vmem>>) target(%dma_start3A_366 : memref<50048x32xf32, #tpu.memory_space<vmem_shared>>) offsets(%dma_start3A_363 : memref<128xi32, #tpu.memory_space<vmem>>) semaphore(%arg17 : memref<!tpu.dma_semaphore, #tpu.memory_space<semaphore_mem>>) {add = true}
      %dma_wait3A_367 = arith.constant 9 : i32
      %dma_wait3A_368 = arith.constant 0 : i32
      %dma_wait3A_369 = tpu.memref_slice %arg7[%rem3A_91, %dma_wait3A_367, %dma_wait3A_368] : memref<2x16x128xi32, #tpu.memory_space<vmem>> -> memref<1x1x128xi32, #tpu.memory_space<vmem>>
      %dma_wait3A_370 = tpu.memref_squeeze %dma_wait3A_369 : memref<1x1x128xi32, #tpu.memory_space<vmem>> -> memref<128xi32, #tpu.memory_space<vmem>>
      %dma_wait3A_371 = arith.constant 0 : i32
      %dma_wait3A_372 = arith.constant 0 : i32
      %dma_wait3A_373 = tpu.memref_slice %arg12[%dma_wait3A_371, %dma_wait3A_372] : memref<50048x32xf32, #tpu.memory_space<vmem_shared>> -> memref<50048x32xf32, #tpu.memory_space<vmem_shared>>
      tpu.wait_indirect_dma semaphore(%arg17 : memref<!tpu.dma_semaphore, #tpu.memory_space<semaphore_mem>>) src(%arg8 : memref<128x32xf32, #tpu.memory_space<vmem>>) dst(%dma_wait3A_373 : memref<50048x32xf32, #tpu.memory_space<vmem_shared>>)
      %dma_start3A_374 = arith.constant 12 : i32
      %dma_start3A_375 = arith.constant 0 : i32
      %dma_start3A_376 = tpu.memref_slice %arg6[%rem3A_91, %dma_start3A_374, %dma_start3A_375] : memref<2x16x128xi32, #tpu.memory_space<vmem>> -> memref<1x1x128xi32, #tpu.memory_space<vmem>>
      %dma_start3A_377 = tpu.memref_squeeze %dma_start3A_376 : memref<1x1x128xi32, #tpu.memory_space<vmem>> -> memref<128xi32, #tpu.memory_space<vmem>>
      %dma_start3A_378 = arith.constant 0 : i32
      %dma_start3A_379 = arith.constant 0 : i32
      %dma_start3A_380 = tpu.memref_slice %arg2[%dma_start3A_378, %dma_start3A_379] : memref<102400x32xf32, #tpu.memory_space<hbm>> -> memref<102400x32xf32, #tpu.memory_space<hbm>>
      tpu.enqueue_indirect_dma source(%dma_start3A_380 : memref<102400x32xf32, #tpu.memory_space<hbm>>) target(%arg8 : memref<128x32xf32, #tpu.memory_space<vmem>>) offsets(%dma_start3A_377 : memref<128xi32, #tpu.memory_space<vmem>>) semaphore(%arg13 : memref<!tpu.dma_semaphore, #tpu.memory_space<semaphore_mem>>)
      %dma_wait3A_381 = arith.constant 9 : i32
      %dma_wait3A_382 = arith.constant 0 : i32
      %dma_wait3A_383 = tpu.memref_slice %arg6[%rem3A_91, %dma_wait3A_381, %dma_wait3A_382] : memref<2x16x128xi32, #tpu.memory_space<vmem>> -> memref<1x1x128xi32, #tpu.memory_space<vmem>>
      %dma_wait3A_384 = tpu.memref_squeeze %dma_wait3A_383 : memref<1x1x128xi32, #tpu.memory_space<vmem>> -> memref<128xi32, #tpu.memory_space<vmem>>
      %dma_wait3A_385 = arith.constant 0 : i32
      %dma_wait3A_386 = arith.constant 0 : i32
      %dma_wait3A_387 = tpu.memref_slice %arg2[%dma_wait3A_385, %dma_wait3A_386] : memref<102400x32xf32, #tpu.memory_space<hbm>> -> memref<102400x32xf32, #tpu.memory_space<hbm>>
      tpu.wait_indirect_dma semaphore(%arg14 : memref<!tpu.dma_semaphore, #tpu.memory_space<semaphore_mem>>) src(%dma_wait3A_387 : memref<102400x32xf32, #tpu.memory_space<hbm>>) dst(%arg9 : memref<128x32xf32, #tpu.memory_space<vmem>>)
      %dma_start3A_388 = arith.constant 9 : i32
      %dma_start3A_389 = arith.constant 0 : i32
      %dma_start3A_390 = tpu.memref_slice %arg7[%rem3A_91, %dma_start3A_388, %dma_start3A_389] : memref<2x16x128xi32, #tpu.memory_space<vmem>> -> memref<1x1x128xi32, #tpu.memory_space<vmem>>
      %dma_start3A_391 = tpu.memref_squeeze %dma_start3A_390 : memref<1x1x128xi32, #tpu.memory_space<vmem>> -> memref<128xi32, #tpu.memory_space<vmem>>
      %dma_start3A_392 = arith.constant 0 : i32
      %dma_start3A_393 = arith.constant 0 : i32
      %dma_start3A_394 = tpu.memref_slice %arg12[%dma_start3A_392, %dma_start3A_393] : memref<50048x32xf32, #tpu.memory_space<vmem_shared>> -> memref<50048x32xf32, #tpu.memory_space<vmem_shared>>
      tpu.enqueue_indirect_dma source(%arg9 : memref<128x32xf32, #tpu.memory_space<vmem>>) target(%dma_start3A_394 : memref<50048x32xf32, #tpu.memory_space<vmem_shared>>) offsets(%dma_start3A_391 : memref<128xi32, #tpu.memory_space<vmem>>) semaphore(%arg18 : memref<!tpu.dma_semaphore, #tpu.memory_space<semaphore_mem>>) {add = true}
      %dma_wait3A_395 = arith.constant 10 : i32
      %dma_wait3A_396 = arith.constant 0 : i32
      %dma_wait3A_397 = tpu.memref_slice %arg7[%rem3A_91, %dma_wait3A_395, %dma_wait3A_396] : memref<2x16x128xi32, #tpu.memory_space<vmem>> -> memref<1x1x128xi32, #tpu.memory_space<vmem>>
      %dma_wait3A_398 = tpu.memref_squeeze %dma_wait3A_397 : memref<1x1x128xi32, #tpu.memory_space<vmem>> -> memref<128xi32, #tpu.memory_space<vmem>>
      %dma_wait3A_399 = arith.constant 0 : i32
      %dma_wait3A_400 = arith.constant 0 : i32
      %dma_wait3A_401 = tpu.memref_slice %arg12[%dma_wait3A_399, %dma_wait3A_400] : memref<50048x32xf32, #tpu.memory_space<vmem_shared>> -> memref<50048x32xf32, #tpu.memory_space<vmem_shared>>
      tpu.wait_indirect_dma semaphore(%arg18 : memref<!tpu.dma_semaphore, #tpu.memory_space<semaphore_mem>>) src(%arg9 : memref<128x32xf32, #tpu.memory_space<vmem>>) dst(%dma_wait3A_401 : memref<50048x32xf32, #tpu.memory_space<vmem_shared>>)
      %dma_start3A_402 = arith.constant 13 : i32
      %dma_start3A_403 = arith.constant 0 : i32
      %dma_start3A_404 = tpu.memref_slice %arg6[%rem3A_91, %dma_start3A_402, %dma_start3A_403] : memref<2x16x128xi32, #tpu.memory_space<vmem>> -> memref<1x1x128xi32, #tpu.memory_space<vmem>>
      %dma_start3A_405 = tpu.memref_squeeze %dma_start3A_404 : memref<1x1x128xi32, #tpu.memory_space<vmem>> -> memref<128xi32, #tpu.memory_space<vmem>>
      %dma_start3A_406 = arith.constant 0 : i32
      %dma_start3A_407 = arith.constant 0 : i32
      %dma_start3A_408 = tpu.memref_slice %arg2[%dma_start3A_406, %dma_start3A_407] : memref<102400x32xf32, #tpu.memory_space<hbm>> -> memref<102400x32xf32, #tpu.memory_space<hbm>>
      tpu.enqueue_indirect_dma source(%dma_start3A_408 : memref<102400x32xf32, #tpu.memory_space<hbm>>) target(%arg9 : memref<128x32xf32, #tpu.memory_space<vmem>>) offsets(%dma_start3A_405 : memref<128xi32, #tpu.memory_space<vmem>>) semaphore(%arg14 : memref<!tpu.dma_semaphore, #tpu.memory_space<semaphore_mem>>)
      %dma_wait3A_409 = arith.constant 10 : i32
      %dma_wait3A_410 = arith.constant 0 : i32
      %dma_wait3A_411 = tpu.memref_slice %arg6[%rem3A_91, %dma_wait3A_409, %dma_wait3A_410] : memref<2x16x128xi32, #tpu.memory_space<vmem>> -> memref<1x1x128xi32, #tpu.memory_space<vmem>>
      %dma_wait3A_412 = tpu.memref_squeeze %dma_wait3A_411 : memref<1x1x128xi32, #tpu.memory_space<vmem>> -> memref<128xi32, #tpu.memory_space<vmem>>
      %dma_wait3A_413 = arith.constant 0 : i32
      %dma_wait3A_414 = arith.constant 0 : i32
      %dma_wait3A_415 = tpu.memref_slice %arg2[%dma_wait3A_413, %dma_wait3A_414] : memref<102400x32xf32, #tpu.memory_space<hbm>> -> memref<102400x32xf32, #tpu.memory_space<hbm>>
      tpu.wait_indirect_dma semaphore(%arg15 : memref<!tpu.dma_semaphore, #tpu.memory_space<semaphore_mem>>) src(%dma_wait3A_415 : memref<102400x32xf32, #tpu.memory_space<hbm>>) dst(%arg10 : memref<128x32xf32, #tpu.memory_space<vmem>>)
      %dma_start3A_416 = arith.constant 10 : i32
      %dma_start3A_417 = arith.constant 0 : i32
      %dma_start3A_418 = tpu.memref_slice %arg7[%rem3A_91, %dma_start3A_416, %dma_start3A_417] : memref<2x16x128xi32, #tpu.memory_space<vmem>> -> memref<1x1x128xi32, #tpu.memory_space<vmem>>
      %dma_start3A_419 = tpu.memref_squeeze %dma_start3A_418 : memref<1x1x128xi32, #tpu.memory_space<vmem>> -> memref<128xi32, #tpu.memory_space<vmem>>
      %dma_start3A_420 = arith.constant 0 : i32
      %dma_start3A_421 = arith.constant 0 : i32
      %dma_start3A_422 = tpu.memref_slice %arg12[%dma_start3A_420, %dma_start3A_421] : memref<50048x32xf32, #tpu.memory_space<vmem_shared>> -> memref<50048x32xf32, #tpu.memory_space<vmem_shared>>
      tpu.enqueue_indirect_dma source(%arg10 : memref<128x32xf32, #tpu.memory_space<vmem>>) target(%dma_start3A_422 : memref<50048x32xf32, #tpu.memory_space<vmem_shared>>) offsets(%dma_start3A_419 : memref<128xi32, #tpu.memory_space<vmem>>) semaphore(%arg19 : memref<!tpu.dma_semaphore, #tpu.memory_space<semaphore_mem>>) {add = true}
      %dma_wait3A_423 = arith.constant 11 : i32
      %dma_wait3A_424 = arith.constant 0 : i32
      %dma_wait3A_425 = tpu.memref_slice %arg7[%rem3A_91, %dma_wait3A_423, %dma_wait3A_424] : memref<2x16x128xi32, #tpu.memory_space<vmem>> -> memref<1x1x128xi32, #tpu.memory_space<vmem>>
      %dma_wait3A_426 = tpu.memref_squeeze %dma_wait3A_425 : memref<1x1x128xi32, #tpu.memory_space<vmem>> -> memref<128xi32, #tpu.memory_space<vmem>>
      %dma_wait3A_427 = arith.constant 0 : i32
      %dma_wait3A_428 = arith.constant 0 : i32
      %dma_wait3A_429 = tpu.memref_slice %arg12[%dma_wait3A_427, %dma_wait3A_428] : memref<50048x32xf32, #tpu.memory_space<vmem_shared>> -> memref<50048x32xf32, #tpu.memory_space<vmem_shared>>
      tpu.wait_indirect_dma semaphore(%arg19 : memref<!tpu.dma_semaphore, #tpu.memory_space<semaphore_mem>>) src(%arg10 : memref<128x32xf32, #tpu.memory_space<vmem>>) dst(%dma_wait3A_429 : memref<50048x32xf32, #tpu.memory_space<vmem_shared>>)
      %dma_start3A_430 = arith.constant 14 : i32
      %dma_start3A_431 = arith.constant 0 : i32
      %dma_start3A_432 = tpu.memref_slice %arg6[%rem3A_91, %dma_start3A_430, %dma_start3A_431] : memref<2x16x128xi32, #tpu.memory_space<vmem>> -> memref<1x1x128xi32, #tpu.memory_space<vmem>>
      %dma_start3A_433 = tpu.memref_squeeze %dma_start3A_432 : memref<1x1x128xi32, #tpu.memory_space<vmem>> -> memref<128xi32, #tpu.memory_space<vmem>>
      %dma_start3A_434 = arith.constant 0 : i32
      %dma_start3A_435 = arith.constant 0 : i32
      %dma_start3A_436 = tpu.memref_slice %arg2[%dma_start3A_434, %dma_start3A_435] : memref<102400x32xf32, #tpu.memory_space<hbm>> -> memref<102400x32xf32, #tpu.memory_space<hbm>>
      tpu.enqueue_indirect_dma source(%dma_start3A_436 : memref<102400x32xf32, #tpu.memory_space<hbm>>) target(%arg10 : memref<128x32xf32, #tpu.memory_space<vmem>>) offsets(%dma_start3A_433 : memref<128xi32, #tpu.memory_space<vmem>>) semaphore(%arg15 : memref<!tpu.dma_semaphore, #tpu.memory_space<semaphore_mem>>)
      %dma_wait3A_437 = arith.constant 11 : i32
      %dma_wait3A_438 = arith.constant 0 : i32
      %dma_wait3A_439 = tpu.memref_slice %arg6[%rem3A_91, %dma_wait3A_437, %dma_wait3A_438] : memref<2x16x128xi32, #tpu.memory_space<vmem>> -> memref<1x1x128xi32, #tpu.memory_space<vmem>>
      %dma_wait3A_440 = tpu.memref_squeeze %dma_wait3A_439 : memref<1x1x128xi32, #tpu.memory_space<vmem>> -> memref<128xi32, #tpu.memory_space<vmem>>
      %dma_wait3A_441 = arith.constant 0 : i32
      %dma_wait3A_442 = arith.constant 0 : i32
      %dma_wait3A_443 = tpu.memref_slice %arg2[%dma_wait3A_441, %dma_wait3A_442] : memref<102400x32xf32, #tpu.memory_space<hbm>> -> memref<102400x32xf32, #tpu.memory_space<hbm>>
      tpu.wait_indirect_dma semaphore(%arg16 : memref<!tpu.dma_semaphore, #tpu.memory_space<semaphore_mem>>) src(%dma_wait3A_443 : memref<102400x32xf32, #tpu.memory_space<hbm>>) dst(%arg11 : memref<128x32xf32, #tpu.memory_space<vmem>>)
      %dma_start3A_444 = arith.constant 11 : i32
      %dma_start3A_445 = arith.constant 0 : i32
      %dma_start3A_446 = tpu.memref_slice %arg7[%rem3A_91, %dma_start3A_444, %dma_start3A_445] : memref<2x16x128xi32, #tpu.memory_space<vmem>> -> memref<1x1x128xi32, #tpu.memory_space<vmem>>
      %dma_start3A_447 = tpu.memref_squeeze %dma_start3A_446 : memref<1x1x128xi32, #tpu.memory_space<vmem>> -> memref<128xi32, #tpu.memory_space<vmem>>
      %dma_start3A_448 = arith.constant 0 : i32
      %dma_start3A_449 = arith.constant 0 : i32
      %dma_start3A_450 = tpu.memref_slice %arg12[%dma_start3A_448, %dma_start3A_449] : memref<50048x32xf32, #tpu.memory_space<vmem_shared>> -> memref<50048x32xf32, #tpu.memory_space<vmem_shared>>
      tpu.enqueue_indirect_dma source(%arg11 : memref<128x32xf32, #tpu.memory_space<vmem>>) target(%dma_start3A_450 : memref<50048x32xf32, #tpu.memory_space<vmem_shared>>) offsets(%dma_start3A_447 : memref<128xi32, #tpu.memory_space<vmem>>) semaphore(%arg20 : memref<!tpu.dma_semaphore, #tpu.memory_space<semaphore_mem>>) {add = true}
      %dma_wait3A_451 = arith.constant 12 : i32
      %dma_wait3A_452 = arith.constant 0 : i32
      %dma_wait3A_453 = tpu.memref_slice %arg7[%rem3A_91, %dma_wait3A_451, %dma_wait3A_452] : memref<2x16x128xi32, #tpu.memory_space<vmem>> -> memref<1x1x128xi32, #tpu.memory_space<vmem>>
      %dma_wait3A_454 = tpu.memref_squeeze %dma_wait3A_453 : memref<1x1x128xi32, #tpu.memory_space<vmem>> -> memref<128xi32, #tpu.memory_space<vmem>>
      %dma_wait3A_455 = arith.constant 0 : i32
      %dma_wait3A_456 = arith.constant 0 : i32
      %dma_wait3A_457 = tpu.memref_slice %arg12[%dma_wait3A_455, %dma_wait3A_456] : memref<50048x32xf32, #tpu.memory_space<vmem_shared>> -> memref<50048x32xf32, #tpu.memory_space<vmem_shared>>
      tpu.wait_indirect_dma semaphore(%arg20 : memref<!tpu.dma_semaphore, #tpu.memory_space<semaphore_mem>>) src(%arg11 : memref<128x32xf32, #tpu.memory_space<vmem>>) dst(%dma_wait3A_457 : memref<50048x32xf32, #tpu.memory_space<vmem_shared>>)
      %dma_start3A_458 = arith.constant 15 : i32
      %dma_start3A_459 = arith.constant 0 : i32
      %dma_start3A_460 = tpu.memref_slice %arg6[%rem3A_91, %dma_start3A_458, %dma_start3A_459] : memref<2x16x128xi32, #tpu.memory_space<vmem>> -> memref<1x1x128xi32, #tpu.memory_space<vmem>>
      %dma_start3A_461 = tpu.memref_squeeze %dma_start3A_460 : memref<1x1x128xi32, #tpu.memory_space<vmem>> -> memref<128xi32, #tpu.memory_space<vmem>>
      %dma_start3A_462 = arith.constant 0 : i32
      %dma_start3A_463 = arith.constant 0 : i32
      %dma_start3A_464 = tpu.memref_slice %arg2[%dma_start3A_462, %dma_start3A_463] : memref<102400x32xf32, #tpu.memory_space<hbm>> -> memref<102400x32xf32, #tpu.memory_space<hbm>>
      tpu.enqueue_indirect_dma source(%dma_start3A_464 : memref<102400x32xf32, #tpu.memory_space<hbm>>) target(%arg11 : memref<128x32xf32, #tpu.memory_space<vmem>>) offsets(%dma_start3A_461 : memref<128xi32, #tpu.memory_space<vmem>>) semaphore(%arg16 : memref<!tpu.dma_semaphore, #tpu.memory_space<semaphore_mem>>)
      %dma_wait3A_465 = arith.constant 12 : i32
      %dma_wait3A_466 = arith.constant 0 : i32
      %dma_wait3A_467 = tpu.memref_slice %arg6[%rem3A_91, %dma_wait3A_465, %dma_wait3A_466] : memref<2x16x128xi32, #tpu.memory_space<vmem>> -> memref<1x1x128xi32, #tpu.memory_space<vmem>>
      %dma_wait3A_468 = tpu.memref_squeeze %dma_wait3A_467 : memref<1x1x128xi32, #tpu.memory_space<vmem>> -> memref<128xi32, #tpu.memory_space<vmem>>
      %dma_wait3A_469 = arith.constant 0 : i32
      %dma_wait3A_470 = arith.constant 0 : i32
      %dma_wait3A_471 = tpu.memref_slice %arg2[%dma_wait3A_469, %dma_wait3A_470] : memref<102400x32xf32, #tpu.memory_space<hbm>> -> memref<102400x32xf32, #tpu.memory_space<hbm>>
      tpu.wait_indirect_dma semaphore(%arg13 : memref<!tpu.dma_semaphore, #tpu.memory_space<semaphore_mem>>) src(%dma_wait3A_471 : memref<102400x32xf32, #tpu.memory_space<hbm>>) dst(%arg8 : memref<128x32xf32, #tpu.memory_space<vmem>>)
      %dma_start3A_472 = arith.constant 12 : i32
      %dma_start3A_473 = arith.constant 0 : i32
      %dma_start3A_474 = tpu.memref_slice %arg7[%rem3A_91, %dma_start3A_472, %dma_start3A_473] : memref<2x16x128xi32, #tpu.memory_space<vmem>> -> memref<1x1x128xi32, #tpu.memory_space<vmem>>
      %dma_start3A_475 = tpu.memref_squeeze %dma_start3A_474 : memref<1x1x128xi32, #tpu.memory_space<vmem>> -> memref<128xi32, #tpu.memory_space<vmem>>
      %dma_start3A_476 = arith.constant 0 : i32
      %dma_start3A_477 = arith.constant 0 : i32
      %dma_start3A_478 = tpu.memref_slice %arg12[%dma_start3A_476, %dma_start3A_477] : memref<50048x32xf32, #tpu.memory_space<vmem_shared>> -> memref<50048x32xf32, #tpu.memory_space<vmem_shared>>
      tpu.enqueue_indirect_dma source(%arg8 : memref<128x32xf32, #tpu.memory_space<vmem>>) target(%dma_start3A_478 : memref<50048x32xf32, #tpu.memory_space<vmem_shared>>) offsets(%dma_start3A_475 : memref<128xi32, #tpu.memory_space<vmem>>) semaphore(%arg17 : memref<!tpu.dma_semaphore, #tpu.memory_space<semaphore_mem>>) {add = true}
      %dma_wait3A_479 = arith.constant 13 : i32
      %dma_wait3A_480 = arith.constant 0 : i32
      %dma_wait3A_481 = tpu.memref_slice %arg7[%rem3A_91, %dma_wait3A_479, %dma_wait3A_480] : memref<2x16x128xi32, #tpu.memory_space<vmem>> -> memref<1x1x128xi32, #tpu.memory_space<vmem>>
      %dma_wait3A_482 = tpu.memref_squeeze %dma_wait3A_481 : memref<1x1x128xi32, #tpu.memory_space<vmem>> -> memref<128xi32, #tpu.memory_space<vmem>>
      %dma_wait3A_483 = arith.constant 0 : i32
      %dma_wait3A_484 = arith.constant 0 : i32
      %dma_wait3A_485 = tpu.memref_slice %arg12[%dma_wait3A_483, %dma_wait3A_484] : memref<50048x32xf32, #tpu.memory_space<vmem_shared>> -> memref<50048x32xf32, #tpu.memory_space<vmem_shared>>
      tpu.wait_indirect_dma semaphore(%arg17 : memref<!tpu.dma_semaphore, #tpu.memory_space<semaphore_mem>>) src(%arg8 : memref<128x32xf32, #tpu.memory_space<vmem>>) dst(%dma_wait3A_485 : memref<50048x32xf32, #tpu.memory_space<vmem_shared>>)
      %dma_wait3A_486 = arith.constant 13 : i32
      %dma_wait3A_487 = arith.constant 0 : i32
      %dma_wait3A_488 = tpu.memref_slice %arg6[%rem3A_91, %dma_wait3A_486, %dma_wait3A_487] : memref<2x16x128xi32, #tpu.memory_space<vmem>> -> memref<1x1x128xi32, #tpu.memory_space<vmem>>
      %dma_wait3A_489 = tpu.memref_squeeze %dma_wait3A_488 : memref<1x1x128xi32, #tpu.memory_space<vmem>> -> memref<128xi32, #tpu.memory_space<vmem>>
      %dma_wait3A_490 = arith.constant 0 : i32
      %dma_wait3A_491 = arith.constant 0 : i32
      %dma_wait3A_492 = tpu.memref_slice %arg2[%dma_wait3A_490, %dma_wait3A_491] : memref<102400x32xf32, #tpu.memory_space<hbm>> -> memref<102400x32xf32, #tpu.memory_space<hbm>>
      tpu.wait_indirect_dma semaphore(%arg14 : memref<!tpu.dma_semaphore, #tpu.memory_space<semaphore_mem>>) src(%dma_wait3A_492 : memref<102400x32xf32, #tpu.memory_space<hbm>>) dst(%arg9 : memref<128x32xf32, #tpu.memory_space<vmem>>)
      %dma_start3A_493 = arith.constant 13 : i32
      %dma_start3A_494 = arith.constant 0 : i32
      %dma_start3A_495 = tpu.memref_slice %arg7[%rem3A_91, %dma_start3A_493, %dma_start3A_494] : memref<2x16x128xi32, #tpu.memory_space<vmem>> -> memref<1x1x128xi32, #tpu.memory_space<vmem>>
      %dma_start3A_496 = tpu.memref_squeeze %dma_start3A_495 : memref<1x1x128xi32, #tpu.memory_space<vmem>> -> memref<128xi32, #tpu.memory_space<vmem>>
      %dma_start3A_497 = arith.constant 0 : i32
      %dma_start3A_498 = arith.constant 0 : i32
      %dma_start3A_499 = tpu.memref_slice %arg12[%dma_start3A_497, %dma_start3A_498] : memref<50048x32xf32, #tpu.memory_space<vmem_shared>> -> memref<50048x32xf32, #tpu.memory_space<vmem_shared>>
      tpu.enqueue_indirect_dma source(%arg9 : memref<128x32xf32, #tpu.memory_space<vmem>>) target(%dma_start3A_499 : memref<50048x32xf32, #tpu.memory_space<vmem_shared>>) offsets(%dma_start3A_496 : memref<128xi32, #tpu.memory_space<vmem>>) semaphore(%arg18 : memref<!tpu.dma_semaphore, #tpu.memory_space<semaphore_mem>>) {add = true}
      %dma_wait3A_500 = arith.constant 14 : i32
      %dma_wait3A_501 = arith.constant 0 : i32
      %dma_wait3A_502 = tpu.memref_slice %arg7[%rem3A_91, %dma_wait3A_500, %dma_wait3A_501] : memref<2x16x128xi32, #tpu.memory_space<vmem>> -> memref<1x1x128xi32, #tpu.memory_space<vmem>>
      %dma_wait3A_503 = tpu.memref_squeeze %dma_wait3A_502 : memref<1x1x128xi32, #tpu.memory_space<vmem>> -> memref<128xi32, #tpu.memory_space<vmem>>
      %dma_wait3A_504 = arith.constant 0 : i32
      %dma_wait3A_505 = arith.constant 0 : i32
      %dma_wait3A_506 = tpu.memref_slice %arg12[%dma_wait3A_504, %dma_wait3A_505] : memref<50048x32xf32, #tpu.memory_space<vmem_shared>> -> memref<50048x32xf32, #tpu.memory_space<vmem_shared>>
      tpu.wait_indirect_dma semaphore(%arg18 : memref<!tpu.dma_semaphore, #tpu.memory_space<semaphore_mem>>) src(%arg9 : memref<128x32xf32, #tpu.memory_space<vmem>>) dst(%dma_wait3A_506 : memref<50048x32xf32, #tpu.memory_space<vmem_shared>>)
      %dma_wait3A_507 = arith.constant 14 : i32
      %dma_wait3A_508 = arith.constant 0 : i32
      %dma_wait3A_509 = tpu.memref_slice %arg6[%rem3A_91, %dma_wait3A_507, %dma_wait3A_508] : memref<2x16x128xi32, #tpu.memory_space<vmem>> -> memref<1x1x128xi32, #tpu.memory_space<vmem>>
      %dma_wait3A_510 = tpu.memref_squeeze %dma_wait3A_509 : memref<1x1x128xi32, #tpu.memory_space<vmem>> -> memref<128xi32, #tpu.memory_space<vmem>>
      %dma_wait3A_511 = arith.constant 0 : i32
      %dma_wait3A_512 = arith.constant 0 : i32
      %dma_wait3A_513 = tpu.memref_slice %arg2[%dma_wait3A_511, %dma_wait3A_512] : memref<102400x32xf32, #tpu.memory_space<hbm>> -> memref<102400x32xf32, #tpu.memory_space<hbm>>
      tpu.wait_indirect_dma semaphore(%arg15 : memref<!tpu.dma_semaphore, #tpu.memory_space<semaphore_mem>>) src(%dma_wait3A_513 : memref<102400x32xf32, #tpu.memory_space<hbm>>) dst(%arg10 : memref<128x32xf32, #tpu.memory_space<vmem>>)
      %dma_start3A_514 = arith.constant 14 : i32
      %dma_start3A_515 = arith.constant 0 : i32
      %dma_start3A_516 = tpu.memref_slice %arg7[%rem3A_91, %dma_start3A_514, %dma_start3A_515] : memref<2x16x128xi32, #tpu.memory_space<vmem>> -> memref<1x1x128xi32, #tpu.memory_space<vmem>>
      %dma_start3A_517 = tpu.memref_squeeze %dma_start3A_516 : memref<1x1x128xi32, #tpu.memory_space<vmem>> -> memref<128xi32, #tpu.memory_space<vmem>>
      %dma_start3A_518 = arith.constant 0 : i32
      %dma_start3A_519 = arith.constant 0 : i32
      %dma_start3A_520 = tpu.memref_slice %arg12[%dma_start3A_518, %dma_start3A_519] : memref<50048x32xf32, #tpu.memory_space<vmem_shared>> -> memref<50048x32xf32, #tpu.memory_space<vmem_shared>>
      tpu.enqueue_indirect_dma source(%arg10 : memref<128x32xf32, #tpu.memory_space<vmem>>) target(%dma_start3A_520 : memref<50048x32xf32, #tpu.memory_space<vmem_shared>>) offsets(%dma_start3A_517 : memref<128xi32, #tpu.memory_space<vmem>>) semaphore(%arg19 : memref<!tpu.dma_semaphore, #tpu.memory_space<semaphore_mem>>) {add = true}
      %dma_wait3A_521 = arith.constant 15 : i32
      %dma_wait3A_522 = arith.constant 0 : i32
      %dma_wait3A_523 = tpu.memref_slice %arg7[%rem3A_91, %dma_wait3A_521, %dma_wait3A_522] : memref<2x16x128xi32, #tpu.memory_space<vmem>> -> memref<1x1x128xi32, #tpu.memory_space<vmem>>
      %dma_wait3A_524 = tpu.memref_squeeze %dma_wait3A_523 : memref<1x1x128xi32, #tpu.memory_space<vmem>> -> memref<128xi32, #tpu.memory_space<vmem>>
      %dma_wait3A_525 = arith.constant 0 : i32
      %dma_wait3A_526 = arith.constant 0 : i32
      %dma_wait3A_527 = tpu.memref_slice %arg12[%dma_wait3A_525, %dma_wait3A_526] : memref<50048x32xf32, #tpu.memory_space<vmem_shared>> -> memref<50048x32xf32, #tpu.memory_space<vmem_shared>>
      tpu.wait_indirect_dma semaphore(%arg19 : memref<!tpu.dma_semaphore, #tpu.memory_space<semaphore_mem>>) src(%arg10 : memref<128x32xf32, #tpu.memory_space<vmem>>) dst(%dma_wait3A_527 : memref<50048x32xf32, #tpu.memory_space<vmem_shared>>)
      %dma_wait3A_528 = arith.constant 15 : i32
      %dma_wait3A_529 = arith.constant 0 : i32
      %dma_wait3A_530 = tpu.memref_slice %arg6[%rem3A_91, %dma_wait3A_528, %dma_wait3A_529] : memref<2x16x128xi32, #tpu.memory_space<vmem>> -> memref<1x1x128xi32, #tpu.memory_space<vmem>>
      %dma_wait3A_531 = tpu.memref_squeeze %dma_wait3A_530 : memref<1x1x128xi32, #tpu.memory_space<vmem>> -> memref<128xi32, #tpu.memory_space<vmem>>
      %dma_wait3A_532 = arith.constant 0 : i32
      %dma_wait3A_533 = arith.constant 0 : i32
      %dma_wait3A_534 = tpu.memref_slice %arg2[%dma_wait3A_532, %dma_wait3A_533] : memref<102400x32xf32, #tpu.memory_space<hbm>> -> memref<102400x32xf32, #tpu.memory_space<hbm>>
      tpu.wait_indirect_dma semaphore(%arg16 : memref<!tpu.dma_semaphore, #tpu.memory_space<semaphore_mem>>) src(%dma_wait3A_534 : memref<102400x32xf32, #tpu.memory_space<hbm>>) dst(%arg11 : memref<128x32xf32, #tpu.memory_space<vmem>>)
      %dma_start3A_535 = arith.constant 15 : i32
      %dma_start3A_536 = arith.constant 0 : i32
      %dma_start3A_537 = tpu.memref_slice %arg7[%rem3A_91, %dma_start3A_535, %dma_start3A_536] : memref<2x16x128xi32, #tpu.memory_space<vmem>> -> memref<1x1x128xi32, #tpu.memory_space<vmem>>
      %dma_start3A_538 = tpu.memref_squeeze %dma_start3A_537 : memref<1x1x128xi32, #tpu.memory_space<vmem>> -> memref<128xi32, #tpu.memory_space<vmem>>
      %dma_start3A_539 = arith.constant 0 : i32
      %dma_start3A_540 = arith.constant 0 : i32
      %dma_start3A_541 = tpu.memref_slice %arg12[%dma_start3A_539, %dma_start3A_540] : memref<50048x32xf32, #tpu.memory_space<vmem_shared>> -> memref<50048x32xf32, #tpu.memory_space<vmem_shared>>
      tpu.enqueue_indirect_dma source(%arg11 : memref<128x32xf32, #tpu.memory_space<vmem>>) target(%dma_start3A_541 : memref<50048x32xf32, #tpu.memory_space<vmem_shared>>) offsets(%dma_start3A_538 : memref<128xi32, #tpu.memory_space<vmem>>) semaphore(%arg20 : memref<!tpu.dma_semaphore, #tpu.memory_space<semaphore_mem>>) {add = true}
      %dma_wait3A_542 = arith.constant 15 : i32
      %dma_wait3A_543 = arith.constant 0 : i32
      %dma_wait3A_544 = tpu.memref_slice %arg7[%rem3A_91, %dma_wait3A_542, %dma_wait3A_543] : memref<2x16x128xi32, #tpu.memory_space<vmem>> -> memref<1x1x128xi32, #tpu.memory_space<vmem>>
      %dma_wait3A_545 = tpu.memref_squeeze %dma_wait3A_544 : memref<1x1x128xi32, #tpu.memory_space<vmem>> -> memref<128xi32, #tpu.memory_space<vmem>>
      %dma_wait3A_546 = arith.constant 0 : i32
      %dma_wait3A_547 = arith.constant 0 : i32
      %dma_wait3A_548 = tpu.memref_slice %arg12[%dma_wait3A_546, %dma_wait3A_547] : memref<50048x32xf32, #tpu.memory_space<vmem_shared>> -> memref<50048x32xf32, #tpu.memory_space<vmem_shared>>
      tpu.wait_indirect_dma semaphore(%arg20 : memref<!tpu.dma_semaphore, #tpu.memory_space<semaphore_mem>>) src(%arg11 : memref<128x32xf32, #tpu.memory_space<vmem>>) dst(%dma_wait3A_548 : memref<50048x32xf32, #tpu.memory_space<vmem_shared>>)
      %scan3A_549 = arith.constant 0 : i32
      scf.yield %scan3A_549 : i32
    }
    %scan3A_77 = arith.constant 25 : i32
    %barrier3A_78 = arith.constant 0 : index
    tpu.barrier barrier_id(%barrier3A_78)
    %lt3A_79 = arith.constant 15 : i32
    %lt3A_80 = arith.cmpi slt, %arg1, %lt3A_79 : i32
    %convert_element_type3A_81 = arith.extui %lt3A_80 : i1 to i32
    %cond3A_82 = arith.constant 0 : i32
    %cond3A_83 = arith.cmpi ne, %convert_element_type3A_81, %cond3A_82 : i32
    scf.if %cond3A_83 {
      %mul3A = arith.constant 3128 : i32
      %mul3A_89 = arith.muli %arg1, %mul3A : i32
      %dma_start3A_90 = arith.constant 0 : i32
      %dma_start3A_91 = tpu.memref_slice %arg5[%arg0, %mul3A_89, %dma_start3A_90] : memref<2x51200x32xf32, #tpu.memory_space<hbm>> -> memref<1x3128x32xf32, #tpu.memory_space<hbm>>
      %dma_start3A_92 = tpu.memref_squeeze %dma_start3A_91 : memref<1x3128x32xf32, #tpu.memory_space<hbm>> -> memref<3128x32xf32, #tpu.memory_space<hbm>>
      %dma_start3A_93 = arith.constant 0 : i32
      %dma_start3A_94 = tpu.memref_slice %arg12[%mul3A_89, %dma_start3A_93] : memref<50048x32xf32, #tpu.memory_space<vmem_shared>> -> memref<3128x32xf32, #tpu.memory_space<vmem_shared>>
      tpu.enqueue_dma source(%dma_start3A_94 : memref<3128x32xf32, #tpu.memory_space<vmem_shared>>) target(%dma_start3A_92 : memref<3128x32xf32, #tpu.memory_space<hbm>>) target_semaphore(%arg23 : memref<!tpu.dma_semaphore, #tpu.memory_space<semaphore_mem>>)
      %dma_wait3A_95 = arith.constant 0 : i32
      %dma_wait3A_96 = tpu.memref_slice %arg5[%arg0, %mul3A_89, %dma_wait3A_95] : memref<2x51200x32xf32, #tpu.memory_space<hbm>> -> memref<1x3128x32xf32, #tpu.memory_space<hbm>>
      %dma_wait3A_97 = tpu.memref_squeeze %dma_wait3A_96 : memref<1x3128x32xf32, #tpu.memory_space<hbm>> -> memref<3128x32xf32, #tpu.memory_space<hbm>>
      %dma_wait3A_98 = arith.constant 0 : i32
      %dma_wait3A_99 = tpu.memref_slice %arg12[%mul3A_89, %dma_wait3A_98] : memref<50048x32xf32, #tpu.memory_space<vmem_shared>> -> memref<3128x32xf32, #tpu.memory_space<vmem_shared>>
      tpu.wait_dma2 semaphore(%arg23 : memref<!tpu.dma_semaphore, #tpu.memory_space<semaphore_mem>>) src(%dma_wait3A_99 : memref<3128x32xf32, #tpu.memory_space<vmem_shared>>) dst(%dma_wait3A_97 : memref<3128x32xf32, #tpu.memory_space<hbm>>)
    } else {
    }
    %eq3A_84 = arith.constant 15 : i32
    %eq3A_85 = arith.cmpi eq, %arg1, %eq3A_84 : i32
    %convert_element_type3A_86 = arith.extui %eq3A_85 : i1 to i32
    %cond3A_87 = arith.constant 0 : i32
    %cond3A_88 = arith.cmpi ne, %convert_element_type3A_86, %cond3A_87 : i32
    scf.if %cond3A_88 {
      %dma_start3A_89 = arith.constant 46920 : i32
      %dma_start3A_90 = arith.constant 0 : i32
      %dma_start3A_91 = tpu.memref_slice %arg5[%arg0, %dma_start3A_89, %dma_start3A_90] : memref<2x51200x32xf32, #tpu.memory_space<hbm>> -> memref<1x3080x32xf32, #tpu.memory_space<hbm>>
      %dma_start3A_92 = tpu.memref_squeeze %dma_start3A_91 : memref<1x3080x32xf32, #tpu.memory_space<hbm>> -> memref<3080x32xf32, #tpu.memory_space<hbm>>
      %dma_start3A_93 = arith.constant 46920 : i32
      %dma_start3A_94 = arith.constant 0 : i32
      %dma_start3A_95 = tpu.memref_slice %arg12[%dma_start3A_93, %dma_start3A_94] : memref<50048x32xf32, #tpu.memory_space<vmem_shared>> -> memref<3080x32xf32, #tpu.memory_space<vmem_shared>>
      tpu.enqueue_dma source(%dma_start3A_95 : memref<3080x32xf32, #tpu.memory_space<vmem_shared>>) target(%dma_start3A_92 : memref<3080x32xf32, #tpu.memory_space<hbm>>) target_semaphore(%arg23 : memref<!tpu.dma_semaphore, #tpu.memory_space<semaphore_mem>>)
      %dma_wait3A_96 = arith.constant 46920 : i32
      %dma_wait3A_97 = arith.constant 0 : i32
      %dma_wait3A_98 = tpu.memref_slice %arg5[%arg0, %dma_wait3A_96, %dma_wait3A_97] : memref<2x51200x32xf32, #tpu.memory_space<hbm>> -> memref<1x3080x32xf32, #tpu.memory_space<hbm>>
      %dma_wait3A_99 = tpu.memref_squeeze %dma_wait3A_98 : memref<1x3080x32xf32, #tpu.memory_space<hbm>> -> memref<3080x32xf32, #tpu.memory_space<hbm>>
      %dma_wait3A_100 = arith.constant 46920 : i32
      %dma_wait3A_101 = arith.constant 0 : i32
      %dma_wait3A_102 = tpu.memref_slice %arg12[%dma_wait3A_100, %dma_wait3A_101] : memref<50048x32xf32, #tpu.memory_space<vmem_shared>> -> memref<3080x32xf32, #tpu.memory_space<vmem_shared>>
      tpu.wait_dma2 semaphore(%arg23 : memref<!tpu.dma_semaphore, #tpu.memory_space<semaphore_mem>>) src(%dma_wait3A_102 : memref<3080x32xf32, #tpu.memory_space<vmem_shared>>) dst(%dma_wait3A_99 : memref<3080x32xf32, #tpu.memory_space<hbm>>)
    } else {
    }
    return
  }
}

module attributes {stable_mosaic.version = 14 : i64} {
  func.func @_proj_body(%arg0: i32, %arg1: memref<512x512xf32, #tpu.memory_space<vmem>>, %arg2: memref<512x128xf32, #tpu.memory_space<vmem>>, %arg3: memref<2x512x128xf32, #tpu.memory_space<vmem>>, %arg4: memref<2x1x128xf32, #tpu.memory_space<vmem>>, %arg5: memref<2x2x128x128xf32, #tpu.memory_space<vmem>>, %arg6: memref<2x512x128xf32, #tpu.memory_space<vmem>>, %arg7: memref<512x128xf32, #tpu.memory_space<vmem>>) attributes {dimension_semantics = [#tpu.dimension_semantics<arbitrary>], iteration_bounds = array<i64: 25>, scalar_prefetch = 0 : i64, scratch_operands = 0 : i64, tpu.core_type = #tpu.core_type<tc>, window_params = [{transform_indices = @transform_0, window_bounds = array<i64: 512, 512>}, {transform_indices = @transform_1, window_bounds = array<i64: 512, 128>}, {pipeline_mode = #tpu.pipeline_mode<synchronous>, transform_indices = @transform_2, window_bounds = array<i64: 2, 512, 128>}, {pipeline_mode = #tpu.pipeline_mode<synchronous>, transform_indices = @transform_3, window_bounds = array<i64: 2, 1, 128>}, {pipeline_mode = #tpu.pipeline_mode<synchronous>, transform_indices = @transform_4, window_bounds = array<i64: 2, 2, 128, 128>}, {transform_indices = @transform_5, window_bounds = array<i64: 2, 512, 128>}, {transform_indices = @transform_6, window_bounds = array<i64: 512, 128>}]} {
    %get3A = arith.constant 0 : index
    %get3A_0 = arith.constant 0 : index
    %get3A_1 = vector.load %arg2[%get3A, %get3A_0] : memref<512x128xf32, #tpu.memory_space<vmem>>, vector<512x128xf32>
    %rsqrt3A = math.rsqrt %get3A_1 : vector<512x128xf32>
    %get3A_2 = arith.constant 0 : index
    %get3A_3 = arith.constant 0 : index
    %get3A_4 = vector.load %arg1[%get3A_2, %get3A_3] : memref<512x512xf32, #tpu.memory_space<vmem>>, vector<512x512xf32>
    %get3A_5 = arith.constant 0 : index
    %get3A_6 = arith.constant 0 : index
    %get3A_7 = arith.constant 0 : index
    %get3A_8 = vector.load %arg3[%get3A_5, %get3A_6, %get3A_7] : memref<2x512x128xf32, #tpu.memory_space<vmem>>, vector<1x512x128xf32>
    %get3A_9 = vector.shape_cast %get3A_8 : vector<1x512x128xf32> to vector<512x128xf32>
    %dot_general3A = arith.constant dense<0.000000e+00> : vector<512x128xf32>
    %dot_general3A_10 = tpu.matmul %get3A_4, %get3A_9, %dot_general3A {dimension_numbers = #tpu.dot_dimension_numbers<[1], [0], [0], [1], [0, 0, 1, 1], [], []>, transpose_lhs_hint = false} : vector<512x512xf32>, vector<512x128xf32>, vector<512x128xf32> -> vector<512x128xf32>
    %get3A_11 = arith.constant 0 : index
    %get3A_12 = arith.constant 0 : index
    %get3A_13 = arith.constant 0 : index
    %get3A_14 = vector.load %arg4[%get3A_11, %get3A_12, %get3A_13] : memref<2x1x128xf32, #tpu.memory_space<vmem>>, vector<1x1x128xf32>
    %get3A_15 = vector.shape_cast %get3A_14 : vector<1x1x128xf32> to vector<1x128xf32>
    %add3A = vector.broadcast %get3A_15 : vector<1x128xf32> to vector<512x128xf32>
    %add3A_16 = arith.addf %dot_general3A_10, %add3A : vector<512x128xf32>
    %max3A = arith.constant 0.000000e+00 : f32
    %max3A_17 = vector.broadcast %max3A : f32 to vector<512x128xf32>
    %max3A_18 = arith.maximumf %add3A_16, %max3A_17 : vector<512x128xf32>
    %get3A_19 = arith.constant 0 : index
    %get3A_20 = arith.constant 0 : index
    %get3A_21 = vector.load %arg1[%get3A_19, %get3A_20] : memref<512x512xf32, #tpu.memory_space<vmem>>, vector<512x512xf32>
    %get3A_22 = arith.constant 1 : index
    %get3A_23 = arith.constant 0 : index
    %get3A_24 = arith.constant 0 : index
    %get3A_25 = vector.load %arg3[%get3A_22, %get3A_23, %get3A_24] : memref<2x512x128xf32, #tpu.memory_space<vmem>>, vector<1x512x128xf32>
    %get3A_26 = vector.shape_cast %get3A_25 : vector<1x512x128xf32> to vector<512x128xf32>
    %dot_general3A_27 = arith.constant dense<0.000000e+00> : vector<512x128xf32>
    %dot_general3A_28 = tpu.matmul %get3A_21, %get3A_26, %dot_general3A_27 {dimension_numbers = #tpu.dot_dimension_numbers<[1], [0], [0], [1], [0, 0, 1, 1], [], []>, transpose_lhs_hint = false} : vector<512x512xf32>, vector<512x128xf32>, vector<512x128xf32> -> vector<512x128xf32>
    %get3A_29 = arith.constant 1 : index
    %get3A_30 = arith.constant 0 : index
    %get3A_31 = arith.constant 0 : index
    %get3A_32 = vector.load %arg4[%get3A_29, %get3A_30, %get3A_31] : memref<2x1x128xf32, #tpu.memory_space<vmem>>, vector<1x1x128xf32>
    %get3A_33 = vector.shape_cast %get3A_32 : vector<1x1x128xf32> to vector<1x128xf32>
    %add3A_34 = vector.broadcast %get3A_33 : vector<1x128xf32> to vector<512x128xf32>
    %add3A_35 = arith.addf %dot_general3A_28, %add3A_34 : vector<512x128xf32>
    %max3A_36 = arith.constant 0.000000e+00 : f32
    %max3A_37 = vector.broadcast %max3A_36 : f32 to vector<512x128xf32>
    %max3A_38 = arith.maximumf %add3A_35, %max3A_37 : vector<512x128xf32>
    %get3A_39 = arith.constant 0 : index
    %get3A_40 = arith.constant 0 : index
    %get3A_41 = arith.constant 0 : index
    %get3A_42 = arith.constant 0 : index
    %get3A_43 = vector.load %arg5[%get3A_39, %get3A_40, %get3A_41, %get3A_42] : memref<2x2x128x128xf32, #tpu.memory_space<vmem>>, vector<1x1x128x128xf32>
    %get3A_44 = vector.shape_cast %get3A_43 : vector<1x1x128x128xf32> to vector<128x128xf32>
    %dot_general3A_45 = arith.constant dense<0.000000e+00> : vector<512x128xf32>
    %dot_general3A_46 = tpu.matmul %max3A_18, %get3A_44, %dot_general3A_45 {dimension_numbers = #tpu.dot_dimension_numbers<[1], [0], [0], [1], [0, 0, 1, 1], [], []>, transpose_lhs_hint = false} : vector<512x128xf32>, vector<128x128xf32>, vector<512x128xf32> -> vector<512x128xf32>
    %get3A_47 = arith.constant 1 : index
    %get3A_48 = arith.constant 0 : index
    %get3A_49 = arith.constant 0 : index
    %get3A_50 = arith.constant 0 : index
    %get3A_51 = vector.load %arg5[%get3A_47, %get3A_48, %get3A_49, %get3A_50] : memref<2x2x128x128xf32, #tpu.memory_space<vmem>>, vector<1x1x128x128xf32>
    %get3A_52 = vector.shape_cast %get3A_51 : vector<1x1x128x128xf32> to vector<128x128xf32>
    %dot_general3A_53 = arith.constant dense<0.000000e+00> : vector<512x128xf32>
    %dot_general3A_54 = tpu.matmul %max3A_38, %get3A_52, %dot_general3A_53 {dimension_numbers = #tpu.dot_dimension_numbers<[1], [0], [0], [1], [0, 0, 1, 1], [], []>, transpose_lhs_hint = false} : vector<512x128xf32>, vector<128x128xf32>, vector<512x128xf32> -> vector<512x128xf32>
    %add3A_55 = arith.addf %dot_general3A_46, %dot_general3A_54 : vector<512x128xf32>
    %mul3A = arith.mulf %add3A_55, %rsqrt3A : vector<512x128xf32>
    %swap3A = arith.constant 0 : index
    %swap3A_56 = arith.constant 0 : index
    %swap3A_57 = arith.constant 0 : index
    %swap3A_58 = vector.load %arg6[%swap3A, %swap3A_56, %swap3A_57] : memref<2x512x128xf32, #tpu.memory_space<vmem>>, vector<1x512x128xf32>
    %swap3A_59 = vector.shape_cast %swap3A_58 : vector<1x512x128xf32> to vector<512x128xf32>
    %swap3A_60 = vector.shape_cast %mul3A : vector<512x128xf32> to vector<1x512x128xf32>
    tpu.vector_store %arg6[%swap3A, %swap3A_56, %swap3A_57], %swap3A_60 {strides = array<i32>} : memref<2x512x128xf32, #tpu.memory_space<vmem>>, vector<1x512x128xf32>,
    %get3A_61 = arith.constant 0 : index
    %get3A_62 = arith.constant 1 : index
    %get3A_63 = arith.constant 0 : index
    %get3A_64 = arith.constant 0 : index
    %get3A_65 = vector.load %arg5[%get3A_61, %get3A_62, %get3A_63, %get3A_64] : memref<2x2x128x128xf32, #tpu.memory_space<vmem>>, vector<1x1x128x128xf32>
    %get3A_66 = vector.shape_cast %get3A_65 : vector<1x1x128x128xf32> to vector<128x128xf32>
    %dot_general3A_67 = arith.constant dense<0.000000e+00> : vector<512x128xf32>
    %dot_general3A_68 = tpu.matmul %max3A_18, %get3A_66, %dot_general3A_67 {dimension_numbers = #tpu.dot_dimension_numbers<[1], [0], [0], [1], [0, 0, 1, 1], [], []>, transpose_lhs_hint = false} : vector<512x128xf32>, vector<128x128xf32>, vector<512x128xf32> -> vector<512x128xf32>
    %get3A_69 = arith.constant 1 : index
    %get3A_70 = arith.constant 1 : index
    %get3A_71 = arith.constant 0 : index
    %get3A_72 = arith.constant 0 : index
    %get3A_73 = vector.load %arg5[%get3A_69, %get3A_70, %get3A_71, %get3A_72] : memref<2x2x128x128xf32, #tpu.memory_space<vmem>>, vector<1x1x128x128xf32>
    %get3A_74 = vector.shape_cast %get3A_73 : vector<1x1x128x128xf32> to vector<128x128xf32>
    %dot_general3A_75 = arith.constant dense<0.000000e+00> : vector<512x128xf32>
    %dot_general3A_76 = tpu.matmul %max3A_38, %get3A_74, %dot_general3A_75 {dimension_numbers = #tpu.dot_dimension_numbers<[1], [0], [0], [1], [0, 0, 1, 1], [], []>, transpose_lhs_hint = false} : vector<512x128xf32>, vector<128x128xf32>, vector<512x128xf32> -> vector<512x128xf32>
    %add3A_77 = arith.addf %dot_general3A_68, %dot_general3A_76 : vector<512x128xf32>
    %mul3A_78 = arith.mulf %add3A_77, %rsqrt3A : vector<512x128xf32>
    %swap3A_79 = arith.constant 1 : index
    %swap3A_80 = arith.constant 0 : index
    %swap3A_81 = arith.constant 0 : index
    %swap3A_82 = vector.load %arg6[%swap3A_79, %swap3A_80, %swap3A_81] : memref<2x512x128xf32, #tpu.memory_space<vmem>>, vector<1x512x128xf32>
    %swap3A_83 = vector.shape_cast %swap3A_82 : vector<1x512x128xf32> to vector<512x128xf32>
    %swap3A_84 = vector.shape_cast %mul3A_78 : vector<512x128xf32> to vector<1x512x128xf32>
    tpu.vector_store %arg6[%swap3A_79, %swap3A_80, %swap3A_81], %swap3A_84 {strides = array<i32>} : memref<2x512x128xf32, #tpu.memory_space<vmem>>, vector<1x512x128xf32>,
    %swap3A_85 = arith.constant 0 : index
    %swap3A_86 = arith.constant 0 : index
    %swap3A_87 = vector.load %arg7[%swap3A_85, %swap3A_86] : memref<512x128xf32, #tpu.memory_space<vmem>>, vector<512x128xf32>
    tpu.vector_store %arg7[%swap3A_85, %swap3A_86], %rsqrt3A {strides = array<i32>} : memref<512x128xf32, #tpu.memory_space<vmem>>, vector<512x128xf32>,
    return
  }
  func.func @transform_0(%arg0: i32) -> (i32, i32) {
    %c0_i32 = arith.constant 0 : i32
    %c0_i32_0 = arith.constant 0 : i32
    return %arg0, %c0_i32 : i32, i32
  }
  func.func @transform_1(%arg0: i32) -> (i32, i32) {
    %c0_i32 = arith.constant 0 : i32
    %c0_i32_0 = arith.constant 0 : i32
    return %arg0, %c0_i32 : i32, i32
  }
  func.func @transform_2(%arg0: i32) -> (i32, i32, i32) {
    %c0_i32 = arith.constant 0 : i32
    %c0_i32_0 = arith.constant 0 : i32
    %c0_i32_1 = arith.constant 0 : i32
    %c0_i32_2 = arith.constant 0 : i32
    return %c0_i32, %c0_i32_0, %c0_i32_1 : i32, i32, i32
  }
  func.func @transform_3(%arg0: i32) -> (i32, i32, i32) {
    %c0_i32 = arith.constant 0 : i32
    %c0_i32_0 = arith.constant 0 : i32
    %c0_i32_1 = arith.constant 0 : i32
    %c0_i32_2 = arith.constant 0 : i32
    return %c0_i32, %c0_i32_0, %c0_i32_1 : i32, i32, i32
  }
  func.func @transform_4(%arg0: i32) -> (i32, i32, i32, i32) {
    %c0_i32 = arith.constant 0 : i32
    %c0_i32_0 = arith.constant 0 : i32
    %c0_i32_1 = arith.constant 0 : i32
    %c0_i32_2 = arith.constant 0 : i32
    %c0_i32_3 = arith.constant 0 : i32
    return %c0_i32, %c0_i32_0, %c0_i32_1, %c0_i32_2 : i32, i32, i32, i32
  }
  func.func @transform_5(%arg0: i32) -> (i32, i32, i32) {
    %c0_i32 = arith.constant 0 : i32
    %c0_i32_0 = arith.constant 0 : i32
    %c0_i32_1 = arith.constant 0 : i32
    return %c0_i32, %arg0, %c0_i32_0 : i32, i32, i32
  }
  func.func @transform_6(%arg0: i32) -> (i32, i32) {
    %c0_i32 = arith.constant 0 : i32
    %c0_i32_0 = arith.constant 0 : i32
    return %arg0, %c0_i32 : i32, i32
  }
}

module attributes {stable_mosaic.version = 14 : i64} {
  func.func @_post_body(%arg0: i32, %arg1: memref<2x512x128xf32, #tpu.memory_space<vmem>>, %arg2: memref<512x128xf32, #tpu.memory_space<vmem>>, %arg3: memref<2x1x128xf32, #tpu.memory_space<vmem>>, %arg4: memref<2x512x128xf32, #tpu.memory_space<vmem>>, %arg5: memref<2x64xf32, #tpu.memory_space<vmem>>, %arg6: memref<2x64xf32, #tpu.memory_space<vmem>>) attributes {dimension_semantics = [#tpu.dimension_semantics<arbitrary>], iteration_bounds = array<i64: 25>, scalar_prefetch = 0 : i64, scratch_operands = 1 : i64, tpu.core_type = #tpu.core_type<tc>, window_params = [{transform_indices = @transform_0, window_bounds = array<i64: 2, 512, 128>}, {transform_indices = @transform_1, window_bounds = array<i64: 512, 128>}, {pipeline_mode = #tpu.pipeline_mode<synchronous>, transform_indices = @transform_2, window_bounds = array<i64: 2, 1, 128>}, {transform_indices = @transform_3, window_bounds = array<i64: 2, 512, 128>}, {pipeline_mode = #tpu.pipeline_mode<synchronous>, transform_indices = @transform_4, window_bounds = array<i64: 2, 64>}]} {
    %get3A = arith.constant 0 : index
    %get3A_0 = arith.constant 0 : index
    %get3A_1 = vector.load %arg2[%get3A, %get3A_0] : memref<512x128xf32, #tpu.memory_space<vmem>>, vector<512x128xf32>
    %get3A_2 = arith.constant 0 : index
    %get3A_3 = arith.constant 0 : index
    %get3A_4 = arith.constant 0 : index
    %get3A_5 = vector.load %arg1[%get3A_2, %get3A_3, %get3A_4] : memref<2x512x128xf32, #tpu.memory_space<vmem>>, vector<1x512x128xf32>
    %get3A_6 = vector.shape_cast %get3A_5 : vector<1x512x128xf32> to vector<512x128xf32>
    %mul3A = arith.mulf %get3A_6, %get3A_1 : vector<512x128xf32>
    %get3A_7 = arith.constant 0 : index
    %get3A_8 = arith.constant 0 : index
    %get3A_9 = arith.constant 0 : index
    %get3A_10 = vector.load %arg3[%get3A_7, %get3A_8, %get3A_9] : memref<2x1x128xf32, #tpu.memory_space<vmem>>, vector<1x1x128xf32>
    %get3A_11 = vector.shape_cast %get3A_10 : vector<1x1x128xf32> to vector<1x128xf32>
    %add3A = vector.broadcast %get3A_11 : vector<1x128xf32> to vector<512x128xf32>
    %add3A_12 = arith.addf %mul3A, %add3A : vector<512x128xf32>
    %get3A_13 = arith.constant 1 : index
    %get3A_14 = arith.constant 0 : index
    %get3A_15 = arith.constant 0 : index
    %get3A_16 = vector.load %arg1[%get3A_13, %get3A_14, %get3A_15] : memref<2x512x128xf32, #tpu.memory_space<vmem>>, vector<1x512x128xf32>
    %get3A_17 = vector.shape_cast %get3A_16 : vector<1x512x128xf32> to vector<512x128xf32>
    %mul3A_18 = arith.mulf %get3A_17, %get3A_1 : vector<512x128xf32>
    %get3A_19 = arith.constant 1 : index
    %get3A_20 = arith.constant 0 : index
    %get3A_21 = arith.constant 0 : index
    %get3A_22 = vector.load %arg3[%get3A_19, %get3A_20, %get3A_21] : memref<2x1x128xf32, #tpu.memory_space<vmem>>, vector<1x1x128xf32>
    %get3A_23 = vector.shape_cast %get3A_22 : vector<1x1x128xf32> to vector<1x128xf32>
    %add3A_24 = vector.broadcast %get3A_23 : vector<1x128xf32> to vector<512x128xf32>
    %add3A_25 = arith.addf %mul3A_18, %add3A_24 : vector<512x128xf32>
    %swap3A = arith.constant 0 : index
    %swap3A_26 = arith.constant 0 : index
    %swap3A_27 = arith.constant 0 : index
    %swap3A_28 = vector.load %arg4[%swap3A, %swap3A_26, %swap3A_27] : memref<2x512x128xf32, #tpu.memory_space<vmem>>, vector<1x512x128xf32>
    %swap3A_29 = vector.shape_cast %swap3A_28 : vector<1x512x128xf32> to vector<512x128xf32>
    %swap3A_30 = vector.shape_cast %add3A_12 : vector<512x128xf32> to vector<1x512x128xf32>
    tpu.vector_store %arg4[%swap3A, %swap3A_26, %swap3A_27], %swap3A_30 {strides = array<i32>} : memref<2x512x128xf32, #tpu.memory_space<vmem>>, vector<1x512x128xf32>,
    %swap3A_31 = arith.constant 1 : index
    %swap3A_32 = arith.constant 0 : index
    %swap3A_33 = arith.constant 0 : index
    %swap3A_34 = vector.load %arg4[%swap3A_31, %swap3A_32, %swap3A_33] : memref<2x512x128xf32, #tpu.memory_space<vmem>>, vector<1x512x128xf32>
    %swap3A_35 = vector.shape_cast %swap3A_34 : vector<1x512x128xf32> to vector<512x128xf32>
    %swap3A_36 = vector.shape_cast %add3A_25 : vector<512x128xf32> to vector<1x512x128xf32>
    tpu.vector_store %arg4[%swap3A_31, %swap3A_32, %swap3A_33], %swap3A_36 {strides = array<i32>} : memref<2x512x128xf32, #tpu.memory_space<vmem>>, vector<1x512x128xf32>,
    %eq3A = arith.constant 0 : i32
    %eq3A_37 = arith.cmpi eq, %arg0, %eq3A : i32
    %convert_element_type3A = arith.extui %eq3A_37 : i1 to i32
    %cond3A = arith.constant 0 : i32
    %cond3A_38 = arith.cmpi ne, %convert_element_type3A, %cond3A : i32
    scf.if %cond3A_38 {
      %broadcast_in_dim3A_108 = arith.constant 0.000000e+00 : f32
      %broadcast_in_dim3A_109 = vector.broadcast %broadcast_in_dim3A_108 : f32 to vector<2x64xf32>
      %swap3A_110 = arith.constant 0 : index
      %swap3A_111 = arith.constant 0 : index
      %swap3A_112 = vector.load %arg6[%swap3A_110, %swap3A_111] : memref<2x64xf32, #tpu.memory_space<vmem>>, vector<2x64xf32>
      tpu.vector_store %arg6[%swap3A_110, %swap3A_111], %broadcast_in_dim3A_109 {strides = array<i32>} : memref<2x64xf32, #tpu.memory_space<vmem>>, vector<2x64xf32>,
    } else {
    }
    %iota3A = tpu.iota {dimensions = array<i32: 0>} : vector<512x128xi32>
    %mul3A_39 = arith.constant 512 : i32
    %mul3A_40 = arith.muli %arg0, %mul3A_39 : i32
    %add3A_41 = vector.broadcast %mul3A_40 : i32 to vector<512x128xi32>
    %add3A_42 = arith.addi %iota3A, %add3A_41 : vector<512x128xi32>
    %lt3A = arith.constant 12500 : i32
    %lt3A_43 = vector.broadcast %lt3A : i32 to vector<512x128xi32>
    %lt3A_44 = arith.cmpi slt, %add3A_42, %lt3A_43 : vector<512x128xi32>
    %jit3A = arith.constant 0.000000e+00 : f32
    %broadcast_in_dim3A = vector.broadcast %jit3A : f32 to vector<512x128xf32>
    %select_n3A = arith.select %lt3A_44, %add3A_12, %broadcast_in_dim3A : vector<512x128xi1>, vector<512x128xf32>
    %jit3A_45 = arith.constant 0.000000e+00 : f32
    %broadcast_in_dim3A_46 = vector.broadcast %jit3A_45 : f32 to vector<512x128xf32>
    %select_n3A_47 = arith.select %lt3A_44, %add3A_25, %broadcast_in_dim3A_46 : vector<512x128xi1>, vector<512x128xf32>
    %reduce_sum3A = arith.constant dense<0.000000e+00> : vector<128xf32>
    %reduce_sum3A_48 = vector.multi_reduction <add>, %select_n3A, %reduce_sum3A [0] : vector<512x128xf32> to vector<128xf32>
    %broadcast_in_dim3A_49 = vector.shape_cast %reduce_sum3A_48 : vector<128xf32> to vector<1x128xf32>
    %slice3A = vector.extract_strided_slice %broadcast_in_dim3A_49 {offsets = [0, 0], sizes = [1, 32], strides = [1, 1]} : vector<1x128xf32> to vector<1x32xf32>
    %slice3A_50 = vector.extract_strided_slice %broadcast_in_dim3A_49 {offsets = [0, 32], sizes = [1, 32], strides = [1, 1]} : vector<1x128xf32> to vector<1x32xf32>
    %add3A_51 = arith.addf %slice3A, %slice3A_50 : vector<1x32xf32>
    %slice3A_52 = vector.extract_strided_slice %broadcast_in_dim3A_49 {offsets = [0, 64], sizes = [1, 32], strides = [1, 1]} : vector<1x128xf32> to vector<1x32xf32>
    %add3A_53 = arith.addf %add3A_51, %slice3A_52 : vector<1x32xf32>
    %slice3A_54 = vector.extract_strided_slice %broadcast_in_dim3A_49 {offsets = [0, 96], sizes = [1, 32], strides = [1, 1]} : vector<1x128xf32> to vector<1x32xf32>
    %add3A_55 = arith.addf %add3A_53, %slice3A_54 : vector<1x32xf32>
    %reduce_sum3A_56 = arith.constant dense<0.000000e+00> : vector<128xf32>
    %reduce_sum3A_57 = vector.multi_reduction <add>, %select_n3A_47, %reduce_sum3A_56 [0] : vector<512x128xf32> to vector<128xf32>
    %broadcast_in_dim3A_58 = vector.shape_cast %reduce_sum3A_57 : vector<128xf32> to vector<1x128xf32>
    %slice3A_59 = vector.extract_strided_slice %broadcast_in_dim3A_58 {offsets = [0, 0], sizes = [1, 32], strides = [1, 1]} : vector<1x128xf32> to vector<1x32xf32>
    %slice3A_60 = vector.extract_strided_slice %broadcast_in_dim3A_58 {offsets = [0, 32], sizes = [1, 32], strides = [1, 1]} : vector<1x128xf32> to vector<1x32xf32>
    %add3A_61 = arith.addf %slice3A_59, %slice3A_60 : vector<1x32xf32>
    %slice3A_62 = vector.extract_strided_slice %broadcast_in_dim3A_58 {offsets = [0, 64], sizes = [1, 32], strides = [1, 1]} : vector<1x128xf32> to vector<1x32xf32>
    %add3A_63 = arith.addf %add3A_61, %slice3A_62 : vector<1x32xf32>
    %slice3A_64 = vector.extract_strided_slice %broadcast_in_dim3A_58 {offsets = [0, 96], sizes = [1, 32], strides = [1, 1]} : vector<1x128xf32> to vector<1x32xf32>
    %add3A_65 = arith.addf %add3A_63, %slice3A_64 : vector<1x32xf32>
    %concatenate3A = tpu.concatenate %add3A_55, %add3A_65 in 1 : vector<1x32xf32>, vector<1x32xf32> -> vector<1x64xf32>
    %mul3A_66 = arith.mulf %select_n3A, %select_n3A : vector<512x128xf32>
    %reduce_sum3A_67 = arith.constant dense<0.000000e+00> : vector<128xf32>
    %reduce_sum3A_68 = vector.multi_reduction <add>, %mul3A_66, %reduce_sum3A_67 [0] : vector<512x128xf32> to vector<128xf32>
    %broadcast_in_dim3A_69 = vector.shape_cast %reduce_sum3A_68 : vector<128xf32> to vector<1x128xf32>
    %slice3A_70 = vector.extract_strided_slice %broadcast_in_dim3A_69 {offsets = [0, 0], sizes = [1, 32], strides = [1, 1]} : vector<1x128xf32> to vector<1x32xf32>
    %slice3A_71 = vector.extract_strided_slice %broadcast_in_dim3A_69 {offsets = [0, 32], sizes = [1, 32], strides = [1, 1]} : vector<1x128xf32> to vector<1x32xf32>
    %add3A_72 = arith.addf %slice3A_70, %slice3A_71 : vector<1x32xf32>
    %slice3A_73 = vector.extract_strided_slice %broadcast_in_dim3A_69 {offsets = [0, 64], sizes = [1, 32], strides = [1, 1]} : vector<1x128xf32> to vector<1x32xf32>
    %add3A_74 = arith.addf %add3A_72, %slice3A_73 : vector<1x32xf32>
    %slice3A_75 = vector.extract_strided_slice %broadcast_in_dim3A_69 {offsets = [0, 96], sizes = [1, 32], strides = [1, 1]} : vector<1x128xf32> to vector<1x32xf32>
    %add3A_76 = arith.addf %add3A_74, %slice3A_75 : vector<1x32xf32>
    %mul3A_77 = arith.mulf %select_n3A_47, %select_n3A_47 : vector<512x128xf32>
    %reduce_sum3A_78 = arith.constant dense<0.000000e+00> : vector<128xf32>
    %reduce_sum3A_79 = vector.multi_reduction <add>, %mul3A_77, %reduce_sum3A_78 [0] : vector<512x128xf32> to vector<128xf32>
    %broadcast_in_dim3A_80 = vector.shape_cast %reduce_sum3A_79 : vector<128xf32> to vector<1x128xf32>
    %slice3A_81 = vector.extract_strided_slice %broadcast_in_dim3A_80 {offsets = [0, 0], sizes = [1, 32], strides = [1, 1]} : vector<1x128xf32> to vector<1x32xf32>
    %slice3A_82 = vector.extract_strided_slice %broadcast_in_dim3A_80 {offsets = [0, 32], sizes = [1, 32], strides = [1, 1]} : vector<1x128xf32> to vector<1x32xf32>
    %add3A_83 = arith.addf %slice3A_81, %slice3A_82 : vector<1x32xf32>
    %slice3A_84 = vector.extract_strided_slice %broadcast_in_dim3A_80 {offsets = [0, 64], sizes = [1, 32], strides = [1, 1]} : vector<1x128xf32> to vector<1x32xf32>
    %add3A_85 = arith.addf %add3A_83, %slice3A_84 : vector<1x32xf32>
    %slice3A_86 = vector.extract_strided_slice %broadcast_in_dim3A_80 {offsets = [0, 96], sizes = [1, 32], strides = [1, 1]} : vector<1x128xf32> to vector<1x32xf32>
    %add3A_87 = arith.addf %add3A_85, %slice3A_86 : vector<1x32xf32>
    %concatenate3A_88 = tpu.concatenate %add3A_76, %add3A_87 in 1 : vector<1x32xf32>, vector<1x32xf32> -> vector<1x64xf32>
    %get3A_89 = arith.constant 0 : index
    %get3A_90 = arith.constant 0 : index
    %get3A_91 = vector.load %arg6[%get3A_89, %get3A_90] : memref<2x64xf32, #tpu.memory_space<vmem>>, vector<1x64xf32>
    %add3A_92 = arith.addf %get3A_91, %concatenate3A : vector<1x64xf32>
    %swap3A_93 = arith.constant 0 : index
    %swap3A_94 = arith.constant 0 : index
    %swap3A_95 = vector.load %arg6[%swap3A_93, %swap3A_94] : memref<2x64xf32, #tpu.memory_space<vmem>>, vector<1x64xf32>
    tpu.vector_store %arg6[%swap3A_93, %swap3A_94], %add3A_92 {strides = array<i32>} : memref<2x64xf32, #tpu.memory_space<vmem>>, vector<1x64xf32>,
    %get3A_96 = arith.constant 1 : index
    %get3A_97 = arith.constant 0 : index
    %get3A_98 = vector.load %arg6[%get3A_96, %get3A_97] : memref<2x64xf32, #tpu.memory_space<vmem>>, vector<1x64xf32>
    %add3A_99 = arith.addf %get3A_98, %concatenate3A_88 : vector<1x64xf32>
    %swap3A_100 = arith.constant 1 : index
    %swap3A_101 = arith.constant 0 : index
    %swap3A_102 = vector.load %arg6[%swap3A_100, %swap3A_101] : memref<2x64xf32, #tpu.memory_space<vmem>>, vector<1x64xf32>
    tpu.vector_store %arg6[%swap3A_100, %swap3A_101], %add3A_99 {strides = array<i32>} : memref<2x64xf32, #tpu.memory_space<vmem>>, vector<1x64xf32>,
    %eq3A_103 = arith.constant 24 : i32
    %eq3A_104 = arith.cmpi eq, %arg0, %eq3A_103 : i32
    %convert_element_type3A_105 = arith.extui %eq3A_104 : i1 to i32
    %cond3A_106 = arith.constant 0 : i32
    %cond3A_107 = arith.cmpi ne, %convert_element_type3A_105, %cond3A_106 : i32
    scf.if %cond3A_107 {
      %get3A_108 = arith.constant 0 : index
      %get3A_109 = arith.constant 0 : index
      %get3A_110 = vector.load %arg6[%get3A_108, %get3A_109] : memref<2x64xf32, #tpu.memory_space<vmem>>, vector<2x64xf32>
      %swap3A_111 = arith.constant 0 : index
      %swap3A_112 = arith.constant 0 : index
      %swap3A_113 = vector.load %arg5[%swap3A_111, %swap3A_112] : memref<2x64xf32, #tpu.memory_space<vmem>>, vector<2x64xf32>
      tpu.vector_store %arg5[%swap3A_111, %swap3A_112], %get3A_110 {strides = array<i32>} : memref<2x64xf32, #tpu.memory_space<vmem>>, vector<2x64xf32>,
    } else {
    }
    return
  }
  func.func @transform_0(%arg0: i32) -> (i32, i32, i32) {
    %c0_i32 = arith.constant 0 : i32
    %c0_i32_0 = arith.constant 0 : i32
    %c0_i32_1 = arith.constant 0 : i32
    return %c0_i32, %arg0, %c0_i32_0 : i32, i32, i32
  }
  func.func @transform_1(%arg0: i32) -> (i32, i32) {
    %c0_i32 = arith.constant 0 : i32
    %c0_i32_0 = arith.constant 0 : i32
    return %arg0, %c0_i32 : i32, i32
  }
  func.func @transform_2(%arg0: i32) -> (i32, i32, i32) {
    %c0_i32 = arith.constant 0 : i32
    %c0_i32_0 = arith.constant 0 : i32
    %c0_i32_1 = arith.constant 0 : i32
    %c0_i32_2 = arith.constant 0 : i32
    return %c0_i32, %c0_i32_0, %c0_i32_1 : i32, i32, i32
  }
  func.func @transform_3(%arg0: i32) -> (i32, i32, i32) {
    %c0_i32 = arith.constant 0 : i32
    %c0_i32_0 = arith.constant 0 : i32
    %c0_i32_1 = arith.constant 0 : i32
    return %c0_i32, %arg0, %c0_i32_0 : i32, i32, i32
  }
  func.func @transform_4(%arg0: i32) -> (i32, i32) {
    %c0_i32 = arith.constant 0 : i32
    %c0_i32_0 = arith.constant 0 : i32
    %c0_i32_1 = arith.constant 0 : i32
    return %c0_i32, %c0_i32_0 : i32, i32
  }
}

module attributes {stable_mosaic.version = 14 : i64} {
  func.func @body(%arg0: i32, %arg1: memref<2x512x128xf32, #tpu.memory_space<vmem>>, %arg2: memref<2x64xf32, #tpu.memory_space<vmem>>, %arg3: memref<2x1x128xf32, #tpu.memory_space<vmem>>, %arg4: memref<2x1x128xf32, #tpu.memory_space<vmem>>, %arg5: memref<512x128xf32, #tpu.memory_space<vmem>>, %arg6: memref<2x2x128x128xf32, #tpu.memory_space<vmem>>, %arg7: memref<2x512x128xf32, #tpu.memory_space<vmem>>, %arg8: memref<2x512x128xf32, #tpu.memory_space<vmem>>) attributes {dimension_semantics = [#tpu.dimension_semantics<arbitrary>], iteration_bounds = array<i64: 25>, scalar_prefetch = 0 : i64, scratch_operands = 0 : i64, tpu.core_type = #tpu.core_type<tc>, window_params = [{transform_indices = @transform_0, window_bounds = array<i64: 2, 512, 128>}, {pipeline_mode = #tpu.pipeline_mode<synchronous>, transform_indices = @transform_1, window_bounds = array<i64: 2, 64>}, {pipeline_mode = #tpu.pipeline_mode<synchronous>, transform_indices = @transform_2, window_bounds = array<i64: 2, 1, 128>}, {pipeline_mode = #tpu.pipeline_mode<synchronous>, transform_indices = @transform_3, window_bounds = array<i64: 2, 1, 128>}, {transform_indices = @transform_4, window_bounds = array<i64: 512, 128>}, {pipeline_mode = #tpu.pipeline_mode<synchronous>, transform_indices = @transform_5, window_bounds = array<i64: 2, 2, 128, 128>}, {transform_indices = @transform_6, window_bounds = array<i64: 2, 512, 128>}, {transform_indices = @transform_7, window_bounds = array<i64: 2, 512, 128>}]} {
    %get3A = arith.constant 0 : index
    %get3A_0 = arith.constant 0 : index
    %get3A_1 = vector.load %arg2[%get3A, %get3A_0] : memref<2x64xf32, #tpu.memory_space<vmem>>, vector<2x64xf32>
    %slice3A = vector.extract_strided_slice %get3A_1 {offsets = [0, 0], sizes = [1, 64], strides = [1, 1]} : vector<2x64xf32> to vector<1x64xf32>
    %mul3A = arith.constant 2.000000e-05 : f32
    %mul3A_2 = vector.broadcast %mul3A : f32 to vector<1x64xf32>
    %mul3A_3 = arith.mulf %slice3A, %mul3A_2 : vector<1x64xf32>
    %slice3A_4 = vector.extract_strided_slice %get3A_1 {offsets = [1, 0], sizes = [1, 64], strides = [1, 1]} : vector<2x64xf32> to vector<1x64xf32>
    %mul3A_5 = arith.constant 2.000000e-05 : f32
    %mul3A_6 = vector.broadcast %mul3A_5 : f32 to vector<1x64xf32>
    %mul3A_7 = arith.mulf %slice3A_4, %mul3A_6 : vector<1x64xf32>
    %mul3A_8 = arith.mulf %mul3A_3, %mul3A_3 : vector<1x64xf32>
    %sub3A = arith.subf %mul3A_7, %mul3A_8 : vector<1x64xf32>
    %add3A = arith.constant 9.99999974E-6 : f32
    %add3A_9 = vector.broadcast %add3A : f32 to vector<1x64xf32>
    %add3A_10 = arith.addf %sub3A, %add3A_9 : vector<1x64xf32>
    %rsqrt3A = math.rsqrt %add3A_10 : vector<1x64xf32>
    %slice3A_11 = vector.extract_strided_slice %mul3A_3 {offsets = [0, 0], sizes = [1, 32], strides = [1, 1]} : vector<1x64xf32> to vector<1x32xf32>
    %concatenate3A = tpu.concatenate %slice3A_11, %slice3A_11, %slice3A_11, %slice3A_11 in 1 : vector<1x32xf32>, vector<1x32xf32>, vector<1x32xf32>, vector<1x32xf32> -> vector<1x128xf32>
    %slice3A_12 = vector.extract_strided_slice %rsqrt3A {offsets = [0, 0], sizes = [1, 32], strides = [1, 1]} : vector<1x64xf32> to vector<1x32xf32>
    %concatenate3A_13 = tpu.concatenate %slice3A_12, %slice3A_12, %slice3A_12, %slice3A_12 in 1 : vector<1x32xf32>, vector<1x32xf32>, vector<1x32xf32>, vector<1x32xf32> -> vector<1x128xf32>
    %get3A_14 = arith.constant 0 : index
    %get3A_15 = arith.constant 0 : index
    %get3A_16 = arith.constant 0 : index
    %get3A_17 = vector.load %arg1[%get3A_14, %get3A_15, %get3A_16] : memref<2x512x128xf32, #tpu.memory_space<vmem>>, vector<1x512x128xf32>
    %get3A_18 = vector.shape_cast %get3A_17 : vector<1x512x128xf32> to vector<512x128xf32>
    %sub3A_19 = vector.broadcast %concatenate3A : vector<1x128xf32> to vector<512x128xf32>
    %sub3A_20 = arith.subf %get3A_18, %sub3A_19 : vector<512x128xf32>
    %mul3A_21 = vector.broadcast %concatenate3A_13 : vector<1x128xf32> to vector<512x128xf32>
    %mul3A_22 = arith.mulf %sub3A_20, %mul3A_21 : vector<512x128xf32>
    %get3A_23 = arith.constant 0 : index
    %get3A_24 = arith.constant 0 : index
    %get3A_25 = arith.constant 0 : index
    %get3A_26 = vector.load %arg3[%get3A_23, %get3A_24, %get3A_25] : memref<2x1x128xf32, #tpu.memory_space<vmem>>, vector<1x1x128xf32>
    %get3A_27 = vector.shape_cast %get3A_26 : vector<1x1x128xf32> to vector<1x128xf32>
    %mul3A_28 = vector.broadcast %get3A_27 : vector<1x128xf32> to vector<512x128xf32>
    %mul3A_29 = arith.mulf %mul3A_22, %mul3A_28 : vector<512x128xf32>
    %get3A_30 = arith.constant 0 : index
    %get3A_31 = arith.constant 0 : index
    %get3A_32 = arith.constant 0 : index
    %get3A_33 = vector.load %arg4[%get3A_30, %get3A_31, %get3A_32] : memref<2x1x128xf32, #tpu.memory_space<vmem>>, vector<1x1x128xf32>
    %get3A_34 = vector.shape_cast %get3A_33 : vector<1x1x128xf32> to vector<1x128xf32>
    %add3A_35 = vector.broadcast %get3A_34 : vector<1x128xf32> to vector<512x128xf32>
    %add3A_36 = arith.addf %mul3A_29, %add3A_35 : vector<512x128xf32>
    %max3A = arith.constant 0.000000e+00 : f32
    %max3A_37 = vector.broadcast %max3A : f32 to vector<512x128xf32>
    %max3A_38 = arith.maximumf %add3A_36, %max3A_37 : vector<512x128xf32>
    %slice3A_39 = vector.extract_strided_slice %mul3A_3 {offsets = [0, 32], sizes = [1, 32], strides = [1, 1]} : vector<1x64xf32> to vector<1x32xf32>
    %concatenate3A_40 = tpu.concatenate %slice3A_39, %slice3A_39, %slice3A_39, %slice3A_39 in 1 : vector<1x32xf32>, vector<1x32xf32>, vector<1x32xf32>, vector<1x32xf32> -> vector<1x128xf32>
    %slice3A_41 = vector.extract_strided_slice %rsqrt3A {offsets = [0, 32], sizes = [1, 32], strides = [1, 1]} : vector<1x64xf32> to vector<1x32xf32>
    %concatenate3A_42 = tpu.concatenate %slice3A_41, %slice3A_41, %slice3A_41, %slice3A_41 in 1 : vector<1x32xf32>, vector<1x32xf32>, vector<1x32xf32>, vector<1x32xf32> -> vector<1x128xf32>
    %get3A_43 = arith.constant 1 : index
    %get3A_44 = arith.constant 0 : index
    %get3A_45 = arith.constant 0 : index
    %get3A_46 = vector.load %arg1[%get3A_43, %get3A_44, %get3A_45] : memref<2x512x128xf32, #tpu.memory_space<vmem>>, vector<1x512x128xf32>
    %get3A_47 = vector.shape_cast %get3A_46 : vector<1x512x128xf32> to vector<512x128xf32>
    %sub3A_48 = vector.broadcast %concatenate3A_40 : vector<1x128xf32> to vector<512x128xf32>
    %sub3A_49 = arith.subf %get3A_47, %sub3A_48 : vector<512x128xf32>
    %mul3A_50 = vector.broadcast %concatenate3A_42 : vector<1x128xf32> to vector<512x128xf32>
    %mul3A_51 = arith.mulf %sub3A_49, %mul3A_50 : vector<512x128xf32>
    %get3A_52 = arith.constant 1 : index
    %get3A_53 = arith.constant 0 : index
    %get3A_54 = arith.constant 0 : index
    %get3A_55 = vector.load %arg3[%get3A_52, %get3A_53, %get3A_54] : memref<2x1x128xf32, #tpu.memory_space<vmem>>, vector<1x1x128xf32>
    %get3A_56 = vector.shape_cast %get3A_55 : vector<1x1x128xf32> to vector<1x128xf32>
    %mul3A_57 = vector.broadcast %get3A_56 : vector<1x128xf32> to vector<512x128xf32>
    %mul3A_58 = arith.mulf %mul3A_51, %mul3A_57 : vector<512x128xf32>
    %get3A_59 = arith.constant 1 : index
    %get3A_60 = arith.constant 0 : index
    %get3A_61 = arith.constant 0 : index
    %get3A_62 = vector.load %arg4[%get3A_59, %get3A_60, %get3A_61] : memref<2x1x128xf32, #tpu.memory_space<vmem>>, vector<1x1x128xf32>
    %get3A_63 = vector.shape_cast %get3A_62 : vector<1x1x128xf32> to vector<1x128xf32>
    %add3A_64 = vector.broadcast %get3A_63 : vector<1x128xf32> to vector<512x128xf32>
    %add3A_65 = arith.addf %mul3A_58, %add3A_64 : vector<512x128xf32>
    %max3A_66 = arith.constant 0.000000e+00 : f32
    %max3A_67 = vector.broadcast %max3A_66 : f32 to vector<512x128xf32>
    %max3A_68 = arith.maximumf %add3A_65, %max3A_67 : vector<512x128xf32>
    %get3A_69 = arith.constant 0 : index
    %get3A_70 = arith.constant 0 : index
    %get3A_71 = vector.load %arg5[%get3A_69, %get3A_70] : memref<512x128xf32, #tpu.memory_space<vmem>>, vector<512x128xf32>
    %swap3A = arith.constant 0 : index
    %swap3A_72 = arith.constant 0 : index
    %swap3A_73 = arith.constant 0 : index
    %swap3A_74 = vector.load %arg7[%swap3A, %swap3A_72, %swap3A_73] : memref<2x512x128xf32, #tpu.memory_space<vmem>>, vector<1x512x128xf32>
    %swap3A_75 = vector.shape_cast %swap3A_74 : vector<1x512x128xf32> to vector<512x128xf32>
    %swap3A_76 = vector.shape_cast %max3A_38 : vector<512x128xf32> to vector<1x512x128xf32>
    tpu.vector_store %arg7[%swap3A, %swap3A_72, %swap3A_73], %swap3A_76 {strides = array<i32>} : memref<2x512x128xf32, #tpu.memory_space<vmem>>, vector<1x512x128xf32>,
    %swap3A_77 = arith.constant 1 : index
    %swap3A_78 = arith.constant 0 : index
    %swap3A_79 = arith.constant 0 : index
    %swap3A_80 = vector.load %arg7[%swap3A_77, %swap3A_78, %swap3A_79] : memref<2x512x128xf32, #tpu.memory_space<vmem>>, vector<1x512x128xf32>
    %swap3A_81 = vector.shape_cast %swap3A_80 : vector<1x512x128xf32> to vector<512x128xf32>
    %swap3A_82 = vector.shape_cast %max3A_68 : vector<512x128xf32> to vector<1x512x128xf32>
    tpu.vector_store %arg7[%swap3A_77, %swap3A_78, %swap3A_79], %swap3A_82 {strides = array<i32>} : memref<2x512x128xf32, #tpu.memory_space<vmem>>, vector<1x512x128xf32>,
    %get3A_83 = arith.constant 0 : index
    %get3A_84 = arith.constant 0 : index
    %get3A_85 = arith.constant 0 : index
    %get3A_86 = arith.constant 0 : index
    %get3A_87 = vector.load %arg6[%get3A_83, %get3A_84, %get3A_85, %get3A_86] : memref<2x2x128x128xf32, #tpu.memory_space<vmem>>, vector<1x1x128x128xf32>
    %get3A_88 = vector.shape_cast %get3A_87 : vector<1x1x128x128xf32> to vector<128x128xf32>
    %dot_general3A = arith.constant dense<0.000000e+00> : vector<512x128xf32>
    %dot_general3A_89 = tpu.matmul %max3A_38, %get3A_88, %dot_general3A {dimension_numbers = #tpu.dot_dimension_numbers<[1], [0], [0], [1], [0, 0, 1, 1], [], []>, transpose_lhs_hint = false} : vector<512x128xf32>, vector<128x128xf32>, vector<512x128xf32> -> vector<512x128xf32>
    %get3A_90 = arith.constant 1 : index
    %get3A_91 = arith.constant 0 : index
    %get3A_92 = arith.constant 0 : index
    %get3A_93 = arith.constant 0 : index
    %get3A_94 = vector.load %arg6[%get3A_90, %get3A_91, %get3A_92, %get3A_93] : memref<2x2x128x128xf32, #tpu.memory_space<vmem>>, vector<1x1x128x128xf32>
    %get3A_95 = vector.shape_cast %get3A_94 : vector<1x1x128x128xf32> to vector<128x128xf32>
    %dot_general3A_96 = arith.constant dense<0.000000e+00> : vector<512x128xf32>
    %dot_general3A_97 = tpu.matmul %max3A_68, %get3A_95, %dot_general3A_96 {dimension_numbers = #tpu.dot_dimension_numbers<[1], [0], [0], [1], [0, 0, 1, 1], [], []>, transpose_lhs_hint = false} : vector<512x128xf32>, vector<128x128xf32>, vector<512x128xf32> -> vector<512x128xf32>
    %add3A_98 = arith.addf %dot_general3A_89, %dot_general3A_97 : vector<512x128xf32>
    %mul3A_99 = arith.mulf %add3A_98, %get3A_71 : vector<512x128xf32>
    %swap3A_100 = arith.constant 0 : index
    %swap3A_101 = arith.constant 0 : index
    %swap3A_102 = arith.constant 0 : index
    %swap3A_103 = vector.load %arg8[%swap3A_100, %swap3A_101, %swap3A_102] : memref<2x512x128xf32, #tpu.memory_space<vmem>>, vector<1x512x128xf32>
    %swap3A_104 = vector.shape_cast %swap3A_103 : vector<1x512x128xf32> to vector<512x128xf32>
    %swap3A_105 = vector.shape_cast %mul3A_99 : vector<512x128xf32> to vector<1x512x128xf32>
    tpu.vector_store %arg8[%swap3A_100, %swap3A_101, %swap3A_102], %swap3A_105 {strides = array<i32>} : memref<2x512x128xf32, #tpu.memory_space<vmem>>, vector<1x512x128xf32>,
    %get3A_106 = arith.constant 0 : index
    %get3A_107 = arith.constant 1 : index
    %get3A_108 = arith.constant 0 : index
    %get3A_109 = arith.constant 0 : index
    %get3A_110 = vector.load %arg6[%get3A_106, %get3A_107, %get3A_108, %get3A_109] : memref<2x2x128x128xf32, #tpu.memory_space<vmem>>, vector<1x1x128x128xf32>
    %get3A_111 = vector.shape_cast %get3A_110 : vector<1x1x128x128xf32> to vector<128x128xf32>
    %dot_general3A_112 = arith.constant dense<0.000000e+00> : vector<512x128xf32>
    %dot_general3A_113 = tpu.matmul %max3A_38, %get3A_111, %dot_general3A_112 {dimension_numbers = #tpu.dot_dimension_numbers<[1], [0], [0], [1], [0, 0, 1, 1], [], []>, transpose_lhs_hint = false} : vector<512x128xf32>, vector<128x128xf32>, vector<512x128xf32> -> vector<512x128xf32>
    %get3A_114 = arith.constant 1 : index
    %get3A_115 = arith.constant 1 : index
    %get3A_116 = arith.constant 0 : index
    %get3A_117 = arith.constant 0 : index
    %get3A_118 = vector.load %arg6[%get3A_114, %get3A_115, %get3A_116, %get3A_117] : memref<2x2x128x128xf32, #tpu.memory_space<vmem>>, vector<1x1x128x128xf32>
    %get3A_119 = vector.shape_cast %get3A_118 : vector<1x1x128x128xf32> to vector<128x128xf32>
    %dot_general3A_120 = arith.constant dense<0.000000e+00> : vector<512x128xf32>
    %dot_general3A_121 = tpu.matmul %max3A_68, %get3A_119, %dot_general3A_120 {dimension_numbers = #tpu.dot_dimension_numbers<[1], [0], [0], [1], [0, 0, 1, 1], [], []>, transpose_lhs_hint = false} : vector<512x128xf32>, vector<128x128xf32>, vector<512x128xf32> -> vector<512x128xf32>
    %add3A_122 = arith.addf %dot_general3A_113, %dot_general3A_121 : vector<512x128xf32>
    %mul3A_123 = arith.mulf %add3A_122, %get3A_71 : vector<512x128xf32>
    %swap3A_124 = arith.constant 1 : index
    %swap3A_125 = arith.constant 0 : index
    %swap3A_126 = arith.constant 0 : index
    %swap3A_127 = vector.load %arg8[%swap3A_124, %swap3A_125, %swap3A_126] : memref<2x512x128xf32, #tpu.memory_space<vmem>>, vector<1x512x128xf32>
    %swap3A_128 = vector.shape_cast %swap3A_127 : vector<1x512x128xf32> to vector<512x128xf32>
    %swap3A_129 = vector.shape_cast %mul3A_123 : vector<512x128xf32> to vector<1x512x128xf32>
    tpu.vector_store %arg8[%swap3A_124, %swap3A_125, %swap3A_126], %swap3A_129 {strides = array<i32>} : memref<2x512x128xf32, #tpu.memory_space<vmem>>, vector<1x512x128xf32>,
    return
  }
  func.func @transform_0(%arg0: i32) -> (i32, i32, i32) {
    %c0_i32 = arith.constant 0 : i32
    %c0_i32_0 = arith.constant 0 : i32
    %c0_i32_1 = arith.constant 0 : i32
    return %c0_i32, %arg0, %c0_i32_0 : i32, i32, i32
  }
  func.func @transform_1(%arg0: i32) -> (i32, i32) {
    %c0_i32 = arith.constant 0 : i32
    %c0_i32_0 = arith.constant 0 : i32
    %c0_i32_1 = arith.constant 0 : i32
    return %c0_i32, %c0_i32_0 : i32, i32
  }
  func.func @transform_2(%arg0: i32) -> (i32, i32, i32) {
    %c0_i32 = arith.constant 0 : i32
    %c0_i32_0 = arith.constant 0 : i32
    %c0_i32_1 = arith.constant 0 : i32
    %c0_i32_2 = arith.constant 0 : i32
    return %c0_i32, %c0_i32_0, %c0_i32_1 : i32, i32, i32
  }
  func.func @transform_3(%arg0: i32) -> (i32, i32, i32) {
    %c0_i32 = arith.constant 0 : i32
    %c0_i32_0 = arith.constant 0 : i32
    %c0_i32_1 = arith.constant 0 : i32
    %c0_i32_2 = arith.constant 0 : i32
    return %c0_i32, %c0_i32_0, %c0_i32_1 : i32, i32, i32
  }
  func.func @transform_4(%arg0: i32) -> (i32, i32) {
    %c0_i32 = arith.constant 0 : i32
    %c0_i32_0 = arith.constant 0 : i32
    return %arg0, %c0_i32 : i32, i32
  }
  func.func @transform_5(%arg0: i32) -> (i32, i32, i32, i32) {
    %c0_i32 = arith.constant 0 : i32
    %c0_i32_0 = arith.constant 0 : i32
    %c0_i32_1 = arith.constant 0 : i32
    %c0_i32_2 = arith.constant 0 : i32
    %c0_i32_3 = arith.constant 0 : i32
    return %c0_i32, %c0_i32_0, %c0_i32_1, %c0_i32_2 : i32, i32, i32, i32
  }
  func.func @transform_6(%arg0: i32) -> (i32, i32, i32) {
    %c0_i32 = arith.constant 0 : i32
    %c0_i32_0 = arith.constant 0 : i32
    %c0_i32_1 = arith.constant 0 : i32
    return %c0_i32, %arg0, %c0_i32_0 : i32, i32, i32
  }
  func.func @transform_7(%arg0: i32) -> (i32, i32, i32) {
    %c0_i32 = arith.constant 0 : i32
    %c0_i32_0 = arith.constant 0 : i32
    %c0_i32_1 = arith.constant 0 : i32
    return %c0_i32, %arg0, %c0_i32_0 : i32, i32, i32
  }
}

module attributes {stable_mosaic.version = 14 : i64} {
  func.func @_next_body(%arg0: i32, %arg1: memref<2x512x128xf32, #tpu.memory_space<vmem>>, %arg2: memref<2x64xf32, #tpu.memory_space<vmem>>, %arg3: memref<2x1x128xf32, #tpu.memory_space<vmem>>, %arg4: memref<2x1x128xf32, #tpu.memory_space<vmem>>, %arg5: memref<512x128xf32, #tpu.memory_space<vmem>>, %arg6: memref<2x2x128x128xf32, #tpu.memory_space<vmem>>, %arg7: memref<2x512x128xf32, #tpu.memory_space<vmem>>, %arg8: memref<2x512x128xf32, #tpu.memory_space<vmem>>, %arg9: memref<2x512x128xf32, #tpu.memory_space<vmem>>) attributes {dimension_semantics = [#tpu.dimension_semantics<arbitrary>], iteration_bounds = array<i64: 25>, scalar_prefetch = 0 : i64, scratch_operands = 0 : i64, tpu.core_type = #tpu.core_type<tc>, window_params = [{transform_indices = @transform_0, window_bounds = array<i64: 2, 512, 128>}, {pipeline_mode = #tpu.pipeline_mode<synchronous>, transform_indices = @transform_1, window_bounds = array<i64: 2, 64>}, {pipeline_mode = #tpu.pipeline_mode<synchronous>, transform_indices = @transform_2, window_bounds = array<i64: 2, 1, 128>}, {pipeline_mode = #tpu.pipeline_mode<synchronous>, transform_indices = @transform_3, window_bounds = array<i64: 2, 1, 128>}, {transform_indices = @transform_4, window_bounds = array<i64: 512, 128>}, {pipeline_mode = #tpu.pipeline_mode<synchronous>, transform_indices = @transform_5, window_bounds = array<i64: 2, 2, 128, 128>}, {transform_indices = @transform_6, window_bounds = array<i64: 2, 512, 128>}, {transform_indices = @transform_7, window_bounds = array<i64: 2, 512, 128>}, {transform_indices = @transform_8, window_bounds = array<i64: 2, 512, 128>}]} {
    %get3A = arith.constant 0 : index
    %get3A_0 = arith.constant 0 : index
    %get3A_1 = vector.load %arg2[%get3A, %get3A_0] : memref<2x64xf32, #tpu.memory_space<vmem>>, vector<2x64xf32>
    %slice3A = vector.extract_strided_slice %get3A_1 {offsets = [0, 0], sizes = [1, 64], strides = [1, 1]} : vector<2x64xf32> to vector<1x64xf32>
    %mul3A = arith.constant 2.000000e-05 : f32
    %mul3A_2 = vector.broadcast %mul3A : f32 to vector<1x64xf32>
    %mul3A_3 = arith.mulf %slice3A, %mul3A_2 : vector<1x64xf32>
    %slice3A_4 = vector.extract_strided_slice %get3A_1 {offsets = [1, 0], sizes = [1, 64], strides = [1, 1]} : vector<2x64xf32> to vector<1x64xf32>
    %mul3A_5 = arith.constant 2.000000e-05 : f32
    %mul3A_6 = vector.broadcast %mul3A_5 : f32 to vector<1x64xf32>
    %mul3A_7 = arith.mulf %slice3A_4, %mul3A_6 : vector<1x64xf32>
    %mul3A_8 = arith.mulf %mul3A_3, %mul3A_3 : vector<1x64xf32>
    %sub3A = arith.subf %mul3A_7, %mul3A_8 : vector<1x64xf32>
    %add3A = arith.constant 9.99999974E-6 : f32
    %add3A_9 = vector.broadcast %add3A : f32 to vector<1x64xf32>
    %add3A_10 = arith.addf %sub3A, %add3A_9 : vector<1x64xf32>
    %rsqrt3A = math.rsqrt %add3A_10 : vector<1x64xf32>
    %slice3A_11 = vector.extract_strided_slice %mul3A_3 {offsets = [0, 0], sizes = [1, 32], strides = [1, 1]} : vector<1x64xf32> to vector<1x32xf32>
    %concatenate3A = tpu.concatenate %slice3A_11, %slice3A_11, %slice3A_11, %slice3A_11 in 1 : vector<1x32xf32>, vector<1x32xf32>, vector<1x32xf32>, vector<1x32xf32> -> vector<1x128xf32>
    %slice3A_12 = vector.extract_strided_slice %rsqrt3A {offsets = [0, 0], sizes = [1, 32], strides = [1, 1]} : vector<1x64xf32> to vector<1x32xf32>
    %concatenate3A_13 = tpu.concatenate %slice3A_12, %slice3A_12, %slice3A_12, %slice3A_12 in 1 : vector<1x32xf32>, vector<1x32xf32>, vector<1x32xf32>, vector<1x32xf32> -> vector<1x128xf32>
    %get3A_14 = arith.constant 0 : index
    %get3A_15 = arith.constant 0 : index
    %get3A_16 = arith.constant 0 : index
    %get3A_17 = vector.load %arg1[%get3A_14, %get3A_15, %get3A_16] : memref<2x512x128xf32, #tpu.memory_space<vmem>>, vector<1x512x128xf32>
    %get3A_18 = vector.shape_cast %get3A_17 : vector<1x512x128xf32> to vector<512x128xf32>
    %sub3A_19 = vector.broadcast %concatenate3A : vector<1x128xf32> to vector<512x128xf32>
    %sub3A_20 = arith.subf %get3A_18, %sub3A_19 : vector<512x128xf32>
    %mul3A_21 = vector.broadcast %concatenate3A_13 : vector<1x128xf32> to vector<512x128xf32>
    %mul3A_22 = arith.mulf %sub3A_20, %mul3A_21 : vector<512x128xf32>
    %get3A_23 = arith.constant 0 : index
    %get3A_24 = arith.constant 0 : index
    %get3A_25 = arith.constant 0 : index
    %get3A_26 = vector.load %arg3[%get3A_23, %get3A_24, %get3A_25] : memref<2x1x128xf32, #tpu.memory_space<vmem>>, vector<1x1x128xf32>
    %get3A_27 = vector.shape_cast %get3A_26 : vector<1x1x128xf32> to vector<1x128xf32>
    %mul3A_28 = vector.broadcast %get3A_27 : vector<1x128xf32> to vector<512x128xf32>
    %mul3A_29 = arith.mulf %mul3A_22, %mul3A_28 : vector<512x128xf32>
    %get3A_30 = arith.constant 0 : index
    %get3A_31 = arith.constant 0 : index
    %get3A_32 = arith.constant 0 : index
    %get3A_33 = vector.load %arg4[%get3A_30, %get3A_31, %get3A_32] : memref<2x1x128xf32, #tpu.memory_space<vmem>>, vector<1x1x128xf32>
    %get3A_34 = vector.shape_cast %get3A_33 : vector<1x1x128xf32> to vector<1x128xf32>
    %add3A_35 = vector.broadcast %get3A_34 : vector<1x128xf32> to vector<512x128xf32>
    %add3A_36 = arith.addf %mul3A_29, %add3A_35 : vector<512x128xf32>
    %max3A = arith.constant 0.000000e+00 : f32
    %max3A_37 = vector.broadcast %max3A : f32 to vector<512x128xf32>
    %max3A_38 = arith.maximumf %add3A_36, %max3A_37 : vector<512x128xf32>
    %get3A_39 = arith.constant 0 : index
    %get3A_40 = arith.constant 0 : index
    %get3A_41 = arith.constant 0 : index
    %get3A_42 = vector.load %arg7[%get3A_39, %get3A_40, %get3A_41] : memref<2x512x128xf32, #tpu.memory_space<vmem>>, vector<1x512x128xf32>
    %get3A_43 = vector.shape_cast %get3A_42 : vector<1x512x128xf32> to vector<512x128xf32>
    %add3A_44 = arith.addf %max3A_38, %get3A_43 : vector<512x128xf32>
    %slice3A_45 = vector.extract_strided_slice %mul3A_3 {offsets = [0, 32], sizes = [1, 32], strides = [1, 1]} : vector<1x64xf32> to vector<1x32xf32>
    %concatenate3A_46 = tpu.concatenate %slice3A_45, %slice3A_45, %slice3A_45, %slice3A_45 in 1 : vector<1x32xf32>, vector<1x32xf32>, vector<1x32xf32>, vector<1x32xf32> -> vector<1x128xf32>
    %slice3A_47 = vector.extract_strided_slice %rsqrt3A {offsets = [0, 32], sizes = [1, 32], strides = [1, 1]} : vector<1x64xf32> to vector<1x32xf32>
    %concatenate3A_48 = tpu.concatenate %slice3A_47, %slice3A_47, %slice3A_47, %slice3A_47 in 1 : vector<1x32xf32>, vector<1x32xf32>, vector<1x32xf32>, vector<1x32xf32> -> vector<1x128xf32>
    %get3A_49 = arith.constant 1 : index
    %get3A_50 = arith.constant 0 : index
    %get3A_51 = arith.constant 0 : index
    %get3A_52 = vector.load %arg1[%get3A_49, %get3A_50, %get3A_51] : memref<2x512x128xf32, #tpu.memory_space<vmem>>, vector<1x512x128xf32>
    %get3A_53 = vector.shape_cast %get3A_52 : vector<1x512x128xf32> to vector<512x128xf32>
    %sub3A_54 = vector.broadcast %concatenate3A_46 : vector<1x128xf32> to vector<512x128xf32>
    %sub3A_55 = arith.subf %get3A_53, %sub3A_54 : vector<512x128xf32>
    %mul3A_56 = vector.broadcast %concatenate3A_48 : vector<1x128xf32> to vector<512x128xf32>
    %mul3A_57 = arith.mulf %sub3A_55, %mul3A_56 : vector<512x128xf32>
    %get3A_58 = arith.constant 1 : index
    %get3A_59 = arith.constant 0 : index
    %get3A_60 = arith.constant 0 : index
    %get3A_61 = vector.load %arg3[%get3A_58, %get3A_59, %get3A_60] : memref<2x1x128xf32, #tpu.memory_space<vmem>>, vector<1x1x128xf32>
    %get3A_62 = vector.shape_cast %get3A_61 : vector<1x1x128xf32> to vector<1x128xf32>
    %mul3A_63 = vector.broadcast %get3A_62 : vector<1x128xf32> to vector<512x128xf32>
    %mul3A_64 = arith.mulf %mul3A_57, %mul3A_63 : vector<512x128xf32>
    %get3A_65 = arith.constant 1 : index
    %get3A_66 = arith.constant 0 : index
    %get3A_67 = arith.constant 0 : index
    %get3A_68 = vector.load %arg4[%get3A_65, %get3A_66, %get3A_67] : memref<2x1x128xf32, #tpu.memory_space<vmem>>, vector<1x1x128xf32>
    %get3A_69 = vector.shape_cast %get3A_68 : vector<1x1x128xf32> to vector<1x128xf32>
    %add3A_70 = vector.broadcast %get3A_69 : vector<1x128xf32> to vector<512x128xf32>
    %add3A_71 = arith.addf %mul3A_64, %add3A_70 : vector<512x128xf32>
    %max3A_72 = arith.constant 0.000000e+00 : f32
    %max3A_73 = vector.broadcast %max3A_72 : f32 to vector<512x128xf32>
    %max3A_74 = arith.maximumf %add3A_71, %max3A_73 : vector<512x128xf32>
    %get3A_75 = arith.constant 1 : index
    %get3A_76 = arith.constant 0 : index
    %get3A_77 = arith.constant 0 : index
    %get3A_78 = vector.load %arg7[%get3A_75, %get3A_76, %get3A_77] : memref<2x512x128xf32, #tpu.memory_space<vmem>>, vector<1x512x128xf32>
    %get3A_79 = vector.shape_cast %get3A_78 : vector<1x512x128xf32> to vector<512x128xf32>
    %add3A_80 = arith.addf %max3A_74, %get3A_79 : vector<512x128xf32>
    %get3A_81 = arith.constant 0 : index
    %get3A_82 = arith.constant 0 : index
    %get3A_83 = vector.load %arg5[%get3A_81, %get3A_82] : memref<512x128xf32, #tpu.memory_space<vmem>>, vector<512x128xf32>
    %swap3A = arith.constant 0 : index
    %swap3A_84 = arith.constant 0 : index
    %swap3A_85 = arith.constant 0 : index
    %swap3A_86 = vector.load %arg8[%swap3A, %swap3A_84, %swap3A_85] : memref<2x512x128xf32, #tpu.memory_space<vmem>>, vector<1x512x128xf32>
    %swap3A_87 = vector.shape_cast %swap3A_86 : vector<1x512x128xf32> to vector<512x128xf32>
    %swap3A_88 = vector.shape_cast %add3A_44 : vector<512x128xf32> to vector<1x512x128xf32>
    tpu.vector_store %arg8[%swap3A, %swap3A_84, %swap3A_85], %swap3A_88 {strides = array<i32>} : memref<2x512x128xf32, #tpu.memory_space<vmem>>, vector<1x512x128xf32>,
    %swap3A_89 = arith.constant 1 : index
    %swap3A_90 = arith.constant 0 : index
    %swap3A_91 = arith.constant 0 : index
    %swap3A_92 = vector.load %arg8[%swap3A_89, %swap3A_90, %swap3A_91] : memref<2x512x128xf32, #tpu.memory_space<vmem>>, vector<1x512x128xf32>
    %swap3A_93 = vector.shape_cast %swap3A_92 : vector<1x512x128xf32> to vector<512x128xf32>
    %swap3A_94 = vector.shape_cast %add3A_80 : vector<512x128xf32> to vector<1x512x128xf32>
    tpu.vector_store %arg8[%swap3A_89, %swap3A_90, %swap3A_91], %swap3A_94 {strides = array<i32>} : memref<2x512x128xf32, #tpu.memory_space<vmem>>, vector<1x512x128xf32>,
    %get3A_95 = arith.constant 0 : index
    %get3A_96 = arith.constant 0 : index
    %get3A_97 = arith.constant 0 : index
    %get3A_98 = arith.constant 0 : index
    %get3A_99 = vector.load %arg6[%get3A_95, %get3A_96, %get3A_97, %get3A_98] : memref<2x2x128x128xf32, #tpu.memory_space<vmem>>, vector<1x1x128x128xf32>
    %get3A_100 = vector.shape_cast %get3A_99 : vector<1x1x128x128xf32> to vector<128x128xf32>
    %dot_general3A = arith.constant dense<0.000000e+00> : vector<512x128xf32>
    %dot_general3A_101 = tpu.matmul %add3A_44, %get3A_100, %dot_general3A {dimension_numbers = #tpu.dot_dimension_numbers<[1], [0], [0], [1], [0, 0, 1, 1], [], []>, transpose_lhs_hint = false} : vector<512x128xf32>, vector<128x128xf32>, vector<512x128xf32> -> vector<512x128xf32>
    %get3A_102 = arith.constant 1 : index
    %get3A_103 = arith.constant 0 : index
    %get3A_104 = arith.constant 0 : index
    %get3A_105 = arith.constant 0 : index
    %get3A_106 = vector.load %arg6[%get3A_102, %get3A_103, %get3A_104, %get3A_105] : memref<2x2x128x128xf32, #tpu.memory_space<vmem>>, vector<1x1x128x128xf32>
    %get3A_107 = vector.shape_cast %get3A_106 : vector<1x1x128x128xf32> to vector<128x128xf32>
    %dot_general3A_108 = arith.constant dense<0.000000e+00> : vector<512x128xf32>
    %dot_general3A_109 = tpu.matmul %add3A_80, %get3A_107, %dot_general3A_108 {dimension_numbers = #tpu.dot_dimension_numbers<[1], [0], [0], [1], [0, 0, 1, 1], [], []>, transpose_lhs_hint = false} : vector<512x128xf32>, vector<128x128xf32>, vector<512x128xf32> -> vector<512x128xf32>
    %add3A_110 = arith.addf %dot_general3A_101, %dot_general3A_109 : vector<512x128xf32>
    %mul3A_111 = arith.mulf %add3A_110, %get3A_83 : vector<512x128xf32>
    %swap3A_112 = arith.constant 0 : index
    %swap3A_113 = arith.constant 0 : index
    %swap3A_114 = arith.constant 0 : index
    %swap3A_115 = vector.load %arg9[%swap3A_112, %swap3A_113, %swap3A_114] : memref<2x512x128xf32, #tpu.memory_space<vmem>>, vector<1x512x128xf32>
    %swap3A_116 = vector.shape_cast %swap3A_115 : vector<1x512x128xf32> to vector<512x128xf32>
    %swap3A_117 = vector.shape_cast %mul3A_111 : vector<512x128xf32> to vector<1x512x128xf32>
    tpu.vector_store %arg9[%swap3A_112, %swap3A_113, %swap3A_114], %swap3A_117 {strides = array<i32>} : memref<2x512x128xf32, #tpu.memory_space<vmem>>, vector<1x512x128xf32>,
    %get3A_118 = arith.constant 0 : index
    %get3A_119 = arith.constant 1 : index
    %get3A_120 = arith.constant 0 : index
    %get3A_121 = arith.constant 0 : index
    %get3A_122 = vector.load %arg6[%get3A_118, %get3A_119, %get3A_120, %get3A_121] : memref<2x2x128x128xf32, #tpu.memory_space<vmem>>, vector<1x1x128x128xf32>
    %get3A_123 = vector.shape_cast %get3A_122 : vector<1x1x128x128xf32> to vector<128x128xf32>
    %dot_general3A_124 = arith.constant dense<0.000000e+00> : vector<512x128xf32>
    %dot_general3A_125 = tpu.matmul %add3A_44, %get3A_123, %dot_general3A_124 {dimension_numbers = #tpu.dot_dimension_numbers<[1], [0], [0], [1], [0, 0, 1, 1], [], []>, transpose_lhs_hint = false} : vector<512x128xf32>, vector<128x128xf32>, vector<512x128xf32> -> vector<512x128xf32>
    %get3A_126 = arith.constant 1 : index
    %get3A_127 = arith.constant 1 : index
    %get3A_128 = arith.constant 0 : index
    %get3A_129 = arith.constant 0 : index
    %get3A_130 = vector.load %arg6[%get3A_126, %get3A_127, %get3A_128, %get3A_129] : memref<2x2x128x128xf32, #tpu.memory_space<vmem>>, vector<1x1x128x128xf32>
    %get3A_131 = vector.shape_cast %get3A_130 : vector<1x1x128x128xf32> to vector<128x128xf32>
    %dot_general3A_132 = arith.constant dense<0.000000e+00> : vector<512x128xf32>
    %dot_general3A_133 = tpu.matmul %add3A_80, %get3A_131, %dot_general3A_132 {dimension_numbers = #tpu.dot_dimension_numbers<[1], [0], [0], [1], [0, 0, 1, 1], [], []>, transpose_lhs_hint = false} : vector<512x128xf32>, vector<128x128xf32>, vector<512x128xf32> -> vector<512x128xf32>
    %add3A_134 = arith.addf %dot_general3A_125, %dot_general3A_133 : vector<512x128xf32>
    %mul3A_135 = arith.mulf %add3A_134, %get3A_83 : vector<512x128xf32>
    %swap3A_136 = arith.constant 1 : index
    %swap3A_137 = arith.constant 0 : index
    %swap3A_138 = arith.constant 0 : index
    %swap3A_139 = vector.load %arg9[%swap3A_136, %swap3A_137, %swap3A_138] : memref<2x512x128xf32, #tpu.memory_space<vmem>>, vector<1x512x128xf32>
    %swap3A_140 = vector.shape_cast %swap3A_139 : vector<1x512x128xf32> to vector<512x128xf32>
    %swap3A_141 = vector.shape_cast %mul3A_135 : vector<512x128xf32> to vector<1x512x128xf32>
    tpu.vector_store %arg9[%swap3A_136, %swap3A_137, %swap3A_138], %swap3A_141 {strides = array<i32>} : memref<2x512x128xf32, #tpu.memory_space<vmem>>, vector<1x512x128xf32>,
    return
  }
  func.func @transform_0(%arg0: i32) -> (i32, i32, i32) {
    %c0_i32 = arith.constant 0 : i32
    %c0_i32_0 = arith.constant 0 : i32
    %c0_i32_1 = arith.constant 0 : i32
    return %c0_i32, %arg0, %c0_i32_0 : i32, i32, i32
  }
  func.func @transform_1(%arg0: i32) -> (i32, i32) {
    %c0_i32 = arith.constant 0 : i32
    %c0_i32_0 = arith.constant 0 : i32
    %c0_i32_1 = arith.constant 0 : i32
    return %c0_i32, %c0_i32_0 : i32, i32
  }
  func.func @transform_2(%arg0: i32) -> (i32, i32, i32) {
    %c0_i32 = arith.constant 0 : i32
    %c0_i32_0 = arith.constant 0 : i32
    %c0_i32_1 = arith.constant 0 : i32
    %c0_i32_2 = arith.constant 0 : i32
    return %c0_i32, %c0_i32_0, %c0_i32_1 : i32, i32, i32
  }
  func.func @transform_3(%arg0: i32) -> (i32, i32, i32) {
    %c0_i32 = arith.constant 0 : i32
    %c0_i32_0 = arith.constant 0 : i32
    %c0_i32_1 = arith.constant 0 : i32
    %c0_i32_2 = arith.constant 0 : i32
    return %c0_i32, %c0_i32_0, %c0_i32_1 : i32, i32, i32
  }
  func.func @transform_4(%arg0: i32) -> (i32, i32) {
    %c0_i32 = arith.constant 0 : i32
    %c0_i32_0 = arith.constant 0 : i32
    return %arg0, %c0_i32 : i32, i32
  }
  func.func @transform_5(%arg0: i32) -> (i32, i32, i32, i32) {
    %c0_i32 = arith.constant 0 : i32
    %c0_i32_0 = arith.constant 0 : i32
    %c0_i32_1 = arith.constant 0 : i32
    %c0_i32_2 = arith.constant 0 : i32
    %c0_i32_3 = arith.constant 0 : i32
    return %c0_i32, %c0_i32_0, %c0_i32_1, %c0_i32_2 : i32, i32, i32, i32
  }
  func.func @transform_6(%arg0: i32) -> (i32, i32, i32) {
    %c0_i32 = arith.constant 0 : i32
    %c0_i32_0 = arith.constant 0 : i32
    %c0_i32_1 = arith.constant 0 : i32
    return %c0_i32, %arg0, %c0_i32_0 : i32, i32, i32
  }
  func.func @transform_7(%arg0: i32) -> (i32, i32, i32) {
    %c0_i32 = arith.constant 0 : i32
    %c0_i32_0 = arith.constant 0 : i32
    %c0_i32_1 = arith.constant 0 : i32
    return %c0_i32, %arg0, %c0_i32_0 : i32, i32, i32
  }
  func.func @transform_8(%arg0: i32) -> (i32, i32, i32) {
    %c0_i32 = arith.constant 0 : i32
    %c0_i32_0 = arith.constant 0 : i32
    %c0_i32_1 = arith.constant 0 : i32
    return %c0_i32, %arg0, %c0_i32_0 : i32, i32, i32
  }
}

module attributes {stable_mosaic.version = 14 : i64} {
  func.func @_head_body(%arg0: i32, %arg1: memref<2x512x128xf32, #tpu.memory_space<vmem>>, %arg2: memref<2x64xf32, #tpu.memory_space<vmem>>, %arg3: memref<2x1x128xf32, #tpu.memory_space<vmem>>, %arg4: memref<2x1x128xf32, #tpu.memory_space<vmem>>, %arg5: memref<2x512x128xf32, #tpu.memory_space<vmem>>, %arg6: memref<2x128x128xf32, #tpu.memory_space<vmem>>, %arg7: memref<1x128xf32, #tpu.memory_space<vmem>>, %arg8: memref<128x64xf32, #tpu.memory_space<vmem>>, %arg9: memref<1x64xf32, #tpu.memory_space<vmem>>, %arg10: memref<64x40xf32, #tpu.memory_space<vmem>>, %arg11: memref<1x40xf32, #tpu.memory_space<vmem>>, %arg12: memref<512x40xf32, #tpu.memory_space<vmem>>) attributes {dimension_semantics = [#tpu.dimension_semantics<arbitrary>], iteration_bounds = array<i64: 25>, scalar_prefetch = 0 : i64, scratch_operands = 0 : i64, tpu.core_type = #tpu.core_type<tc>, window_params = [{transform_indices = @transform_0, window_bounds = array<i64: 2, 512, 128>}, {pipeline_mode = #tpu.pipeline_mode<synchronous>, transform_indices = @transform_1, window_bounds = array<i64: 2, 64>}, {pipeline_mode = #tpu.pipeline_mode<synchronous>, transform_indices = @transform_2, window_bounds = array<i64: 2, 1, 128>}, {pipeline_mode = #tpu.pipeline_mode<synchronous>, transform_indices = @transform_3, window_bounds = array<i64: 2, 1, 128>}, {transform_indices = @transform_4, window_bounds = array<i64: 2, 512, 128>}, {pipeline_mode = #tpu.pipeline_mode<synchronous>, transform_indices = @transform_5, window_bounds = array<i64: 2, 128, 128>}, {pipeline_mode = #tpu.pipeline_mode<synchronous>, transform_indices = @transform_6, window_bounds = array<i64: 1, 128>}, {pipeline_mode = #tpu.pipeline_mode<synchronous>, transform_indices = @transform_7, window_bounds = array<i64: 128, 64>}, {pipeline_mode = #tpu.pipeline_mode<synchronous>, transform_indices = @transform_8, window_bounds = array<i64: 1, 64>}, {pipeline_mode = #tpu.pipeline_mode<synchronous>, transform_indices = @transform_9, window_bounds = array<i64: 64, 40>}, {pipeline_mode = #tpu.pipeline_mode<synchronous>, transform_indices = @transform_10, window_bounds = array<i64: 1, 40>}, {transform_indices = @transform_11, window_bounds = array<i64: 512, 40>}]} {
    %get3A = arith.constant 0 : index
    %get3A_0 = arith.constant 0 : index
    %get3A_1 = vector.load %arg2[%get3A, %get3A_0] : memref<2x64xf32, #tpu.memory_space<vmem>>, vector<2x64xf32>
    %slice3A = vector.extract_strided_slice %get3A_1 {offsets = [0, 0], sizes = [1, 64], strides = [1, 1]} : vector<2x64xf32> to vector<1x64xf32>
    %mul3A = arith.constant 2.000000e-05 : f32
    %mul3A_2 = vector.broadcast %mul3A : f32 to vector<1x64xf32>
    %mul3A_3 = arith.mulf %slice3A, %mul3A_2 : vector<1x64xf32>
    %slice3A_4 = vector.extract_strided_slice %get3A_1 {offsets = [1, 0], sizes = [1, 64], strides = [1, 1]} : vector<2x64xf32> to vector<1x64xf32>
    %mul3A_5 = arith.constant 2.000000e-05 : f32
    %mul3A_6 = vector.broadcast %mul3A_5 : f32 to vector<1x64xf32>
    %mul3A_7 = arith.mulf %slice3A_4, %mul3A_6 : vector<1x64xf32>
    %mul3A_8 = arith.mulf %mul3A_3, %mul3A_3 : vector<1x64xf32>
    %sub3A = arith.subf %mul3A_7, %mul3A_8 : vector<1x64xf32>
    %add3A = arith.constant 9.99999974E-6 : f32
    %add3A_9 = vector.broadcast %add3A : f32 to vector<1x64xf32>
    %add3A_10 = arith.addf %sub3A, %add3A_9 : vector<1x64xf32>
    %rsqrt3A = math.rsqrt %add3A_10 : vector<1x64xf32>
    %slice3A_11 = vector.extract_strided_slice %mul3A_3 {offsets = [0, 0], sizes = [1, 32], strides = [1, 1]} : vector<1x64xf32> to vector<1x32xf32>
    %concatenate3A = tpu.concatenate %slice3A_11, %slice3A_11, %slice3A_11, %slice3A_11 in 1 : vector<1x32xf32>, vector<1x32xf32>, vector<1x32xf32>, vector<1x32xf32> -> vector<1x128xf32>
    %slice3A_12 = vector.extract_strided_slice %rsqrt3A {offsets = [0, 0], sizes = [1, 32], strides = [1, 1]} : vector<1x64xf32> to vector<1x32xf32>
    %concatenate3A_13 = tpu.concatenate %slice3A_12, %slice3A_12, %slice3A_12, %slice3A_12 in 1 : vector<1x32xf32>, vector<1x32xf32>, vector<1x32xf32>, vector<1x32xf32> -> vector<1x128xf32>
    %get3A_14 = arith.constant 0 : index
    %get3A_15 = arith.constant 0 : index
    %get3A_16 = arith.constant 0 : index
    %get3A_17 = vector.load %arg1[%get3A_14, %get3A_15, %get3A_16] : memref<2x512x128xf32, #tpu.memory_space<vmem>>, vector<1x512x128xf32>
    %get3A_18 = vector.shape_cast %get3A_17 : vector<1x512x128xf32> to vector<512x128xf32>
    %sub3A_19 = vector.broadcast %concatenate3A : vector<1x128xf32> to vector<512x128xf32>
    %sub3A_20 = arith.subf %get3A_18, %sub3A_19 : vector<512x128xf32>
    %mul3A_21 = vector.broadcast %concatenate3A_13 : vector<1x128xf32> to vector<512x128xf32>
    %mul3A_22 = arith.mulf %sub3A_20, %mul3A_21 : vector<512x128xf32>
    %get3A_23 = arith.constant 0 : index
    %get3A_24 = arith.constant 0 : index
    %get3A_25 = arith.constant 0 : index
    %get3A_26 = vector.load %arg3[%get3A_23, %get3A_24, %get3A_25] : memref<2x1x128xf32, #tpu.memory_space<vmem>>, vector<1x1x128xf32>
    %get3A_27 = vector.shape_cast %get3A_26 : vector<1x1x128xf32> to vector<1x128xf32>
    %mul3A_28 = vector.broadcast %get3A_27 : vector<1x128xf32> to vector<512x128xf32>
    %mul3A_29 = arith.mulf %mul3A_22, %mul3A_28 : vector<512x128xf32>
    %get3A_30 = arith.constant 0 : index
    %get3A_31 = arith.constant 0 : index
    %get3A_32 = arith.constant 0 : index
    %get3A_33 = vector.load %arg4[%get3A_30, %get3A_31, %get3A_32] : memref<2x1x128xf32, #tpu.memory_space<vmem>>, vector<1x1x128xf32>
    %get3A_34 = vector.shape_cast %get3A_33 : vector<1x1x128xf32> to vector<1x128xf32>
    %add3A_35 = vector.broadcast %get3A_34 : vector<1x128xf32> to vector<512x128xf32>
    %add3A_36 = arith.addf %mul3A_29, %add3A_35 : vector<512x128xf32>
    %max3A = arith.constant 0.000000e+00 : f32
    %max3A_37 = vector.broadcast %max3A : f32 to vector<512x128xf32>
    %max3A_38 = arith.maximumf %add3A_36, %max3A_37 : vector<512x128xf32>
    %get3A_39 = arith.constant 0 : index
    %get3A_40 = arith.constant 0 : index
    %get3A_41 = arith.constant 0 : index
    %get3A_42 = vector.load %arg5[%get3A_39, %get3A_40, %get3A_41] : memref<2x512x128xf32, #tpu.memory_space<vmem>>, vector<1x512x128xf32>
    %get3A_43 = vector.shape_cast %get3A_42 : vector<1x512x128xf32> to vector<512x128xf32>
    %add3A_44 = arith.addf %max3A_38, %get3A_43 : vector<512x128xf32>
    %slice3A_45 = vector.extract_strided_slice %mul3A_3 {offsets = [0, 32], sizes = [1, 32], strides = [1, 1]} : vector<1x64xf32> to vector<1x32xf32>
    %concatenate3A_46 = tpu.concatenate %slice3A_45, %slice3A_45, %slice3A_45, %slice3A_45 in 1 : vector<1x32xf32>, vector<1x32xf32>, vector<1x32xf32>, vector<1x32xf32> -> vector<1x128xf32>
    %slice3A_47 = vector.extract_strided_slice %rsqrt3A {offsets = [0, 32], sizes = [1, 32], strides = [1, 1]} : vector<1x64xf32> to vector<1x32xf32>
    %concatenate3A_48 = tpu.concatenate %slice3A_47, %slice3A_47, %slice3A_47, %slice3A_47 in 1 : vector<1x32xf32>, vector<1x32xf32>, vector<1x32xf32>, vector<1x32xf32> -> vector<1x128xf32>
    %get3A_49 = arith.constant 1 : index
    %get3A_50 = arith.constant 0 : index
    %get3A_51 = arith.constant 0 : index
    %get3A_52 = vector.load %arg1[%get3A_49, %get3A_50, %get3A_51] : memref<2x512x128xf32, #tpu.memory_space<vmem>>, vector<1x512x128xf32>
    %get3A_53 = vector.shape_cast %get3A_52 : vector<1x512x128xf32> to vector<512x128xf32>
    %sub3A_54 = vector.broadcast %concatenate3A_46 : vector<1x128xf32> to vector<512x128xf32>
    %sub3A_55 = arith.subf %get3A_53, %sub3A_54 : vector<512x128xf32>
    %mul3A_56 = vector.broadcast %concatenate3A_48 : vector<1x128xf32> to vector<512x128xf32>
    %mul3A_57 = arith.mulf %sub3A_55, %mul3A_56 : vector<512x128xf32>
    %get3A_58 = arith.constant 1 : index
    %get3A_59 = arith.constant 0 : index
    %get3A_60 = arith.constant 0 : index
    %get3A_61 = vector.load %arg3[%get3A_58, %get3A_59, %get3A_60] : memref<2x1x128xf32, #tpu.memory_space<vmem>>, vector<1x1x128xf32>
    %get3A_62 = vector.shape_cast %get3A_61 : vector<1x1x128xf32> to vector<1x128xf32>
    %mul3A_63 = vector.broadcast %get3A_62 : vector<1x128xf32> to vector<512x128xf32>
    %mul3A_64 = arith.mulf %mul3A_57, %mul3A_63 : vector<512x128xf32>
    %get3A_65 = arith.constant 1 : index
    %get3A_66 = arith.constant 0 : index
    %get3A_67 = arith.constant 0 : index
    %get3A_68 = vector.load %arg4[%get3A_65, %get3A_66, %get3A_67] : memref<2x1x128xf32, #tpu.memory_space<vmem>>, vector<1x1x128xf32>
    %get3A_69 = vector.shape_cast %get3A_68 : vector<1x1x128xf32> to vector<1x128xf32>
    %add3A_70 = vector.broadcast %get3A_69 : vector<1x128xf32> to vector<512x128xf32>
    %add3A_71 = arith.addf %mul3A_64, %add3A_70 : vector<512x128xf32>
    %max3A_72 = arith.constant 0.000000e+00 : f32
    %max3A_73 = vector.broadcast %max3A_72 : f32 to vector<512x128xf32>
    %max3A_74 = arith.maximumf %add3A_71, %max3A_73 : vector<512x128xf32>
    %get3A_75 = arith.constant 1 : index
    %get3A_76 = arith.constant 0 : index
    %get3A_77 = arith.constant 0 : index
    %get3A_78 = vector.load %arg5[%get3A_75, %get3A_76, %get3A_77] : memref<2x512x128xf32, #tpu.memory_space<vmem>>, vector<1x512x128xf32>
    %get3A_79 = vector.shape_cast %get3A_78 : vector<1x512x128xf32> to vector<512x128xf32>
    %add3A_80 = arith.addf %max3A_74, %get3A_79 : vector<512x128xf32>
    %get3A_81 = arith.constant 0 : index
    %get3A_82 = arith.constant 0 : index
    %get3A_83 = arith.constant 0 : index
    %get3A_84 = vector.load %arg6[%get3A_81, %get3A_82, %get3A_83] : memref<2x128x128xf32, #tpu.memory_space<vmem>>, vector<1x128x128xf32>
    %get3A_85 = vector.shape_cast %get3A_84 : vector<1x128x128xf32> to vector<128x128xf32>
    %dot_general3A = arith.constant dense<0.000000e+00> : vector<512x128xf32>
    %dot_general3A_86 = tpu.matmul %add3A_44, %get3A_85, %dot_general3A {dimension_numbers = #tpu.dot_dimension_numbers<[1], [0], [0], [1], [0, 0, 1, 1], [], []>, transpose_lhs_hint = false} : vector<512x128xf32>, vector<128x128xf32>, vector<512x128xf32> -> vector<512x128xf32>
    %get3A_87 = arith.constant 1 : index
    %get3A_88 = arith.constant 0 : index
    %get3A_89 = arith.constant 0 : index
    %get3A_90 = vector.load %arg6[%get3A_87, %get3A_88, %get3A_89] : memref<2x128x128xf32, #tpu.memory_space<vmem>>, vector<1x128x128xf32>
    %get3A_91 = vector.shape_cast %get3A_90 : vector<1x128x128xf32> to vector<128x128xf32>
    %dot_general3A_92 = arith.constant dense<0.000000e+00> : vector<512x128xf32>
    %dot_general3A_93 = tpu.matmul %add3A_80, %get3A_91, %dot_general3A_92 {dimension_numbers = #tpu.dot_dimension_numbers<[1], [0], [0], [1], [0, 0, 1, 1], [], []>, transpose_lhs_hint = false} : vector<512x128xf32>, vector<128x128xf32>, vector<512x128xf32> -> vector<512x128xf32>
    %add3A_94 = arith.addf %dot_general3A_86, %dot_general3A_93 : vector<512x128xf32>
    %get3A_95 = arith.constant 0 : index
    %get3A_96 = arith.constant 0 : index
    %get3A_97 = vector.load %arg7[%get3A_95, %get3A_96] : memref<1x128xf32, #tpu.memory_space<vmem>>, vector<1x128xf32>
    %add3A_98 = vector.broadcast %get3A_97 : vector<1x128xf32> to vector<512x128xf32>
    %add3A_99 = arith.addf %add3A_94, %add3A_98 : vector<512x128xf32>
    %max3A_100 = arith.constant 0.000000e+00 : f32
    %max3A_101 = vector.broadcast %max3A_100 : f32 to vector<512x128xf32>
    %max3A_102 = arith.maximumf %add3A_99, %max3A_101 : vector<512x128xf32>
    %get3A_103 = arith.constant 0 : index
    %get3A_104 = arith.constant 0 : index
    %get3A_105 = vector.load %arg8[%get3A_103, %get3A_104] : memref<128x64xf32, #tpu.memory_space<vmem>>, vector<128x64xf32>
    %dot_general3A_106 = arith.constant dense<0.000000e+00> : vector<512x64xf32>
    %dot_general3A_107 = tpu.matmul %max3A_102, %get3A_105, %dot_general3A_106 {dimension_numbers = #tpu.dot_dimension_numbers<[1], [0], [0], [1], [0, 0, 1, 1], [], []>, transpose_lhs_hint = false} : vector<512x128xf32>, vector<128x64xf32>, vector<512x64xf32> -> vector<512x64xf32>
    %get3A_108 = arith.constant 0 : index
    %get3A_109 = arith.constant 0 : index
    %get3A_110 = vector.load %arg9[%get3A_108, %get3A_109] : memref<1x64xf32, #tpu.memory_space<vmem>>, vector<1x64xf32>
    %add3A_111 = vector.broadcast %get3A_110 : vector<1x64xf32> to vector<512x64xf32>
    %add3A_112 = arith.addf %dot_general3A_107, %add3A_111 : vector<512x64xf32>
    %max3A_113 = arith.constant 0.000000e+00 : f32
    %max3A_114 = vector.broadcast %max3A_113 : f32 to vector<512x64xf32>
    %max3A_115 = arith.maximumf %add3A_112, %max3A_114 : vector<512x64xf32>
    %get3A_116 = arith.constant 0 : index
    %get3A_117 = arith.constant 0 : index
    %get3A_118 = vector.load %arg10[%get3A_116, %get3A_117] : memref<64x40xf32, #tpu.memory_space<vmem>>, vector<64x40xf32>
    %dot_general3A_119 = arith.constant dense<0.000000e+00> : vector<512x40xf32>
    %dot_general3A_120 = tpu.matmul %max3A_115, %get3A_118, %dot_general3A_119 {dimension_numbers = #tpu.dot_dimension_numbers<[1], [0], [0], [1], [0, 0, 1, 1], [], []>, transpose_lhs_hint = false} : vector<512x64xf32>, vector<64x40xf32>, vector<512x40xf32> -> vector<512x40xf32>
    %get3A_121 = arith.constant 0 : index
    %get3A_122 = arith.constant 0 : index
    %get3A_123 = vector.load %arg11[%get3A_121, %get3A_122] : memref<1x40xf32, #tpu.memory_space<vmem>>, vector<1x40xf32>
    %add3A_124 = vector.broadcast %get3A_123 : vector<1x40xf32> to vector<512x40xf32>
    %add3A_125 = arith.addf %dot_general3A_120, %add3A_124 : vector<512x40xf32>
    %swap3A = arith.constant 0 : index
    %swap3A_126 = arith.constant 0 : index
    %swap3A_127 = vector.load %arg12[%swap3A, %swap3A_126] : memref<512x40xf32, #tpu.memory_space<vmem>>, vector<512x40xf32>
    tpu.vector_store %arg12[%swap3A, %swap3A_126], %add3A_125 {strides = array<i32>} : memref<512x40xf32, #tpu.memory_space<vmem>>, vector<512x40xf32>,
    return
  }
  func.func @transform_0(%arg0: i32) -> (i32, i32, i32) {
    %c0_i32 = arith.constant 0 : i32
    %c0_i32_0 = arith.constant 0 : i32
    %c0_i32_1 = arith.constant 0 : i32
    return %c0_i32, %arg0, %c0_i32_0 : i32, i32, i32
  }
  func.func @transform_1(%arg0: i32) -> (i32, i32) {
    %c0_i32 = arith.constant 0 : i32
    %c0_i32_0 = arith.constant 0 : i32
    %c0_i32_1 = arith.constant 0 : i32
    return %c0_i32, %c0_i32_0 : i32, i32
  }
  func.func @transform_2(%arg0: i32) -> (i32, i32, i32) {
    %c0_i32 = arith.constant 0 : i32
    %c0_i32_0 = arith.constant 0 : i32
    %c0_i32_1 = arith.constant 0 : i32
    %c0_i32_2 = arith.constant 0 : i32
    return %c0_i32, %c0_i32_0, %c0_i32_1 : i32, i32, i32
  }
  func.func @transform_3(%arg0: i32) -> (i32, i32, i32) {
    %c0_i32 = arith.constant 0 : i32
    %c0_i32_0 = arith.constant 0 : i32
    %c0_i32_1 = arith.constant 0 : i32
    %c0_i32_2 = arith.constant 0 : i32
    return %c0_i32, %c0_i32_0, %c0_i32_1 : i32, i32, i32
  }
  func.func @transform_4(%arg0: i32) -> (i32, i32, i32) {
    %c0_i32 = arith.constant 0 : i32
    %c0_i32_0 = arith.constant 0 : i32
    %c0_i32_1 = arith.constant 0 : i32
    return %c0_i32, %arg0, %c0_i32_0 : i32, i32, i32
  }
  func.func @transform_5(%arg0: i32) -> (i32, i32, i32) {
    %c0_i32 = arith.constant 0 : i32
    %c0_i32_0 = arith.constant 0 : i32
    %c0_i32_1 = arith.constant 0 : i32
    %c0_i32_2 = arith.constant 0 : i32
    return %c0_i32, %c0_i32_0, %c0_i32_1 : i32, i32, i32
  }
  func.func @transform_6(%arg0: i32) -> (i32, i32) {
    %c0_i32 = arith.constant 0 : i32
    %c0_i32_0 = arith.constant 0 : i32
    %c0_i32_1 = arith.constant 0 : i32
    return %c0_i32, %c0_i32_0 : i32, i32
  }
  func.func @transform_7(%arg0: i32) -> (i32, i32) {
    %c0_i32 = arith.constant 0 : i32
    %c0_i32_0 = arith.constant 0 : i32
    %c0_i32_1 = arith.constant 0 : i32
    return %c0_i32, %c0_i32_0 : i32, i32
  }
  func.func @transform_8(%arg0: i32) -> (i32, i32) {
    %c0_i32 = arith.constant 0 : i32
    %c0_i32_0 = arith.constant 0 : i32
    %c0_i32_1 = arith.constant 0 : i32
    return %c0_i32, %c0_i32_0 : i32, i32
  }
  func.func @transform_9(%arg0: i32) -> (i32, i32) {
    %c0_i32 = arith.constant 0 : i32
    %c0_i32_0 = arith.constant 0 : i32
    %c0_i32_1 = arith.constant 0 : i32
    return %c0_i32, %c0_i32_0 : i32, i32
  }
  func.func @transform_10(%arg0: i32) -> (i32, i32) {
    %c0_i32 = arith.constant 0 : i32
    %c0_i32_0 = arith.constant 0 : i32
    %c0_i32_1 = arith.constant 0 : i32
    return %c0_i32, %c0_i32_0 : i32, i32
  }
  func.func @transform_11(%arg0: i32) -> (i32, i32) {
    %c0_i32 = arith.constant 0 : i32
    %c0_i32_0 = arith.constant 0 : i32
    return %arg0, %c0_i32 : i32, i32
  }
}

</mosaic_0001>

<sc_bundles>
// kernel: kernel.13.cloned.1.call-start
scs
__scs_entry_jumppad:
0x0: {  	(pc) =	sbr.rel $0x88, $3  }
0x1: {  	(tag) =	ssettag $0x0;
	lr =	simm.s32 $0x1  }
0x2: {  	[smem:$0x3F8B] =	sst lr;
	_ =	strace $0xD0000000  }
0x3: {  	_ = 	snop  }
0x4: {  	_ = 	snop  }
0x5: {  	_ = 	snop  }
0x6: {  	_ = 	snop  }
0x7: {  	_ = 	snop  }
__scs_overlays_trampoline_lowered:
0x8: {  	[smem:$0x3F9A] =	sst s0  }
0x9: {  	[smem:$0x3F9B] =	sst s1  }
0xa: {  	[smem:$0x3F9C] =	sst s2  }
0xb: {  	[smem:$0x3F9D] =	sst s3  }
0xc: {  	[smem:$0x3F9E] =	sst s4  }
0xd: {  	[smem:$0x3F9F] =	sst s5  }
0xe: {  	[smem:$0x3FA0] =	sst s6  }
0xf: {  	[smem:$0x3FA1] =	sst s7  }
0x10: {  	[smem:$0x3FA2] =	sst s8  }
0x11: {  	[smem:$0x3FA3] =	sst s9;
	s0 =	simm.s32 @!p0 $0x0  }
0x12: {  	s1 =	sld [smem:$0x3F89];
	s0 =	simm.s32 @p0 $0x1  }
0x13: {  	[smem:$0x3FA4] =	sst s0;
	s0 =	simm.s32 @!p1 $0x0  }
0x14: {  	s2 =	sld [smem:$0x3F88];
	s0 =	simm.s32 @p1 $0x1  }
0x15: {  	[smem:$0x3FA5] =	sst s0;
	s0 =	simm.s32 @!p2 $0x0  }
0x16: {  	s3 =	sld [smem:$0x3FDB];
	s0 =	simm.s32 @p2 $0x1  }
0x17: {  	s4 =	simm.s32 $0x1BF5;
	[smem:$0x3FA7] =	sst s0  }
0x18: {  	s0 =	sld [smem:$0x3F8A];
	_ =	swait.ge [sflag:s4], $0x0  }
0x19: {  	s7 =	sld [smem:$0x3F8B]  }
0x1a: {  	s8 =	sadd.s32 $0xFFFFE003, lr  }
0x1b: {  	s9 =	sadd.s32 $0xFFFFFEF7, lr;
	s5 =	simm.s32 $0xFFFFFFFF;
	p2 =	slt.u32 s8, $0xFFFFF086  }
0x1c: {  	p1 =	slt.u32 s9, $0xF7A;
	s5 =	simm.s32 @!p2 $0x0  }
0x1d: {  	s5 =	simm.s32 @p1 $0x1;
	p0 =	seq.s32 s7, s2  }
0x1e: {  	s7 =	smul.u32 @!p0 $0xF7A, s2;
	p2 =	seq.s32 @!p0 s5, $0x0  }
0x1f: {  	s9 =	smul.u32 $0xF7A, s1;
	s8 =	simm.s32 @!p0 $0x1BF5;
	p2 =	por !p2, p0  }
0x20: {  	[sflag:s8] =	ssyncset.s32 @!p0 $0xFFFFF086;
	s6 =	sadd.s32 @!p0 s3, s7;
	s7 =	simm.s32 @!p0 $0x108  }
0x21: {  	s3 =	sadd.s32 s3, s9;
	s6 =	sadd.s32 @!p0 $0x88, s6;
	s7 =	simm.s32 @p2 $0x1082  }
0x22: {  	[simem:s7], [sflag:s8] =	dma.local @!p0 [hbm:s6], $0xF7A  }
0x23: {  	s9 =	sor.u32 $0xD0000000, s2;
	s6 =	simm.s32 $0x108;
	_ =	swait.ge @!p0 [sflag:s8], $0x0  }
0x24: {  	s3 =	sadd.s32 $0x88, s3;
	s6 =	simm.s32 @!p1 $0x1082;
	[sflag:s4] =	ssyncset.s32 $0xFFFFF086  }
0x25: {  	[simem:s6], [sflag:s4] =	dma.local [hbm:s3], $0xF7A  }
0x26: {  	[smem:$0x3F8B] =	sst s1;
	(tag) =	ssettag s2;
	_ =	strace s9  }
0x27: {  	s1 =	sld [smem:$0x3F9B]  }
0x28: {  	s2 =	sld [smem:$0x3F9C]  }
0x29: {  	s4 =	sld [smem:$0x3F9E]  }
0x2a: {  	p0 =	seq.s32 s5, $0x0;
	s5 =	sld [smem:$0x3F9F]  }
0x2b: {  	s6 =	sld [smem:$0x3FA0]  }
0x2c: {  	s7 =	sld [smem:$0x3FA1]  }
0x2d: {  	s3 =	simm.s32 $0x108;
	s8 =	sld [smem:$0x3FA2]  }
0x2e: {  	s3 =	simm.s32 @!p0 $0x1082;
	s9 =	sld [smem:$0x3FA3]  }
0x2f: {  	lr =	sadd.s32 s0, s3;
	s0 =	sld [smem:$0x3F9A]  }
0x30: {  	s3 =	sld [smem:$0x3F9D]  }
0x31: {  	[smem:$0x3FA6] =	sst s10  }
0x32: {  	s10 =	sld [smem:$0x3FA4];
	_ =	sdelay $0x3  }
0x33: {  	p0 =	seq.s32 s10, $0x1;
	s10 =	sld [smem:$0x3FA6];
	_ =	sdelay $0x3  }
0x34: {  	[smem:$0x3FA6] =	sst s10  }
0x35: {  	s10 =	sld [smem:$0x3FA5];
	_ =	sdelay $0x3  }
0x36: {  	p1 =	seq.s32 s10, $0x1;
	s10 =	sld [smem:$0x3FA6];
	_ =	sdelay $0x3  }
0x37: {  	[smem:$0x3FA6] =	sst s10  }
0x38: {  	s10 =	sld [smem:$0x3FA7]  }
0x39: {  	_ = 	snop;
	(pc) =	sbr.ind lr, $3  }
0x3a: {  	_ = 	snop  }
0x3b: {  	_ = 	snop  }
0x3c: {  	p2 =	seq.s32 s10, $0x1;
	s10 =	sld [smem:$0x3FA6]  }
0x3d: {  	_ =	shalt  }
0x3e: {  	_ =	shalt  }
0x3f: {  	_ =	shalt  }
0x40: {  	_ =	shalt  }
0x41: {  	_ =	shalt  }
0x42: {  	_ =	shalt  }
0x43: {  	_ =	shalt  }
0x44: {  	_ =	shalt  }
0x45: {  	_ =	shalt  }
0x46: {  	_ =	shalt  }
0x47: {  	_ =	shalt  }
0x48: {  	_ =	shalt  }
0x49: {  	_ =	shalt  }
0x4a: {  	_ =	shalt  }
0x4b: {  	_ =	shalt  }
0x4c: {  	_ =	shalt  }
0x4d: {  	_ =	shalt  }
0x4e: {  	_ =	shalt  }
0x4f: {  	_ =	shalt  }
0x50: {  	_ =	shalt  }
0x51: {  	_ =	shalt  }
0x52: {  	_ =	shalt  }
0x53: {  	_ =	shalt  }
0x54: {  	_ =	shalt  }
0x55: {  	_ =	shalt  }
0x56: {  	_ =	shalt  }
0x57: {  	_ =	shalt  }
0x58: {  	_ =	shalt  }
0x59: {  	_ =	shalt  }
0x5a: {  	_ =	shalt  }
0x5b: {  	_ =	shalt  }
0x5c: {  	_ =	shalt  }
0x5d: {  	_ =	shalt  }
0x5e: {  	_ =	shalt  }
0x5f: {  	_ =	shalt  }
0x60: {  	_ =	shalt  }
0x61: {  	_ =	shalt  }
0x62: {  	_ =	shalt  }
0x63: {  	_ =	shalt  }
0x64: {  	_ =	shalt  }
0x65: {  	_ =	shalt  }
0x66: {  	_ =	shalt  }
0x67: {  	_ =	shalt  }
0x68: {  	_ =	shalt  }
0x69: {  	_ =	shalt  }
0x6a: {  	_ =	shalt  }
0x6b: {  	_ =	shalt  }
0x6c: {  	_ =	shalt  }
0x6d: {  	_ =	shalt  }
0x6e: {  	_ =	shalt  }
0x6f: {  	_ =	shalt  }
0x70: {  	_ =	shalt  }
0x71: {  	_ =	shalt  }
0x72: {  	_ =	shalt  }
0x73: {  	_ =	shalt  }
0x74: {  	_ =	shalt  }
0x75: {  	_ =	shalt  }
0x76: {  	_ =	shalt  }
0x77: {  	_ =	shalt  }
0x78: {  	_ =	shalt  }
0x79: {  	_ =	shalt  }
0x7a: {  	_ =	shalt  }
0x7b: {  	_ =	shalt  }
0x7c: {  	_ =	shalt  }
0x7d: {  	_ =	shalt  }
0x7e: {  	_ =	shalt  }
0x7f: {  	_ =	shalt  }
0x80: {  	_ =	shalt  }
0x81: {  	_ =	shalt  }
0x82: {  	_ =	shalt  }
0x83: {  	_ =	shalt  }
0x84: {  	_ =	shalt  }
0x85: {  	_ =	shalt  }
0x86: {  	_ =	shalt  }
0x87: {  	_ =	shalt  }
.Lfunc_end0:
.L_simem_size_0:
called_computation_lowered:
.L_overlay_start_0:
0x88: {  	s2 =	sld [smem:$0x3FD9]  }
0x89: {  	s3 =	sld [smem:$0x3FFE];
	_ =	sdelay $0x1  }
0x8a: {  	s1 =	srdreg.scid  }
0x8b: {  	s0 =	sand.u32 $0x1, s1  }
0x8c: {  	s17 =	sshll.u32 s0, $0xA;
	s2 =	sadd.s32 s3, s2  }
0x8d: {  	s2 =	sadd.s32 s2, s17  }
0x8e: {  	[smem:$0x3FB2] =	sst s2  }
0x8f: {  	_ = 	snop  }
0x90: {  	s2 =	sld [smem:$0x3FD0];
	(tm) =	ssettm $0x1  }
0x91: {  	s18 =	sld [smem:$0x3FFB];
	_ =	sdelay $0x3  }
0x92: {  	_ =	strace s18  }
0x93: {  	s3 =	sld [smem:$0x3FFC];
	_ =	sdelay $0x3  }
0x94: {  	_ =	strace s3  }
0x95: {  	s3 =	sld [smem:$0x3FFD];
	_ =	sdelay $0x3  }
0x96: {  	_ =	strace s3  }
0x97: {  	_ =	strace $0x8FFFFFFF  }
0x98: {  	s19 =	sld [smem:$0x3FDB];
	_ =	sdelay $0x1  }
0x99: {  	s4 =	simm.s32 $_scs_section_size  }
0x9a: {  	s5 =	simm.s32 $_size__tile_overlayer_lowered;
	s6 =	simm.s32 $_tile_overlayer_lowered  }
0x9b: {  	s22 =	simm.s32 $0x1BFF;
	s21 =	sshll.u32 s6, $0x1;
	s3 =	sadd.s32 s4, s19  }
0x9c: {  	s7 =	simm.s32 $0x0;
	s20 =	sshll.u32 s5, $0x1;
	s5 =	sadd.s32 s21, s3  }
0x9d: {  	[timem:s7], [sflag:s22] =	dma.local [hbm:s5], s20  }
0x9e: {  	_ =	swait.ge [sflag:s22], s20  }
0x9f: {  	s4 =	ssub.s32 $0x0, s20;
	[sflag:s22] =	ssyncset.done $0x0  }
0xa0: {  	[sflag:s22] =	ssyncadd.s32 s4;
	_ =	sdelay $0x1  }
0xa1: {  	s23 =	simm.s32 $0x1B8B  }
0xa2: {  	_ =	swait.ge [sflag:s23], $0x1  }
0xa3: {  	[sflag:s23] =	ssyncset.done $0x0  }
0xa4: {  	s25 =	simm.s32 $0x1B8E;
	s24 =	sld [smem:$0x3FFE];
	[sflag:s23] =	ssyncadd.s32 $0xFFFFFFFF  }
0xa5: {  	s26 =	simm.s32 $execute0_lowered;
	[smem:$0x3FD2] =	sst s25  }
0xa6: {  	s5 =	sshll.u32 s26, $0x1;
	_ =	strace $0x80000046;
	[dreg:$0x1] =	wrdreg $0xFFFFFFFF  }
0xa7: {  	s28 =	simm.s32 $_size_execute0_lowered;
	s3 =	sadd.s32 s3, s5;
	[dreg:$0x0] =	wrdreg $0x0  }
0xa8: {  	s5 =	sshll.u32 s28, $0x1;
	[dreg:$0x2] =	wrdreg s3  }
0xa9: {  	[dreg:$0x3] =	wrdreg s5  }
0xaa: {  	[dreg:$0x4] =	wrdreg $0xC0  }
0xab: {  	_ =	task [dreg:s7], $0x5FFFF  }
0xac: {  	[dreg:$0x1] =	wrdreg $0xFFFFFFFF  }
0xad: {  	[dreg:$0x0] =	wrdreg $0x60  }
0xae: {  	[dreg:$0x2] =	wrdreg s2  }
0xaf: {  	[dreg:$0x3] =	wrdreg s24  }
0xb0: {  	[dreg:$0x4] =	wrdreg $0xE000  }
0xb1: {  	[dreg:$0x5] =	wrdreg $0x9  }
0xb2: {  	_ =	task.clear_ibuf [dreg:s7], $0x6FFFF;
	_ =	strace $0x90000046  }
0xb3: {  	s29 =	simm.s32 $0x9;
	_ =	strace $0x80000048  }
0xb4: {  	_ =	swait.ge [sflag:s29], $0x1  }
0xb5: {  	[sflag:s29] =	ssyncadd.s32 $0xFFFFFFFF  }
0xb6: {  	_ =	strace $0x90000048  }
0xb7: {  	_ =	sfence  }
0xb8: {  	s30 =	sld [smem:$0x0];
	_ =	sdelay $0x2  }
0xb9: {  	s31 =	sshll.u32 s1, $0xD;
	s1 =	sshrl.u32 s1, $0x2  }
0xba: {  	s3 =	sand.u32 $0x4000, s31;
	s1 =	sadd.s32 s1, s30  }
0xbb: {  	s0 =	sor.u32 s3, s0;
	s1 =	sshll.u32 s1, $0x11  }
0xbc: {  	s0 =	sor.u32 s1, s0  }
0xbd: {  	s0 =	sadd.s32 $0x8F2B, s0  }
0xbe: {  	[sflag:s0] =	ssyncadd.remote.s32 $0x1  }
0xbf: {  	_ =	sfence.sel $0xFFFF  }
0xc0: {  	[dreg:$0x0] =	wrdreg $0xFFFFFFFF;
	(pc) =	sbr.abs _section_cstart, $3  }
0xc1: {  	[dreg:$0x1] =	wrdreg $0xFFFFFFFF  }
0xc2: {  	_ =	task.clear_ibuf [dreg:s7], $0x2FFFF;
	_ =	strace $0x9FFFFFFF  }
0xc3: {  	(tm) =	ssettm $0x7FFFFFFF  }
tec
execute0_lowered:
.L_overlay_start_1:
0x0: {  	(tag) =	ssettag $0x1  }
0x1: {  	s10 =	rddreg [dreg:$0x0]  }
0x2: {  	s4 =	rddreg [dreg:$0x1]  }
0x3: {  	s2 =	rddreg [dreg:$0x2]  }
0x4: {  	s0 =	rddreg [dreg:$0x3];
	s1 =	stileid.u32  }
0x5: {  	s5 =	srdreg.scid;
	s6 =	smul.u32 $0xC80, s1  }
0x6: {  	s3 =	simm.s32 $0x0;
	s5 =	sand.u32 $0x1, s5;
	s30 =	smul.u32 $0xC3, s1  }
0x7: {  	[smem:$0x7FF] =	sst s3;
	s7 =	smul.u32 $0xC800, s5  }
0x8: {  	_ =	strace $0x80000047;
	s8 =	ssub.s32 $0x2, s5;
	s9 =	sshll.u32 s5, $0x4  }
0x9: {  	s5 =	smul.u32 $0xC30, s5;
	s11 =	sshrl.u32 s8, $0x1;
	s9 =	sor.u32 s1, s9  }
0xa: {  	s7 =	sadd.s32 s6, s7;
	s11 =	ssub.s32 s8, s11;
	s28 =	smul.u32 $0xC3, s9  }
0xb: {  	p0 =	slt.u32 s9, $0xA;
	s29 =	smin.u32 s9, $0xA;
	s7 =	sshrl.u32 s7, $0x3  }
0xc: {  	s8 =	simm.s32 $0xC4;
	s12 =	sadd.s32 s7, s4;
	s4 =	sadd.s32 s29, s28  }
0xd: {  	s8 =	simm.s32 @!p0 $0xC3;
	s7 =	sor.u32 s5, s29;
	s13 =	sshll.u32 s4, $0x4  }
0xe: {  	s4 =	sadd.s32 s6, s2;
	s9 =	sadd.s32 s30, s7;
	s6 =	sadd.s32 $0xFFFFFFFF, s8  }
0xf: {  	s7 =	sadd.s32 $0xFFFFFFFE, s8;
	s8 =	sadd.s32 $0x7000, s12;
	s31 =	sshll.u32 s9, $0x4  }
0x10: {  	s12 =	simm.s32 $0x3;
	s5 =	sadd.s32 s10, s13;
	s10 =	sadd.s32 s31, s10  }
0x11: {  	v0 =	vimm.f32 $1.000000000e+00;
	v1 =	vimm.f32 $0.0e+00;
	s9 =	smax.u32 s11, $0x1;
	s11 =	simm.s32 $0x180;
	s10 =	sadd.s32 $0x20, s10  }
.LBB2_1:
0x12: {  	[tilespmem:$0x100] =	vst v0  }
0x13: {  	[tilespmem:$0x110] =	vst v0  }
0x14: {  	[tilespmem:$0x120] =	vst v0  }
0x15: {  	[tilespmem:$0x130] =	vst v0  }
0x16: {  	[tilespmem:$0x140] =	vst v0  }
0x17: {  	[tilespmem:$0x150] =	vst v0  }
0x18: {  	[tilespmem:$0x160] =	vst v0  }
0x19: {  	[tilespmem:$0x170] =	vst v0;
	s13 =	simm.s32 $0x40;
	s14 =	simm.s32 $0x0  }
.LBB2_2:
0x1a: {  	p0 =	sne.s32 s13, $0x31C0;
	[tilespmem:s14+$0x180] =	vst v1;
	s14 =	smov.u32 s13;
	s13 =	sadd.s32 $0x40, s13  }
.Ltmp0:
0x1b: {  	(pc) =	sbr.rel @p0 .LBB2_2-.Ltmp0, $2  }
0x1c: {  	_ =	sdelay $0x2  }
0x1d: {  	s14 =	sshra.s32 s14, $0x2  }
0x1e: {  	[tilespmem:s14+$0x180] =	vst v1  }
0x1f: {  	[spmem:s4] =	stream.linear.scatter [tilespmem:s11], [sflag:$0x3], $0xC80, $0x38;
	[tilespmem:$0x1A80] =	vst v63  }
0x20: {  	_ =	swait.ge [sflag:s12], $0xC80  }
0x21: {  	[sflag:s12] =	ssyncset.done $0x0  }
0x22: {  	[sflag:s12] =	ssyncadd.s32 $0xFFFFF380  }
0x23: {  	s13 =	simm.s32 $0x0;
	p0 =	sle.u32 s6, $0x0;
	[bflag:$0x0] =	sbarrier.arrive $0xFFFF  }
0x24: {  	[tilespmem:s13], [sflag:$0x1] =	stream.linear.gather [hbm4b:s5+s13], $0x80, $0x38;
	[tilespmem:$0x1A80] =	vst v63  }
0x25: {  	s13 =	simm.s32 @p0 $0x1  }
0x26: {  	_ =	swait.ge @p0 [sflag:s13], $0x80  }
0x27: {  	s14 =	simm.s32 @p0 $0x100;
	s15 =	simm.s32 @!p0 $0x1;
	[sflag:s13] =	ssyncset.done @p0 $0x0  }
0x28: {  	s16 =	simm.s32 @p0 $0x80;
	s17 =	simm.s32 @p0 $0x0;
	[sflag:s13] =	ssyncadd.s32 @p0 $0xFFFFFF80  }
0x29: {  	[spmem:s2] =	stream.indirect.scatter.add.f32 @p0 [tilespmem:s14], [sflag:$0x4], $0x1, s17, s16, $0xb8;
	[tilespmem:$0x1A80] =	vst v63  }
0x2a: {  	s13 =	sadd.s32 @!p0 $0xFFFFFFF0, s10;
	s14 =	simm.s32 @!p0 $0x0;
	s17 =	simm.s32 @!p0 $0x80  }
0x2b: {  	[tilespmem:s17], [sflag:$0x2] =	stream.linear.gather @!p0 [hbm4b:s13+s14], $0x80, $0x38;
	[tilespmem:$0x1A80] =	vst v63  }
0x2c: {  	_ =	swait.ge @!p0 [sflag:s15], $0x80  }
0x2d: {  	[sflag:s15] =	ssyncset.done @!p0 $0x0  }
0x2e: {  	s16 =	simm.s32 @!p0 $0x4;
	s13 =	simm.s32 @!p0 $0x100;
	[sflag:s15] =	ssyncadd.s32 @!p0 $0xFFFFFF80  }
0x2f: {  	[spmem:s2] =	stream.indirect.scatter.add.f32 @!p0 [tilespmem:s13], [sflag:$0x4], $0x1, s14, s17, $0xb8;
	[tilespmem:$0x1A80] =	vst v63  }
0x30: {  	p1 =	sle.u32 @!p0 s7, $0x0;
	_ =	swait.ge @!p0 [sflag:s16], $0x80  }
0x31: {  	p1 =	por p1, p0;
	[sflag:s16] =	ssyncset.done @!p0 $0x0  }
0x32: {  	s15 =	simm.s32 @!p0 $0x2;
	s14 =	simm.s32 @!p1 $0x0;
	[sflag:s16] =	ssyncadd.s32 @!p0 $0xFFFFFF80  }
0x33: {  	[tilespmem:s14], [sflag:$0x1] =	stream.linear.gather @!p1 [hbm4b:s10+s14], $0x80, $0x38;
	[tilespmem:$0x1A80] =	vst v63  }
0x34: {  	_ =	swait.ge @!p0 [sflag:s15], $0x80  }
0x35: {  	s16 =	simm.s32 @!p0 $0x3;
	s14 =	simm.s32 $0x2;
	[sflag:s15] =	ssyncset.done @!p0 $0x0  }
0x36: {  	s16 =	simm.s32 @p0 $0x4;
	[sflag:s15] =	ssyncadd.s32 @!p0 $0xFFFFFF80;
	s15 =	simm.s32 $0x4  }
0x37: {  	[spmem:s2] =	stream.indirect.scatter.add.f32 @!p0 [tilespmem:s13], [sflag:$0x3], $0x1, s17, s17, $0xb8;
	[tilespmem:$0x1A80] =	vst v63  }
0x38: {  	p0 =	sle.u32 s6, $0x2;
	s13 =	sadd.s32 $0x20, s10;
	_ =	swait.ge [sflag:s16], $0x80  }
.LBB2_4:
0x39: {  	s17 =	simm.s32 @p0 $0x1  }
0x3a: {  	[sflag:s16] =	ssyncset.done $0x0;
	s18 =	smov.u32 s15;
	s15 =	sadd.s32 $0x2, s15  }
0x3b: {  	p1 =	sne.s32 s15, $0xC4;
	[sflag:s16] =	ssyncadd.s32 $0xFFFFFF80  }
0x3c: {  	s19 =	simm.s32 @!p0 $0x1;
	s16 =	simm.s32 @p0 $0x100;
	_ =	swait.ge @p0 [sflag:s17], $0x80  }
0x3d: {  	s20 =	simm.s32 @p0 $0x80;
	s21 =	simm.s32 @p0 $0x0;
	[sflag:s17] =	ssyncset.done @p0 $0x0  }
0x3e: {  	[sflag:s17] =	ssyncadd.s32 @p0 $0xFFFFFF80  }
0x3f: {  	[spmem:s2] =	stream.indirect.scatter.add.f32 @p0 [tilespmem:s16], [sflag:$0x4], $0x1, s21, s20, $0xb8;
	[tilespmem:$0x1A80] =	vst v63  }
0x40: {  	s17 =	simm.s32 @!p0 $0x0;
	s16 =	sadd.s32 @!p0 $0xFFFFFFF0, s13;
	s20 =	simm.s32 @!p0 $0x80  }
0x41: {  	[tilespmem:s20], [sflag:$0x2] =	stream.linear.gather @!p0 [hbm4b:s16+s17], $0x80, $0x38;
	[tilespmem:$0x1A80] =	vst v63  }
0x42: {  	_ =	swait.ge @!p0 [sflag:s19], $0x80  }
0x43: {  	s21 =	simm.s32 @!p0 $0x100;
	s16 =	simm.s32 @!p0 $0x4;
	[sflag:s19] =	ssyncset.done @!p0 $0x0  }
0x44: {  	p2 =	sge.u32 @!p0 s14, s7;
	s14 =	smov.u32 s18;
	[sflag:s19] =	ssyncadd.s32 @!p0 $0xFFFFFF80  }
0x45: {  	[spmem:s2] =	stream.indirect.scatter.add.f32 @!p0 [tilespmem:s21], [sflag:$0x4], $0x1, s17, s20, $0xb8;
	[tilespmem:$0x1A80] =	vst v63  }
0x46: {  	p2 =	por p2, p0;
	_ =	swait.ge @!p0 [sflag:s16], $0x80  }
0x47: {  	s18 =	simm.s32 @!p0 $0x2;
	s17 =	simm.s32 @!p2 $0x0;
	[sflag:s16] =	ssyncset.done @!p0 $0x0  }
0x48: {  	[sflag:s16] =	ssyncadd.s32 @!p0 $0xFFFFFF80  }
0x49: {  	[tilespmem:s17], [sflag:$0x1] =	stream.linear.gather @!p2 [hbm4b:s13+s17], $0x80, $0x38;
	[tilespmem:$0x1A80] =	vst v63  }
.Ltmp1:
0x4a: {  	_ =	swait.ge @!p0 [sflag:s18], $0x80;
	(pc) =	sbr.rel @p1 .LBB2_4-.Ltmp1, $4  }
0x4b: {  	s16 =	simm.s32 @!p0 $0x3;
	[sflag:s18] =	ssyncset.done @!p0 $0x0  }
0x4c: {  	s16 =	simm.s32 @p0 $0x4;
	[sflag:s18] =	ssyncadd.s32 @!p0 $0xFFFFFF80  }
0x4d: {  	[spmem:s2] =	stream.indirect.scatter.add.f32 @!p0 [tilespmem:s21], [sflag:$0x3], $0x1, s20, s20, $0xb8;
	[tilespmem:$0x1A80] =	vst v63  }
0x4e: {  	s13 =	sadd.s32 $0x20, s13;
	p0 =	sge.u32 s14, s6;
	_ =	swait.ge [sflag:s16], $0x80  }
0x4f: {  	[sflag:s16] =	ssyncset.done $0x0  }
0x50: {  	s15 =	simm.s32 @p0 $0x1;
	[sflag:s16] =	ssyncadd.s32 $0xFFFFFF80  }
0x51: {  	_ =	swait.ge @p0 [sflag:s15], $0x80  }
0x52: {  	s17 =	simm.s32 @!p0 $0x1;
	s18 =	simm.s32 @p0 $0x80;
	[sflag:s15] =	ssyncset.done @p0 $0x0  }
0x53: {  	s19 =	simm.s32 @p0 $0x0;
	s16 =	simm.s32 @p0 $0x100;
	[sflag:s15] =	ssyncadd.s32 @p0 $0xFFFFFF80  }
0x54: {  	[spmem:s2] =	stream.indirect.scatter.add.f32 @p0 [tilespmem:s16], [sflag:$0x4], $0x1, s19, s18, $0xb8;
	[tilespmem:$0x1A80] =	vst v63  }
0x55: {  	s15 =	sadd.s32 @!p0 $0xFFFFFFF0, s13;
	s16 =	simm.s32 @!p0 $0x0;
	s18 =	simm.s32 @!p0 $0x80  }
0x56: {  	[tilespmem:s18], [sflag:$0x2] =	stream.linear.gather @!p0 [hbm4b:s15+s16], $0x80, $0x38;
	[tilespmem:$0x1A80] =	vst v63  }
0x57: {  	_ =	swait.ge @!p0 [sflag:s17], $0x80  }
0x58: {  	[sflag:s17] =	ssyncset.done @!p0 $0x0  }
0x59: {  	s19 =	simm.s32 @!p0 $0x4;
	s15 =	simm.s32 @!p0 $0x100;
	[sflag:s17] =	ssyncadd.s32 @!p0 $0xFFFFFF80  }
0x5a: {  	[spmem:s2] =	stream.indirect.scatter.add.f32 @!p0 [tilespmem:s15], [sflag:$0x4], $0x1, s16, s18, $0xb8;
	[tilespmem:$0x1A80] =	vst v63  }
0x5b: {  	p1 =	sge.u32 @!p0 s14, s7;
	_ =	swait.ge @!p0 [sflag:s19], $0x80  }
0x5c: {  	p1 =	por p1, p0;
	[sflag:s19] =	ssyncset.done @!p0 $0x0  }
0x5d: {  	s14 =	simm.s32 @!p1 $0x0;
	s16 =	simm.s32 @!p0 $0x2;
	[sflag:s19] =	ssyncadd.s32 @!p0 $0xFFFFFF80  }
0x5e: {  	[tilespmem:s14], [sflag:$0x1] =	stream.linear.gather @!p1 [hbm4b:s13+s14], $0x80, $0x38;
	[tilespmem:$0x1A80] =	vst v63  }
0x5f: {  	_ =	swait.ge @!p0 [sflag:s16], $0x80  }
0x60: {  	s13 =	simm.s32 @!p0 $0x3;
	[sflag:s16] =	ssyncset.done @!p0 $0x0  }
0x61: {  	s13 =	simm.s32 @p0 $0x4;
	[sflag:s16] =	ssyncadd.s32 @!p0 $0xFFFFFF80  }
0x62: {  	[spmem:s2] =	stream.indirect.scatter.add.f32 @!p0 [tilespmem:s15], [sflag:$0x3], $0x1, s18, s18, $0xb8;
	[tilespmem:$0x1A80] =	vst v63  }
0x63: {  	_ =	swait.ge [sflag:s13], $0x80  }
0x64: {  	s30 =	sshll.u32 s1, $0x6;
	s3 =	sadd.s32 $0x1, s3;
	[sflag:s13] =	ssyncset.done $0x0  }
0x65: {  	s31 =	sshrl.u32 s4, $0x3;
	p0 =	sne.s32 s3, s9;
	[sflag:s13] =	ssyncadd.s32 $0xFFFFFF80  }
.Ltmp2:
0x66: {  	s13 =	sor.u32 $0x1C03, s30;
	[bflag:$0x0] =	sbarrier.arrive $0xFFFF;
	(pc) =	sbr.rel @p0 .LBB2_1-.Ltmp2, $4  }
0x67: {  	[hbm:s8], [sflag:s13] =	dma.local [spmem:s31], $0x190  }
0x68: {  	_ =	swait.ge [sflag:s12], $0x190  }
0x69: {  	[sflag:s12] =	ssyncset.done $0x0  }
0x6a: {  	[sflag:s12] =	ssyncadd.s32 $0xFFFFFE70  }
0x6b: {  	_ =	sfence.sel $0x180000  }
0x6c: {  	[bflag:$0x0] =	sbarrier.arrive $0xFFFF  }
0x6d: {  	p0 =	sne.s32 s1, $0x0;
	_ =	strace $0x90000047  }
0x6e: {  	s0 =	sadd.s32 @!p0 $0x100000, s0;
	[bflag:$0x2] =	sbarrier.arrive $0xFFFF  }
0x6f: {  	[sflag:s0] =	ssyncadd.tile.s32 @!p0 $0x1;
	_ =	shalt  }
.Lfunc_end2:
_tile_overlayer_lowered:
.L_overlay_start_2:
0x70: {  	(tag) =	ssettag $0x2  }
0x71: {  	s0 =	rddreg [dreg:$0x0];
	s2 =	stileid.u32  }
0x72: {  	s1 =	rddreg [dreg:$0x1];
	p0 =	sne.s32 s2, $0x0  }
0x73: {  	s3 =	rddreg [dreg:$0x2];
	[bflag:$0x3] =	sbarrier.arrive $0xFFFF;
	s2 =	simm.s32 @!p0 $0x1C03  }
0x74: {  	[timem:s3], [sflag:s2] =	dma.local @!p0 [hbm:s0], s1  }
0x75: {  	s0 =	simm.s32 @!p0 $0x3  }
0x76: {  	_ =	swait.ge @!p0 [sflag:s0], s1  }
0x77: {  	s1 =	ssub.s32 @!p0 $0x0, s1;
	[sflag:s0] =	ssyncset.done @!p0 $0x0  }
0x78: {  	[sflag:s0] =	ssyncadd.s32 @!p0 s1  }
0x79: {  	[bflag:$0x3] =	sbarrier.arrive $0xFFFF  }
0x7a: {  	_ =	shalt  }

// kernel: kernel.16.cloned.1.call-start
scs
__scs_entry_jumppad:
0x0: {  	(pc) =	sbr.rel $0x88, $3  }
0x1: {  	(tag) =	ssettag $0x0;
	lr =	simm.s32 $0x1  }
0x2: {  	[smem:$0x3F8B] =	sst lr;
	_ =	strace $0xD0000000  }
0x3: {  	_ = 	snop  }
0x4: {  	_ = 	snop  }
0x5: {  	_ = 	snop  }
0x6: {  	_ = 	snop  }
0x7: {  	_ = 	snop  }
__scs_overlays_trampoline_lowered:
0x8: {  	[smem:$0x3F9A] =	sst s0  }
0x9: {  	[smem:$0x3F9B] =	sst s1  }
0xa: {  	[smem:$0x3F9C] =	sst s2  }
0xb: {  	[smem:$0x3F9D] =	sst s3  }
0xc: {  	[smem:$0x3F9E] =	sst s4  }
0xd: {  	[smem:$0x3F9F] =	sst s5  }
0xe: {  	[smem:$0x3FA0] =	sst s6  }
0xf: {  	[smem:$0x3FA1] =	sst s7  }
0x10: {  	[smem:$0x3FA2] =	sst s8  }
0x11: {  	[smem:$0x3FA3] =	sst s9;
	s0 =	simm.s32 @!p0 $0x0  }
0x12: {  	s1 =	sld [smem:$0x3F89];
	s0 =	simm.s32 @p0 $0x1  }
0x13: {  	[smem:$0x3FA4] =	sst s0;
	s0 =	simm.s32 @!p1 $0x0  }
0x14: {  	s2 =	sld [smem:$0x3F88];
	s0 =	simm.s32 @p1 $0x1  }
0x15: {  	[smem:$0x3FA5] =	sst s0;
	s0 =	simm.s32 @!p2 $0x0  }
0x16: {  	s3 =	sld [smem:$0x3FDB];
	s0 =	simm.s32 @p2 $0x1  }
0x17: {  	s4 =	simm.s32 $0x1BF5;
	[smem:$0x3FA7] =	sst s0  }
0x18: {  	s0 =	sld [smem:$0x3F8A];
	_ =	swait.ge [sflag:s4], $0x0  }
0x19: {  	s7 =	sld [smem:$0x3F8B]  }
0x1a: {  	s8 =	sadd.s32 $0xFFFFE003, lr  }
0x1b: {  	s9 =	sadd.s32 $0xFFFFFEF7, lr;
	s5 =	simm.s32 $0xFFFFFFFF;
	p2 =	slt.u32 s8, $0xFFFFF086  }
0x1c: {  	p1 =	slt.u32 s9, $0xF7A;
	s5 =	simm.s32 @!p2 $0x0  }
0x1d: {  	s5 =	simm.s32 @p1 $0x1;
	p0 =	seq.s32 s7, s2  }
0x1e: {  	s7 =	smul.u32 @!p0 $0xF7A, s2;
	p2 =	seq.s32 @!p0 s5, $0x0  }
0x1f: {  	s9 =	smul.u32 $0xF7A, s1;
	s8 =	simm.s32 @!p0 $0x1BF5;
	p2 =	por !p2, p0  }
0x20: {  	[sflag:s8] =	ssyncset.s32 @!p0 $0xFFFFF086;
	s6 =	sadd.s32 @!p0 s3, s7;
	s7 =	simm.s32 @!p0 $0x108  }
0x21: {  	s3 =	sadd.s32 s3, s9;
	s6 =	sadd.s32 @!p0 $0x88, s6;
	s7 =	simm.s32 @p2 $0x1082  }
0x22: {  	[simem:s7], [sflag:s8] =	dma.local @!p0 [hbm:s6], $0xF7A  }
0x23: {  	s9 =	sor.u32 $0xD0000000, s2;
	s6 =	simm.s32 $0x108;
	_ =	swait.ge @!p0 [sflag:s8], $0x0  }
0x24: {  	s3 =	sadd.s32 $0x88, s3;
	s6 =	simm.s32 @!p1 $0x1082;
	[sflag:s4] =	ssyncset.s32 $0xFFFFF086  }
0x25: {  	[simem:s6], [sflag:s4] =	dma.local [hbm:s3], $0xF7A  }
0x26: {  	[smem:$0x3F8B] =	sst s1;
	(tag) =	ssettag s2;
	_ =	strace s9  }
0x27: {  	s1 =	sld [smem:$0x3F9B]  }
0x28: {  	s2 =	sld [smem:$0x3F9C]  }
0x29: {  	s4 =	sld [smem:$0x3F9E]  }
0x2a: {  	p0 =	seq.s32 s5, $0x0;
	s5 =	sld [smem:$0x3F9F]  }
0x2b: {  	s6 =	sld [smem:$0x3FA0]  }
0x2c: {  	s7 =	sld [smem:$0x3FA1]  }
0x2d: {  	s3 =	simm.s32 $0x108;
	s8 =	sld [smem:$0x3FA2]  }
0x2e: {  	s3 =	simm.s32 @!p0 $0x1082;
	s9 =	sld [smem:$0x3FA3]  }
0x2f: {  	lr =	sadd.s32 s0, s3;
	s0 =	sld [smem:$0x3F9A]  }
0x30: {  	s3 =	sld [smem:$0x3F9D]  }
0x31: {  	[smem:$0x3FA6] =	sst s10  }
0x32: {  	s10 =	sld [smem:$0x3FA4];
	_ =	sdelay $0x3  }
0x33: {  	p0 =	seq.s32 s10, $0x1;
	s10 =	sld [smem:$0x3FA6];
	_ =	sdelay $0x3  }
0x34: {  	[smem:$0x3FA6] =	sst s10  }
0x35: {  	s10 =	sld [smem:$0x3FA5];
	_ =	sdelay $0x3  }
0x36: {  	p1 =	seq.s32 s10, $0x1;
	s10 =	sld [smem:$0x3FA6];
	_ =	sdelay $0x3  }
0x37: {  	[smem:$0x3FA6] =	sst s10  }
0x38: {  	s10 =	sld [smem:$0x3FA7]  }
0x39: {  	_ = 	snop;
	(pc) =	sbr.ind lr, $3  }
0x3a: {  	_ = 	snop  }
0x3b: {  	_ = 	snop  }
0x3c: {  	p2 =	seq.s32 s10, $0x1;
	s10 =	sld [smem:$0x3FA6]  }
0x3d: {  	_ =	shalt  }
0x3e: {  	_ =	shalt  }
0x3f: {  	_ =	shalt  }
0x40: {  	_ =	shalt  }
0x41: {  	_ =	shalt  }
0x42: {  	_ =	shalt  }
0x43: {  	_ =	shalt  }
0x44: {  	_ =	shalt  }
0x45: {  	_ =	shalt  }
0x46: {  	_ =	shalt  }
0x47: {  	_ =	shalt  }
0x48: {  	_ =	shalt  }
0x49: {  	_ =	shalt  }
0x4a: {  	_ =	shalt  }
0x4b: {  	_ =	shalt  }
0x4c: {  	_ =	shalt  }
0x4d: {  	_ =	shalt  }
0x4e: {  	_ =	shalt  }
0x4f: {  	_ =	shalt  }
0x50: {  	_ =	shalt  }
0x51: {  	_ =	shalt  }
0x52: {  	_ =	shalt  }
0x53: {  	_ =	shalt  }
0x54: {  	_ =	shalt  }
0x55: {  	_ =	shalt  }
0x56: {  	_ =	shalt  }
0x57: {  	_ =	shalt  }
0x58: {  	_ =	shalt  }
0x59: {  	_ =	shalt  }
0x5a: {  	_ =	shalt  }
0x5b: {  	_ =	shalt  }
0x5c: {  	_ =	shalt  }
0x5d: {  	_ =	shalt  }
0x5e: {  	_ =	shalt  }
0x5f: {  	_ =	shalt  }
0x60: {  	_ =	shalt  }
0x61: {  	_ =	shalt  }
0x62: {  	_ =	shalt  }
0x63: {  	_ =	shalt  }
0x64: {  	_ =	shalt  }
0x65: {  	_ =	shalt  }
0x66: {  	_ =	shalt  }
0x67: {  	_ =	shalt  }
0x68: {  	_ =	shalt  }
0x69: {  	_ =	shalt  }
0x6a: {  	_ =	shalt  }
0x6b: {  	_ =	shalt  }
0x6c: {  	_ =	shalt  }
0x6d: {  	_ =	shalt  }
0x6e: {  	_ =	shalt  }
0x6f: {  	_ =	shalt  }
0x70: {  	_ =	shalt  }
0x71: {  	_ =	shalt  }
0x72: {  	_ =	shalt  }
0x73: {  	_ =	shalt  }
0x74: {  	_ =	shalt  }
0x75: {  	_ =	shalt  }
0x76: {  	_ =	shalt  }
0x77: {  	_ =	shalt  }
0x78: {  	_ =	shalt  }
0x79: {  	_ =	shalt  }
0x7a: {  	_ =	shalt  }
0x7b: {  	_ =	shalt  }
0x7c: {  	_ =	shalt  }
0x7d: {  	_ =	shalt  }
0x7e: {  	_ =	shalt  }
0x7f: {  	_ =	shalt  }
0x80: {  	_ =	shalt  }
0x81: {  	_ =	shalt  }
0x82: {  	_ =	shalt  }
0x83: {  	_ =	shalt  }
0x84: {  	_ =	shalt  }
0x85: {  	_ =	shalt  }
0x86: {  	_ =	shalt  }
0x87: {  	_ =	shalt  }
.Lfunc_end0:
.L_simem_size_0:
called_computation.1_lowered:
.L_overlay_start_0:
0x88: {  	s2 =	sld [smem:$0x3FD9]  }
0x89: {  	s3 =	sld [smem:$0x3FFE];
	_ =	sdelay $0x1  }
0x8a: {  	s1 =	srdreg.scid  }
0x8b: {  	s0 =	sand.u32 $0x1, s1  }
0x8c: {  	s16 =	sshll.u32 s0, $0xA;
	s2 =	sadd.s32 s3, s2  }
0x8d: {  	s2 =	sadd.s32 s2, s16  }
0x8e: {  	[smem:$0x3FB2] =	sst s2  }
0x8f: {  	_ = 	snop  }
0x90: {  	(tm) =	ssettm $0x1  }
0x91: {  	s17 =	sld [smem:$0x3FFB];
	_ =	sdelay $0x3  }
0x92: {  	_ =	strace s17  }
0x93: {  	s2 =	sld [smem:$0x3FFC];
	_ =	sdelay $0x3  }
0x94: {  	_ =	strace s2  }
0x95: {  	s2 =	sld [smem:$0x3FFD];
	_ =	sdelay $0x3  }
0x96: {  	_ =	strace s2  }
0x97: {  	_ =	strace $0x8FFFFFFF  }
0x98: {  	s18 =	sld [smem:$0x3FDB];
	_ =	sdelay $0x1  }
0x99: {  	s19 =	simm.s32 $_scs_section_size  }
0x9a: {  	s4 =	simm.s32 $_size__tile_overlayer_lowered;
	s5 =	simm.s32 $_tile_overlayer_lowered  }
0x9b: {  	s22 =	simm.s32 $0x1BFF;
	s21 =	sshll.u32 s5, $0x1;
	s2 =	sadd.s32 s19, s18  }
0x9c: {  	s6 =	simm.s32 $0x0;
	s20 =	sshll.u32 s4, $0x1;
	s4 =	sadd.s32 s21, s2  }
0x9d: {  	[timem:s6], [sflag:s22] =	dma.local [hbm:s4], s20  }
0x9e: {  	_ =	swait.ge [sflag:s22], s20  }
0x9f: {  	s3 =	ssub.s32 $0x0, s20;
	[sflag:s22] =	ssyncset.done $0x0  }
0xa0: {  	[sflag:s22] =	ssyncadd.s32 s3;
	_ =	sdelay $0x1  }
0xa1: {  	s23 =	simm.s32 $0x1B8B  }
0xa2: {  	_ =	swait.ge [sflag:s23], $0x1  }
0xa3: {  	[sflag:s23] =	ssyncset.done $0x0  }
0xa4: {  	s25 =	simm.s32 $0x1B8E;
	s24 =	sld [smem:$0x3FFE];
	[sflag:s23] =	ssyncadd.s32 $0xFFFFFFFF  }
0xa5: {  	s26 =	simm.s32 $execute0_lowered;
	[smem:$0x3FD2] =	sst s25  }
0xa6: {  	s4 =	sshll.u32 s26, $0x1;
	_ =	strace $0x80000049;
	[dreg:$0x1] =	wrdreg $0xFFFFFFFF  }
0xa7: {  	s28 =	simm.s32 $_size_execute0_lowered;
	s2 =	sadd.s32 s2, s4;
	[dreg:$0x0] =	wrdreg $0x0  }
0xa8: {  	s4 =	sshll.u32 s28, $0x1;
	[dreg:$0x2] =	wrdreg s2  }
0xa9: {  	[dreg:$0x3] =	wrdreg s4  }
0xaa: {  	[dreg:$0x4] =	wrdreg $0xC0  }
0xab: {  	_ =	task [dreg:s6], $0x5FFFF  }
0xac: {  	[dreg:$0x1] =	wrdreg $0xFFFFFFFF  }
0xad: {  	[dreg:$0x0] =	wrdreg $0x60  }
0xae: {  	[dreg:$0x2] =	wrdreg s24  }
0xaf: {  	[dreg:$0x3] =	wrdreg $0x60000  }
0xb0: {  	[dreg:$0x4] =	wrdreg $0x9  }
0xb1: {  	_ =	task.clear_ibuf [dreg:s6], $0x5FFFF;
	_ =	strace $0x90000049  }
0xb2: {  	s29 =	simm.s32 $0x9;
	_ =	strace $0x8000004B  }
0xb3: {  	_ =	swait.ge [sflag:s29], $0x1  }
0xb4: {  	[sflag:s29] =	ssyncadd.s32 $0xFFFFFFFF  }
0xb5: {  	_ =	strace $0x9000004B  }
0xb6: {  	_ =	sfence  }
0xb7: {  	s30 =	sld [smem:$0x0];
	_ =	sdelay $0x2  }
0xb8: {  	s31 =	sshll.u32 s1, $0xD;
	s1 =	sshrl.u32 s1, $0x2  }
0xb9: {  	s3 =	sand.u32 $0x4000, s31;
	s1 =	sadd.s32 s1, s30  }
0xba: {  	s0 =	sor.u32 s3, s0;
	s1 =	sshll.u32 s1, $0x11  }
0xbb: {  	s0 =	sor.u32 s1, s0  }
0xbc: {  	s0 =	sadd.s32 $0x8F2B, s0  }
0xbd: {  	[sflag:s0] =	ssyncadd.remote.s32 $0x1  }
0xbe: {  	_ =	sfence.sel $0xFFFF  }
0xbf: {  	[dreg:$0x0] =	wrdreg $0xFFFFFFFF;
	(pc) =	sbr.abs _section_cstart, $3  }
0xc0: {  	[dreg:$0x1] =	wrdreg $0xFFFFFFFF  }
0xc1: {  	_ =	task.clear_ibuf [dreg:s6], $0x2FFFF;
	_ =	strace $0x9FFFFFFF  }
0xc2: {  	(tm) =	ssettm $0x7FFFFFFF  }
0xc3: {  	_ =	shalt  }
tec
execute0_lowered:
.L_overlay_start_1:
0x0: {  	(tag) =	ssettag $0x1  }
0x1: {  	s0 =	rddreg [dreg:$0x0]  }
0x2: {  	s1 =	rddreg [dreg:$0x1]  }
0x3: {  	s3 =	simm.s32 $0x0;
	s2 =	srdreg.scid;
	s15 =	stileid.u32  }
0x4: {  	s18 =	simm.s32 $0x9;
	s28 =	simm.s32 $0x1;
	s6 =	smul.u32 $0x61C00, s15  }
0x5: {  	s29 =	simm.s32 $0x5;
	s30 =	simm.s32 $0x2;
	s9 =	smul.u32 $0x30E0, s15  }
0x6: {  	s31 =	simm.s32 $0x6;
	[smem:$0x7FF] =	sst s3;
	s19 =	smul.u32 $0xC800, s15  }
0x7: {  	s2 =	sand.u32 $0x1, s2;
	s4 =	sadd.s32 $0x123400, s0;
	s21 =	smul.u32 $0x18700, s15  }
0x8: {  	s5 =	sadd.s32 $0xF1400, s0;
	s10 =	sadd.s32 $0xD8400, s0;
	s24 =	smul.u32 $0x1900, s15  }
0x9: {  	s0 =	sadd.s32 $0x7000, s0;
	s13 =	sadd.s32 $0x16E900, s1;
	s7 =	smul.u32 $0x32000, s2  }
0xa: {  	p0 =	seq.s32 s15, $0xF;
	s8 =	ssub.s32 $0x2, s2;
	s12 =	smul.u32 $0x190000, s2  }
0xb: {  	_ =	strace $0x8000004A;
	s2 =	smul.u32 $0xC8000, s2;
	s11 =	sshrl.u32 s8, $0x1  }
0xc: {  	s6 =	sshrl.u32 s6, $0x2;
	s26 =	sadd.s32 s24, s10;
	s24 =	simm.s32 $0x4000  }
0xd: {  	s8 =	ssub.s32 s8, s11;
	s7 =	sadd.s32 s9, s7;
	s6 =	sadd.s32 s6, s1  }
0xe: {  	s20 =	sshrl.u32 s12, $0x3;
	s2 =	sadd.s32 s19, s2;
	s9 =	sshrl.u32 s19, $0x3  }
0xf: {  	s12 =	sadd.s32 s21, s12;
	s19 =	simm.s32 $0x4;
	s7 =	sadd.s32 s4, s7  }
0x10: {  	s22 =	sshrl.u32 s2, $0x3;
	s9 =	sadd.s32 s10, s9;
	s23 =	sshrl.u32 s12, $0x3  }
0x11: {  	s25 =	smax.u32 s8, $0x1;
	s8 =	sadd.s32 $0x100, s26;
	s17 =	sshrl.u32 @!p0 s6, $0x3  }
0x12: {  	s26 =	simm.s32 $0x5000;
	s6 =	simm.s32 $0x8;
	[dreg:$0x3] =	wrdreg s7  }
0x13: {  	s7 =	sadd.s32 $0x2DD20, s20;
	[dreg:$0x6] =	wrdreg s9;
	s9 =	sadd.s32 s0, s23  }
0x14: {  	[dreg:$0x9] =	wrdreg s25;
	s20 =	simm.s32 $0xA;
	s23 =	simm.s32 $0x3000  }
0x15: {  	s14 =	sadd.s32 s4, s7;
	[dreg:$0x7] =	wrdreg s9;
	s9 =	sadd.s32 s21, s1  }
0x16: {  	s0 =	sadd.s32 s0, s7;
	s21 =	simm.s32 $0x80;
	[dreg:$0x4] =	wrdreg s14  }
0x17: {  	s7 =	simm.s32 $0x0;
	s14 =	sadd.s32 s5, s22;
	[dreg:$0x8] =	wrdreg s0  }
0x18: {  	s0 =	sshll.u32 @!p0 s15, $0x6;
	s15 =	sshrl.u32 @p0 s13, $0x3;
	s22 =	simm.s32 $0x2000  }
0x19: {  	s25 =	sshrl.u32 @!p0 s9, $0x3;
	[dreg:$0x5] =	wrdreg s14;
	s14 =	sadd.s32 $0x800, s2  }
0x1a: {  	s16 =	sor.u32 @!p0 $0x1C0B, s0;
	s0 =	simm.s32 $0x3;
	s2 =	simm.s32 $0x7  }
.LBB2_1:
0x1b: {  	s9 =	simm.s32 @p0 $0x1FCB;
	s10 =	rddreg [dreg:$0x4]  }
0x1c: {  	[spmem:s15], [sflag:s9] =	dma.local @p0 [hbm:s10], $0x3020  }
0x1d: {  	s9 =	simm.s32 @p0 $0xB  }
0x1e: {  	_ =	swait.ge @p0 [sflag:s9], $0x3020  }
0x1f: {  	[sflag:s9] =	ssyncset.done @p0 $0x0  }
0x20: {  	[sflag:s9] =	ssyncadd.s32 @p0 $0xFFFFCFE0;
	s9 =	rddreg [dreg:$0x3]  }
0x21: {  	[spmem:s17], [sflag:s16] =	dma.local @!p0 [hbm:s9], $0x30E0  }
0x22: {  	s9 =	simm.s32 @!p0 $0xB  }
0x23: {  	_ =	swait.ge @!p0 [sflag:s9], $0x30E0  }
0x24: {  	[sflag:s9] =	ssyncset.done @!p0 $0x0  }
0x25: {  	[sflag:s9] =	ssyncadd.s32 @!p0 $0xFFFFCF20  }
0x26: {  	[bflag:$0x0] =	sbarrier.arrive $0xFFFF  }
0x27: {  	s11 =	rddreg [dreg:$0x5]  }
0x28: {  	[tilespmem:s3], [sflag:$0x9] =	stream.linear.gather [hbm4b:s11+s3], $0x800, $0x38;
	[tilespmem:$0x1E700] =	vst v63  }
0x29: {  	_ =	swait.ge [sflag:s18], $0x800  }
0x2a: {  	[sflag:s18] =	ssyncset.done $0x0  }
0x2b: {  	s13 =	simm.s32 $0x1000;
	s12 =	rddreg [dreg:$0x6];
	[sflag:s18] =	ssyncadd.s32 $0xFFFFF800  }
0x2c: {  	[tilespmem:s13], [sflag:$0xA] =	stream.linear.gather [hbm4b:s12+s3], $0x800, $0x38;
	[tilespmem:$0x1E700] =	vst v63  }
0x2d: {  	_ =	swait.ge [sflag:s20], $0x800  }
0x2e: {  	[sflag:s20] =	ssyncset.done $0x0  }
0x2f: {  	s9 =	simm.s32 $0x0;
	s13 =	smov.u32 s8;
	[sflag:s20] =	ssyncadd.s32 $0xFFFFF800  }
.LBB2_2:
0x30: {  	p1 =	seq.s32 s9, $0x0  }
0x31: {  	s10 =	simm.s32 @!p1 $0x9  }
0x32: {  	_ =	swait.ge @!p1 [sflag:s10], $0x800  }
0x33: {  	[sflag:s10] =	ssyncset.done @!p1 $0x0  }
0x34: {  	[sflag:s10] =	ssyncadd.s32 @!p1 $0xFFFFF800;
	s10 =	simm.s32 @!p1 $0xA  }
0x35: {  	p2 =	seq.s32 @!p1 s9, $0xC000;
	_ =	swait.ge @!p1 [sflag:s10], $0x800  }
0x36: {  	p2 =	por p1, !p2;
	[sflag:s10] =	ssyncset.done @!p1 $0x0  }
0x37: {  	s11 =	sadd.s32 @p2 s9, s14;
	[sflag:s10] =	ssyncadd.s32 @!p1 $0xFFFFF800;
	s10 =	simm.s32 @!p1 $0x0  }
0x38: {  	s11 =	sshrl.u32 @p2 s11, $0x3;
	s10 =	sand.u32 @p2 $0x800, s9  }
0x39: {  	s11 =	sadd.s32 @p2 s5, s11;
	s12 =	sxor.u32 @p2 $0x800, s10  }
0x3a: {  	[tilespmem:s12], [sflag:$0x9] =	stream.linear.gather @p2 [hbm4b:s11+s3], $0x800, $0x38;
	[tilespmem:$0x1E700] =	vst v63  }
0x3b: {  	s11 =	sxor.u32 @p2 $0x1800, s10  }
0x3c: {  	[tilespmem:s11], [sflag:$0xA] =	stream.linear.gather @p2 [hbm4b:s13+s3], $0x800, $0x38;
	[tilespmem:$0x1E700] =	vst v63  }
0x3d: {  	_ = 	snop  }
0x3e: {  	[tilespmem:s22], [sflag:$0x1] =	stream.indirect.gather [hbm4b:s4+s21], $0x20, s10, s21, $0xb8;
	[tilespmem:$0x1E700] =	vst v63  }
0x3f: {  	s12 =	sor.u32 $0x80, s10  }
0x40: {  	[tilespmem:s23], [sflag:$0x2] =	stream.indirect.gather [hbm4b:s4+s21], $0x20, s12, s21, $0xb8;
	[tilespmem:$0x1E700] =	vst v63  }
0x41: {  	s12 =	sor.u32 $0x100, s10  }
0x42: {  	[tilespmem:s24], [sflag:$0x3] =	stream.indirect.gather [hbm4b:s4+s21], $0x20, s12, s21, $0xb8;
	[tilespmem:$0x1E700] =	vst v63  }
0x43: {  	s12 =	sor.u32 $0x180, s10  }
0x44: {  	[tilespmem:s26], [sflag:$0x4] =	stream.indirect.gather [hbm4b:s4+s21], $0x20, s12, s21, $0xb8;
	[tilespmem:$0x1E700] =	vst v63  }
0x45: {  	_ =	swait.ge [sflag:s28], $0x1000  }
0x46: {  	[sflag:s28] =	ssyncset.done $0x0  }
0x47: {  	s12 =	sor.u32 $0x1000, s10;
	[sflag:s28] =	ssyncadd.s32 $0xFFFFF000  }
0x48: {  	[spmem:s1] =	stream.indirect.scatter.add.f32 [tilespmem:s22], [sflag:$0x5], $0x20, s12, s21, $0xb8;
	[tilespmem:$0x1E700] =	vst v63  }
0x49: {  	_ =	swait.ge [sflag:s29], $0x1000  }
0x4a: {  	[sflag:s29] =	ssyncset.done $0x0  }
0x4b: {  	s12 =	sor.u32 $0x200, s10;
	[sflag:s29] =	ssyncadd.s32 $0xFFFFF000  }
0x4c: {  	[tilespmem:s22], [sflag:$0x1] =	stream.indirect.gather [hbm4b:s4+s21], $0x20, s12, s21, $0xb8;
	[tilespmem:$0x1E700] =	vst v63  }
0x4d: {  	_ =	swait.ge [sflag:s30], $0x1000  }
0x4e: {  	[sflag:s30] =	ssyncset.done $0x0  }
0x4f: {  	s12 =	sor.u32 $0x1080, s10;
	[sflag:s30] =	ssyncadd.s32 $0xFFFFF000  }
0x50: {  	[spmem:s1] =	stream.indirect.scatter.add.f32 [tilespmem:s23], [sflag:$0x6], $0x20, s12, s21, $0xb8;
	[tilespmem:$0x1E700] =	vst v63  }
0x51: {  	_ =	swait.ge [sflag:s31], $0x1000  }
0x52: {  	[sflag:s31] =	ssyncset.done $0x0  }
0x53: {  	s12 =	sor.u32 $0x280, s10;
	[sflag:s31] =	ssyncadd.s32 $0xFFFFF000  }
0x54: {  	[tilespmem:s23], [sflag:$0x2] =	stream.indirect.gather [hbm4b:s4+s21], $0x20, s12, s21, $0xb8;
	[tilespmem:$0x1E700] =	vst v63  }
0x55: {  	_ =	swait.ge [sflag:s0], $0x1000  }
0x56: {  	[sflag:s0] =	ssyncset.done $0x0  }
0x57: {  	s12 =	sor.u32 $0x1100, s10;
	[sflag:s0] =	ssyncadd.s32 $0xFFFFF000  }
0x58: {  	[spmem:s1] =	stream.indirect.scatter.add.f32 [tilespmem:s24], [sflag:$0x7], $0x20, s12, s21, $0xb8;
	[tilespmem:$0x1E700] =	vst v63  }
0x59: {  	_ =	swait.ge [sflag:s2], $0x1000  }
0x5a: {  	[sflag:s2] =	ssyncset.done $0x0  }
0x5b: {  	s12 =	sor.u32 $0x300, s10;
	[sflag:s2] =	ssyncadd.s32 $0xFFFFF000  }
0x5c: {  	[tilespmem:s24], [sflag:$0x3] =	stream.indirect.gather [hbm4b:s4+s21], $0x20, s12, s21, $0xb8;
	[tilespmem:$0x1E700] =	vst v63  }
0x5d: {  	_ =	swait.ge [sflag:s19], $0x1000  }
0x5e: {  	[sflag:s19] =	ssyncset.done $0x0  }
0x5f: {  	s12 =	sor.u32 $0x1180, s10;
	[sflag:s19] =	ssyncadd.s32 $0xFFFFF000  }
0x60: {  	[spmem:s1] =	stream.indirect.scatter.add.f32 [tilespmem:s26], [sflag:$0x8], $0x20, s12, s21, $0xb8;
	[tilespmem:$0x1E700] =	vst v63  }
0x61: {  	_ =	swait.ge [sflag:s6], $0x1000  }
0x62: {  	[sflag:s6] =	ssyncset.done $0x0  }
0x63: {  	s12 =	sor.u32 $0x380, s10;
	[sflag:s6] =	ssyncadd.s32 $0xFFFFF000  }
0x64: {  	[tilespmem:s26], [sflag:$0x4] =	stream.indirect.gather [hbm4b:s4+s21], $0x20, s12, s21, $0xb8;
	[tilespmem:$0x1E700] =	vst v63  }
0x65: {  	_ =	swait.ge [sflag:s28], $0x1000  }
0x66: {  	[sflag:s28] =	ssyncset.done $0x0  }
0x67: {  	s12 =	sor.u32 $0x1200, s10;
	[sflag:s28] =	ssyncadd.s32 $0xFFFFF000  }
0x68: {  	[spmem:s1] =	stream.indirect.scatter.add.f32 [tilespmem:s22], [sflag:$0x5], $0x20, s12, s21, $0xb8;
	[tilespmem:$0x1E700] =	vst v63  }
0x69: {  	_ =	swait.ge [sflag:s29], $0x1000  }
0x6a: {  	[sflag:s29] =	ssyncset.done $0x0  }
0x6b: {  	s12 =	sor.u32 $0x400, s10;
	[sflag:s29] =	ssyncadd.s32 $0xFFFFF000  }
0x6c: {  	[tilespmem:s22], [sflag:$0x1] =	stream.indirect.gather [hbm4b:s4+s21], $0x20, s12, s21, $0xb8;
	[tilespmem:$0x1E700] =	vst v63  }
0x6d: {  	_ =	swait.ge [sflag:s30], $0x1000  }
0x6e: {  	[sflag:s30] =	ssyncset.done $0x0  }
0x6f: {  	s12 =	sor.u32 $0x1280, s10;
	[sflag:s30] =	ssyncadd.s32 $0xFFFFF000  }
0x70: {  	[spmem:s1] =	stream.indirect.scatter.add.f32 [tilespmem:s23], [sflag:$0x6], $0x20, s12, s21, $0xb8;
	[tilespmem:$0x1E700] =	vst v63  }
0x71: {  	_ =	swait.ge [sflag:s31], $0x1000  }
0x72: {  	[sflag:s31] =	ssyncset.done $0x0  }
0x73: {  	s12 =	sor.u32 $0x480, s10;
	[sflag:s31] =	ssyncadd.s32 $0xFFFFF000  }
0x74: {  	[tilespmem:s23], [sflag:$0x2] =	stream.indirect.gather [hbm4b:s4+s21], $0x20, s12, s21, $0xb8;
	[tilespmem:$0x1E700] =	vst v63  }
0x75: {  	_ =	swait.ge [sflag:s0], $0x1000  }
0x76: {  	[sflag:s0] =	ssyncset.done $0x0  }
0x77: {  	s12 =	sor.u32 $0x1300, s10;
	[sflag:s0] =	ssyncadd.s32 $0xFFFFF000  }
0x78: {  	[spmem:s1] =	stream.indirect.scatter.add.f32 [tilespmem:s24], [sflag:$0x7], $0x20, s12, s21, $0xb8;
	[tilespmem:$0x1E700] =	vst v63  }
0x79: {  	_ =	swait.ge [sflag:s2], $0x1000  }
0x7a: {  	[sflag:s2] =	ssyncset.done $0x0  }
0x7b: {  	s12 =	sor.u32 $0x500, s10;
	[sflag:s2] =	ssyncadd.s32 $0xFFFFF000  }
0x7c: {  	[tilespmem:s24], [sflag:$0x3] =	stream.indirect.gather [hbm4b:s4+s21], $0x20, s12, s21, $0xb8;
	[tilespmem:$0x1E700] =	vst v63  }
0x7d: {  	_ =	swait.ge [sflag:s19], $0x1000  }
0x7e: {  	[sflag:s19] =	ssyncset.done $0x0  }
0x7f: {  	s12 =	sor.u32 $0x1380, s10;
	[sflag:s19] =	ssyncadd.s32 $0xFFFFF000  }
0x80: {  	[spmem:s1] =	stream.indirect.scatter.add.f32 [tilespmem:s26], [sflag:$0x8], $0x20, s12, s21, $0xb8;
	[tilespmem:$0x1E700] =	vst v63  }
0x81: {  	_ =	swait.ge [sflag:s6], $0x1000  }
0x82: {  	[sflag:s6] =	ssyncset.done $0x0  }
0x83: {  	s12 =	sor.u32 $0x580, s10;
	[sflag:s6] =	ssyncadd.s32 $0xFFFFF000  }
0x84: {  	[tilespmem:s26], [sflag:$0x4] =	stream.indirect.gather [hbm4b:s4+s21], $0x20, s12, s21, $0xb8;
	[tilespmem:$0x1E700] =	vst v63  }
0x85: {  	_ =	swait.ge [sflag:s28], $0x1000  }
0x86: {  	[sflag:s28] =	ssyncset.done $0x0  }
0x87: {  	s12 =	sor.u32 $0x1400, s10;
	[sflag:s28] =	ssyncadd.s32 $0xFFFFF000  }
0x88: {  	[spmem:s1] =	stream.indirect.scatter.add.f32 [tilespmem:s22], [sflag:$0x5], $0x20, s12, s21, $0xb8;
	[tilespmem:$0x1E700] =	vst v63  }
0x89: {  	_ =	swait.ge [sflag:s29], $0x1000  }
0x8a: {  	[sflag:s29] =	ssyncset.done $0x0  }
0x8b: {  	s12 =	sor.u32 $0x600, s10;
	[sflag:s29] =	ssyncadd.s32 $0xFFFFF000  }
0x8c: {  	[tilespmem:s22], [sflag:$0x1] =	stream.indirect.gather [hbm4b:s4+s21], $0x20, s12, s21, $0xb8;
	[tilespmem:$0x1E700] =	vst v63  }
0x8d: {  	_ =	swait.ge [sflag:s30], $0x1000  }
0x8e: {  	[sflag:s30] =	ssyncset.done $0x0  }
0x8f: {  	s12 =	sor.u32 $0x1480, s10;
	[sflag:s30] =	ssyncadd.s32 $0xFFFFF000  }
0x90: {  	[spmem:s1] =	stream.indirect.scatter.add.f32 [tilespmem:s23], [sflag:$0x6], $0x20, s12, s21, $0xb8;
	[tilespmem:$0x1E700] =	vst v63  }
0x91: {  	_ =	swait.ge [sflag:s31], $0x1000  }
0x92: {  	[sflag:s31] =	ssyncset.done $0x0  }
0x93: {  	s12 =	sor.u32 $0x680, s10;
	[sflag:s31] =	ssyncadd.s32 $0xFFFFF000  }
0x94: {  	[tilespmem:s23], [sflag:$0x2] =	stream.indirect.gather [hbm4b:s4+s21], $0x20, s12, s21, $0xb8;
	[tilespmem:$0x1E700] =	vst v63  }
0x95: {  	_ =	swait.ge [sflag:s0], $0x1000  }
0x96: {  	[sflag:s0] =	ssyncset.done $0x0  }
0x97: {  	s12 =	sor.u32 $0x1500, s10;
	[sflag:s0] =	ssyncadd.s32 $0xFFFFF000  }
0x98: {  	[spmem:s1] =	stream.indirect.scatter.add.f32 [tilespmem:s24], [sflag:$0x7], $0x20, s12, s21, $0xb8;
	[tilespmem:$0x1E700] =	vst v63  }
0x99: {  	_ =	swait.ge [sflag:s2], $0x1000  }
0x9a: {  	[sflag:s2] =	ssyncset.done $0x0  }
0x9b: {  	s12 =	sor.u32 $0x700, s10;
	[sflag:s2] =	ssyncadd.s32 $0xFFFFF000  }
0x9c: {  	[tilespmem:s24], [sflag:$0x3] =	stream.indirect.gather [hbm4b:s4+s21], $0x20, s12, s21, $0xb8;
	[tilespmem:$0x1E700] =	vst v63  }
0x9d: {  	_ =	swait.ge [sflag:s19], $0x1000  }
0x9e: {  	[sflag:s19] =	ssyncset.done $0x0  }
0x9f: {  	s12 =	sor.u32 $0x1580, s10;
	[sflag:s19] =	ssyncadd.s32 $0xFFFFF000  }
0xa0: {  	[spmem:s1] =	stream.indirect.scatter.add.f32 [tilespmem:s26], [sflag:$0x8], $0x20, s12, s21, $0xb8;
	[tilespmem:$0x1E700] =	vst v63  }
0xa1: {  	_ =	swait.ge [sflag:s6], $0x1000  }
0xa2: {  	[sflag:s6] =	ssyncset.done $0x0  }
0xa3: {  	s12 =	sor.u32 $0x780, s10;
	[sflag:s6] =	ssyncadd.s32 $0xFFFFF000  }
0xa4: {  	[tilespmem:s26], [sflag:$0x4] =	stream.indirect.gather [hbm4b:s4+s21], $0x20, s12, s21, $0xb8;
	[tilespmem:$0x1E700] =	vst v63  }
0xa5: {  	_ =	swait.ge [sflag:s28], $0x1000  }
0xa6: {  	[sflag:s28] =	ssyncset.done $0x0  }
0xa7: {  	s12 =	sor.u32 $0x1600, s10;
	[sflag:s28] =	ssyncadd.s32 $0xFFFFF000  }
0xa8: {  	[spmem:s1] =	stream.indirect.scatter.add.f32 [tilespmem:s22], [sflag:$0x5], $0x20, s12, s21, $0xb8;
	[tilespmem:$0x1E700] =	vst v63  }
0xa9: {  	_ =	swait.ge [sflag:s29], $0x1000  }
0xaa: {  	[sflag:s29] =	ssyncset.done $0x0  }
0xab: {  	[sflag:s29] =	ssyncadd.s32 $0xFFFFF000  }
0xac: {  	_ =	swait.ge [sflag:s30], $0x1000  }
0xad: {  	[sflag:s30] =	ssyncset.done $0x0  }
0xae: {  	s12 =	sor.u32 $0x1680, s10;
	[sflag:s30] =	ssyncadd.s32 $0xFFFFF000  }
0xaf: {  	[spmem:s1] =	stream.indirect.scatter.add.f32 [tilespmem:s23], [sflag:$0x6], $0x20, s12, s21, $0xb8;
	[tilespmem:$0x1E700] =	vst v63  }
0xb0: {  	_ =	swait.ge [sflag:s31], $0x1000  }
0xb1: {  	[sflag:s31] =	ssyncset.done $0x0  }
0xb2: {  	[sflag:s31] =	ssyncadd.s32 $0xFFFFF000  }
0xb3: {  	_ =	swait.ge [sflag:s0], $0x1000  }
0xb4: {  	[sflag:s0] =	ssyncset.done $0x0  }
0xb5: {  	s12 =	sor.u32 $0x1700, s10;
	[sflag:s0] =	ssyncadd.s32 $0xFFFFF000  }
0xb6: {  	[spmem:s1] =	stream.indirect.scatter.add.f32 [tilespmem:s24], [sflag:$0x7], $0x20, s12, s21, $0xb8;
	[tilespmem:$0x1E700] =	vst v63  }
0xb7: {  	_ =	swait.ge [sflag:s2], $0x1000  }
0xb8: {  	[sflag:s2] =	ssyncset.done $0x0  }
0xb9: {  	[sflag:s2] =	ssyncadd.s32 $0xFFFFF000  }
0xba: {  	s9 =	sadd.s32 $0x800, s9;
	_ =	swait.ge [sflag:s19], $0x1000  }
0xbb: {  	p1 =	sne.s32 s9, $0xC800;
	[sflag:s19] =	ssyncset.done $0x0  }
.Ltmp0:
0xbc: {  	s10 =	sor.u32 $0x1780, s10;
	[sflag:s19] =	ssyncadd.s32 $0xFFFFF000;
	(pc) =	sbr.rel @p1 .LBB2_2-.Ltmp0, $4  }
0xbd: {  	[spmem:s1] =	stream.indirect.scatter.add.f32 [tilespmem:s26], [sflag:$0x8], $0x20, s10, s21, $0xb8;
	[tilespmem:$0x1E700] =	vst v63  }
0xbe: {  	_ =	swait.ge [sflag:s6], $0x1000  }
0xbf: {  	[sflag:s6] =	ssyncset.done $0x0  }
0xc0: {  	s13 =	sadd.s32 $0x100, s13;
	[sflag:s6] =	ssyncadd.s32 $0xFFFFF000  }
0xc1: {  	[bflag:$0x0] =	sbarrier.arrive $0xFFFF  }
0xc2: {  	s9 =	simm.s32 @p0 $0x1FCB;
	s10 =	rddreg [dreg:$0x8]  }
0xc3: {  	[hbm:s10], [sflag:s9] =	dma.local @p0 [spmem:s15], $0x3020  }
0xc4: {  	s9 =	simm.s32 @p0 $0xB  }
0xc5: {  	_ =	swait.ge @p0 [sflag:s9], $0x3020  }
0xc6: {  	[sflag:s9] =	ssyncset.done @p0 $0x0  }
0xc7: {  	[sflag:s9] =	ssyncadd.s32 @p0 $0xFFFFCFE0;
	s9 =	rddreg [dreg:$0x7]  }
0xc8: {  	[hbm:s9], [sflag:s16] =	dma.local @!p0 [spmem:s25], $0x30E0  }
0xc9: {  	s9 =	simm.s32 @!p0 $0xB  }
0xca: {  	_ =	swait.ge @!p0 [sflag:s9], $0x30E0  }
0xcb: {  	s7 =	sadd.s32 $0x1, s7;
	s13 =	rddreg [dreg:$0x9]  }
0xcc: {  	p1 =	sne.s32 s7, s13  }
.Ltmp1:
0xcd: {  	_ = 	snop;
	(pc) =	sbr.rel @p1 .LBB2_1-.Ltmp1, $3  }
0xce: {  	_ =	sdelay $0x1  }
0xcf: {  	[sflag:s9] =	ssyncset.done @!p0 $0x0  }
0xd0: {  	[sflag:s9] =	ssyncadd.s32 @!p0 $0xFFFFCF20  }
0xd1: {  	_ =	sfence.sel $0x180000  }
0xd2: {  	[bflag:$0x0] =	sbarrier.arrive $0xFFFF  }
0xd3: {  	_ =	strace $0x9000004A  }
0xd4: {  	s0 =	stileid.u32;
	[bflag:$0x2] =	sbarrier.arrive $0xFFFF  }
0xd5: {  	p0 =	sne.s32 s0, $0x0;
	s0 =	rddreg [dreg:$0x2]  }
0xd6: {  	s0 =	sadd.s32 @!p0 $0x100000, s0  }
0xd7: {  	[sflag:s0] =	ssyncadd.tile.s32 @!p0 $0x1;
	_ =	shalt  }
.Lfunc_end2:
_tile_overlayer_lowered:
.L_overlay_start_2:
0xd8: {  	(tag) =	ssettag $0x2  }
0xd9: {  	s0 =	rddreg [dreg:$0x0];
	s2 =	stileid.u32  }
0xda: {  	s1 =	rddreg [dreg:$0x1];
	p0 =	sne.s32 s2, $0x0  }
0xdb: {  	s3 =	rddreg [dreg:$0x2];
	[bflag:$0x3] =	sbarrier.arrive $0xFFFF;
	s2 =	simm.s32 @!p0 $0x1C0C  }
0xdc: {  	[timem:s3], [sflag:s2] =	dma.local @!p0 [hbm:s0], s1  }
0xdd: {  	s0 =	simm.s32 @!p0 $0xC  }
0xde: {  	_ =	swait.ge @!p0 [sflag:s0], s1  }
0xdf: {  	s1 =	ssub.s32 @!p0 $0x0, s1;
	[sflag:s0] =	ssyncset.done @!p0 $0x0  }
0xe0: {  	[sflag:s0] =	ssyncadd.s32 @!p0 s1  }
0xe1: {  	[bflag:$0x3] =	sbarrier.arrive $0xFFFF  }
0xe2: {  	_ =	shalt  }

// kernel: kernel.19.cloned.1.call-start
scs
__scs_entry_jumppad:
0x0: {  	(pc) =	sbr.rel $0x88, $3  }
0x1: {  	(tag) =	ssettag $0x0;
	lr =	simm.s32 $0x1  }
0x2: {  	[smem:$0x3F8B] =	sst lr;
	_ =	strace $0xD0000000  }
0x3: {  	_ = 	snop  }
0x4: {  	_ = 	snop  }
0x5: {  	_ = 	snop  }
0x6: {  	_ = 	snop  }
0x7: {  	_ = 	snop  }
__scs_overlays_trampoline_lowered:
0x8: {  	[smem:$0x3F9A] =	sst s0  }
0x9: {  	[smem:$0x3F9B] =	sst s1  }
0xa: {  	[smem:$0x3F9C] =	sst s2  }
0xb: {  	[smem:$0x3F9D] =	sst s3  }
0xc: {  	[smem:$0x3F9E] =	sst s4  }
0xd: {  	[smem:$0x3F9F] =	sst s5  }
0xe: {  	[smem:$0x3FA0] =	sst s6  }
0xf: {  	[smem:$0x3FA1] =	sst s7  }
0x10: {  	[smem:$0x3FA2] =	sst s8  }
0x11: {  	[smem:$0x3FA3] =	sst s9;
	s0 =	simm.s32 @!p0 $0x0  }
0x12: {  	s1 =	sld [smem:$0x3F89];
	s0 =	simm.s32 @p0 $0x1  }
0x13: {  	[smem:$0x3FA4] =	sst s0;
	s0 =	simm.s32 @!p1 $0x0  }
0x14: {  	s2 =	sld [smem:$0x3F88];
	s0 =	simm.s32 @p1 $0x1  }
0x15: {  	[smem:$0x3FA5] =	sst s0;
	s0 =	simm.s32 @!p2 $0x0  }
0x16: {  	s3 =	sld [smem:$0x3FDB];
	s0 =	simm.s32 @p2 $0x1  }
0x17: {  	s4 =	simm.s32 $0x1BF5;
	[smem:$0x3FA7] =	sst s0  }
0x18: {  	s0 =	sld [smem:$0x3F8A];
	_ =	swait.ge [sflag:s4], $0x0  }
0x19: {  	s7 =	sld [smem:$0x3F8B]  }
0x1a: {  	s8 =	sadd.s32 $0xFFFFE003, lr  }
0x1b: {  	s9 =	sadd.s32 $0xFFFFFEF7, lr;
	s5 =	simm.s32 $0xFFFFFFFF;
	p2 =	slt.u32 s8, $0xFFFFF086  }
0x1c: {  	p1 =	slt.u32 s9, $0xF7A;
	s5 =	simm.s32 @!p2 $0x0  }
0x1d: {  	s5 =	simm.s32 @p1 $0x1;
	p0 =	seq.s32 s7, s2  }
0x1e: {  	s7 =	smul.u32 @!p0 $0xF7A, s2;
	p2 =	seq.s32 @!p0 s5, $0x0  }
0x1f: {  	s9 =	smul.u32 $0xF7A, s1;
	s8 =	simm.s32 @!p0 $0x1BF5;
	p2 =	por !p2, p0  }
0x20: {  	[sflag:s8] =	ssyncset.s32 @!p0 $0xFFFFF086;
	s6 =	sadd.s32 @!p0 s3, s7;
	s7 =	simm.s32 @!p0 $0x108  }
0x21: {  	s3 =	sadd.s32 s3, s9;
	s6 =	sadd.s32 @!p0 $0x88, s6;
	s7 =	simm.s32 @p2 $0x1082  }
0x22: {  	[simem:s7], [sflag:s8] =	dma.local @!p0 [hbm:s6], $0xF7A  }
0x23: {  	s9 =	sor.u32 $0xD0000000, s2;
	s6 =	simm.s32 $0x108;
	_ =	swait.ge @!p0 [sflag:s8], $0x0  }
0x24: {  	s3 =	sadd.s32 $0x88, s3;
	s6 =	simm.s32 @!p1 $0x1082;
	[sflag:s4] =	ssyncset.s32 $0xFFFFF086  }
0x25: {  	[simem:s6], [sflag:s4] =	dma.local [hbm:s3], $0xF7A  }
0x26: {  	[smem:$0x3F8B] =	sst s1;
	(tag) =	ssettag s2;
	_ =	strace s9  }
0x27: {  	s1 =	sld [smem:$0x3F9B]  }
0x28: {  	s2 =	sld [smem:$0x3F9C]  }
0x29: {  	s4 =	sld [smem:$0x3F9E]  }
0x2a: {  	p0 =	seq.s32 s5, $0x0;
	s5 =	sld [smem:$0x3F9F]  }
0x2b: {  	s6 =	sld [smem:$0x3FA0]  }
0x2c: {  	s7 =	sld [smem:$0x3FA1]  }
0x2d: {  	s3 =	simm.s32 $0x108;
	s8 =	sld [smem:$0x3FA2]  }
0x2e: {  	s3 =	simm.s32 @!p0 $0x1082;
	s9 =	sld [smem:$0x3FA3]  }
0x2f: {  	lr =	sadd.s32 s0, s3;
	s0 =	sld [smem:$0x3F9A]  }
0x30: {  	s3 =	sld [smem:$0x3F9D]  }
0x31: {  	[smem:$0x3FA6] =	sst s10  }
0x32: {  	s10 =	sld [smem:$0x3FA4];
	_ =	sdelay $0x3  }
0x33: {  	p0 =	seq.s32 s10, $0x1;
	s10 =	sld [smem:$0x3FA6];
	_ =	sdelay $0x3  }
0x34: {  	[smem:$0x3FA6] =	sst s10  }
0x35: {  	s10 =	sld [smem:$0x3FA5];
	_ =	sdelay $0x3  }
0x36: {  	p1 =	seq.s32 s10, $0x1;
	s10 =	sld [smem:$0x3FA6];
	_ =	sdelay $0x3  }
0x37: {  	[smem:$0x3FA6] =	sst s10  }
0x38: {  	s10 =	sld [smem:$0x3FA7]  }
0x39: {  	_ = 	snop;
	(pc) =	sbr.ind lr, $3  }
0x3a: {  	_ = 	snop  }
0x3b: {  	_ = 	snop  }
0x3c: {  	p2 =	seq.s32 s10, $0x1;
	s10 =	sld [smem:$0x3FA6]  }
0x3d: {  	_ =	shalt  }
0x3e: {  	_ =	shalt  }
0x3f: {  	_ =	shalt  }
0x40: {  	_ =	shalt  }
0x41: {  	_ =	shalt  }
0x42: {  	_ =	shalt  }
0x43: {  	_ =	shalt  }
0x44: {  	_ =	shalt  }
0x45: {  	_ =	shalt  }
0x46: {  	_ =	shalt  }
0x47: {  	_ =	shalt  }
0x48: {  	_ =	shalt  }
0x49: {  	_ =	shalt  }
0x4a: {  	_ =	shalt  }
0x4b: {  	_ =	shalt  }
0x4c: {  	_ =	shalt  }
0x4d: {  	_ =	shalt  }
0x4e: {  	_ =	shalt  }
0x4f: {  	_ =	shalt  }
0x50: {  	_ =	shalt  }
0x51: {  	_ =	shalt  }
0x52: {  	_ =	shalt  }
0x53: {  	_ =	shalt  }
0x54: {  	_ =	shalt  }
0x55: {  	_ =	shalt  }
0x56: {  	_ =	shalt  }
0x57: {  	_ =	shalt  }
0x58: {  	_ =	shalt  }
0x59: {  	_ =	shalt  }
0x5a: {  	_ =	shalt  }
0x5b: {  	_ =	shalt  }
0x5c: {  	_ =	shalt  }
0x5d: {  	_ =	shalt  }
0x5e: {  	_ =	shalt  }
0x5f: {  	_ =	shalt  }
0x60: {  	_ =	shalt  }
0x61: {  	_ =	shalt  }
0x62: {  	_ =	shalt  }
0x63: {  	_ =	shalt  }
0x64: {  	_ =	shalt  }
0x65: {  	_ =	shalt  }
0x66: {  	_ =	shalt  }
0x67: {  	_ =	shalt  }
0x68: {  	_ =	shalt  }
0x69: {  	_ =	shalt  }
0x6a: {  	_ =	shalt  }
0x6b: {  	_ =	shalt  }
0x6c: {  	_ =	shalt  }
0x6d: {  	_ =	shalt  }
0x6e: {  	_ =	shalt  }
0x6f: {  	_ =	shalt  }
0x70: {  	_ =	shalt  }
0x71: {  	_ =	shalt  }
0x72: {  	_ =	shalt  }
0x73: {  	_ =	shalt  }
0x74: {  	_ =	shalt  }
0x75: {  	_ =	shalt  }
0x76: {  	_ =	shalt  }
0x77: {  	_ =	shalt  }
0x78: {  	_ =	shalt  }
0x79: {  	_ =	shalt  }
0x7a: {  	_ =	shalt  }
0x7b: {  	_ =	shalt  }
0x7c: {  	_ =	shalt  }
0x7d: {  	_ =	shalt  }
0x7e: {  	_ =	shalt  }
0x7f: {  	_ =	shalt  }
0x80: {  	_ =	shalt  }
0x81: {  	_ =	shalt  }
0x82: {  	_ =	shalt  }
0x83: {  	_ =	shalt  }
0x84: {  	_ =	shalt  }
0x85: {  	_ =	shalt  }
0x86: {  	_ =	shalt  }
0x87: {  	_ =	shalt  }
.Lfunc_end0:
.L_simem_size_0:
called_computation.2_lowered:
.L_overlay_start_0:
0x88: {  	s2 =	sld [smem:$0x3FD9]  }
0x89: {  	s3 =	sld [smem:$0x3FFE];
	_ =	sdelay $0x1  }
0x8a: {  	s1 =	srdreg.scid  }
0x8b: {  	s0 =	sand.u32 $0x1, s1  }
0x8c: {  	s16 =	sshll.u32 s0, $0xA;
	s2 =	sadd.s32 s3, s2  }
0x8d: {  	s2 =	sadd.s32 s2, s16  }
0x8e: {  	[smem:$0x3FB2] =	sst s2  }
0x8f: {  	_ = 	snop  }
0x90: {  	(tm) =	ssettm $0x1  }
0x91: {  	s17 =	sld [smem:$0x3FFB];
	_ =	sdelay $0x3  }
0x92: {  	_ =	strace s17  }
0x93: {  	s2 =	sld [smem:$0x3FFC];
	_ =	sdelay $0x3  }
0x94: {  	_ =	strace s2  }
0x95: {  	s2 =	sld [smem:$0x3FFD];
	_ =	sdelay $0x3  }
0x96: {  	_ =	strace s2  }
0x97: {  	_ =	strace $0x8FFFFFFF  }
0x98: {  	s18 =	sld [smem:$0x3FDB];
	_ =	sdelay $0x1  }
0x99: {  	s19 =	simm.s32 $_scs_section_size  }
0x9a: {  	s4 =	simm.s32 $_size__tile_overlayer_lowered;
	s5 =	simm.s32 $_tile_overlayer_lowered  }
0x9b: {  	s22 =	simm.s32 $0x1BFF;
	s21 =	sshll.u32 s5, $0x1;
	s2 =	sadd.s32 s19, s18  }
0x9c: {  	s6 =	simm.s32 $0x0;
	s20 =	sshll.u32 s4, $0x1;
	s4 =	sadd.s32 s21, s2  }
0x9d: {  	[timem:s6], [sflag:s22] =	dma.local [hbm:s4], s20  }
0x9e: {  	_ =	swait.ge [sflag:s22], s20  }
0x9f: {  	s3 =	ssub.s32 $0x0, s20;
	[sflag:s22] =	ssyncset.done $0x0  }
0xa0: {  	[sflag:s22] =	ssyncadd.s32 s3;
	_ =	sdelay $0x1  }
0xa1: {  	s23 =	simm.s32 $0x1B8B  }
0xa2: {  	_ =	swait.ge [sflag:s23], $0x1  }
0xa3: {  	[sflag:s23] =	ssyncset.done $0x0  }
0xa4: {  	s25 =	simm.s32 $0x1B8E;
	s24 =	sld [smem:$0x3FFE];
	[sflag:s23] =	ssyncadd.s32 $0xFFFFFFFF  }
0xa5: {  	s26 =	simm.s32 $execute0_lowered;
	[smem:$0x3FD2] =	sst s25  }
0xa6: {  	s4 =	sshll.u32 s26, $0x1;
	_ =	strace $0x8000004C;
	[dreg:$0x1] =	wrdreg $0xFFFFFFFF  }
0xa7: {  	s28 =	simm.s32 $_size_execute0_lowered;
	s2 =	sadd.s32 s2, s4;
	[dreg:$0x0] =	wrdreg $0x0  }
0xa8: {  	s4 =	sshll.u32 s28, $0x1;
	[dreg:$0x2] =	wrdreg s2  }
0xa9: {  	[dreg:$0x3] =	wrdreg s4  }
0xaa: {  	[dreg:$0x4] =	wrdreg $0xC0  }
0xab: {  	_ =	task [dreg:s6], $0x5FFFF  }
0xac: {  	[dreg:$0x1] =	wrdreg $0xFFFFFFFF  }
0xad: {  	[dreg:$0x0] =	wrdreg $0x60  }
0xae: {  	[dreg:$0x2] =	wrdreg s24  }
0xaf: {  	[dreg:$0x3] =	wrdreg $0x60000  }
0xb0: {  	[dreg:$0x4] =	wrdreg $0x9  }
0xb1: {  	_ =	task.clear_ibuf [dreg:s6], $0x5FFFF;
	_ =	strace $0x9000004C  }
0xb2: {  	s29 =	simm.s32 $0x9;
	_ =	strace $0x8000004E  }
0xb3: {  	_ =	swait.ge [sflag:s29], $0x1  }
0xb4: {  	[sflag:s29] =	ssyncadd.s32 $0xFFFFFFFF  }
0xb5: {  	_ =	strace $0x9000004E  }
0xb6: {  	_ =	sfence  }
0xb7: {  	s30 =	sld [smem:$0x0];
	_ =	sdelay $0x2  }
0xb8: {  	s31 =	sshll.u32 s1, $0xD;
	s1 =	sshrl.u32 s1, $0x2  }
0xb9: {  	s3 =	sand.u32 $0x4000, s31;
	s1 =	sadd.s32 s1, s30  }
0xba: {  	s0 =	sor.u32 s3, s0;
	s1 =	sshll.u32 s1, $0x11  }
0xbb: {  	s0 =	sor.u32 s1, s0  }
0xbc: {  	s0 =	sadd.s32 $0x8F2B, s0  }
0xbd: {  	[sflag:s0] =	ssyncadd.remote.s32 $0x1  }
0xbe: {  	_ =	sfence.sel $0xFFFF  }
0xbf: {  	[dreg:$0x0] =	wrdreg $0xFFFFFFFF;
	(pc) =	sbr.abs _section_cstart, $3  }
0xc0: {  	[dreg:$0x1] =	wrdreg $0xFFFFFFFF  }
0xc1: {  	_ =	task.clear_ibuf [dreg:s6], $0x2FFFF;
	_ =	strace $0x9FFFFFFF  }
0xc2: {  	(tm) =	ssettm $0x7FFFFFFF  }
0xc3: {  	_ =	shalt  }
tec
execute0_lowered:
.L_overlay_start_1:
0x0: {  	(tag) =	ssettag $0x1  }
0x1: {  	s0 =	rddreg [dreg:$0x0]  }
0x2: {  	s2 =	rddreg [dreg:$0x1]  }
0x3: {  	s3 =	simm.s32 $0x0;
	s1 =	srdreg.scid;
	s15 =	stileid.u32  }
0x4: {  	s18 =	simm.s32 $0x9;
	s28 =	simm.s32 $0x1;
	s6 =	smul.u32 $0x61C00, s15  }
0x5: {  	s29 =	simm.s32 $0x5;
	s30 =	simm.s32 $0x2;
	s9 =	smul.u32 $0x30E0, s15  }
0x6: {  	s31 =	simm.s32 $0x6;
	s1 =	sand.u32 $0x1, s1;
	s19 =	smul.u32 $0xC800, s15  }
0x7: {  	s4 =	sadd.s32 $0x6B000, s0;
	s5 =	sadd.s32 $0xF1400, s0;
	s21 =	smul.u32 $0x18700, s15  }
0x8: {  	s10 =	sadd.s32 $0xD8400, s0;
	s0 =	sadd.s32 $0x123400, s0;
	s24 =	smul.u32 $0x1900, s15  }
0x9: {  	[smem:$0x7FF] =	sst s3;
	s13 =	sadd.s32 $0x16E900, s2;
	s7 =	smul.u32 $0x32000, s1  }
0xa: {  	p0 =	seq.s32 s15, $0xF;
	s8 =	ssub.s32 $0x2, s1;
	s12 =	smul.u32 $0x190000, s1  }
0xb: {  	_ =	strace $0x8000004D;
	s1 =	smul.u32 $0xC8000, s1;
	s11 =	sshrl.u32 s8, $0x1  }
0xc: {  	s6 =	sshrl.u32 s6, $0x2;
	s26 =	sadd.s32 s24, s10;
	s24 =	simm.s32 $0x4000  }
0xd: {  	s8 =	ssub.s32 s8, s11;
	s7 =	sadd.s32 s9, s7;
	s6 =	sadd.s32 s6, s2  }
0xe: {  	s20 =	sshrl.u32 s12, $0x3;
	s1 =	sadd.s32 s19, s1;
	s9 =	sshrl.u32 s19, $0x3  }
0xf: {  	s12 =	sadd.s32 s21, s12;
	s19 =	simm.s32 $0x4;
	s7 =	sadd.s32 s4, s7  }
0x10: {  	s22 =	sshrl.u32 s1, $0x3;
	s9 =	sadd.s32 s10, s9;
	s23 =	sshrl.u32 s12, $0x3  }
0x11: {  	s25 =	smax.u32 s8, $0x1;
	s8 =	sadd.s32 $0x100, s26;
	s17 =	sshrl.u32 @!p0 s6, $0x3  }
0x12: {  	s26 =	simm.s32 $0x5000;
	s6 =	simm.s32 $0x8;
	[dreg:$0x3] =	wrdreg s7  }
0x13: {  	s7 =	sadd.s32 $0x2DD20, s20;
	[dreg:$0x6] =	wrdreg s9;
	s9 =	sadd.s32 s0, s23  }
0x14: {  	[dreg:$0x9] =	wrdreg s25;
	s20 =	simm.s32 $0xA;
	s23 =	simm.s32 $0x3000  }
0x15: {  	s14 =	sadd.s32 s4, s7;
	[dreg:$0x7] =	wrdreg s9;
	s9 =	sadd.s32 s21, s2  }
0x16: {  	s0 =	sadd.s32 s0, s7;
	s21 =	simm.s32 $0x80;
	[dreg:$0x4] =	wrdreg s14  }
0x17: {  	s7 =	simm.s32 $0x0;
	s14 =	sadd.s32 s5, s22;
	[dreg:$0x8] =	wrdreg s0  }
0x18: {  	s0 =	sshll.u32 @!p0 s15, $0x6;
	s15 =	sshrl.u32 @p0 s13, $0x3;
	s22 =	simm.s32 $0x2000  }
0x19: {  	s25 =	sshrl.u32 @!p0 s9, $0x3;
	[dreg:$0x5] =	wrdreg s14;
	s14 =	sadd.s32 $0x800, s1  }
0x1a: {  	s16 =	sor.u32 @!p0 $0x1C0B, s0;
	s0 =	simm.s32 $0x3;
	s1 =	simm.s32 $0x7  }
.LBB2_1:
0x1b: {  	s9 =	simm.s32 @p0 $0x1FCB;
	s10 =	rddreg [dreg:$0x4]  }
0x1c: {  	[spmem:s15], [sflag:s9] =	dma.local @p0 [hbm:s10], $0x3020  }
0x1d: {  	s9 =	simm.s32 @p0 $0xB  }
0x1e: {  	_ =	swait.ge @p0 [sflag:s9], $0x3020  }
0x1f: {  	[sflag:s9] =	ssyncset.done @p0 $0x0  }
0x20: {  	[sflag:s9] =	ssyncadd.s32 @p0 $0xFFFFCFE0;
	s9 =	rddreg [dreg:$0x3]  }
0x21: {  	[spmem:s17], [sflag:s16] =	dma.local @!p0 [hbm:s9], $0x30E0  }
0x22: {  	s9 =	simm.s32 @!p0 $0xB  }
0x23: {  	_ =	swait.ge @!p0 [sflag:s9], $0x30E0  }
0x24: {  	[sflag:s9] =	ssyncset.done @!p0 $0x0  }
0x25: {  	[sflag:s9] =	ssyncadd.s32 @!p0 $0xFFFFCF20  }
0x26: {  	[bflag:$0x0] =	sbarrier.arrive $0xFFFF  }
0x27: {  	s11 =	rddreg [dreg:$0x5]  }
0x28: {  	[tilespmem:s3], [sflag:$0x9] =	stream.linear.gather [hbm4b:s11+s3], $0x800, $0x38;
	[tilespmem:$0x1E700] =	vst v63  }
0x29: {  	_ =	swait.ge [sflag:s18], $0x800  }
0x2a: {  	[sflag:s18] =	ssyncset.done $0x0  }
0x2b: {  	s13 =	simm.s32 $0x1000;
	s12 =	rddreg [dreg:$0x6];
	[sflag:s18] =	ssyncadd.s32 $0xFFFFF800  }
0x2c: {  	[tilespmem:s13], [sflag:$0xA] =	stream.linear.gather [hbm4b:s12+s3], $0x800, $0x38;
	[tilespmem:$0x1E700] =	vst v63  }
0x2d: {  	_ =	swait.ge [sflag:s20], $0x800  }
0x2e: {  	[sflag:s20] =	ssyncset.done $0x0  }
0x2f: {  	s9 =	simm.s32 $0x0;
	s13 =	smov.u32 s8;
	[sflag:s20] =	ssyncadd.s32 $0xFFFFF800  }
.LBB2_2:
0x30: {  	p1 =	seq.s32 s9, $0x0  }
0x31: {  	s10 =	simm.s32 @!p1 $0x9  }
0x32: {  	_ =	swait.ge @!p1 [sflag:s10], $0x800  }
0x33: {  	[sflag:s10] =	ssyncset.done @!p1 $0x0  }
0x34: {  	[sflag:s10] =	ssyncadd.s32 @!p1 $0xFFFFF800;
	s10 =	simm.s32 @!p1 $0xA  }
0x35: {  	p2 =	seq.s32 @!p1 s9, $0xC000;
	_ =	swait.ge @!p1 [sflag:s10], $0x800  }
0x36: {  	p2 =	por p1, !p2;
	[sflag:s10] =	ssyncset.done @!p1 $0x0  }
0x37: {  	s11 =	sadd.s32 @p2 s9, s14;
	[sflag:s10] =	ssyncadd.s32 @!p1 $0xFFFFF800;
	s10 =	simm.s32 @!p1 $0x0  }
0x38: {  	s11 =	sshrl.u32 @p2 s11, $0x3;
	s10 =	sand.u32 @p2 $0x800, s9  }
0x39: {  	s11 =	sadd.s32 @p2 s5, s11;
	s12 =	sxor.u32 @p2 $0x800, s10  }
0x3a: {  	[tilespmem:s12], [sflag:$0x9] =	stream.linear.gather @p2 [hbm4b:s11+s3], $0x800, $0x38;
	[tilespmem:$0x1E700] =	vst v63  }
0x3b: {  	s11 =	sxor.u32 @p2 $0x1800, s10  }
0x3c: {  	[tilespmem:s11], [sflag:$0xA] =	stream.linear.gather @p2 [hbm4b:s13+s3], $0x800, $0x38;
	[tilespmem:$0x1E700] =	vst v63  }
0x3d: {  	_ = 	snop  }
0x3e: {  	[tilespmem:s22], [sflag:$0x1] =	stream.indirect.gather [hbm4b:s4+s21], $0x20, s10, s21, $0xb8;
	[tilespmem:$0x1E700] =	vst v63  }
0x3f: {  	s12 =	sor.u32 $0x80, s10  }
0x40: {  	[tilespmem:s23], [sflag:$0x2] =	stream.indirect.gather [hbm4b:s4+s21], $0x20, s12, s21, $0xb8;
	[tilespmem:$0x1E700] =	vst v63  }
0x41: {  	s12 =	sor.u32 $0x100, s10  }
0x42: {  	[tilespmem:s24], [sflag:$0x3] =	stream.indirect.gather [hbm4b:s4+s21], $0x20, s12, s21, $0xb8;
	[tilespmem:$0x1E700] =	vst v63  }
0x43: {  	s12 =	sor.u32 $0x180, s10  }
0x44: {  	[tilespmem:s26], [sflag:$0x4] =	stream.indirect.gather [hbm4b:s4+s21], $0x20, s12, s21, $0xb8;
	[tilespmem:$0x1E700] =	vst v63  }
0x45: {  	_ =	swait.ge [sflag:s28], $0x1000  }
0x46: {  	[sflag:s28] =	ssyncset.done $0x0  }
0x47: {  	s12 =	sor.u32 $0x1000, s10;
	[sflag:s28] =	ssyncadd.s32 $0xFFFFF000  }
0x48: {  	[spmem:s2] =	stream.indirect.scatter.add.f32 [tilespmem:s22], [sflag:$0x5], $0x20, s12, s21, $0xb8;
	[tilespmem:$0x1E700] =	vst v63  }
0x49: {  	_ =	swait.ge [sflag:s29], $0x1000  }
0x4a: {  	[sflag:s29] =	ssyncset.done $0x0  }
0x4b: {  	s12 =	sor.u32 $0x200, s10;
	[sflag:s29] =	ssyncadd.s32 $0xFFFFF000  }
0x4c: {  	[tilespmem:s22], [sflag:$0x1] =	stream.indirect.gather [hbm4b:s4+s21], $0x20, s12, s21, $0xb8;
	[tilespmem:$0x1E700] =	vst v63  }
0x4d: {  	_ =	swait.ge [sflag:s30], $0x1000  }
0x4e: {  	[sflag:s30] =	ssyncset.done $0x0  }
0x4f: {  	s12 =	sor.u32 $0x1080, s10;
	[sflag:s30] =	ssyncadd.s32 $0xFFFFF000  }
0x50: {  	[spmem:s2] =	stream.indirect.scatter.add.f32 [tilespmem:s23], [sflag:$0x6], $0x20, s12, s21, $0xb8;
	[tilespmem:$0x1E700] =	vst v63  }
0x51: {  	_ =	swait.ge [sflag:s31], $0x1000  }
0x52: {  	[sflag:s31] =	ssyncset.done $0x0  }
0x53: {  	s12 =	sor.u32 $0x280, s10;
	[sflag:s31] =	ssyncadd.s32 $0xFFFFF000  }
0x54: {  	[tilespmem:s23], [sflag:$0x2] =	stream.indirect.gather [hbm4b:s4+s21], $0x20, s12, s21, $0xb8;
	[tilespmem:$0x1E700] =	vst v63  }
0x55: {  	_ =	swait.ge [sflag:s0], $0x1000  }
0x56: {  	[sflag:s0] =	ssyncset.done $0x0  }
0x57: {  	s12 =	sor.u32 $0x1100, s10;
	[sflag:s0] =	ssyncadd.s32 $0xFFFFF000  }
0x58: {  	[spmem:s2] =	stream.indirect.scatter.add.f32 [tilespmem:s24], [sflag:$0x7], $0x20, s12, s21, $0xb8;
	[tilespmem:$0x1E700] =	vst v63  }
0x59: {  	_ =	swait.ge [sflag:s1], $0x1000  }
0x5a: {  	[sflag:s1] =	ssyncset.done $0x0  }
0x5b: {  	s12 =	sor.u32 $0x300, s10;
	[sflag:s1] =	ssyncadd.s32 $0xFFFFF000  }
0x5c: {  	[tilespmem:s24], [sflag:$0x3] =	stream.indirect.gather [hbm4b:s4+s21], $0x20, s12, s21, $0xb8;
	[tilespmem:$0x1E700] =	vst v63  }
0x5d: {  	_ =	swait.ge [sflag:s19], $0x1000  }
0x5e: {  	[sflag:s19] =	ssyncset.done $0x0  }
0x5f: {  	s12 =	sor.u32 $0x1180, s10;
	[sflag:s19] =	ssyncadd.s32 $0xFFFFF000  }
0x60: {  	[spmem:s2] =	stream.indirect.scatter.add.f32 [tilespmem:s26], [sflag:$0x8], $0x20, s12, s21, $0xb8;
	[tilespmem:$0x1E700] =	vst v63  }
0x61: {  	_ =	swait.ge [sflag:s6], $0x1000  }
0x62: {  	[sflag:s6] =	ssyncset.done $0x0  }
0x63: {  	s12 =	sor.u32 $0x380, s10;
	[sflag:s6] =	ssyncadd.s32 $0xFFFFF000  }
0x64: {  	[tilespmem:s26], [sflag:$0x4] =	stream.indirect.gather [hbm4b:s4+s21], $0x20, s12, s21, $0xb8;
	[tilespmem:$0x1E700] =	vst v63  }
0x65: {  	_ =	swait.ge [sflag:s28], $0x1000  }
0x66: {  	[sflag:s28] =	ssyncset.done $0x0  }
0x67: {  	s12 =	sor.u32 $0x1200, s10;
	[sflag:s28] =	ssyncadd.s32 $0xFFFFF000  }
0x68: {  	[spmem:s2] =	stream.indirect.scatter.add.f32 [tilespmem:s22], [sflag:$0x5], $0x20, s12, s21, $0xb8;
	[tilespmem:$0x1E700] =	vst v63  }
0x69: {  	_ =	swait.ge [sflag:s29], $0x1000  }
0x6a: {  	[sflag:s29] =	ssyncset.done $0x0  }
0x6b: {  	s12 =	sor.u32 $0x400, s10;
	[sflag:s29] =	ssyncadd.s32 $0xFFFFF000  }
0x6c: {  	[tilespmem:s22], [sflag:$0x1] =	stream.indirect.gather [hbm4b:s4+s21], $0x20, s12, s21, $0xb8;
	[tilespmem:$0x1E700] =	vst v63  }
0x6d: {  	_ =	swait.ge [sflag:s30], $0x1000  }
0x6e: {  	[sflag:s30] =	ssyncset.done $0x0  }
0x6f: {  	s12 =	sor.u32 $0x1280, s10;
	[sflag:s30] =	ssyncadd.s32 $0xFFFFF000  }
0x70: {  	[spmem:s2] =	stream.indirect.scatter.add.f32 [tilespmem:s23], [sflag:$0x6], $0x20, s12, s21, $0xb8;
	[tilespmem:$0x1E700] =	vst v63  }
0x71: {  	_ =	swait.ge [sflag:s31], $0x1000  }
0x72: {  	[sflag:s31] =	ssyncset.done $0x0  }
0x73: {  	s12 =	sor.u32 $0x480, s10;
	[sflag:s31] =	ssyncadd.s32 $0xFFFFF000  }
0x74: {  	[tilespmem:s23], [sflag:$0x2] =	stream.indirect.gather [hbm4b:s4+s21], $0x20, s12, s21, $0xb8;
	[tilespmem:$0x1E700] =	vst v63  }
0x75: {  	_ =	swait.ge [sflag:s0], $0x1000  }
0x76: {  	[sflag:s0] =	ssyncset.done $0x0  }
0x77: {  	s12 =	sor.u32 $0x1300, s10;
	[sflag:s0] =	ssyncadd.s32 $0xFFFFF000  }
0x78: {  	[spmem:s2] =	stream.indirect.scatter.add.f32 [tilespmem:s24], [sflag:$0x7], $0x20, s12, s21, $0xb8;
	[tilespmem:$0x1E700] =	vst v63  }
0x79: {  	_ =	swait.ge [sflag:s1], $0x1000  }
0x7a: {  	[sflag:s1] =	ssyncset.done $0x0  }
0x7b: {  	s12 =	sor.u32 $0x500, s10;
	[sflag:s1] =	ssyncadd.s32 $0xFFFFF000  }
0x7c: {  	[tilespmem:s24], [sflag:$0x3] =	stream.indirect.gather [hbm4b:s4+s21], $0x20, s12, s21, $0xb8;
	[tilespmem:$0x1E700] =	vst v63  }
0x7d: {  	_ =	swait.ge [sflag:s19], $0x1000  }
0x7e: {  	[sflag:s19] =	ssyncset.done $0x0  }
0x7f: {  	s12 =	sor.u32 $0x1380, s10;
	[sflag:s19] =	ssyncadd.s32 $0xFFFFF000  }
0x80: {  	[spmem:s2] =	stream.indirect.scatter.add.f32 [tilespmem:s26], [sflag:$0x8], $0x20, s12, s21, $0xb8;
	[tilespmem:$0x1E700] =	vst v63  }
0x81: {  	_ =	swait.ge [sflag:s6], $0x1000  }
0x82: {  	[sflag:s6] =	ssyncset.done $0x0  }
0x83: {  	s12 =	sor.u32 $0x580, s10;
	[sflag:s6] =	ssyncadd.s32 $0xFFFFF000  }
0x84: {  	[tilespmem:s26], [sflag:$0x4] =	stream.indirect.gather [hbm4b:s4+s21], $0x20, s12, s21, $0xb8;
	[tilespmem:$0x1E700] =	vst v63  }
0x85: {  	_ =	swait.ge [sflag:s28], $0x1000  }
0x86: {  	[sflag:s28] =	ssyncset.done $0x0  }
0x87: {  	s12 =	sor.u32 $0x1400, s10;
	[sflag:s28] =	ssyncadd.s32 $0xFFFFF000  }
0x88: {  	[spmem:s2] =	stream.indirect.scatter.add.f32 [tilespmem:s22], [sflag:$0x5], $0x20, s12, s21, $0xb8;
	[tilespmem:$0x1E700] =	vst v63  }
0x89: {  	_ =	swait.ge [sflag:s29], $0x1000  }
0x8a: {  	[sflag:s29] =	ssyncset.done $0x0  }
0x8b: {  	s12 =	sor.u32 $0x600, s10;
	[sflag:s29] =	ssyncadd.s32 $0xFFFFF000  }
0x8c: {  	[tilespmem:s22], [sflag:$0x1] =	stream.indirect.gather [hbm4b:s4+s21], $0x20, s12, s21, $0xb8;
	[tilespmem:$0x1E700] =	vst v63  }
0x8d: {  	_ =	swait.ge [sflag:s30], $0x1000  }
0x8e: {  	[sflag:s30] =	ssyncset.done $0x0  }
0x8f: {  	s12 =	sor.u32 $0x1480, s10;
	[sflag:s30] =	ssyncadd.s32 $0xFFFFF000  }
0x90: {  	[spmem:s2] =	stream.indirect.scatter.add.f32 [tilespmem:s23], [sflag:$0x6], $0x20, s12, s21, $0xb8;
	[tilespmem:$0x1E700] =	vst v63  }
0x91: {  	_ =	swait.ge [sflag:s31], $0x1000  }
0x92: {  	[sflag:s31] =	ssyncset.done $0x0  }
0x93: {  	s12 =	sor.u32 $0x680, s10;
	[sflag:s31] =	ssyncadd.s32 $0xFFFFF000  }
0x94: {  	[tilespmem:s23], [sflag:$0x2] =	stream.indirect.gather [hbm4b:s4+s21], $0x20, s12, s21, $0xb8;
	[tilespmem:$0x1E700] =	vst v63  }
0x95: {  	_ =	swait.ge [sflag:s0], $0x1000  }
0x96: {  	[sflag:s0] =	ssyncset.done $0x0  }
0x97: {  	s12 =	sor.u32 $0x1500, s10;
	[sflag:s0] =	ssyncadd.s32 $0xFFFFF000  }
0x98: {  	[spmem:s2] =	stream.indirect.scatter.add.f32 [tilespmem:s24], [sflag:$0x7], $0x20, s12, s21, $0xb8;
	[tilespmem:$0x1E700] =	vst v63  }
0x99: {  	_ =	swait.ge [sflag:s1], $0x1000  }
0x9a: {  	[sflag:s1] =	ssyncset.done $0x0  }
0x9b: {  	s12 =	sor.u32 $0x700, s10;
	[sflag:s1] =	ssyncadd.s32 $0xFFFFF000  }
0x9c: {  	[tilespmem:s24], [sflag:$0x3] =	stream.indirect.gather [hbm4b:s4+s21], $0x20, s12, s21, $0xb8;
	[tilespmem:$0x1E700] =	vst v63  }
0x9d: {  	_ =	swait.ge [sflag:s19], $0x1000  }
0x9e: {  	[sflag:s19] =	ssyncset.done $0x0  }
0x9f: {  	s12 =	sor.u32 $0x1580, s10;
	[sflag:s19] =	ssyncadd.s32 $0xFFFFF000  }
0xa0: {  	[spmem:s2] =	stream.indirect.scatter.add.f32 [tilespmem:s26], [sflag:$0x8], $0x20, s12, s21, $0xb8;
	[tilespmem:$0x1E700] =	vst v63  }
0xa1: {  	_ =	swait.ge [sflag:s6], $0x1000  }
0xa2: {  	[sflag:s6] =	ssyncset.done $0x0  }
0xa3: {  	s12 =	sor.u32 $0x780, s10;
	[sflag:s6] =	ssyncadd.s32 $0xFFFFF000  }
0xa4: {  	[tilespmem:s26], [sflag:$0x4] =	stream.indirect.gather [hbm4b:s4+s21], $0x20, s12, s21, $0xb8;
	[tilespmem:$0x1E700] =	vst v63  }
0xa5: {  	_ =	swait.ge [sflag:s28], $0x1000  }
0xa6: {  	[sflag:s28] =	ssyncset.done $0x0  }
0xa7: {  	s12 =	sor.u32 $0x1600, s10;
	[sflag:s28] =	ssyncadd.s32 $0xFFFFF000  }
0xa8: {  	[spmem:s2] =	stream.indirect.scatter.add.f32 [tilespmem:s22], [sflag:$0x5], $0x20, s12, s21, $0xb8;
	[tilespmem:$0x1E700] =	vst v63  }
0xa9: {  	_ =	swait.ge [sflag:s29], $0x1000  }
0xaa: {  	[sflag:s29] =	ssyncset.done $0x0  }
0xab: {  	[sflag:s29] =	ssyncadd.s32 $0xFFFFF000  }
0xac: {  	_ =	swait.ge [sflag:s30], $0x1000  }
0xad: {  	[sflag:s30] =	ssyncset.done $0x0  }
0xae: {  	s12 =	sor.u32 $0x1680, s10;
	[sflag:s30] =	ssyncadd.s32 $0xFFFFF000  }
0xaf: {  	[spmem:s2] =	stream.indirect.scatter.add.f32 [tilespmem:s23], [sflag:$0x6], $0x20, s12, s21, $0xb8;
	[tilespmem:$0x1E700] =	vst v63  }
0xb0: {  	_ =	swait.ge [sflag:s31], $0x1000  }
0xb1: {  	[sflag:s31] =	ssyncset.done $0x0  }
0xb2: {  	[sflag:s31] =	ssyncadd.s32 $0xFFFFF000  }
0xb3: {  	_ =	swait.ge [sflag:s0], $0x1000  }
0xb4: {  	[sflag:s0] =	ssyncset.done $0x0  }
0xb5: {  	s12 =	sor.u32 $0x1700, s10;
	[sflag:s0] =	ssyncadd.s32 $0xFFFFF000  }
0xb6: {  	[spmem:s2] =	stream.indirect.scatter.add.f32 [tilespmem:s24], [sflag:$0x7], $0x20, s12, s21, $0xb8;
	[tilespmem:$0x1E700] =	vst v63  }
0xb7: {  	_ =	swait.ge [sflag:s1], $0x1000  }
0xb8: {  	[sflag:s1] =	ssyncset.done $0x0  }
0xb9: {  	[sflag:s1] =	ssyncadd.s32 $0xFFFFF000  }
0xba: {  	s9 =	sadd.s32 $0x800, s9;
	_ =	swait.ge [sflag:s19], $0x1000  }
0xbb: {  	p1 =	sne.s32 s9, $0xC800;
	[sflag:s19] =	ssyncset.done $0x0  }
.Ltmp0:
0xbc: {  	s10 =	sor.u32 $0x1780, s10;
	[sflag:s19] =	ssyncadd.s32 $0xFFFFF000;
	(pc) =	sbr.rel @p1 .LBB2_2-.Ltmp0, $4  }
0xbd: {  	[spmem:s2] =	stream.indirect.scatter.add.f32 [tilespmem:s26], [sflag:$0x8], $0x20, s10, s21, $0xb8;
	[tilespmem:$0x1E700] =	vst v63  }
0xbe: {  	_ =	swait.ge [sflag:s6], $0x1000  }
0xbf: {  	[sflag:s6] =	ssyncset.done $0x0  }
0xc0: {  	s13 =	sadd.s32 $0x100, s13;
	[sflag:s6] =	ssyncadd.s32 $0xFFFFF000  }
0xc1: {  	[bflag:$0x0] =	sbarrier.arrive $0xFFFF  }
0xc2: {  	s9 =	simm.s32 @p0 $0x1FCB;
	s10 =	rddreg [dreg:$0x8]  }
0xc3: {  	[hbm:s10], [sflag:s9] =	dma.local @p0 [spmem:s15], $0x3020  }
0xc4: {  	s9 =	simm.s32 @p0 $0xB  }
0xc5: {  	_ =	swait.ge @p0 [sflag:s9], $0x3020  }
0xc6: {  	[sflag:s9] =	ssyncset.done @p0 $0x0  }
0xc7: {  	[sflag:s9] =	ssyncadd.s32 @p0 $0xFFFFCFE0;
	s9 =	rddreg [dreg:$0x7]  }
0xc8: {  	[hbm:s9], [sflag:s16] =	dma.local @!p0 [spmem:s25], $0x30E0  }
0xc9: {  	s9 =	simm.s32 @!p0 $0xB  }
0xca: {  	_ =	swait.ge @!p0 [sflag:s9], $0x30E0  }
0xcb: {  	s7 =	sadd.s32 $0x1, s7;
	s13 =	rddreg [dreg:$0x9]  }
0xcc: {  	p1 =	sne.s32 s7, s13  }
.Ltmp1:
0xcd: {  	_ = 	snop;
	(pc) =	sbr.rel @p1 .LBB2_1-.Ltmp1, $3  }
0xce: {  	_ =	sdelay $0x1  }
0xcf: {  	[sflag:s9] =	ssyncset.done @!p0 $0x0  }
0xd0: {  	[sflag:s9] =	ssyncadd.s32 @!p0 $0xFFFFCF20  }
0xd1: {  	_ =	sfence.sel $0x180000  }
0xd2: {  	[bflag:$0x0] =	sbarrier.arrive $0xFFFF  }
0xd3: {  	_ =	strace $0x9000004D  }
0xd4: {  	s0 =	stileid.u32;
	[bflag:$0x2] =	sbarrier.arrive $0xFFFF  }
0xd5: {  	p0 =	sne.s32 s0, $0x0;
	s0 =	rddreg [dreg:$0x2]  }
0xd6: {  	s0 =	sadd.s32 @!p0 $0x100000, s0  }
0xd7: {  	[sflag:s0] =	ssyncadd.tile.s32 @!p0 $0x1;
	_ =	shalt  }
.Lfunc_end2:
_tile_overlayer_lowered:
.L_overlay_start_2:
0xd8: {  	(tag) =	ssettag $0x2  }
0xd9: {  	s0 =	rddreg [dreg:$0x0];
	s2 =	stileid.u32  }
0xda: {  	s1 =	rddreg [dreg:$0x1];
	p0 =	sne.s32 s2, $0x0  }
0xdb: {  	s3 =	rddreg [dreg:$0x2];
	[bflag:$0x3] =	sbarrier.arrive $0xFFFF;
	s2 =	simm.s32 @!p0 $0x1C0C  }
0xdc: {  	[timem:s3], [sflag:s2] =	dma.local @!p0 [hbm:s0], s1  }
0xdd: {  	s0 =	simm.s32 @!p0 $0xC  }
0xde: {  	_ =	swait.ge @!p0 [sflag:s0], s1  }
0xdf: {  	s1 =	ssub.s32 @!p0 $0x0, s1;
	[sflag:s0] =	ssyncset.done @!p0 $0x0  }
0xe0: {  	[sflag:s0] =	ssyncadd.s32 @!p0 s1  }
0xe1: {  	[bflag:$0x3] =	sbarrier.arrive $0xFFFF  }
0xe2: {  	_ =	shalt  }

// kernel: kernel.22.cloned.1.call-start
scs
__scs_entry_jumppad:
0x0: {  	(pc) =	sbr.rel $0x88, $3  }
0x1: {  	(tag) =	ssettag $0x0;
	lr =	simm.s32 $0x1  }
0x2: {  	[smem:$0x3F8B] =	sst lr;
	_ =	strace $0xD0000000  }
0x3: {  	_ = 	snop  }
0x4: {  	_ = 	snop  }
0x5: {  	_ = 	snop  }
0x6: {  	_ = 	snop  }
0x7: {  	_ = 	snop  }
__scs_overlays_trampoline_lowered:
0x8: {  	[smem:$0x3F9A] =	sst s0  }
0x9: {  	[smem:$0x3F9B] =	sst s1  }
0xa: {  	[smem:$0x3F9C] =	sst s2  }
0xb: {  	[smem:$0x3F9D] =	sst s3  }
0xc: {  	[smem:$0x3F9E] =	sst s4  }
0xd: {  	[smem:$0x3F9F] =	sst s5  }
0xe: {  	[smem:$0x3FA0] =	sst s6  }
0xf: {  	[smem:$0x3FA1] =	sst s7  }
0x10: {  	[smem:$0x3FA2] =	sst s8  }
0x11: {  	[smem:$0x3FA3] =	sst s9;
	s0 =	simm.s32 @!p0 $0x0  }
0x12: {  	s1 =	sld [smem:$0x3F89];
	s0 =	simm.s32 @p0 $0x1  }
0x13: {  	[smem:$0x3FA4] =	sst s0;
	s0 =	simm.s32 @!p1 $0x0  }
0x14: {  	s2 =	sld [smem:$0x3F88];
	s0 =	simm.s32 @p1 $0x1  }
0x15: {  	[smem:$0x3FA5] =	sst s0;
	s0 =	simm.s32 @!p2 $0x0  }
0x16: {  	s3 =	sld [smem:$0x3FDB];
	s0 =	simm.s32 @p2 $0x1  }
0x17: {  	s4 =	simm.s32 $0x1BF5;
	[smem:$0x3FA7] =	sst s0  }
0x18: {  	s0 =	sld [smem:$0x3F8A];
	_ =	swait.ge [sflag:s4], $0x0  }
0x19: {  	s7 =	sld [smem:$0x3F8B]  }
0x1a: {  	s8 =	sadd.s32 $0xFFFFE003, lr  }
0x1b: {  	s9 =	sadd.s32 $0xFFFFFEF7, lr;
	s5 =	simm.s32 $0xFFFFFFFF;
	p2 =	slt.u32 s8, $0xFFFFF086  }
0x1c: {  	p1 =	slt.u32 s9, $0xF7A;
	s5 =	simm.s32 @!p2 $0x0  }
0x1d: {  	s5 =	simm.s32 @p1 $0x1;
	p0 =	seq.s32 s7, s2  }
0x1e: {  	s7 =	smul.u32 @!p0 $0xF7A, s2;
	p2 =	seq.s32 @!p0 s5, $0x0  }
0x1f: {  	s9 =	smul.u32 $0xF7A, s1;
	s8 =	simm.s32 @!p0 $0x1BF5;
	p2 =	por !p2, p0  }
0x20: {  	[sflag:s8] =	ssyncset.s32 @!p0 $0xFFFFF086;
	s6 =	sadd.s32 @!p0 s3, s7;
	s7 =	simm.s32 @!p0 $0x108  }
0x21: {  	s3 =	sadd.s32 s3, s9;
	s6 =	sadd.s32 @!p0 $0x88, s6;
	s7 =	simm.s32 @p2 $0x1082  }
0x22: {  	[simem:s7], [sflag:s8] =	dma.local @!p0 [hbm:s6], $0xF7A  }
0x23: {  	s9 =	sor.u32 $0xD0000000, s2;
	s6 =	simm.s32 $0x108;
	_ =	swait.ge @!p0 [sflag:s8], $0x0  }
0x24: {  	s3 =	sadd.s32 $0x88, s3;
	s6 =	simm.s32 @!p1 $0x1082;
	[sflag:s4] =	ssyncset.s32 $0xFFFFF086  }
0x25: {  	[simem:s6], [sflag:s4] =	dma.local [hbm:s3], $0xF7A  }
0x26: {  	[smem:$0x3F8B] =	sst s1;
	(tag) =	ssettag s2;
	_ =	strace s9  }
0x27: {  	s1 =	sld [smem:$0x3F9B]  }
0x28: {  	s2 =	sld [smem:$0x3F9C]  }
0x29: {  	s4 =	sld [smem:$0x3F9E]  }
0x2a: {  	p0 =	seq.s32 s5, $0x0;
	s5 =	sld [smem:$0x3F9F]  }
0x2b: {  	s6 =	sld [smem:$0x3FA0]  }
0x2c: {  	s7 =	sld [smem:$0x3FA1]  }
0x2d: {  	s3 =	simm.s32 $0x108;
	s8 =	sld [smem:$0x3FA2]  }
0x2e: {  	s3 =	simm.s32 @!p0 $0x1082;
	s9 =	sld [smem:$0x3FA3]  }
0x2f: {  	lr =	sadd.s32 s0, s3;
	s0 =	sld [smem:$0x3F9A]  }
0x30: {  	s3 =	sld [smem:$0x3F9D]  }
0x31: {  	[smem:$0x3FA6] =	sst s10  }
0x32: {  	s10 =	sld [smem:$0x3FA4];
	_ =	sdelay $0x3  }
0x33: {  	p0 =	seq.s32 s10, $0x1;
	s10 =	sld [smem:$0x3FA6];
	_ =	sdelay $0x3  }
0x34: {  	[smem:$0x3FA6] =	sst s10  }
0x35: {  	s10 =	sld [smem:$0x3FA5];
	_ =	sdelay $0x3  }
0x36: {  	p1 =	seq.s32 s10, $0x1;
	s10 =	sld [smem:$0x3FA6];
	_ =	sdelay $0x3  }
0x37: {  	[smem:$0x3FA6] =	sst s10  }
0x38: {  	s10 =	sld [smem:$0x3FA7]  }
0x39: {  	_ = 	snop;
	(pc) =	sbr.ind lr, $3  }
0x3a: {  	_ = 	snop  }
0x3b: {  	_ = 	snop  }
0x3c: {  	p2 =	seq.s32 s10, $0x1;
	s10 =	sld [smem:$0x3FA6]  }
0x3d: {  	_ =	shalt  }
0x3e: {  	_ =	shalt  }
0x3f: {  	_ =	shalt  }
0x40: {  	_ =	shalt  }
0x41: {  	_ =	shalt  }
0x42: {  	_ =	shalt  }
0x43: {  	_ =	shalt  }
0x44: {  	_ =	shalt  }
0x45: {  	_ =	shalt  }
0x46: {  	_ =	shalt  }
0x47: {  	_ =	shalt  }
0x48: {  	_ =	shalt  }
0x49: {  	_ =	shalt  }
0x4a: {  	_ =	shalt  }
0x4b: {  	_ =	shalt  }
0x4c: {  	_ =	shalt  }
0x4d: {  	_ =	shalt  }
0x4e: {  	_ =	shalt  }
0x4f: {  	_ =	shalt  }
0x50: {  	_ =	shalt  }
0x51: {  	_ =	shalt  }
0x52: {  	_ =	shalt  }
0x53: {  	_ =	shalt  }
0x54: {  	_ =	shalt  }
0x55: {  	_ =	shalt  }
0x56: {  	_ =	shalt  }
0x57: {  	_ =	shalt  }
0x58: {  	_ =	shalt  }
0x59: {  	_ =	shalt  }
0x5a: {  	_ =	shalt  }
0x5b: {  	_ =	shalt  }
0x5c: {  	_ =	shalt  }
0x5d: {  	_ =	shalt  }
0x5e: {  	_ =	shalt  }
0x5f: {  	_ =	shalt  }
0x60: {  	_ =	shalt  }
0x61: {  	_ =	shalt  }
0x62: {  	_ =	shalt  }
0x63: {  	_ =	shalt  }
0x64: {  	_ =	shalt  }
0x65: {  	_ =	shalt  }
0x66: {  	_ =	shalt  }
0x67: {  	_ =	shalt  }
0x68: {  	_ =	shalt  }
0x69: {  	_ =	shalt  }
0x6a: {  	_ =	shalt  }
0x6b: {  	_ =	shalt  }
0x6c: {  	_ =	shalt  }
0x6d: {  	_ =	shalt  }
0x6e: {  	_ =	shalt  }
0x6f: {  	_ =	shalt  }
0x70: {  	_ =	shalt  }
0x71: {  	_ =	shalt  }
0x72: {  	_ =	shalt  }
0x73: {  	_ =	shalt  }
0x74: {  	_ =	shalt  }
0x75: {  	_ =	shalt  }
0x76: {  	_ =	shalt  }
0x77: {  	_ =	shalt  }
0x78: {  	_ =	shalt  }
0x79: {  	_ =	shalt  }
0x7a: {  	_ =	shalt  }
0x7b: {  	_ =	shalt  }
0x7c: {  	_ =	shalt  }
0x7d: {  	_ =	shalt  }
0x7e: {  	_ =	shalt  }
0x7f: {  	_ =	shalt  }
0x80: {  	_ =	shalt  }
0x81: {  	_ =	shalt  }
0x82: {  	_ =	shalt  }
0x83: {  	_ =	shalt  }
0x84: {  	_ =	shalt  }
0x85: {  	_ =	shalt  }
0x86: {  	_ =	shalt  }
0x87: {  	_ =	shalt  }
.Lfunc_end0:
.L_simem_size_0:
called_computation.3_lowered:
.L_overlay_start_0:
0x88: {  	s2 =	sld [smem:$0x3FD9]  }
0x89: {  	s3 =	sld [smem:$0x3FFE];
	_ =	sdelay $0x1  }
0x8a: {  	s1 =	srdreg.scid  }
0x8b: {  	s0 =	sand.u32 $0x1, s1  }
0x8c: {  	s16 =	sshll.u32 s0, $0xA;
	s2 =	sadd.s32 s3, s2  }
0x8d: {  	s2 =	sadd.s32 s2, s16  }
0x8e: {  	[smem:$0x3FB2] =	sst s2  }
0x8f: {  	_ = 	snop  }
0x90: {  	(tm) =	ssettm $0x1  }
0x91: {  	s17 =	sld [smem:$0x3FFB];
	_ =	sdelay $0x3  }
0x92: {  	_ =	strace s17  }
0x93: {  	s2 =	sld [smem:$0x3FFC];
	_ =	sdelay $0x3  }
0x94: {  	_ =	strace s2  }
0x95: {  	s2 =	sld [smem:$0x3FFD];
	_ =	sdelay $0x3  }
0x96: {  	_ =	strace s2  }
0x97: {  	_ =	strace $0x8FFFFFFF  }
0x98: {  	s18 =	sld [smem:$0x3FDB];
	_ =	sdelay $0x1  }
0x99: {  	s19 =	simm.s32 $_scs_section_size  }
0x9a: {  	s4 =	simm.s32 $_size__tile_overlayer_lowered;
	s5 =	simm.s32 $_tile_overlayer_lowered  }
0x9b: {  	s22 =	simm.s32 $0x1BFF;
	s21 =	sshll.u32 s5, $0x1;
	s2 =	sadd.s32 s19, s18  }
0x9c: {  	s6 =	simm.s32 $0x0;
	s20 =	sshll.u32 s4, $0x1;
	s4 =	sadd.s32 s21, s2  }
0x9d: {  	[timem:s6], [sflag:s22] =	dma.local [hbm:s4], s20  }
0x9e: {  	_ =	swait.ge [sflag:s22], s20  }
0x9f: {  	s3 =	ssub.s32 $0x0, s20;
	[sflag:s22] =	ssyncset.done $0x0  }
0xa0: {  	[sflag:s22] =	ssyncadd.s32 s3;
	_ =	sdelay $0x1  }
0xa1: {  	s23 =	simm.s32 $0x1B8B  }
0xa2: {  	_ =	swait.ge [sflag:s23], $0x1  }
0xa3: {  	[sflag:s23] =	ssyncset.done $0x0  }
0xa4: {  	s25 =	simm.s32 $0x1B8E;
	s24 =	sld [smem:$0x3FFE];
	[sflag:s23] =	ssyncadd.s32 $0xFFFFFFFF  }
0xa5: {  	s26 =	simm.s32 $execute0_lowered;
	[smem:$0x3FD2] =	sst s25  }
0xa6: {  	s4 =	sshll.u32 s26, $0x1;
	_ =	strace $0x8000004F;
	[dreg:$0x1] =	wrdreg $0xFFFFFFFF  }
0xa7: {  	s28 =	simm.s32 $_size_execute0_lowered;
	s2 =	sadd.s32 s2, s4;
	[dreg:$0x0] =	wrdreg $0x0  }
0xa8: {  	s4 =	sshll.u32 s28, $0x1;
	[dreg:$0x2] =	wrdreg s2  }
0xa9: {  	[dreg:$0x3] =	wrdreg s4  }
0xaa: {  	[dreg:$0x4] =	wrdreg $0xC0  }
0xab: {  	_ =	task [dreg:s6], $0x5FFFF  }
0xac: {  	[dreg:$0x1] =	wrdreg $0xFFFFFFFF  }
0xad: {  	[dreg:$0x0] =	wrdreg $0x60  }
0xae: {  	[dreg:$0x2] =	wrdreg s24  }
0xaf: {  	[dreg:$0x3] =	wrdreg $0x60000  }
0xb0: {  	[dreg:$0x4] =	wrdreg $0x9  }
0xb1: {  	_ =	task.clear_ibuf [dreg:s6], $0x5FFFF;
	_ =	strace $0x9000004F  }
0xb2: {  	s29 =	simm.s32 $0x9;
	_ =	strace $0x80000051  }
0xb3: {  	_ =	swait.ge [sflag:s29], $0x1  }
0xb4: {  	[sflag:s29] =	ssyncadd.s32 $0xFFFFFFFF  }
0xb5: {  	_ =	strace $0x90000051  }
0xb6: {  	_ =	sfence  }
0xb7: {  	s30 =	sld [smem:$0x0];
	_ =	sdelay $0x2  }
0xb8: {  	s31 =	sshll.u32 s1, $0xD;
	s1 =	sshrl.u32 s1, $0x2  }
0xb9: {  	s3 =	sand.u32 $0x4000, s31;
	s1 =	sadd.s32 s1, s30  }
0xba: {  	s0 =	sor.u32 s3, s0;
	s1 =	sshll.u32 s1, $0x11  }
0xbb: {  	s0 =	sor.u32 s1, s0  }
0xbc: {  	s0 =	sadd.s32 $0x8F2B, s0  }
0xbd: {  	[sflag:s0] =	ssyncadd.remote.s32 $0x1  }
0xbe: {  	_ =	sfence.sel $0xFFFF  }
0xbf: {  	[dreg:$0x0] =	wrdreg $0xFFFFFFFF;
	(pc) =	sbr.abs _section_cstart, $3  }
0xc0: {  	[dreg:$0x1] =	wrdreg $0xFFFFFFFF  }
0xc1: {  	_ =	task.clear_ibuf [dreg:s6], $0x2FFFF;
	_ =	strace $0x9FFFFFFF  }
0xc2: {  	(tm) =	ssettm $0x7FFFFFFF  }
0xc3: {  	_ =	shalt  }
tec
execute0_lowered:
.L_overlay_start_1:
0x0: {  	(tag) =	ssettag $0x1  }
0x1: {  	s0 =	rddreg [dreg:$0x0]  }
0x2: {  	s1 =	rddreg [dreg:$0x1]  }
0x3: {  	s3 =	simm.s32 $0x0;
	s2 =	srdreg.scid;
	s15 =	stileid.u32  }
0x4: {  	s18 =	simm.s32 $0x9;
	s28 =	simm.s32 $0x1;
	s6 =	smul.u32 $0x61C00, s15  }
0x5: {  	s29 =	simm.s32 $0x5;
	s30 =	simm.s32 $0x2;
	s9 =	smul.u32 $0x30E0, s15  }
0x6: {  	s31 =	simm.s32 $0x6;
	[smem:$0x7FF] =	sst s3;
	s19 =	smul.u32 $0xC800, s15  }
0x7: {  	s2 =	sand.u32 $0x1, s2;
	s4 =	sadd.s32 $0x123400, s0;
	s21 =	smul.u32 $0x18700, s15  }
0x8: {  	s5 =	sadd.s32 $0xF1400, s0;
	s10 =	sadd.s32 $0xD8400, s0;
	s24 =	smul.u32 $0x1900, s15  }
0x9: {  	s0 =	sadd.s32 $0x6B000, s0;
	s13 =	sadd.s32 $0x16E900, s1;
	s7 =	smul.u32 $0x32000, s2  }
0xa: {  	p0 =	seq.s32 s15, $0xF;
	s8 =	ssub.s32 $0x2, s2;
	s12 =	smul.u32 $0x190000, s2  }
0xb: {  	_ =	strace $0x80000050;
	s2 =	smul.u32 $0xC8000, s2;
	s11 =	sshrl.u32 s8, $0x1  }
0xc: {  	s6 =	sshrl.u32 s6, $0x2;
	s26 =	sadd.s32 s24, s10;
	s24 =	simm.s32 $0x4000  }
0xd: {  	s8 =	ssub.s32 s8, s11;
	s7 =	sadd.s32 s9, s7;
	s6 =	sadd.s32 s6, s1  }
0xe: {  	s20 =	sshrl.u32 s12, $0x3;
	s2 =	sadd.s32 s19, s2;
	s9 =	sshrl.u32 s19, $0x3  }
0xf: {  	s12 =	sadd.s32 s21, s12;
	s19 =	simm.s32 $0x4;
	s7 =	sadd.s32 s4, s7  }
0x10: {  	s22 =	sshrl.u32 s2, $0x3;
	s9 =	sadd.s32 s10, s9;
	s23 =	sshrl.u32 s12, $0x3  }
0x11: {  	s25 =	smax.u32 s8, $0x1;
	s8 =	sadd.s32 $0x100, s26;
	s17 =	sshrl.u32 @!p0 s6, $0x3  }
0x12: {  	s26 =	simm.s32 $0x5000;
	s6 =	simm.s32 $0x8;
	[dreg:$0x3] =	wrdreg s7  }
0x13: {  	s7 =	sadd.s32 $0x2DD20, s20;
	[dreg:$0x6] =	wrdreg s9;
	s9 =	sadd.s32 s0, s23  }
0x14: {  	[dreg:$0x9] =	wrdreg s25;
	s20 =	simm.s32 $0xA;
	s23 =	simm.s32 $0x3000  }
0x15: {  	s14 =	sadd.s32 s4, s7;
	[dreg:$0x7] =	wrdreg s9;
	s9 =	sadd.s32 s21, s1  }
0x16: {  	s0 =	sadd.s32 s0, s7;
	s21 =	simm.s32 $0x80;
	[dreg:$0x4] =	wrdreg s14  }
0x17: {  	s7 =	simm.s32 $0x0;
	s14 =	sadd.s32 s5, s22;
	[dreg:$0x8] =	wrdreg s0  }
0x18: {  	s0 =	sshll.u32 @!p0 s15, $0x6;
	s15 =	sshrl.u32 @p0 s13, $0x3;
	s22 =	simm.s32 $0x2000  }
0x19: {  	s25 =	sshrl.u32 @!p0 s9, $0x3;
	[dreg:$0x5] =	wrdreg s14;
	s14 =	sadd.s32 $0x800, s2  }
0x1a: {  	s16 =	sor.u32 @!p0 $0x1C0B, s0;
	s0 =	simm.s32 $0x3;
	s2 =	simm.s32 $0x7  }
.LBB2_1:
0x1b: {  	s9 =	simm.s32 @p0 $0x1FCB;
	s10 =	rddreg [dreg:$0x4]  }
0x1c: {  	[spmem:s15], [sflag:s9] =	dma.local @p0 [hbm:s10], $0x3020  }
0x1d: {  	s9 =	simm.s32 @p0 $0xB  }
0x1e: {  	_ =	swait.ge @p0 [sflag:s9], $0x3020  }
0x1f: {  	[sflag:s9] =	ssyncset.done @p0 $0x0  }
0x20: {  	[sflag:s9] =	ssyncadd.s32 @p0 $0xFFFFCFE0;
	s9 =	rddreg [dreg:$0x3]  }
0x21: {  	[spmem:s17], [sflag:s16] =	dma.local @!p0 [hbm:s9], $0x30E0  }
0x22: {  	s9 =	simm.s32 @!p0 $0xB  }
0x23: {  	_ =	swait.ge @!p0 [sflag:s9], $0x30E0  }
0x24: {  	[sflag:s9] =	ssyncset.done @!p0 $0x0  }
0x25: {  	[sflag:s9] =	ssyncadd.s32 @!p0 $0xFFFFCF20  }
0x26: {  	[bflag:$0x0] =	sbarrier.arrive $0xFFFF  }
0x27: {  	s11 =	rddreg [dreg:$0x5]  }
0x28: {  	[tilespmem:s3], [sflag:$0x9] =	stream.linear.gather [hbm4b:s11+s3], $0x800, $0x38;
	[tilespmem:$0x1E700] =	vst v63  }
0x29: {  	_ =	swait.ge [sflag:s18], $0x800  }
0x2a: {  	[sflag:s18] =	ssyncset.done $0x0  }
0x2b: {  	s13 =	simm.s32 $0x1000;
	s12 =	rddreg [dreg:$0x6];
	[sflag:s18] =	ssyncadd.s32 $0xFFFFF800  }
0x2c: {  	[tilespmem:s13], [sflag:$0xA] =	stream.linear.gather [hbm4b:s12+s3], $0x800, $0x38;
	[tilespmem:$0x1E700] =	vst v63  }
0x2d: {  	_ =	swait.ge [sflag:s20], $0x800  }
0x2e: {  	[sflag:s20] =	ssyncset.done $0x0  }
0x2f: {  	s9 =	simm.s32 $0x0;
	s13 =	smov.u32 s8;
	[sflag:s20] =	ssyncadd.s32 $0xFFFFF800  }
.LBB2_2:
0x30: {  	p1 =	seq.s32 s9, $0x0  }
0x31: {  	s10 =	simm.s32 @!p1 $0x9  }
0x32: {  	_ =	swait.ge @!p1 [sflag:s10], $0x800  }
0x33: {  	[sflag:s10] =	ssyncset.done @!p1 $0x0  }
0x34: {  	[sflag:s10] =	ssyncadd.s32 @!p1 $0xFFFFF800;
	s10 =	simm.s32 @!p1 $0xA  }
0x35: {  	p2 =	seq.s32 @!p1 s9, $0xC000;
	_ =	swait.ge @!p1 [sflag:s10], $0x800  }
0x36: {  	p2 =	por p1, !p2;
	[sflag:s10] =	ssyncset.done @!p1 $0x0  }
0x37: {  	s11 =	sadd.s32 @p2 s9, s14;
	[sflag:s10] =	ssyncadd.s32 @!p1 $0xFFFFF800;
	s10 =	simm.s32 @!p1 $0x0  }
0x38: {  	s11 =	sshrl.u32 @p2 s11, $0x3;
	s10 =	sand.u32 @p2 $0x800, s9  }
0x39: {  	s11 =	sadd.s32 @p2 s5, s11;
	s12 =	sxor.u32 @p2 $0x800, s10  }
0x3a: {  	[tilespmem:s12], [sflag:$0x9] =	stream.linear.gather @p2 [hbm4b:s11+s3], $0x800, $0x38;
	[tilespmem:$0x1E700] =	vst v63  }
0x3b: {  	s11 =	sxor.u32 @p2 $0x1800, s10  }
0x3c: {  	[tilespmem:s11], [sflag:$0xA] =	stream.linear.gather @p2 [hbm4b:s13+s3], $0x800, $0x38;
	[tilespmem:$0x1E700] =	vst v63  }
0x3d: {  	_ = 	snop  }
0x3e: {  	[tilespmem:s22], [sflag:$0x1] =	stream.indirect.gather [hbm4b:s4+s21], $0x20, s10, s21, $0xb8;
	[tilespmem:$0x1E700] =	vst v63  }
0x3f: {  	s12 =	sor.u32 $0x80, s10  }
0x40: {  	[tilespmem:s23], [sflag:$0x2] =	stream.indirect.gather [hbm4b:s4+s21], $0x20, s12, s21, $0xb8;
	[tilespmem:$0x1E700] =	vst v63  }
0x41: {  	s12 =	sor.u32 $0x100, s10  }
0x42: {  	[tilespmem:s24], [sflag:$0x3] =	stream.indirect.gather [hbm4b:s4+s21], $0x20, s12, s21, $0xb8;
	[tilespmem:$0x1E700] =	vst v63  }
0x43: {  	s12 =	sor.u32 $0x180, s10  }
0x44: {  	[tilespmem:s26], [sflag:$0x4] =	stream.indirect.gather [hbm4b:s4+s21], $0x20, s12, s21, $0xb8;
	[tilespmem:$0x1E700] =	vst v63  }
0x45: {  	_ =	swait.ge [sflag:s28], $0x1000  }
0x46: {  	[sflag:s28] =	ssyncset.done $0x0  }
0x47: {  	s12 =	sor.u32 $0x1000, s10;
	[sflag:s28] =	ssyncadd.s32 $0xFFFFF000  }
0x48: {  	[spmem:s1] =	stream.indirect.scatter.add.f32 [tilespmem:s22], [sflag:$0x5], $0x20, s12, s21, $0xb8;
	[tilespmem:$0x1E700] =	vst v63  }
0x49: {  	_ =	swait.ge [sflag:s29], $0x1000  }
0x4a: {  	[sflag:s29] =	ssyncset.done $0x0  }
0x4b: {  	s12 =	sor.u32 $0x200, s10;
	[sflag:s29] =	ssyncadd.s32 $0xFFFFF000  }
0x4c: {  	[tilespmem:s22], [sflag:$0x1] =	stream.indirect.gather [hbm4b:s4+s21], $0x20, s12, s21, $0xb8;
	[tilespmem:$0x1E700] =	vst v63  }
0x4d: {  	_ =	swait.ge [sflag:s30], $0x1000  }
0x4e: {  	[sflag:s30] =	ssyncset.done $0x0  }
0x4f: {  	s12 =	sor.u32 $0x1080, s10;
	[sflag:s30] =	ssyncadd.s32 $0xFFFFF000  }
0x50: {  	[spmem:s1] =	stream.indirect.scatter.add.f32 [tilespmem:s23], [sflag:$0x6], $0x20, s12, s21, $0xb8;
	[tilespmem:$0x1E700] =	vst v63  }
0x51: {  	_ =	swait.ge [sflag:s31], $0x1000  }
0x52: {  	[sflag:s31] =	ssyncset.done $0x0  }
0x53: {  	s12 =	sor.u32 $0x280, s10;
	[sflag:s31] =	ssyncadd.s32 $0xFFFFF000  }
0x54: {  	[tilespmem:s23], [sflag:$0x2] =	stream.indirect.gather [hbm4b:s4+s21], $0x20, s12, s21, $0xb8;
	[tilespmem:$0x1E700] =	vst v63  }
0x55: {  	_ =	swait.ge [sflag:s0], $0x1000  }
0x56: {  	[sflag:s0] =	ssyncset.done $0x0  }
0x57: {  	s12 =	sor.u32 $0x1100, s10;
	[sflag:s0] =	ssyncadd.s32 $0xFFFFF000  }
0x58: {  	[spmem:s1] =	stream.indirect.scatter.add.f32 [tilespmem:s24], [sflag:$0x7], $0x20, s12, s21, $0xb8;
	[tilespmem:$0x1E700] =	vst v63  }
0x59: {  	_ =	swait.ge [sflag:s2], $0x1000  }
0x5a: {  	[sflag:s2] =	ssyncset.done $0x0  }
0x5b: {  	s12 =	sor.u32 $0x300, s10;
	[sflag:s2] =	ssyncadd.s32 $0xFFFFF000  }
0x5c: {  	[tilespmem:s24], [sflag:$0x3] =	stream.indirect.gather [hbm4b:s4+s21], $0x20, s12, s21, $0xb8;
	[tilespmem:$0x1E700] =	vst v63  }
0x5d: {  	_ =	swait.ge [sflag:s19], $0x1000  }
0x5e: {  	[sflag:s19] =	ssyncset.done $0x0  }
0x5f: {  	s12 =	sor.u32 $0x1180, s10;
	[sflag:s19] =	ssyncadd.s32 $0xFFFFF000  }
0x60: {  	[spmem:s1] =	stream.indirect.scatter.add.f32 [tilespmem:s26], [sflag:$0x8], $0x20, s12, s21, $0xb8;
	[tilespmem:$0x1E700] =	vst v63  }
0x61: {  	_ =	swait.ge [sflag:s6], $0x1000  }
0x62: {  	[sflag:s6] =	ssyncset.done $0x0  }
0x63: {  	s12 =	sor.u32 $0x380, s10;
	[sflag:s6] =	ssyncadd.s32 $0xFFFFF000  }
0x64: {  	[tilespmem:s26], [sflag:$0x4] =	stream.indirect.gather [hbm4b:s4+s21], $0x20, s12, s21, $0xb8;
	[tilespmem:$0x1E700] =	vst v63  }
0x65: {  	_ =	swait.ge [sflag:s28], $0x1000  }
0x66: {  	[sflag:s28] =	ssyncset.done $0x0  }
0x67: {  	s12 =	sor.u32 $0x1200, s10;
	[sflag:s28] =	ssyncadd.s32 $0xFFFFF000  }
0x68: {  	[spmem:s1] =	stream.indirect.scatter.add.f32 [tilespmem:s22], [sflag:$0x5], $0x20, s12, s21, $0xb8;
	[tilespmem:$0x1E700] =	vst v63  }
0x69: {  	_ =	swait.ge [sflag:s29], $0x1000  }
0x6a: {  	[sflag:s29] =	ssyncset.done $0x0  }
0x6b: {  	s12 =	sor.u32 $0x400, s10;
	[sflag:s29] =	ssyncadd.s32 $0xFFFFF000  }
0x6c: {  	[tilespmem:s22], [sflag:$0x1] =	stream.indirect.gather [hbm4b:s4+s21], $0x20, s12, s21, $0xb8;
	[tilespmem:$0x1E700] =	vst v63  }
0x6d: {  	_ =	swait.ge [sflag:s30], $0x1000  }
0x6e: {  	[sflag:s30] =	ssyncset.done $0x0  }
0x6f: {  	s12 =	sor.u32 $0x1280, s10;
	[sflag:s30] =	ssyncadd.s32 $0xFFFFF000  }
0x70: {  	[spmem:s1] =	stream.indirect.scatter.add.f32 [tilespmem:s23], [sflag:$0x6], $0x20, s12, s21, $0xb8;
	[tilespmem:$0x1E700] =	vst v63  }
0x71: {  	_ =	swait.ge [sflag:s31], $0x1000  }
0x72: {  	[sflag:s31] =	ssyncset.done $0x0  }
0x73: {  	s12 =	sor.u32 $0x480, s10;
	[sflag:s31] =	ssyncadd.s32 $0xFFFFF000  }
0x74: {  	[tilespmem:s23], [sflag:$0x2] =	stream.indirect.gather [hbm4b:s4+s21], $0x20, s12, s21, $0xb8;
	[tilespmem:$0x1E700] =	vst v63  }
0x75: {  	_ =	swait.ge [sflag:s0], $0x1000  }
0x76: {  	[sflag:s0] =	ssyncset.done $0x0  }
0x77: {  	s12 =	sor.u32 $0x1300, s10;
	[sflag:s0] =	ssyncadd.s32 $0xFFFFF000  }
0x78: {  	[spmem:s1] =	stream.indirect.scatter.add.f32 [tilespmem:s24], [sflag:$0x7], $0x20, s12, s21, $0xb8;
	[tilespmem:$0x1E700] =	vst v63  }
0x79: {  	_ =	swait.ge [sflag:s2], $0x1000  }
0x7a: {  	[sflag:s2] =	ssyncset.done $0x0  }
0x7b: {  	s12 =	sor.u32 $0x500, s10;
	[sflag:s2] =	ssyncadd.s32 $0xFFFFF000  }
0x7c: {  	[tilespmem:s24], [sflag:$0x3] =	stream.indirect.gather [hbm4b:s4+s21], $0x20, s12, s21, $0xb8;
	[tilespmem:$0x1E700] =	vst v63  }
0x7d: {  	_ =	swait.ge [sflag:s19], $0x1000  }
0x7e: {  	[sflag:s19] =	ssyncset.done $0x0  }
0x7f: {  	s12 =	sor.u32 $0x1380, s10;
	[sflag:s19] =	ssyncadd.s32 $0xFFFFF000  }
0x80: {  	[spmem:s1] =	stream.indirect.scatter.add.f32 [tilespmem:s26], [sflag:$0x8], $0x20, s12, s21, $0xb8;
	[tilespmem:$0x1E700] =	vst v63  }
0x81: {  	_ =	swait.ge [sflag:s6], $0x1000  }
0x82: {  	[sflag:s6] =	ssyncset.done $0x0  }
0x83: {  	s12 =	sor.u32 $0x580, s10;
	[sflag:s6] =	ssyncadd.s32 $0xFFFFF000  }
0x84: {  	[tilespmem:s26], [sflag:$0x4] =	stream.indirect.gather [hbm4b:s4+s21], $0x20, s12, s21, $0xb8;
	[tilespmem:$0x1E700] =	vst v63  }
0x85: {  	_ =	swait.ge [sflag:s28], $0x1000  }
0x86: {  	[sflag:s28] =	ssyncset.done $0x0  }
0x87: {  	s12 =	sor.u32 $0x1400, s10;
	[sflag:s28] =	ssyncadd.s32 $0xFFFFF000  }
0x88: {  	[spmem:s1] =	stream.indirect.scatter.add.f32 [tilespmem:s22], [sflag:$0x5], $0x20, s12, s21, $0xb8;
	[tilespmem:$0x1E700] =	vst v63  }
0x89: {  	_ =	swait.ge [sflag:s29], $0x1000  }
0x8a: {  	[sflag:s29] =	ssyncset.done $0x0  }
0x8b: {  	s12 =	sor.u32 $0x600, s10;
	[sflag:s29] =	ssyncadd.s32 $0xFFFFF000  }
0x8c: {  	[tilespmem:s22], [sflag:$0x1] =	stream.indirect.gather [hbm4b:s4+s21], $0x20, s12, s21, $0xb8;
	[tilespmem:$0x1E700] =	vst v63  }
0x8d: {  	_ =	swait.ge [sflag:s30], $0x1000  }
0x8e: {  	[sflag:s30] =	ssyncset.done $0x0  }
0x8f: {  	s12 =	sor.u32 $0x1480, s10;
	[sflag:s30] =	ssyncadd.s32 $0xFFFFF000  }
0x90: {  	[spmem:s1] =	stream.indirect.scatter.add.f32 [tilespmem:s23], [sflag:$0x6], $0x20, s12, s21, $0xb8;
	[tilespmem:$0x1E700] =	vst v63  }
0x91: {  	_ =	swait.ge [sflag:s31], $0x1000  }
0x92: {  	[sflag:s31] =	ssyncset.done $0x0  }
0x93: {  	s12 =	sor.u32 $0x680, s10;
	[sflag:s31] =	ssyncadd.s32 $0xFFFFF000  }
0x94: {  	[tilespmem:s23], [sflag:$0x2] =	stream.indirect.gather [hbm4b:s4+s21], $0x20, s12, s21, $0xb8;
	[tilespmem:$0x1E700] =	vst v63  }
0x95: {  	_ =	swait.ge [sflag:s0], $0x1000  }
0x96: {  	[sflag:s0] =	ssyncset.done $0x0  }
0x97: {  	s12 =	sor.u32 $0x1500, s10;
	[sflag:s0] =	ssyncadd.s32 $0xFFFFF000  }
0x98: {  	[spmem:s1] =	stream.indirect.scatter.add.f32 [tilespmem:s24], [sflag:$0x7], $0x20, s12, s21, $0xb8;
	[tilespmem:$0x1E700] =	vst v63  }
0x99: {  	_ =	swait.ge [sflag:s2], $0x1000  }
0x9a: {  	[sflag:s2] =	ssyncset.done $0x0  }
0x9b: {  	s12 =	sor.u32 $0x700, s10;
	[sflag:s2] =	ssyncadd.s32 $0xFFFFF000  }
0x9c: {  	[tilespmem:s24], [sflag:$0x3] =	stream.indirect.gather [hbm4b:s4+s21], $0x20, s12, s21, $0xb8;
	[tilespmem:$0x1E700] =	vst v63  }
0x9d: {  	_ =	swait.ge [sflag:s19], $0x1000  }
0x9e: {  	[sflag:s19] =	ssyncset.done $0x0  }
0x9f: {  	s12 =	sor.u32 $0x1580, s10;
	[sflag:s19] =	ssyncadd.s32 $0xFFFFF000  }
0xa0: {  	[spmem:s1] =	stream.indirect.scatter.add.f32 [tilespmem:s26], [sflag:$0x8], $0x20, s12, s21, $0xb8;
	[tilespmem:$0x1E700] =	vst v63  }
0xa1: {  	_ =	swait.ge [sflag:s6], $0x1000  }
0xa2: {  	[sflag:s6] =	ssyncset.done $0x0  }
0xa3: {  	s12 =	sor.u32 $0x780, s10;
	[sflag:s6] =	ssyncadd.s32 $0xFFFFF000  }
0xa4: {  	[tilespmem:s26], [sflag:$0x4] =	stream.indirect.gather [hbm4b:s4+s21], $0x20, s12, s21, $0xb8;
	[tilespmem:$0x1E700] =	vst v63  }
0xa5: {  	_ =	swait.ge [sflag:s28], $0x1000  }
0xa6: {  	[sflag:s28] =	ssyncset.done $0x0  }
0xa7: {  	s12 =	sor.u32 $0x1600, s10;
	[sflag:s28] =	ssyncadd.s32 $0xFFFFF000  }
0xa8: {  	[spmem:s1] =	stream.indirect.scatter.add.f32 [tilespmem:s22], [sflag:$0x5], $0x20, s12, s21, $0xb8;
	[tilespmem:$0x1E700] =	vst v63  }
0xa9: {  	_ =	swait.ge [sflag:s29], $0x1000  }
0xaa: {  	[sflag:s29] =	ssyncset.done $0x0  }
0xab: {  	[sflag:s29] =	ssyncadd.s32 $0xFFFFF000  }
0xac: {  	_ =	swait.ge [sflag:s30], $0x1000  }
0xad: {  	[sflag:s30] =	ssyncset.done $0x0  }
0xae: {  	s12 =	sor.u32 $0x1680, s10;
	[sflag:s30] =	ssyncadd.s32 $0xFFFFF000  }
0xaf: {  	[spmem:s1] =	stream.indirect.scatter.add.f32 [tilespmem:s23], [sflag:$0x6], $0x20, s12, s21, $0xb8;
	[tilespmem:$0x1E700] =	vst v63  }
0xb0: {  	_ =	swait.ge [sflag:s31], $0x1000  }
0xb1: {  	[sflag:s31] =	ssyncset.done $0x0  }
0xb2: {  	[sflag:s31] =	ssyncadd.s32 $0xFFFFF000  }
0xb3: {  	_ =	swait.ge [sflag:s0], $0x1000  }
0xb4: {  	[sflag:s0] =	ssyncset.done $0x0  }
0xb5: {  	s12 =	sor.u32 $0x1700, s10;
	[sflag:s0] =	ssyncadd.s32 $0xFFFFF000  }
0xb6: {  	[spmem:s1] =	stream.indirect.scatter.add.f32 [tilespmem:s24], [sflag:$0x7], $0x20, s12, s21, $0xb8;
	[tilespmem:$0x1E700] =	vst v63  }
0xb7: {  	_ =	swait.ge [sflag:s2], $0x1000  }
0xb8: {  	[sflag:s2] =	ssyncset.done $0x0  }
0xb9: {  	[sflag:s2] =	ssyncadd.s32 $0xFFFFF000  }
0xba: {  	s9 =	sadd.s32 $0x800, s9;
	_ =	swait.ge [sflag:s19], $0x1000  }
0xbb: {  	p1 =	sne.s32 s9, $0xC800;
	[sflag:s19] =	ssyncset.done $0x0  }
.Ltmp0:
0xbc: {  	s10 =	sor.u32 $0x1780, s10;
	[sflag:s19] =	ssyncadd.s32 $0xFFFFF000;
	(pc) =	sbr.rel @p1 .LBB2_2-.Ltmp0, $4  }
0xbd: {  	[spmem:s1] =	stream.indirect.scatter.add.f32 [tilespmem:s26], [sflag:$0x8], $0x20, s10, s21, $0xb8;
	[tilespmem:$0x1E700] =	vst v63  }
0xbe: {  	_ =	swait.ge [sflag:s6], $0x1000  }
0xbf: {  	[sflag:s6] =	ssyncset.done $0x0  }
0xc0: {  	s13 =	sadd.s32 $0x100, s13;
	[sflag:s6] =	ssyncadd.s32 $0xFFFFF000  }
0xc1: {  	[bflag:$0x0] =	sbarrier.arrive $0xFFFF  }
0xc2: {  	s9 =	simm.s32 @p0 $0x1FCB;
	s10 =	rddreg [dreg:$0x8]  }
0xc3: {  	[hbm:s10], [sflag:s9] =	dma.local @p0 [spmem:s15], $0x3020  }
0xc4: {  	s9 =	simm.s32 @p0 $0xB  }
0xc5: {  	_ =	swait.ge @p0 [sflag:s9], $0x3020  }
0xc6: {  	[sflag:s9] =	ssyncset.done @p0 $0x0  }
0xc7: {  	[sflag:s9] =	ssyncadd.s32 @p0 $0xFFFFCFE0;
	s9 =	rddreg [dreg:$0x7]  }
0xc8: {  	[hbm:s9], [sflag:s16] =	dma.local @!p0 [spmem:s25], $0x30E0  }
0xc9: {  	s9 =	simm.s32 @!p0 $0xB  }
0xca: {  	_ =	swait.ge @!p0 [sflag:s9], $0x30E0  }
0xcb: {  	s7 =	sadd.s32 $0x1, s7;
	s13 =	rddreg [dreg:$0x9]  }
0xcc: {  	p1 =	sne.s32 s7, s13  }
.Ltmp1:
0xcd: {  	_ = 	snop;
	(pc) =	sbr.rel @p1 .LBB2_1-.Ltmp1, $3  }
0xce: {  	_ =	sdelay $0x1  }
0xcf: {  	[sflag:s9] =	ssyncset.done @!p0 $0x0  }
0xd0: {  	[sflag:s9] =	ssyncadd.s32 @!p0 $0xFFFFCF20  }
0xd1: {  	_ =	sfence.sel $0x180000  }
0xd2: {  	[bflag:$0x0] =	sbarrier.arrive $0xFFFF  }
0xd3: {  	_ =	strace $0x90000050  }
0xd4: {  	s0 =	stileid.u32;
	[bflag:$0x2] =	sbarrier.arrive $0xFFFF  }
0xd5: {  	p0 =	sne.s32 s0, $0x0;
	s0 =	rddreg [dreg:$0x2]  }
0xd6: {  	s0 =	sadd.s32 @!p0 $0x100000, s0  }
0xd7: {  	[sflag:s0] =	ssyncadd.tile.s32 @!p0 $0x1;
	_ =	shalt  }
.Lfunc_end2:
_tile_overlayer_lowered:
.L_overlay_start_2:
0xd8: {  	(tag) =	ssettag $0x2  }
0xd9: {  	s0 =	rddreg [dreg:$0x0];
	s2 =	stileid.u32  }
0xda: {  	s1 =	rddreg [dreg:$0x1];
	p0 =	sne.s32 s2, $0x0  }
0xdb: {  	s3 =	rddreg [dreg:$0x2];
	[bflag:$0x3] =	sbarrier.arrive $0xFFFF;
	s2 =	simm.s32 @!p0 $0x1C0C  }
0xdc: {  	[timem:s3], [sflag:s2] =	dma.local @!p0 [hbm:s0], s1  }
0xdd: {  	s0 =	simm.s32 @!p0 $0xC  }
0xde: {  	_ =	swait.ge @!p0 [sflag:s0], s1  }
0xdf: {  	s1 =	ssub.s32 @!p0 $0x0, s1;
	[sflag:s0] =	ssyncset.done @!p0 $0x0  }
0xe0: {  	[sflag:s0] =	ssyncadd.s32 @!p0 s1  }
0xe1: {  	[bflag:$0x3] =	sbarrier.arrive $0xFFFF  }
0xe2: {  	_ =	shalt  }

</sc_bundles>
